<compile_context>
chip_gen: v7x
topology: tpu7x:2x2x1
jax: 0.10.2.dev20260603
libtpu: 0.0.44.dev20260713+nightly
codegen_flags: <defaults>
</compile_context>

<pallas_src>
import jax
import jax.numpy as jnp
from jax import lax
from jax.experimental import pallas as pl
from jax.experimental.pallas import tpu as pltpu
from jax.experimental.pallas import tpu_sc as plsc

NC = 2
NS = 16
NW = NC * NS

H = 1024
C = 16
CH = C * H
NB = 3
VECS = CH // 16


def _sc_body(x_hbm, pos_hbm, o_hbm, *bufs_and_sems):
    xbufs = bufs_and_sems[0:NB]
    pbufs = bufs_and_sems[NB:2 * NB]
    xsems, psems, osems = bufs_and_sems[2 * NB:]
    n = x_hbm.shape[0]
    pn = pos_hbm.shape[0]
    epw = n // NW
    nch = epw // CH
    wid = lax.axis_index("s") * NC + lax.axis_index("c")
    e0 = wid * epw
    p0 = lax.rem(e0, pn)

    def in_x(g, slot):
        return pltpu.make_async_copy(
            x_hbm.at[pl.ds(e0 + g * CH, CH)], xbufs[slot], xsems.at[slot])

    def in_p(g, slot):
        return pltpu.make_async_copy(
            pos_hbm.at[pl.ds(p0 + g * CH, CH)], pbufs[slot], psems.at[slot])

    def out_x(g, slot):
        return pltpu.make_async_copy(
            xbufs[slot], o_hbm.at[pl.ds(e0 + g * CH, CH)], osems.at[slot])

    def compute(slot):
        xb = xbufs[slot]
        pb = pbufs[slot]

        def body(i, carry):
            sl = pl.ds(i * 16, 16)
            plsc.addupdate(xb.at[sl], pb[sl])
            return carry
        lax.fori_loop(0, VECS, body, 0, unroll=8)

    for g in range(min(NB - 1, nch)):
        in_x(g, g % NB).start()

    for g in range(nch):
        slot = g % NB
        look = g + NB - 1
        if look < nch:
            if g >= 1:
                out_x(g - 1, look % NB).wait()
            in_x(look, look % NB).start()
        in_x(g, slot).wait()
        out_x(g, slot).start()

    for g in range(max(0, nch - NB), nch):
        out_x(g, g % NB).wait()


def sc_add(x1d, pos1d):
    n = x1d.shape[0]
    mesh = plsc.VectorSubcoreMesh(
        core_axis_name="c", subcore_axis_name="s", num_cores=NC, num_subcores=NS)
    kern = pl.kernel(
        _sc_body,
        out_type=jax.ShapeDtypeStruct((n,), jnp.float32),
        mesh=mesh,
        scratch_types=(
            [pltpu.VMEM((CH,), jnp.float32) for _ in range(2 * NB)]
            + [
                pltpu.SemaphoreType.DMA((NB,)),
                pltpu.SemaphoreType.DMA((NB,)),
                pltpu.SemaphoreType.DMA((NB,)),
            ]
        ),
    )
    return kern(x1d, pos1d)


def kernel(x, pos_table):
    batch, seq_len, hidden = x.shape
    out = sc_add(x.reshape(-1), pos_table.reshape(-1))
    return out.reshape(batch, seq_len, hidden)

# --- scband reference (transcript-rebuilt; emitter-appended) ---
"""Pipeline reference for scband-learned-positional-encoding-9070970929525 (READ-ONLY COPY).

The authoritative reference and input builder live on the scoring server;
editing this copy changes nothing except your own understanding.
"""

import jax, jax.numpy as jnp
import numpy as np

BATCH = 4
SEQ_LEN = 8192
HIDDEN = 1024
MAX_SEQ_LEN = 8192

def setup_inputs(seed: int = 0) -> dict:
    key = jax.random.key(seed)
    k1, k2 = jax.random.split(key)
    x = jax.random.normal(k1, (BATCH, SEQ_LEN, HIDDEN), dtype=jnp.float32)
    pos_table = jax.random.normal(k2, (MAX_SEQ_LEN, HIDDEN), dtype=jnp.float32) * 0.02
    return {"x": x, "pos_table": pos_table}

def reference(x, pos_table):
    seq_len = x.shape[1]
    position_ids = jnp.arange(seq_len)
    pos_emb = jnp.take(pos_table, position_ids, axis=0)
    return x + pos_emb[None, :, :]

if __name__ == "__main__":
    import jax
    _d = setup_inputs()
    print(jax.jit(kernel)(*tuple(_d.values())))

</pallas_src>

<mosaic_0001>
#map = affine_map<(d0, d1) -> (0)>
module attributes {stable_mosaic.version = 14 : i64} {
  func.func @_sc_body(%arg0: i32, %arg1: i32, %arg2: memref<33554432xf32, #tpu.memory_space<hbm>>, %arg3: memref<8388608xf32, #tpu.memory_space<hbm>>, %arg4: memref<33554432xf32, #tpu.memory_space<hbm>>, %arg5: memref<16384xf32, #tpu.memory_space<vmem>>, %arg6: memref<16384xf32, #tpu.memory_space<vmem>>, %arg7: memref<16384xf32, #tpu.memory_space<vmem>>, %arg8: memref<16384xf32, #tpu.memory_space<vmem>>, %arg9: memref<16384xf32, #tpu.memory_space<vmem>>, %arg10: memref<16384xf32, #tpu.memory_space<vmem>>, %arg11: memref<3x!tpu.dma_semaphore, #tpu.memory_space<semaphore_mem>>, %arg12: memref<3x!tpu.dma_semaphore, #tpu.memory_space<semaphore_mem>>, %arg13: memref<3x!tpu.dma_semaphore, #tpu.memory_space<semaphore_mem>>) attributes {dimension_semantics = [#tpu.dimension_semantics<core_parallel>, #tpu.dimension_semantics<subcore_parallel>], iteration_bounds = array<i64: 2, 16>, scalar_prefetch = 0 : i64, scratch_operands = 9 : i64, tpu.core_type = #tpu.core_type<sc_vector_subcore>, window_params = [{transform_indices = #map}, {transform_indices = #map}, {transform_indices = #map}]} {
    %mul3A = arith.constant 2 : i32
    %mul3A_0 = arith.muli %arg1, %mul3A : i32
    %add3A = arith.addi %mul3A_0, %arg0 : i32
    %mul3A_1 = arith.constant 1048576 : i32
    %mul3A_2 = arith.muli %add3A, %mul3A_1 : i32
    %rem3A = arith.constant 8388608 : i32
    %rem3A_3 = arith.remsi %mul3A_2, %rem3A : i32
    %add3A_4 = arith.constant 0 : i32
    %add3A_5 = arith.addi %mul3A_2, %add3A_4 : i32
    %dma_start3A = arith.constant 0 : i32
    %dma_start3A_6 = tpu.memref_slice %arg2[%add3A_5] : memref<33554432xf32, #tpu.memory_space<hbm>> -> memref<16384xf32, #tpu.memory_space<hbm>>
    %dma_start3A_7 = tpu.memref_slice %arg11[%dma_start3A] : memref<3x!tpu.dma_semaphore, #tpu.memory_space<semaphore_mem>> -> memref<1x!tpu.dma_semaphore, #tpu.memory_space<semaphore_mem>>
    %dma_start3A_8 = tpu.memref_squeeze %dma_start3A_7 : memref<1x!tpu.dma_semaphore, #tpu.memory_space<semaphore_mem>> -> memref<!tpu.dma_semaphore, #tpu.memory_space<semaphore_mem>>
    %dma_start3A_9 = tpu.memref_slice %arg2[%add3A_5] : memref<33554432xf32, #tpu.memory_space<hbm>> -> memref<16384xf32, #tpu.memory_space<hbm>>
    tpu.enqueue_dma source(%dma_start3A_9 : memref<16384xf32, #tpu.memory_space<hbm>>) target(%arg5 : memref<16384xf32, #tpu.memory_space<vmem>>) target_semaphore(%dma_start3A_8 : memref<!tpu.dma_semaphore, #tpu.memory_space<semaphore_mem>>)
    %add3A_10 = arith.constant 16384 : i32
    %add3A_11 = arith.addi %mul3A_2, %add3A_10 : i32
    %dma_start3A_12 = arith.constant 1 : i32
    %dma_start3A_13 = tpu.memref_slice %arg2[%add3A_11] : memref<33554432xf32, #tpu.memory_space<hbm>> -> memref<16384xf32, #tpu.memory_space<hbm>>
    %dma_start3A_14 = tpu.memref_slice %arg11[%dma_start3A_12] : memref<3x!tpu.dma_semaphore, #tpu.memory_space<semaphore_mem>> -> memref<1x!tpu.dma_semaphore, #tpu.memory_space<semaphore_mem>>
    %dma_start3A_15 = tpu.memref_squeeze %dma_start3A_14 : memref<1x!tpu.dma_semaphore, #tpu.memory_space<semaphore_mem>> -> memref<!tpu.dma_semaphore, #tpu.memory_space<semaphore_mem>>
    %dma_start3A_16 = tpu.memref_slice %arg2[%add3A_11] : memref<33554432xf32, #tpu.memory_space<hbm>> -> memref<16384xf32, #tpu.memory_space<hbm>>
    tpu.enqueue_dma source(%dma_start3A_16 : memref<16384xf32, #tpu.memory_space<hbm>>) target(%arg6 : memref<16384xf32, #tpu.memory_space<vmem>>) target_semaphore(%dma_start3A_15 : memref<!tpu.dma_semaphore, #tpu.memory_space<semaphore_mem>>)
    %add3A_17 = arith.constant 32768 : i32
    %add3A_18 = arith.addi %mul3A_2, %add3A_17 : i32
    %dma_start3A_19 = arith.constant 2 : i32
    %dma_start3A_20 = tpu.memref_slice %arg2[%add3A_18] : memref<33554432xf32, #tpu.memory_space<hbm>> -> memref<16384xf32, #tpu.memory_space<hbm>>
    %dma_start3A_21 = tpu.memref_slice %arg11[%dma_start3A_19] : memref<3x!tpu.dma_semaphore, #tpu.memory_space<semaphore_mem>> -> memref<1x!tpu.dma_semaphore, #tpu.memory_space<semaphore_mem>>
    %dma_start3A_22 = tpu.memref_squeeze %dma_start3A_21 : memref<1x!tpu.dma_semaphore, #tpu.memory_space<semaphore_mem>> -> memref<!tpu.dma_semaphore, #tpu.memory_space<semaphore_mem>>
    %dma_start3A_23 = tpu.memref_slice %arg2[%add3A_18] : memref<33554432xf32, #tpu.memory_space<hbm>> -> memref<16384xf32, #tpu.memory_space<hbm>>
    tpu.enqueue_dma source(%dma_start3A_23 : memref<16384xf32, #tpu.memory_space<hbm>>) target(%arg7 : memref<16384xf32, #tpu.memory_space<vmem>>) target_semaphore(%dma_start3A_22 : memref<!tpu.dma_semaphore, #tpu.memory_space<semaphore_mem>>)
    %add3A_24 = arith.constant 0 : i32
    %add3A_25 = arith.addi %mul3A_2, %add3A_24 : i32
    %dma_wait3A = arith.constant 0 : i32
    %dma_wait3A_26 = tpu.memref_slice %arg2[%add3A_25] : memref<33554432xf32, #tpu.memory_space<hbm>> -> memref<16384xf32, #tpu.memory_space<hbm>>
    %dma_wait3A_27 = tpu.memref_slice %arg11[%dma_wait3A] : memref<3x!tpu.dma_semaphore, #tpu.memory_space<semaphore_mem>> -> memref<1x!tpu.dma_semaphore, #tpu.memory_space<semaphore_mem>>
    %dma_wait3A_28 = tpu.memref_squeeze %dma_wait3A_27 : memref<1x!tpu.dma_semaphore, #tpu.memory_space<semaphore_mem>> -> memref<!tpu.dma_semaphore, #tpu.memory_space<semaphore_mem>>
    %dma_wait3A_29 = tpu.memref_slice %arg2[%add3A_25] : memref<33554432xf32, #tpu.memory_space<hbm>> -> memref<16384xf32, #tpu.memory_space<hbm>>
    tpu.wait_dma2 semaphore(%dma_wait3A_28 : memref<!tpu.dma_semaphore, #tpu.memory_space<semaphore_mem>>) src(%dma_wait3A_29 : memref<16384xf32, #tpu.memory_space<hbm>>) dst(%arg5 : memref<16384xf32, #tpu.memory_space<vmem>>)
    %add3A_30 = arith.constant 0 : i32
    %add3A_31 = arith.addi %mul3A_2, %add3A_30 : i32
    %dma_start3A_32 = arith.constant 0 : i32
    %dma_start3A_33 = tpu.memref_slice %arg4[%add3A_31] : memref<33554432xf32, #tpu.memory_space<hbm>> -> memref<16384xf32, #tpu.memory_space<hbm>>
    %dma_start3A_34 = tpu.memref_slice %arg13[%dma_start3A_32] : memref<3x!tpu.dma_semaphore, #tpu.memory_space<semaphore_mem>> -> memref<1x!tpu.dma_semaphore, #tpu.memory_space<semaphore_mem>>
    %dma_start3A_35 = tpu.memref_squeeze %dma_start3A_34 : memref<1x!tpu.dma_semaphore, #tpu.memory_space<semaphore_mem>> -> memref<!tpu.dma_semaphore, #tpu.memory_space<semaphore_mem>>
    %dma_start3A_36 = tpu.memref_slice %arg4[%add3A_31] : memref<33554432xf32, #tpu.memory_space<hbm>> -> memref<16384xf32, #tpu.memory_space<hbm>>
    tpu.enqueue_dma source(%arg5 : memref<16384xf32, #tpu.memory_space<vmem>>) target(%dma_start3A_36 : memref<16384xf32, #tpu.memory_space<hbm>>) target_semaphore(%dma_start3A_35 : memref<!tpu.dma_semaphore, #tpu.memory_space<semaphore_mem>>)
    %add3A_37 = arith.constant 0 : i32
    %add3A_38 = arith.addi %mul3A_2, %add3A_37 : i32
    %dma_wait3A_39 = arith.constant 0 : i32
    %dma_wait3A_40 = tpu.memref_slice %arg4[%add3A_38] : memref<33554432xf32, #tpu.memory_space<hbm>> -> memref<16384xf32, #tpu.memory_space<hbm>>
    %dma_wait3A_41 = tpu.memref_slice %arg13[%dma_wait3A_39] : memref<3x!tpu.dma_semaphore, #tpu.memory_space<semaphore_mem>> -> memref<1x!tpu.dma_semaphore, #tpu.memory_space<semaphore_mem>>
    %dma_wait3A_42 = tpu.memref_squeeze %dma_wait3A_41 : memref<1x!tpu.dma_semaphore, #tpu.memory_space<semaphore_mem>> -> memref<!tpu.dma_semaphore, #tpu.memory_space<semaphore_mem>>
    %dma_wait3A_43 = tpu.memref_slice %arg4[%add3A_38] : memref<33554432xf32, #tpu.memory_space<hbm>> -> memref<16384xf32, #tpu.memory_space<hbm>>
    tpu.wait_dma2 semaphore(%dma_wait3A_42 : memref<!tpu.dma_semaphore, #tpu.memory_space<semaphore_mem>>) src(%arg5 : memref<16384xf32, #tpu.memory_space<vmem>>) dst(%dma_wait3A_43 : memref<16384xf32, #tpu.memory_space<hbm>>)
    %add3A_44 = arith.constant 49152 : i32
    %add3A_45 = arith.addi %mul3A_2, %add3A_44 : i32
    %dma_start3A_46 = arith.constant 0 : i32
    %dma_start3A_47 = tpu.memref_slice %arg2[%add3A_45] : memref<33554432xf32, #tpu.memory_space<hbm>> -> memref<16384xf32, #tpu.memory_space<hbm>>
    %dma_start3A_48 = tpu.memref_slice %arg11[%dma_start3A_46] : memref<3x!tpu.dma_semaphore, #tpu.memory_space<semaphore_mem>> -> memref<1x!tpu.dma_semaphore, #tpu.memory_space<semaphore_mem>>
    %dma_start3A_49 = tpu.memref_squeeze %dma_start3A_48 : memref<1x!tpu.dma_semaphore, #tpu.memory_space<semaphore_mem>> -> memref<!tpu.dma_semaphore, #tpu.memory_space<semaphore_mem>>
    %dma_start3A_50 = tpu.memref_slice %arg2[%add3A_45] : memref<33554432xf32, #tpu.memory_space<hbm>> -> memref<16384xf32, #tpu.memory_space<hbm>>
    tpu.enqueue_dma source(%dma_start3A_50 : memref<16384xf32, #tpu.memory_space<hbm>>) target(%arg5 : memref<16384xf32, #tpu.memory_space<vmem>>) target_semaphore(%dma_start3A_49 : memref<!tpu.dma_semaphore, #tpu.memory_space<semaphore_mem>>)
    %add3A_51 = arith.constant 16384 : i32
    %add3A_52 = arith.addi %mul3A_2, %add3A_51 : i32
    %dma_wait3A_53 = arith.constant 1 : i32
    %dma_wait3A_54 = tpu.memref_slice %arg2[%add3A_52] : memref<33554432xf32, #tpu.memory_space<hbm>> -> memref<16384xf32, #tpu.memory_space<hbm>>
    %dma_wait3A_55 = tpu.memref_slice %arg11[%dma_wait3A_53] : memref<3x!tpu.dma_semaphore, #tpu.memory_space<semaphore_mem>> -> memref<1x!tpu.dma_semaphore, #tpu.memory_space<semaphore_mem>>
    %dma_wait3A_56 = tpu.memref_squeeze %dma_wait3A_55 : memref<1x!tpu.dma_semaphore, #tpu.memory_space<semaphore_mem>> -> memref<!tpu.dma_semaphore, #tpu.memory_space<semaphore_mem>>
    %dma_wait3A_57 = tpu.memref_slice %arg2[%add3A_52] : memref<33554432xf32, #tpu.memory_space<hbm>> -> memref<16384xf32, #tpu.memory_space<hbm>>
    tpu.wait_dma2 semaphore(%dma_wait3A_56 : memref<!tpu.dma_semaphore, #tpu.memory_space<semaphore_mem>>) src(%dma_wait3A_57 : memref<16384xf32, #tpu.memory_space<hbm>>) dst(%arg6 : memref<16384xf32, #tpu.memory_space<vmem>>)
    %add3A_58 = arith.constant 16384 : i32
    %add3A_59 = arith.addi %mul3A_2, %add3A_58 : i32
    %dma_start3A_60 = arith.constant 1 : i32
    %dma_start3A_61 = tpu.memref_slice %arg4[%add3A_59] : memref<33554432xf32, #tpu.memory_space<hbm>> -> memref<16384xf32, #tpu.memory_space<hbm>>
    %dma_start3A_62 = tpu.memref_slice %arg13[%dma_start3A_60] : memref<3x!tpu.dma_semaphore, #tpu.memory_space<semaphore_mem>> -> memref<1x!tpu.dma_semaphore, #tpu.memory_space<semaphore_mem>>
    %dma_start3A_63 = tpu.memref_squeeze %dma_start3A_62 : memref<1x!tpu.dma_semaphore, #tpu.memory_space<semaphore_mem>> -> memref<!tpu.dma_semaphore, #tpu.memory_space<semaphore_mem>>
    %dma_start3A_64 = tpu.memref_slice %arg4[%add3A_59] : memref<33554432xf32, #tpu.memory_space<hbm>> -> memref<16384xf32, #tpu.memory_space<hbm>>
    tpu.enqueue_dma source(%arg6 : memref<16384xf32, #tpu.memory_space<vmem>>) target(%dma_start3A_64 : memref<16384xf32, #tpu.memory_space<hbm>>) target_semaphore(%dma_start3A_63 : memref<!tpu.dma_semaphore, #tpu.memory_space<semaphore_mem>>)
    %add3A_65 = arith.constant 16384 : i32
    %add3A_66 = arith.addi %mul3A_2, %add3A_65 : i32
    %dma_wait3A_67 = arith.constant 1 : i32
    %dma_wait3A_68 = tpu.memref_slice %arg4[%add3A_66] : memref<33554432xf32, #tpu.memory_space<hbm>> -> memref<16384xf32, #tpu.memory_space<hbm>>
    %dma_wait3A_69 = tpu.memref_slice %arg13[%dma_wait3A_67] : memref<3x!tpu.dma_semaphore, #tpu.memory_space<semaphore_mem>> -> memref<1x!tpu.dma_semaphore, #tpu.memory_space<semaphore_mem>>
    %dma_wait3A_70 = tpu.memref_squeeze %dma_wait3A_69 : memref<1x!tpu.dma_semaphore, #tpu.memory_space<semaphore_mem>> -> memref<!tpu.dma_semaphore, #tpu.memory_space<semaphore_mem>>
    %dma_wait3A_71 = tpu.memref_slice %arg4[%add3A_66] : memref<33554432xf32, #tpu.memory_space<hbm>> -> memref<16384xf32, #tpu.memory_space<hbm>>
    tpu.wait_dma2 semaphore(%dma_wait3A_70 : memref<!tpu.dma_semaphore, #tpu.memory_space<semaphore_mem>>) src(%arg6 : memref<16384xf32, #tpu.memory_space<vmem>>) dst(%dma_wait3A_71 : memref<16384xf32, #tpu.memory_space<hbm>>)
    %add3A_72 = arith.constant 65536 : i32
    %add3A_73 = arith.addi %mul3A_2, %add3A_72 : i32
    %dma_start3A_74 = arith.constant 1 : i32
    %dma_start3A_75 = tpu.memref_slice %arg2[%add3A_73] : memref<33554432xf32, #tpu.memory_space<hbm>> -> memref<16384xf32, #tpu.memory_space<hbm>>
    %dma_start3A_76 = tpu.memref_slice %arg11[%dma_start3A_74] : memref<3x!tpu.dma_semaphore, #tpu.memory_space<semaphore_mem>> -> memref<1x!tpu.dma_semaphore, #tpu.memory_space<semaphore_mem>>
    %dma_start3A_77 = tpu.memref_squeeze %dma_start3A_76 : memref<1x!tpu.dma_semaphore, #tpu.memory_space<semaphore_mem>> -> memref<!tpu.dma_semaphore, #tpu.memory_space<semaphore_mem>>
    %dma_start3A_78 = tpu.memref_slice %arg2[%add3A_73] : memref<33554432xf32, #tpu.memory_space<hbm>> -> memref<16384xf32, #tpu.memory_space<hbm>>
    tpu.enqueue_dma source(%dma_start3A_78 : memref<16384xf32, #tpu.memory_space<hbm>>) target(%arg6 : memref<16384xf32, #tpu.memory_space<vmem>>) target_semaphore(%dma_start3A_77 : memref<!tpu.dma_semaphore, #tpu.memory_space<semaphore_mem>>)
    %add3A_79 = arith.constant 32768 : i32
    %add3A_80 = arith.addi %mul3A_2, %add3A_79 : i32
    %dma_wait3A_81 = arith.constant 2 : i32
    %dma_wait3A_82 = tpu.memref_slice %arg2[%add3A_80] : memref<33554432xf32, #tpu.memory_space<hbm>> -> memref<16384xf32, #tpu.memory_space<hbm>>
    %dma_wait3A_83 = tpu.memref_slice %arg11[%dma_wait3A_81] : memref<3x!tpu.dma_semaphore, #tpu.memory_space<semaphore_mem>> -> memref<1x!tpu.dma_semaphore, #tpu.memory_space<semaphore_mem>>
    %dma_wait3A_84 = tpu.memref_squeeze %dma_wait3A_83 : memref<1x!tpu.dma_semaphore, #tpu.memory_space<semaphore_mem>> -> memref<!tpu.dma_semaphore, #tpu.memory_space<semaphore_mem>>
    %dma_wait3A_85 = tpu.memref_slice %arg2[%add3A_80] : memref<33554432xf32, #tpu.memory_space<hbm>> -> memref<16384xf32, #tpu.memory_space<hbm>>
    tpu.wait_dma2 semaphore(%dma_wait3A_84 : memref<!tpu.dma_semaphore, #tpu.memory_space<semaphore_mem>>) src(%dma_wait3A_85 : memref<16384xf32, #tpu.memory_space<hbm>>) dst(%arg7 : memref<16384xf32, #tpu.memory_space<vmem>>)
    %add3A_86 = arith.constant 32768 : i32
    %add3A_87 = arith.addi %mul3A_2, %add3A_86 : i32
    %dma_start3A_88 = arith.constant 2 : i32
    %dma_start3A_89 = tpu.memref_slice %arg4[%add3A_87] : memref<33554432xf32, #tpu.memory_space<hbm>> -> memref<16384xf32, #tpu.memory_space<hbm>>
    %dma_start3A_90 = tpu.memref_slice %arg13[%dma_start3A_88] : memref<3x!tpu.dma_semaphore, #tpu.memory_space<semaphore_mem>> -> memref<1x!tpu.dma_semaphore, #tpu.memory_space<semaphore_mem>>
    %dma_start3A_91 = tpu.memref_squeeze %dma_start3A_90 : memref<1x!tpu.dma_semaphore, #tpu.memory_space<semaphore_mem>> -> memref<!tpu.dma_semaphore, #tpu.memory_space<semaphore_mem>>
    %dma_start3A_92 = tpu.memref_slice %arg4[%add3A_87] : memref<33554432xf32, #tpu.memory_space<hbm>> -> memref<16384xf32, #tpu.memory_space<hbm>>
    tpu.enqueue_dma source(%arg7 : memref<16384xf32, #tpu.memory_space<vmem>>) target(%dma_start3A_92 : memref<16384xf32, #tpu.memory_space<hbm>>) target_semaphore(%dma_start3A_91 : memref<!tpu.dma_semaphore, #tpu.memory_space<semaphore_mem>>)
    %add3A_93 = arith.constant 32768 : i32
    %add3A_94 = arith.addi %mul3A_2, %add3A_93 : i32
    %dma_wait3A_95 = arith.constant 2 : i32
    %dma_wait3A_96 = tpu.memref_slice %arg4[%add3A_94] : memref<33554432xf32, #tpu.memory_space<hbm>> -> memref<16384xf32, #tpu.memory_space<hbm>>
    %dma_wait3A_97 = tpu.memref_slice %arg13[%dma_wait3A_95] : memref<3x!tpu.dma_semaphore, #tpu.memory_space<semaphore_mem>> -> memref<1x!tpu.dma_semaphore, #tpu.memory_space<semaphore_mem>>
    %dma_wait3A_98 = tpu.memref_squeeze %dma_wait3A_97 : memref<1x!tpu.dma_semaphore, #tpu.memory_space<semaphore_mem>> -> memref<!tpu.dma_semaphore, #tpu.memory_space<semaphore_mem>>
    %dma_wait3A_99 = tpu.memref_slice %arg4[%add3A_94] : memref<33554432xf32, #tpu.memory_space<hbm>> -> memref<16384xf32, #tpu.memory_space<hbm>>
    tpu.wait_dma2 semaphore(%dma_wait3A_98 : memref<!tpu.dma_semaphore, #tpu.memory_space<semaphore_mem>>) src(%arg7 : memref<16384xf32, #tpu.memory_space<vmem>>) dst(%dma_wait3A_99 : memref<16384xf32, #tpu.memory_space<hbm>>)
    %add3A_100 = arith.constant 81920 : i32
    %add3A_101 = arith.addi %mul3A_2, %add3A_100 : i32
    %dma_start3A_102 = arith.constant 2 : i32
    %dma_start3A_103 = tpu.memref_slice %arg2[%add3A_101] : memref<33554432xf32, #tpu.memory_space<hbm>> -> memref<16384xf32, #tpu.memory_space<hbm>>
    %dma_start3A_104 = tpu.memref_slice %arg11[%dma_start3A_102] : memref<3x!tpu.dma_semaphore, #tpu.memory_space<semaphore_mem>> -> memref<1x!tpu.dma_semaphore, #tpu.memory_space<semaphore_mem>>
    %dma_start3A_105 = tpu.memref_squeeze %dma_start3A_104 : memref<1x!tpu.dma_semaphore, #tpu.memory_space<semaphore_mem>> -> memref<!tpu.dma_semaphore, #tpu.memory_space<semaphore_mem>>
    %dma_start3A_106 = tpu.memref_slice %arg2[%add3A_101] : memref<33554432xf32, #tpu.memory_space<hbm>> -> memref<16384xf32, #tpu.memory_space<hbm>>
    tpu.enqueue_dma source(%dma_start3A_106 : memref<16384xf32, #tpu.memory_space<hbm>>) target(%arg7 : memref<16384xf32, #tpu.memory_space<vmem>>) target_semaphore(%dma_start3A_105 : memref<!tpu.dma_semaphore, #tpu.memory_space<semaphore_mem>>)
    %add3A_107 = arith.constant 49152 : i32
    %add3A_108 = arith.addi %mul3A_2, %add3A_107 : i32
    %dma_wait3A_109 = arith.constant 0 : i32
    %dma_wait3A_110 = tpu.memref_slice %arg2[%add3A_108] : memref<33554432xf32, #tpu.memory_space<hbm>> -> memref<16384xf32, #tpu.memory_space<hbm>>
    %dma_wait3A_111 = tpu.memref_slice %arg11[%dma_wait3A_109] : memref<3x!tpu.dma_semaphore, #tpu.memory_space<semaphore_mem>> -> memref<1x!tpu.dma_semaphore, #tpu.memory_space<semaphore_mem>>
    %dma_wait3A_112 = tpu.memref_squeeze %dma_wait3A_111 : memref<1x!tpu.dma_semaphore, #tpu.memory_space<semaphore_mem>> -> memref<!tpu.dma_semaphore, #tpu.memory_space<semaphore_mem>>
    %dma_wait3A_113 = tpu.memref_slice %arg2[%add3A_108] : memref<33554432xf32, #tpu.memory_space<hbm>> -> memref<16384xf32, #tpu.memory_space<hbm>>
    tpu.wait_dma2 semaphore(%dma_wait3A_112 : memref<!tpu.dma_semaphore, #tpu.memory_space<semaphore_mem>>) src(%dma_wait3A_113 : memref<16384xf32, #tpu.memory_space<hbm>>) dst(%arg5 : memref<16384xf32, #tpu.memory_space<vmem>>)
    %add3A_114 = arith.constant 49152 : i32
    %add3A_115 = arith.addi %mul3A_2, %add3A_114 : i32
    %dma_start3A_116 = arith.constant 0 : i32
    %dma_start3A_117 = tpu.memref_slice %arg4[%add3A_115] : memref<33554432xf32, #tpu.memory_space<hbm>> -> memref<16384xf32, #tpu.memory_space<hbm>>
    %dma_start3A_118 = tpu.memref_slice %arg13[%dma_start3A_116] : memref<3x!tpu.dma_semaphore, #tpu.memory_space<semaphore_mem>> -> memref<1x!tpu.dma_semaphore, #tpu.memory_space<semaphore_mem>>
    %dma_start3A_119 = tpu.memref_squeeze %dma_start3A_118 : memref<1x!tpu.dma_semaphore, #tpu.memory_space<semaphore_mem>> -> memref<!tpu.dma_semaphore, #tpu.memory_space<semaphore_mem>>
    %dma_start3A_120 = tpu.memref_slice %arg4[%add3A_115] : memref<33554432xf32, #tpu.memory_space<hbm>> -> memref<16384xf32, #tpu.memory_space<hbm>>
    tpu.enqueue_dma source(%arg5 : memref<16384xf32, #tpu.memory_space<vmem>>) target(%dma_start3A_120 : memref<16384xf32, #tpu.memory_space<hbm>>) target_semaphore(%dma_start3A_119 : memref<!tpu.dma_semaphore, #tpu.memory_space<semaphore_mem>>)
    %add3A_121 = arith.constant 49152 : i32
    %add3A_122 = arith.addi %mul3A_2, %add3A_121 : i32
    %dma_wait3A_123 = arith.constant 0 : i32
    %dma_wait3A_124 = tpu.memref_slice %arg4[%add3A_122] : memref<33554432xf32, #tpu.memory_space<hbm>> -> memref<16384xf32, #tpu.memory_space<hbm>>
    %dma_wait3A_125 = tpu.memref_slice %arg13[%dma_wait3A_123] : memref<3x!tpu.dma_semaphore, #tpu.memory_space<semaphore_mem>> -> memref<1x!tpu.dma_semaphore, #tpu.memory_space<semaphore_mem>>
    %dma_wait3A_126 = tpu.memref_squeeze %dma_wait3A_125 : memref<1x!tpu.dma_semaphore, #tpu.memory_space<semaphore_mem>> -> memref<!tpu.dma_semaphore, #tpu.memory_space<semaphore_mem>>
    %dma_wait3A_127 = tpu.memref_slice %arg4[%add3A_122] : memref<33554432xf32, #tpu.memory_space<hbm>> -> memref<16384xf32, #tpu.memory_space<hbm>>
    tpu.wait_dma2 semaphore(%dma_wait3A_126 : memref<!tpu.dma_semaphore, #tpu.memory_space<semaphore_mem>>) src(%arg5 : memref<16384xf32, #tpu.memory_space<vmem>>) dst(%dma_wait3A_127 : memref<16384xf32, #tpu.memory_space<hbm>>)
    %add3A_128 = arith.constant 98304 : i32
    %add3A_129 = arith.addi %mul3A_2, %add3A_128 : i32
    %dma_start3A_130 = arith.constant 0 : i32
    %dma_start3A_131 = tpu.memref_slice %arg2[%add3A_129] : memref<33554432xf32, #tpu.memory_space<hbm>> -> memref<16384xf32, #tpu.memory_space<hbm>>
    %dma_start3A_132 = tpu.memref_slice %arg11[%dma_start3A_130] : memref<3x!tpu.dma_semaphore, #tpu.memory_space<semaphore_mem>> -> memref<1x!tpu.dma_semaphore, #tpu.memory_space<semaphore_mem>>
    %dma_start3A_133 = tpu.memref_squeeze %dma_start3A_132 : memref<1x!tpu.dma_semaphore, #tpu.memory_space<semaphore_mem>> -> memref<!tpu.dma_semaphore, #tpu.memory_space<semaphore_mem>>
    %dma_start3A_134 = tpu.memref_slice %arg2[%add3A_129] : memref<33554432xf32, #tpu.memory_space<hbm>> -> memref<16384xf32, #tpu.memory_space<hbm>>
    tpu.enqueue_dma source(%dma_start3A_134 : memref<16384xf32, #tpu.memory_space<hbm>>) target(%arg5 : memref<16384xf32, #tpu.memory_space<vmem>>) target_semaphore(%dma_start3A_133 : memref<!tpu.dma_semaphore, #tpu.memory_space<semaphore_mem>>)
    %add3A_135 = arith.constant 65536 : i32
    %add3A_136 = arith.addi %mul3A_2, %add3A_135 : i32
    %dma_wait3A_137 = arith.constant 1 : i32
    %dma_wait3A_138 = tpu.memref_slice %arg2[%add3A_136] : memref<33554432xf32, #tpu.memory_space<hbm>> -> memref<16384xf32, #tpu.memory_space<hbm>>
    %dma_wait3A_139 = tpu.memref_slice %arg11[%dma_wait3A_137] : memref<3x!tpu.dma_semaphore, #tpu.memory_space<semaphore_mem>> -> memref<1x!tpu.dma_semaphore, #tpu.memory_space<semaphore_mem>>
    %dma_wait3A_140 = tpu.memref_squeeze %dma_wait3A_139 : memref<1x!tpu.dma_semaphore, #tpu.memory_space<semaphore_mem>> -> memref<!tpu.dma_semaphore, #tpu.memory_space<semaphore_mem>>
    %dma_wait3A_141 = tpu.memref_slice %arg2[%add3A_136] : memref<33554432xf32, #tpu.memory_space<hbm>> -> memref<16384xf32, #tpu.memory_space<hbm>>
    tpu.wait_dma2 semaphore(%dma_wait3A_140 : memref<!tpu.dma_semaphore, #tpu.memory_space<semaphore_mem>>) src(%dma_wait3A_141 : memref<16384xf32, #tpu.memory_space<hbm>>) dst(%arg6 : memref<16384xf32, #tpu.memory_space<vmem>>)
    %add3A_142 = arith.constant 65536 : i32
    %add3A_143 = arith.addi %mul3A_2, %add3A_142 : i32
    %dma_start3A_144 = arith.constant 1 : i32
    %dma_start3A_145 = tpu.memref_slice %arg4[%add3A_143] : memref<33554432xf32, #tpu.memory_space<hbm>> -> memref<16384xf32, #tpu.memory_space<hbm>>
    %dma_start3A_146 = tpu.memref_slice %arg13[%dma_start3A_144] : memref<3x!tpu.dma_semaphore, #tpu.memory_space<semaphore_mem>> -> memref<1x!tpu.dma_semaphore, #tpu.memory_space<semaphore_mem>>
    %dma_start3A_147 = tpu.memref_squeeze %dma_start3A_146 : memref<1x!tpu.dma_semaphore, #tpu.memory_space<semaphore_mem>> -> memref<!tpu.dma_semaphore, #tpu.memory_space<semaphore_mem>>
    %dma_start3A_148 = tpu.memref_slice %arg4[%add3A_143] : memref<33554432xf32, #tpu.memory_space<hbm>> -> memref<16384xf32, #tpu.memory_space<hbm>>
    tpu.enqueue_dma source(%arg6 : memref<16384xf32, #tpu.memory_space<vmem>>) target(%dma_start3A_148 : memref<16384xf32, #tpu.memory_space<hbm>>) target_semaphore(%dma_start3A_147 : memref<!tpu.dma_semaphore, #tpu.memory_space<semaphore_mem>>)
    %add3A_149 = arith.constant 65536 : i32
    %add3A_150 = arith.addi %mul3A_2, %add3A_149 : i32
    %dma_wait3A_151 = arith.constant 1 : i32
    %dma_wait3A_152 = tpu.memref_slice %arg4[%add3A_150] : memref<33554432xf32, #tpu.memory_space<hbm>> -> memref<16384xf32, #tpu.memory_space<hbm>>
    %dma_wait3A_153 = tpu.memref_slice %arg13[%dma_wait3A_151] : memref<3x!tpu.dma_semaphore, #tpu.memory_space<semaphore_mem>> -> memref<1x!tpu.dma_semaphore, #tpu.memory_space<semaphore_mem>>
    %dma_wait3A_154 = tpu.memref_squeeze %dma_wait3A_153 : memref<1x!tpu.dma_semaphore, #tpu.memory_space<semaphore_mem>> -> memref<!tpu.dma_semaphore, #tpu.memory_space<semaphore_mem>>
    %dma_wait3A_155 = tpu.memref_slice %arg4[%add3A_150] : memref<33554432xf32, #tpu.memory_space<hbm>> -> memref<16384xf32, #tpu.memory_space<hbm>>
    tpu.wait_dma2 semaphore(%dma_wait3A_154 : memref<!tpu.dma_semaphore, #tpu.memory_space<semaphore_mem>>) src(%arg6 : memref<16384xf32, #tpu.memory_space<vmem>>) dst(%dma_wait3A_155 : memref<16384xf32, #tpu.memory_space<hbm>>)
    %add3A_156 = arith.constant 114688 : i32
    %add3A_157 = arith.addi %mul3A_2, %add3A_156 : i32
    %dma_start3A_158 = arith.constant 1 : i32
    %dma_start3A_159 = tpu.memref_slice %arg2[%add3A_157] : memref<33554432xf32, #tpu.memory_space<hbm>> -> memref<16384xf32, #tpu.memory_space<hbm>>
    %dma_start3A_160 = tpu.memref_slice %arg11[%dma_start3A_158] : memref<3x!tpu.dma_semaphore, #tpu.memory_space<semaphore_mem>> -> memref<1x!tpu.dma_semaphore, #tpu.memory_space<semaphore_mem>>
    %dma_start3A_161 = tpu.memref_squeeze %dma_start3A_160 : memref<1x!tpu.dma_semaphore, #tpu.memory_space<semaphore_mem>> -> memref<!tpu.dma_semaphore, #tpu.memory_space<semaphore_mem>>
    %dma_start3A_162 = tpu.memref_slice %arg2[%add3A_157] : memref<33554432xf32, #tpu.memory_space<hbm>> -> memref<16384xf32, #tpu.memory_space<hbm>>
    tpu.enqueue_dma source(%dma_start3A_162 : memref<16384xf32, #tpu.memory_space<hbm>>) target(%arg6 : memref<16384xf32, #tpu.memory_space<vmem>>) target_semaphore(%dma_start3A_161 : memref<!tpu.dma_semaphore, #tpu.memory_space<semaphore_mem>>)
    %add3A_163 = arith.constant 81920 : i32
    %add3A_164 = arith.addi %mul3A_2, %add3A_163 : i32
    %dma_wait3A_165 = arith.constant 2 : i32
    %dma_wait3A_166 = tpu.memref_slice %arg2[%add3A_164] : memref<33554432xf32, #tpu.memory_space<hbm>> -> memref<16384xf32, #tpu.memory_space<hbm>>
    %dma_wait3A_167 = tpu.memref_slice %arg11[%dma_wait3A_165] : memref<3x!tpu.dma_semaphore, #tpu.memory_space<semaphore_mem>> -> memref<1x!tpu.dma_semaphore, #tpu.memory_space<semaphore_mem>>
    %dma_wait3A_168 = tpu.memref_squeeze %dma_wait3A_167 : memref<1x!tpu.dma_semaphore, #tpu.memory_space<semaphore_mem>> -> memref<!tpu.dma_semaphore, #tpu.memory_space<semaphore_mem>>
    %dma_wait3A_169 = tpu.memref_slice %arg2[%add3A_164] : memref<33554432xf32, #tpu.memory_space<hbm>> -> memref<16384xf32, #tpu.memory_space<hbm>>
    tpu.wait_dma2 semaphore(%dma_wait3A_168 : memref<!tpu.dma_semaphore, #tpu.memory_space<semaphore_mem>>) src(%dma_wait3A_169 : memref<16384xf32, #tpu.memory_space<hbm>>) dst(%arg7 : memref<16384xf32, #tpu.memory_space<vmem>>)
    %add3A_170 = arith.constant 81920 : i32
    %add3A_171 = arith.addi %mul3A_2, %add3A_170 : i32
    %dma_start3A_172 = arith.constant 2 : i32
    %dma_start3A_173 = tpu.memref_slice %arg4[%add3A_171] : memref<33554432xf32, #tpu.memory_space<hbm>> -> memref<16384xf32, #tpu.memory_space<hbm>>
    %dma_start3A_174 = tpu.memref_slice %arg13[%dma_start3A_172] : memref<3x!tpu.dma_semaphore, #tpu.memory_space<semaphore_mem>> -> memref<1x!tpu.dma_semaphore, #tpu.memory_space<semaphore_mem>>
    %dma_start3A_175 = tpu.memref_squeeze %dma_start3A_174 : memref<1x!tpu.dma_semaphore, #tpu.memory_space<semaphore_mem>> -> memref<!tpu.dma_semaphore, #tpu.memory_space<semaphore_mem>>
    %dma_start3A_176 = tpu.memref_slice %arg4[%add3A_171] : memref<33554432xf32, #tpu.memory_space<hbm>> -> memref<16384xf32, #tpu.memory_space<hbm>>
    tpu.enqueue_dma source(%arg7 : memref<16384xf32, #tpu.memory_space<vmem>>) target(%dma_start3A_176 : memref<16384xf32, #tpu.memory_space<hbm>>) target_semaphore(%dma_start3A_175 : memref<!tpu.dma_semaphore, #tpu.memory_space<semaphore_mem>>)
    %add3A_177 = arith.constant 81920 : i32
    %add3A_178 = arith.addi %mul3A_2, %add3A_177 : i32
    %dma_wait3A_179 = arith.constant 2 : i32
    %dma_wait3A_180 = tpu.memref_slice %arg4[%add3A_178] : memref<33554432xf32, #tpu.memory_space<hbm>> -> memref<16384xf32, #tpu.memory_space<hbm>>
    %dma_wait3A_181 = tpu.memref_slice %arg13[%dma_wait3A_179] : memref<3x!tpu.dma_semaphore, #tpu.memory_space<semaphore_mem>> -> memref<1x!tpu.dma_semaphore, #tpu.memory_space<semaphore_mem>>
    %dma_wait3A_182 = tpu.memref_squeeze %dma_wait3A_181 : memref<1x!tpu.dma_semaphore, #tpu.memory_space<semaphore_mem>> -> memref<!tpu.dma_semaphore, #tpu.memory_space<semaphore_mem>>
    %dma_wait3A_183 = tpu.memref_slice %arg4[%add3A_178] : memref<33554432xf32, #tpu.memory_space<hbm>> -> memref<16384xf32, #tpu.memory_space<hbm>>
    tpu.wait_dma2 semaphore(%dma_wait3A_182 : memref<!tpu.dma_semaphore, #tpu.memory_space<semaphore_mem>>) src(%arg7 : memref<16384xf32, #tpu.memory_space<vmem>>) dst(%dma_wait3A_183 : memref<16384xf32, #tpu.memory_space<hbm>>)
    %add3A_184 = arith.constant 131072 : i32
    %add3A_185 = arith.addi %mul3A_2, %add3A_184 : i32
    %dma_start3A_186 = arith.constant 2 : i32
    %dma_start3A_187 = tpu.memref_slice %arg2[%add3A_185] : memref<33554432xf32, #tpu.memory_space<hbm>> -> memref<16384xf32, #tpu.memory_space<hbm>>
    %dma_start3A_188 = tpu.memref_slice %arg11[%dma_start3A_186] : memref<3x!tpu.dma_semaphore, #tpu.memory_space<semaphore_mem>> -> memref<1x!tpu.dma_semaphore, #tpu.memory_space<semaphore_mem>>
    %dma_start3A_189 = tpu.memref_squeeze %dma_start3A_188 : memref<1x!tpu.dma_semaphore, #tpu.memory_space<semaphore_mem>> -> memref<!tpu.dma_semaphore, #tpu.memory_space<semaphore_mem>>
    %dma_start3A_190 = tpu.memref_slice %arg2[%add3A_185] : memref<33554432xf32, #tpu.memory_space<hbm>> -> memref<16384xf32, #tpu.memory_space<hbm>>
    tpu.enqueue_dma source(%dma_start3A_190 : memref<16384xf32, #tpu.memory_space<hbm>>) target(%arg7 : memref<16384xf32, #tpu.memory_space<vmem>>) target_semaphore(%dma_start3A_189 : memref<!tpu.dma_semaphore, #tpu.memory_space<semaphore_mem>>)
    %add3A_191 = arith.constant 98304 : i32
    %add3A_192 = arith.addi %mul3A_2, %add3A_191 : i32
    %dma_wait3A_193 = arith.constant 0 : i32
    %dma_wait3A_194 = tpu.memref_slice %arg2[%add3A_192] : memref<33554432xf32, #tpu.memory_space<hbm>> -> memref<16384xf32, #tpu.memory_space<hbm>>
    %dma_wait3A_195 = tpu.memref_slice %arg11[%dma_wait3A_193] : memref<3x!tpu.dma_semaphore, #tpu.memory_space<semaphore_mem>> -> memref<1x!tpu.dma_semaphore, #tpu.memory_space<semaphore_mem>>
    %dma_wait3A_196 = tpu.memref_squeeze %dma_wait3A_195 : memref<1x!tpu.dma_semaphore, #tpu.memory_space<semaphore_mem>> -> memref<!tpu.dma_semaphore, #tpu.memory_space<semaphore_mem>>
    %dma_wait3A_197 = tpu.memref_slice %arg2[%add3A_192] : memref<33554432xf32, #tpu.memory_space<hbm>> -> memref<16384xf32, #tpu.memory_space<hbm>>
    tpu.wait_dma2 semaphore(%dma_wait3A_196 : memref<!tpu.dma_semaphore, #tpu.memory_space<semaphore_mem>>) src(%dma_wait3A_197 : memref<16384xf32, #tpu.memory_space<hbm>>) dst(%arg5 : memref<16384xf32, #tpu.memory_space<vmem>>)
    %add3A_198 = arith.constant 98304 : i32
    %add3A_199 = arith.addi %mul3A_2, %add3A_198 : i32
    %dma_start3A_200 = arith.constant 0 : i32
    %dma_start3A_201 = tpu.memref_slice %arg4[%add3A_199] : memref<33554432xf32, #tpu.memory_space<hbm>> -> memref<16384xf32, #tpu.memory_space<hbm>>
    %dma_start3A_202 = tpu.memref_slice %arg13[%dma_start3A_200] : memref<3x!tpu.dma_semaphore, #tpu.memory_space<semaphore_mem>> -> memref<1x!tpu.dma_semaphore, #tpu.memory_space<semaphore_mem>>
    %dma_start3A_203 = tpu.memref_squeeze %dma_start3A_202 : memref<1x!tpu.dma_semaphore, #tpu.memory_space<semaphore_mem>> -> memref<!tpu.dma_semaphore, #tpu.memory_space<semaphore_mem>>
    %dma_start3A_204 = tpu.memref_slice %arg4[%add3A_199] : memref<33554432xf32, #tpu.memory_space<hbm>> -> memref<16384xf32, #tpu.memory_space<hbm>>
    tpu.enqueue_dma source(%arg5 : memref<16384xf32, #tpu.memory_space<vmem>>) target(%dma_start3A_204 : memref<16384xf32, #tpu.memory_space<hbm>>) target_semaphore(%dma_start3A_203 : memref<!tpu.dma_semaphore, #tpu.memory_space<semaphore_mem>>)
    %add3A_205 = arith.constant 98304 : i32
    %add3A_206 = arith.addi %mul3A_2, %add3A_205 : i32
    %dma_wait3A_207 = arith.constant 0 : i32
    %dma_wait3A_208 = tpu.memref_slice %arg4[%add3A_206] : memref<33554432xf32, #tpu.memory_space<hbm>> -> memref<16384xf32, #tpu.memory_space<hbm>>
    %dma_wait3A_209 = tpu.memref_slice %arg13[%dma_wait3A_207] : memref<3x!tpu.dma_semaphore, #tpu.memory_space<semaphore_mem>> -> memref<1x!tpu.dma_semaphore, #tpu.memory_space<semaphore_mem>>
    %dma_wait3A_210 = tpu.memref_squeeze %dma_wait3A_209 : memref<1x!tpu.dma_semaphore, #tpu.memory_space<semaphore_mem>> -> memref<!tpu.dma_semaphore, #tpu.memory_space<semaphore_mem>>
    %dma_wait3A_211 = tpu.memref_slice %arg4[%add3A_206] : memref<33554432xf32, #tpu.memory_space<hbm>> -> memref<16384xf32, #tpu.memory_space<hbm>>
    tpu.wait_dma2 semaphore(%dma_wait3A_210 : memref<!tpu.dma_semaphore, #tpu.memory_space<semaphore_mem>>) src(%arg5 : memref<16384xf32, #tpu.memory_space<vmem>>) dst(%dma_wait3A_211 : memref<16384xf32, #tpu.memory_space<hbm>>)
    %add3A_212 = arith.constant 147456 : i32
    %add3A_213 = arith.addi %mul3A_2, %add3A_212 : i32
    %dma_start3A_214 = arith.constant 0 : i32
    %dma_start3A_215 = tpu.memref_slice %arg2[%add3A_213] : memref<33554432xf32, #tpu.memory_space<hbm>> -> memref<16384xf32, #tpu.memory_space<hbm>>
    %dma_start3A_216 = tpu.memref_slice %arg11[%dma_start3A_214] : memref<3x!tpu.dma_semaphore, #tpu.memory_space<semaphore_mem>> -> memref<1x!tpu.dma_semaphore, #tpu.memory_space<semaphore_mem>>
    %dma_start3A_217 = tpu.memref_squeeze %dma_start3A_216 : memref<1x!tpu.dma_semaphore, #tpu.memory_space<semaphore_mem>> -> memref<!tpu.dma_semaphore, #tpu.memory_space<semaphore_mem>>
    %dma_start3A_218 = tpu.memref_slice %arg2[%add3A_213] : memref<33554432xf32, #tpu.memory_space<hbm>> -> memref<16384xf32, #tpu.memory_space<hbm>>
    tpu.enqueue_dma source(%dma_start3A_218 : memref<16384xf32, #tpu.memory_space<hbm>>) target(%arg5 : memref<16384xf32, #tpu.memory_space<vmem>>) target_semaphore(%dma_start3A_217 : memref<!tpu.dma_semaphore, #tpu.memory_space<semaphore_mem>>)
    %add3A_219 = arith.constant 114688 : i32
    %add3A_220 = arith.addi %mul3A_2, %add3A_219 : i32
    %dma_wait3A_221 = arith.constant 1 : i32
    %dma_wait3A_222 = tpu.memref_slice %arg2[%add3A_220] : memref<33554432xf32, #tpu.memory_space<hbm>> -> memref<16384xf32, #tpu.memory_space<hbm>>
    %dma_wait3A_223 = tpu.memref_slice %arg11[%dma_wait3A_221] : memref<3x!tpu.dma_semaphore, #tpu.memory_space<semaphore_mem>> -> memref<1x!tpu.dma_semaphore, #tpu.memory_space<semaphore_mem>>
    %dma_wait3A_224 = tpu.memref_squeeze %dma_wait3A_223 : memref<1x!tpu.dma_semaphore, #tpu.memory_space<semaphore_mem>> -> memref<!tpu.dma_semaphore, #tpu.memory_space<semaphore_mem>>
    %dma_wait3A_225 = tpu.memref_slice %arg2[%add3A_220] : memref<33554432xf32, #tpu.memory_space<hbm>> -> memref<16384xf32, #tpu.memory_space<hbm>>
    tpu.wait_dma2 semaphore(%dma_wait3A_224 : memref<!tpu.dma_semaphore, #tpu.memory_space<semaphore_mem>>) src(%dma_wait3A_225 : memref<16384xf32, #tpu.memory_space<hbm>>) dst(%arg6 : memref<16384xf32, #tpu.memory_space<vmem>>)
    %add3A_226 = arith.constant 114688 : i32
    %add3A_227 = arith.addi %mul3A_2, %add3A_226 : i32
    %dma_start3A_228 = arith.constant 1 : i32
    %dma_start3A_229 = tpu.memref_slice %arg4[%add3A_227] : memref<33554432xf32, #tpu.memory_space<hbm>> -> memref<16384xf32, #tpu.memory_space<hbm>>
    %dma_start3A_230 = tpu.memref_slice %arg13[%dma_start3A_228] : memref<3x!tpu.dma_semaphore, #tpu.memory_space<semaphore_mem>> -> memref<1x!tpu.dma_semaphore, #tpu.memory_space<semaphore_mem>>
    %dma_start3A_231 = tpu.memref_squeeze %dma_start3A_230 : memref<1x!tpu.dma_semaphore, #tpu.memory_space<semaphore_mem>> -> memref<!tpu.dma_semaphore, #tpu.memory_space<semaphore_mem>>
    %dma_start3A_232 = tpu.memref_slice %arg4[%add3A_227] : memref<33554432xf32, #tpu.memory_space<hbm>> -> memref<16384xf32, #tpu.memory_space<hbm>>
    tpu.enqueue_dma source(%arg6 : memref<16384xf32, #tpu.memory_space<vmem>>) target(%dma_start3A_232 : memref<16384xf32, #tpu.memory_space<hbm>>) target_semaphore(%dma_start3A_231 : memref<!tpu.dma_semaphore, #tpu.memory_space<semaphore_mem>>)
    %add3A_233 = arith.constant 114688 : i32
    %add3A_234 = arith.addi %mul3A_2, %add3A_233 : i32
    %dma_wait3A_235 = arith.constant 1 : i32
    %dma_wait3A_236 = tpu.memref_slice %arg4[%add3A_234] : memref<33554432xf32, #tpu.memory_space<hbm>> -> memref<16384xf32, #tpu.memory_space<hbm>>
    %dma_wait3A_237 = tpu.memref_slice %arg13[%dma_wait3A_235] : memref<3x!tpu.dma_semaphore, #tpu.memory_space<semaphore_mem>> -> memref<1x!tpu.dma_semaphore, #tpu.memory_space<semaphore_mem>>
    %dma_wait3A_238 = tpu.memref_squeeze %dma_wait3A_237 : memref<1x!tpu.dma_semaphore, #tpu.memory_space<semaphore_mem>> -> memref<!tpu.dma_semaphore, #tpu.memory_space<semaphore_mem>>
    %dma_wait3A_239 = tpu.memref_slice %arg4[%add3A_234] : memref<33554432xf32, #tpu.memory_space<hbm>> -> memref<16384xf32, #tpu.memory_space<hbm>>
    tpu.wait_dma2 semaphore(%dma_wait3A_238 : memref<!tpu.dma_semaphore, #tpu.memory_space<semaphore_mem>>) src(%arg6 : memref<16384xf32, #tpu.memory_space<vmem>>) dst(%dma_wait3A_239 : memref<16384xf32, #tpu.memory_space<hbm>>)
    %add3A_240 = arith.constant 163840 : i32
    %add3A_241 = arith.addi %mul3A_2, %add3A_240 : i32
    %dma_start3A_242 = arith.constant 1 : i32
    %dma_start3A_243 = tpu.memref_slice %arg2[%add3A_241] : memref<33554432xf32, #tpu.memory_space<hbm>> -> memref<16384xf32, #tpu.memory_space<hbm>>
    %dma_start3A_244 = tpu.memref_slice %arg11[%dma_start3A_242] : memref<3x!tpu.dma_semaphore, #tpu.memory_space<semaphore_mem>> -> memref<1x!tpu.dma_semaphore, #tpu.memory_space<semaphore_mem>>
    %dma_start3A_245 = tpu.memref_squeeze %dma_start3A_244 : memref<1x!tpu.dma_semaphore, #tpu.memory_space<semaphore_mem>> -> memref<!tpu.dma_semaphore, #tpu.memory_space<semaphore_mem>>
    %dma_start3A_246 = tpu.memref_slice %arg2[%add3A_241] : memref<33554432xf32, #tpu.memory_space<hbm>> -> memref<16384xf32, #tpu.memory_space<hbm>>
    tpu.enqueue_dma source(%dma_start3A_246 : memref<16384xf32, #tpu.memory_space<hbm>>) target(%arg6 : memref<16384xf32, #tpu.memory_space<vmem>>) target_semaphore(%dma_start3A_245 : memref<!tpu.dma_semaphore, #tpu.memory_space<semaphore_mem>>)
    %add3A_247 = arith.constant 131072 : i32
    %add3A_248 = arith.addi %mul3A_2, %add3A_247 : i32
    %dma_wait3A_249 = arith.constant 2 : i32
    %dma_wait3A_250 = tpu.memref_slice %arg2[%add3A_248] : memref<33554432xf32, #tpu.memory_space<hbm>> -> memref<16384xf32, #tpu.memory_space<hbm>>
    %dma_wait3A_251 = tpu.memref_slice %arg11[%dma_wait3A_249] : memref<3x!tpu.dma_semaphore, #tpu.memory_space<semaphore_mem>> -> memref<1x!tpu.dma_semaphore, #tpu.memory_space<semaphore_mem>>
    %dma_wait3A_252 = tpu.memref_squeeze %dma_wait3A_251 : memref<1x!tpu.dma_semaphore, #tpu.memory_space<semaphore_mem>> -> memref<!tpu.dma_semaphore, #tpu.memory_space<semaphore_mem>>
    %dma_wait3A_253 = tpu.memref_slice %arg2[%add3A_248] : memref<33554432xf32, #tpu.memory_space<hbm>> -> memref<16384xf32, #tpu.memory_space<hbm>>
    tpu.wait_dma2 semaphore(%dma_wait3A_252 : memref<!tpu.dma_semaphore, #tpu.memory_space<semaphore_mem>>) src(%dma_wait3A_253 : memref<16384xf32, #tpu.memory_space<hbm>>) dst(%arg7 : memref<16384xf32, #tpu.memory_space<vmem>>)
    %add3A_254 = arith.constant 131072 : i32
    %add3A_255 = arith.addi %mul3A_2, %add3A_254 : i32
    %dma_start3A_256 = arith.constant 2 : i32
    %dma_start3A_257 = tpu.memref_slice %arg4[%add3A_255] : memref<33554432xf32, #tpu.memory_space<hbm>> -> memref<16384xf32, #tpu.memory_space<hbm>>
    %dma_start3A_258 = tpu.memref_slice %arg13[%dma_start3A_256] : memref<3x!tpu.dma_semaphore, #tpu.memory_space<semaphore_mem>> -> memref<1x!tpu.dma_semaphore, #tpu.memory_space<semaphore_mem>>
    %dma_start3A_259 = tpu.memref_squeeze %dma_start3A_258 : memref<1x!tpu.dma_semaphore, #tpu.memory_space<semaphore_mem>> -> memref<!tpu.dma_semaphore, #tpu.memory_space<semaphore_mem>>
    %dma_start3A_260 = tpu.memref_slice %arg4[%add3A_255] : memref<33554432xf32, #tpu.memory_space<hbm>> -> memref<16384xf32, #tpu.memory_space<hbm>>
    tpu.enqueue_dma source(%arg7 : memref<16384xf32, #tpu.memory_space<vmem>>) target(%dma_start3A_260 : memref<16384xf32, #tpu.memory_space<hbm>>) target_semaphore(%dma_start3A_259 : memref<!tpu.dma_semaphore, #tpu.memory_space<semaphore_mem>>)
    %add3A_261 = arith.constant 131072 : i32
    %add3A_262 = arith.addi %mul3A_2, %add3A_261 : i32
    %dma_wait3A_263 = arith.constant 2 : i32
    %dma_wait3A_264 = tpu.memref_slice %arg4[%add3A_262] : memref<33554432xf32, #tpu.memory_space<hbm>> -> memref<16384xf32, #tpu.memory_space<hbm>>
    %dma_wait3A_265 = tpu.memref_slice %arg13[%dma_wait3A_263] : memref<3x!tpu.dma_semaphore, #tpu.memory_space<semaphore_mem>> -> memref<1x!tpu.dma_semaphore, #tpu.memory_space<semaphore_mem>>
    %dma_wait3A_266 = tpu.memref_squeeze %dma_wait3A_265 : memref<1x!tpu.dma_semaphore, #tpu.memory_space<semaphore_mem>> -> memref<!tpu.dma_semaphore, #tpu.memory_space<semaphore_mem>>
    %dma_wait3A_267 = tpu.memref_slice %arg4[%add3A_262] : memref<33554432xf32, #tpu.memory_space<hbm>> -> memref<16384xf32, #tpu.memory_space<hbm>>
    tpu.wait_dma2 semaphore(%dma_wait3A_266 : memref<!tpu.dma_semaphore, #tpu.memory_space<semaphore_mem>>) src(%arg7 : memref<16384xf32, #tpu.memory_space<vmem>>) dst(%dma_wait3A_267 : memref<16384xf32, #tpu.memory_space<hbm>>)
    %add3A_268 = arith.constant 180224 : i32
    %add3A_269 = arith.addi %mul3A_2, %add3A_268 : i32
    %dma_start3A_270 = arith.constant 2 : i32
    %dma_start3A_271 = tpu.memref_slice %arg2[%add3A_269] : memref<33554432xf32, #tpu.memory_space<hbm>> -> memref<16384xf32, #tpu.memory_space<hbm>>
    %dma_start3A_272 = tpu.memref_slice %arg11[%dma_start3A_270] : memref<3x!tpu.dma_semaphore, #tpu.memory_space<semaphore_mem>> -> memref<1x!tpu.dma_semaphore, #tpu.memory_space<semaphore_mem>>
    %dma_start3A_273 = tpu.memref_squeeze %dma_start3A_272 : memref<1x!tpu.dma_semaphore, #tpu.memory_space<semaphore_mem>> -> memref<!tpu.dma_semaphore, #tpu.memory_space<semaphore_mem>>
    %dma_start3A_274 = tpu.memref_slice %arg2[%add3A_269] : memref<33554432xf32, #tpu.memory_space<hbm>> -> memref<16384xf32, #tpu.memory_space<hbm>>
    tpu.enqueue_dma source(%dma_start3A_274 : memref<16384xf32, #tpu.memory_space<hbm>>) target(%arg7 : memref<16384xf32, #tpu.memory_space<vmem>>) target_semaphore(%dma_start3A_273 : memref<!tpu.dma_semaphore, #tpu.memory_space<semaphore_mem>>)
    %add3A_275 = arith.constant 147456 : i32
    %add3A_276 = arith.addi %mul3A_2, %add3A_275 : i32
    %dma_wait3A_277 = arith.constant 0 : i32
    %dma_wait3A_278 = tpu.memref_slice %arg2[%add3A_276] : memref<33554432xf32, #tpu.memory_space<hbm>> -> memref<16384xf32, #tpu.memory_space<hbm>>
    %dma_wait3A_279 = tpu.memref_slice %arg11[%dma_wait3A_277] : memref<3x!tpu.dma_semaphore, #tpu.memory_space<semaphore_mem>> -> memref<1x!tpu.dma_semaphore, #tpu.memory_space<semaphore_mem>>
    %dma_wait3A_280 = tpu.memref_squeeze %dma_wait3A_279 : memref<1x!tpu.dma_semaphore, #tpu.memory_space<semaphore_mem>> -> memref<!tpu.dma_semaphore, #tpu.memory_space<semaphore_mem>>
    %dma_wait3A_281 = tpu.memref_slice %arg2[%add3A_276] : memref<33554432xf32, #tpu.memory_space<hbm>> -> memref<16384xf32, #tpu.memory_space<hbm>>
    tpu.wait_dma2 semaphore(%dma_wait3A_280 : memref<!tpu.dma_semaphore, #tpu.memory_space<semaphore_mem>>) src(%dma_wait3A_281 : memref<16384xf32, #tpu.memory_space<hbm>>) dst(%arg5 : memref<16384xf32, #tpu.memory_space<vmem>>)
    %add3A_282 = arith.constant 147456 : i32
    %add3A_283 = arith.addi %mul3A_2, %add3A_282 : i32
    %dma_start3A_284 = arith.constant 0 : i32
    %dma_start3A_285 = tpu.memref_slice %arg4[%add3A_283] : memref<33554432xf32, #tpu.memory_space<hbm>> -> memref<16384xf32, #tpu.memory_space<hbm>>
    %dma_start3A_286 = tpu.memref_slice %arg13[%dma_start3A_284] : memref<3x!tpu.dma_semaphore, #tpu.memory_space<semaphore_mem>> -> memref<1x!tpu.dma_semaphore, #tpu.memory_space<semaphore_mem>>
    %dma_start3A_287 = tpu.memref_squeeze %dma_start3A_286 : memref<1x!tpu.dma_semaphore, #tpu.memory_space<semaphore_mem>> -> memref<!tpu.dma_semaphore, #tpu.memory_space<semaphore_mem>>
    %dma_start3A_288 = tpu.memref_slice %arg4[%add3A_283] : memref<33554432xf32, #tpu.memory_space<hbm>> -> memref<16384xf32, #tpu.memory_space<hbm>>
    tpu.enqueue_dma source(%arg5 : memref<16384xf32, #tpu.memory_space<vmem>>) target(%dma_start3A_288 : memref<16384xf32, #tpu.memory_space<hbm>>) target_semaphore(%dma_start3A_287 : memref<!tpu.dma_semaphore, #tpu.memory_space<semaphore_mem>>)
    %add3A_289 = arith.constant 147456 : i32
    %add3A_290 = arith.addi %mul3A_2, %add3A_289 : i32
    %dma_wait3A_291 = arith.constant 0 : i32
    %dma_wait3A_292 = tpu.memref_slice %arg4[%add3A_290] : memref<33554432xf32, #tpu.memory_space<hbm>> -> memref<16384xf32, #tpu.memory_space<hbm>>
    %dma_wait3A_293 = tpu.memref_slice %arg13[%dma_wait3A_291] : memref<3x!tpu.dma_semaphore, #tpu.memory_space<semaphore_mem>> -> memref<1x!tpu.dma_semaphore, #tpu.memory_space<semaphore_mem>>
    %dma_wait3A_294 = tpu.memref_squeeze %dma_wait3A_293 : memref<1x!tpu.dma_semaphore, #tpu.memory_space<semaphore_mem>> -> memref<!tpu.dma_semaphore, #tpu.memory_space<semaphore_mem>>
    %dma_wait3A_295 = tpu.memref_slice %arg4[%add3A_290] : memref<33554432xf32, #tpu.memory_space<hbm>> -> memref<16384xf32, #tpu.memory_space<hbm>>
    tpu.wait_dma2 semaphore(%dma_wait3A_294 : memref<!tpu.dma_semaphore, #tpu.memory_space<semaphore_mem>>) src(%arg5 : memref<16384xf32, #tpu.memory_space<vmem>>) dst(%dma_wait3A_295 : memref<16384xf32, #tpu.memory_space<hbm>>)
    %add3A_296 = arith.constant 196608 : i32
    %add3A_297 = arith.addi %mul3A_2, %add3A_296 : i32
    %dma_start3A_298 = arith.constant 0 : i32
    %dma_start3A_299 = tpu.memref_slice %arg2[%add3A_297] : memref<33554432xf32, #tpu.memory_space<hbm>> -> memref<16384xf32, #tpu.memory_space<hbm>>
    %dma_start3A_300 = tpu.memref_slice %arg11[%dma_start3A_298] : memref<3x!tpu.dma_semaphore, #tpu.memory_space<semaphore_mem>> -> memref<1x!tpu.dma_semaphore, #tpu.memory_space<semaphore_mem>>
    %dma_start3A_301 = tpu.memref_squeeze %dma_start3A_300 : memref<1x!tpu.dma_semaphore, #tpu.memory_space<semaphore_mem>> -> memref<!tpu.dma_semaphore, #tpu.memory_space<semaphore_mem>>
    %dma_start3A_302 = tpu.memref_slice %arg2[%add3A_297] : memref<33554432xf32, #tpu.memory_space<hbm>> -> memref<16384xf32, #tpu.memory_space<hbm>>
    tpu.enqueue_dma source(%dma_start3A_302 : memref<16384xf32, #tpu.memory_space<hbm>>) target(%arg5 : memref<16384xf32, #tpu.memory_space<vmem>>) target_semaphore(%dma_start3A_301 : memref<!tpu.dma_semaphore, #tpu.memory_space<semaphore_mem>>)
    %add3A_303 = arith.constant 163840 : i32
    %add3A_304 = arith.addi %mul3A_2, %add3A_303 : i32
    %dma_wait3A_305 = arith.constant 1 : i32
    %dma_wait3A_306 = tpu.memref_slice %arg2[%add3A_304] : memref<33554432xf32, #tpu.memory_space<hbm>> -> memref<16384xf32, #tpu.memory_space<hbm>>
    %dma_wait3A_307 = tpu.memref_slice %arg11[%dma_wait3A_305] : memref<3x!tpu.dma_semaphore, #tpu.memory_space<semaphore_mem>> -> memref<1x!tpu.dma_semaphore, #tpu.memory_space<semaphore_mem>>
    %dma_wait3A_308 = tpu.memref_squeeze %dma_wait3A_307 : memref<1x!tpu.dma_semaphore, #tpu.memory_space<semaphore_mem>> -> memref<!tpu.dma_semaphore, #tpu.memory_space<semaphore_mem>>
    %dma_wait3A_309 = tpu.memref_slice %arg2[%add3A_304] : memref<33554432xf32, #tpu.memory_space<hbm>> -> memref<16384xf32, #tpu.memory_space<hbm>>
    tpu.wait_dma2 semaphore(%dma_wait3A_308 : memref<!tpu.dma_semaphore, #tpu.memory_space<semaphore_mem>>) src(%dma_wait3A_309 : memref<16384xf32, #tpu.memory_space<hbm>>) dst(%arg6 : memref<16384xf32, #tpu.memory_space<vmem>>)
    %add3A_310 = arith.constant 163840 : i32
    %add3A_311 = arith.addi %mul3A_2, %add3A_310 : i32
    %dma_start3A_312 = arith.constant 1 : i32
    %dma_start3A_313 = tpu.memref_slice %arg4[%add3A_311] : memref<33554432xf32, #tpu.memory_space<hbm>> -> memref<16384xf32, #tpu.memory_space<hbm>>
    %dma_start3A_314 = tpu.memref_slice %arg13[%dma_start3A_312] : memref<3x!tpu.dma_semaphore, #tpu.memory_space<semaphore_mem>> -> memref<1x!tpu.dma_semaphore, #tpu.memory_space<semaphore_mem>>
    %dma_start3A_315 = tpu.memref_squeeze %dma_start3A_314 : memref<1x!tpu.dma_semaphore, #tpu.memory_space<semaphore_mem>> -> memref<!tpu.dma_semaphore, #tpu.memory_space<semaphore_mem>>
    %dma_start3A_316 = tpu.memref_slice %arg4[%add3A_311] : memref<33554432xf32, #tpu.memory_space<hbm>> -> memref<16384xf32, #tpu.memory_space<hbm>>
    tpu.enqueue_dma source(%arg6 : memref<16384xf32, #tpu.memory_space<vmem>>) target(%dma_start3A_316 : memref<16384xf32, #tpu.memory_space<hbm>>) target_semaphore(%dma_start3A_315 : memref<!tpu.dma_semaphore, #tpu.memory_space<semaphore_mem>>)
    %add3A_317 = arith.constant 163840 : i32
    %add3A_318 = arith.addi %mul3A_2, %add3A_317 : i32
    %dma_wait3A_319 = arith.constant 1 : i32
    %dma_wait3A_320 = tpu.memref_slice %arg4[%add3A_318] : memref<33554432xf32, #tpu.memory_space<hbm>> -> memref<16384xf32, #tpu.memory_space<hbm>>
    %dma_wait3A_321 = tpu.memref_slice %arg13[%dma_wait3A_319] : memref<3x!tpu.dma_semaphore, #tpu.memory_space<semaphore_mem>> -> memref<1x!tpu.dma_semaphore, #tpu.memory_space<semaphore_mem>>
    %dma_wait3A_322 = tpu.memref_squeeze %dma_wait3A_321 : memref<1x!tpu.dma_semaphore, #tpu.memory_space<semaphore_mem>> -> memref<!tpu.dma_semaphore, #tpu.memory_space<semaphore_mem>>
    %dma_wait3A_323 = tpu.memref_slice %arg4[%add3A_318] : memref<33554432xf32, #tpu.memory_space<hbm>> -> memref<16384xf32, #tpu.memory_space<hbm>>
    tpu.wait_dma2 semaphore(%dma_wait3A_322 : memref<!tpu.dma_semaphore, #tpu.memory_space<semaphore_mem>>) src(%arg6 : memref<16384xf32, #tpu.memory_space<vmem>>) dst(%dma_wait3A_323 : memref<16384xf32, #tpu.memory_space<hbm>>)
    %add3A_324 = arith.constant 212992 : i32
    %add3A_325 = arith.addi %mul3A_2, %add3A_324 : i32
    %dma_start3A_326 = arith.constant 1 : i32
    %dma_start3A_327 = tpu.memref_slice %arg2[%add3A_325] : memref<33554432xf32, #tpu.memory_space<hbm>> -> memref<16384xf32, #tpu.memory_space<hbm>>
    %dma_start3A_328 = tpu.memref_slice %arg11[%dma_start3A_326] : memref<3x!tpu.dma_semaphore, #tpu.memory_space<semaphore_mem>> -> memref<1x!tpu.dma_semaphore, #tpu.memory_space<semaphore_mem>>
    %dma_start3A_329 = tpu.memref_squeeze %dma_start3A_328 : memref<1x!tpu.dma_semaphore, #tpu.memory_space<semaphore_mem>> -> memref<!tpu.dma_semaphore, #tpu.memory_space<semaphore_mem>>
    %dma_start3A_330 = tpu.memref_slice %arg2[%add3A_325] : memref<33554432xf32, #tpu.memory_space<hbm>> -> memref<16384xf32, #tpu.memory_space<hbm>>
    tpu.enqueue_dma source(%dma_start3A_330 : memref<16384xf32, #tpu.memory_space<hbm>>) target(%arg6 : memref<16384xf32, #tpu.memory_space<vmem>>) target_semaphore(%dma_start3A_329 : memref<!tpu.dma_semaphore, #tpu.memory_space<semaphore_mem>>)
    %add3A_331 = arith.constant 180224 : i32
    %add3A_332 = arith.addi %mul3A_2, %add3A_331 : i32
    %dma_wait3A_333 = arith.constant 2 : i32
    %dma_wait3A_334 = tpu.memref_slice %arg2[%add3A_332] : memref<33554432xf32, #tpu.memory_space<hbm>> -> memref<16384xf32, #tpu.memory_space<hbm>>
    %dma_wait3A_335 = tpu.memref_slice %arg11[%dma_wait3A_333] : memref<3x!tpu.dma_semaphore, #tpu.memory_space<semaphore_mem>> -> memref<1x!tpu.dma_semaphore, #tpu.memory_space<semaphore_mem>>
    %dma_wait3A_336 = tpu.memref_squeeze %dma_wait3A_335 : memref<1x!tpu.dma_semaphore, #tpu.memory_space<semaphore_mem>> -> memref<!tpu.dma_semaphore, #tpu.memory_space<semaphore_mem>>
    %dma_wait3A_337 = tpu.memref_slice %arg2[%add3A_332] : memref<33554432xf32, #tpu.memory_space<hbm>> -> memref<16384xf32, #tpu.memory_space<hbm>>
    tpu.wait_dma2 semaphore(%dma_wait3A_336 : memref<!tpu.dma_semaphore, #tpu.memory_space<semaphore_mem>>) src(%dma_wait3A_337 : memref<16384xf32, #tpu.memory_space<hbm>>) dst(%arg7 : memref<16384xf32, #tpu.memory_space<vmem>>)
    %add3A_338 = arith.constant 180224 : i32
    %add3A_339 = arith.addi %mul3A_2, %add3A_338 : i32
    %dma_start3A_340 = arith.constant 2 : i32
    %dma_start3A_341 = tpu.memref_slice %arg4[%add3A_339] : memref<33554432xf32, #tpu.memory_space<hbm>> -> memref<16384xf32, #tpu.memory_space<hbm>>
    %dma_start3A_342 = tpu.memref_slice %arg13[%dma_start3A_340] : memref<3x!tpu.dma_semaphore, #tpu.memory_space<semaphore_mem>> -> memref<1x!tpu.dma_semaphore, #tpu.memory_space<semaphore_mem>>
    %dma_start3A_343 = tpu.memref_squeeze %dma_start3A_342 : memref<1x!tpu.dma_semaphore, #tpu.memory_space<semaphore_mem>> -> memref<!tpu.dma_semaphore, #tpu.memory_space<semaphore_mem>>
    %dma_start3A_344 = tpu.memref_slice %arg4[%add3A_339] : memref<33554432xf32, #tpu.memory_space<hbm>> -> memref<16384xf32, #tpu.memory_space<hbm>>
    tpu.enqueue_dma source(%arg7 : memref<16384xf32, #tpu.memory_space<vmem>>) target(%dma_start3A_344 : memref<16384xf32, #tpu.memory_space<hbm>>) target_semaphore(%dma_start3A_343 : memref<!tpu.dma_semaphore, #tpu.memory_space<semaphore_mem>>)
    %add3A_345 = arith.constant 180224 : i32
    %add3A_346 = arith.addi %mul3A_2, %add3A_345 : i32
    %dma_wait3A_347 = arith.constant 2 : i32
    %dma_wait3A_348 = tpu.memref_slice %arg4[%add3A_346] : memref<33554432xf32, #tpu.memory_space<hbm>> -> memref<16384xf32, #tpu.memory_space<hbm>>
    %dma_wait3A_349 = tpu.memref_slice %arg13[%dma_wait3A_347] : memref<3x!tpu.dma_semaphore, #tpu.memory_space<semaphore_mem>> -> memref<1x!tpu.dma_semaphore, #tpu.memory_space<semaphore_mem>>
    %dma_wait3A_350 = tpu.memref_squeeze %dma_wait3A_349 : memref<1x!tpu.dma_semaphore, #tpu.memory_space<semaphore_mem>> -> memref<!tpu.dma_semaphore, #tpu.memory_space<semaphore_mem>>
    %dma_wait3A_351 = tpu.memref_slice %arg4[%add3A_346] : memref<33554432xf32, #tpu.memory_space<hbm>> -> memref<16384xf32, #tpu.memory_space<hbm>>
    tpu.wait_dma2 semaphore(%dma_wait3A_350 : memref<!tpu.dma_semaphore, #tpu.memory_space<semaphore_mem>>) src(%arg7 : memref<16384xf32, #tpu.memory_space<vmem>>) dst(%dma_wait3A_351 : memref<16384xf32, #tpu.memory_space<hbm>>)
    %add3A_352 = arith.constant 229376 : i32
    %add3A_353 = arith.addi %mul3A_2, %add3A_352 : i32
    %dma_start3A_354 = arith.constant 2 : i32
    %dma_start3A_355 = tpu.memref_slice %arg2[%add3A_353] : memref<33554432xf32, #tpu.memory_space<hbm>> -> memref<16384xf32, #tpu.memory_space<hbm>>
    %dma_start3A_356 = tpu.memref_slice %arg11[%dma_start3A_354] : memref<3x!tpu.dma_semaphore, #tpu.memory_space<semaphore_mem>> -> memref<1x!tpu.dma_semaphore, #tpu.memory_space<semaphore_mem>>
    %dma_start3A_357 = tpu.memref_squeeze %dma_start3A_356 : memref<1x!tpu.dma_semaphore, #tpu.memory_space<semaphore_mem>> -> memref<!tpu.dma_semaphore, #tpu.memory_space<semaphore_mem>>
    %dma_start3A_358 = tpu.memref_slice %arg2[%add3A_353] : memref<33554432xf32, #tpu.memory_space<hbm>> -> memref<16384xf32, #tpu.memory_space<hbm>>
    tpu.enqueue_dma source(%dma_start3A_358 : memref<16384xf32, #tpu.memory_space<hbm>>) target(%arg7 : memref<16384xf32, #tpu.memory_space<vmem>>) target_semaphore(%dma_start3A_357 : memref<!tpu.dma_semaphore, #tpu.memory_space<semaphore_mem>>)
    %add3A_359 = arith.constant 196608 : i32
    %add3A_360 = arith.addi %mul3A_2, %add3A_359 : i32
    %dma_wait3A_361 = arith.constant 0 : i32
    %dma_wait3A_362 = tpu.memref_slice %arg2[%add3A_360] : memref<33554432xf32, #tpu.memory_space<hbm>> -> memref<16384xf32, #tpu.memory_space<hbm>>
    %dma_wait3A_363 = tpu.memref_slice %arg11[%dma_wait3A_361] : memref<3x!tpu.dma_semaphore, #tpu.memory_space<semaphore_mem>> -> memref<1x!tpu.dma_semaphore, #tpu.memory_space<semaphore_mem>>
    %dma_wait3A_364 = tpu.memref_squeeze %dma_wait3A_363 : memref<1x!tpu.dma_semaphore, #tpu.memory_space<semaphore_mem>> -> memref<!tpu.dma_semaphore, #tpu.memory_space<semaphore_mem>>
    %dma_wait3A_365 = tpu.memref_slice %arg2[%add3A_360] : memref<33554432xf32, #tpu.memory_space<hbm>> -> memref<16384xf32, #tpu.memory_space<hbm>>
    tpu.wait_dma2 semaphore(%dma_wait3A_364 : memref<!tpu.dma_semaphore, #tpu.memory_space<semaphore_mem>>) src(%dma_wait3A_365 : memref<16384xf32, #tpu.memory_space<hbm>>) dst(%arg5 : memref<16384xf32, #tpu.memory_space<vmem>>)
    %add3A_366 = arith.constant 196608 : i32
    %add3A_367 = arith.addi %mul3A_2, %add3A_366 : i32
    %dma_start3A_368 = arith.constant 0 : i32
    %dma_start3A_369 = tpu.memref_slice %arg4[%add3A_367] : memref<33554432xf32, #tpu.memory_space<hbm>> -> memref<16384xf32, #tpu.memory_space<hbm>>
    %dma_start3A_370 = tpu.memref_slice %arg13[%dma_start3A_368] : memref<3x!tpu.dma_semaphore, #tpu.memory_space<semaphore_mem>> -> memref<1x!tpu.dma_semaphore, #tpu.memory_space<semaphore_mem>>
    %dma_start3A_371 = tpu.memref_squeeze %dma_start3A_370 : memref<1x!tpu.dma_semaphore, #tpu.memory_space<semaphore_mem>> -> memref<!tpu.dma_semaphore, #tpu.memory_space<semaphore_mem>>
    %dma_start3A_372 = tpu.memref_slice %arg4[%add3A_367] : memref<33554432xf32, #tpu.memory_space<hbm>> -> memref<16384xf32, #tpu.memory_space<hbm>>
    tpu.enqueue_dma source(%arg5 : memref<16384xf32, #tpu.memory_space<vmem>>) target(%dma_start3A_372 : memref<16384xf32, #tpu.memory_space<hbm>>) target_semaphore(%dma_start3A_371 : memref<!tpu.dma_semaphore, #tpu.memory_space<semaphore_mem>>)
    %add3A_373 = arith.constant 196608 : i32
    %add3A_374 = arith.addi %mul3A_2, %add3A_373 : i32
    %dma_wait3A_375 = arith.constant 0 : i32
    %dma_wait3A_376 = tpu.memref_slice %arg4[%add3A_374] : memref<33554432xf32, #tpu.memory_space<hbm>> -> memref<16384xf32, #tpu.memory_space<hbm>>
    %dma_wait3A_377 = tpu.memref_slice %arg13[%dma_wait3A_375] : memref<3x!tpu.dma_semaphore, #tpu.memory_space<semaphore_mem>> -> memref<1x!tpu.dma_semaphore, #tpu.memory_space<semaphore_mem>>
    %dma_wait3A_378 = tpu.memref_squeeze %dma_wait3A_377 : memref<1x!tpu.dma_semaphore, #tpu.memory_space<semaphore_mem>> -> memref<!tpu.dma_semaphore, #tpu.memory_space<semaphore_mem>>
    %dma_wait3A_379 = tpu.memref_slice %arg4[%add3A_374] : memref<33554432xf32, #tpu.memory_space<hbm>> -> memref<16384xf32, #tpu.memory_space<hbm>>
    tpu.wait_dma2 semaphore(%dma_wait3A_378 : memref<!tpu.dma_semaphore, #tpu.memory_space<semaphore_mem>>) src(%arg5 : memref<16384xf32, #tpu.memory_space<vmem>>) dst(%dma_wait3A_379 : memref<16384xf32, #tpu.memory_space<hbm>>)
    %add3A_380 = arith.constant 245760 : i32
    %add3A_381 = arith.addi %mul3A_2, %add3A_380 : i32
    %dma_start3A_382 = arith.constant 0 : i32
    %dma_start3A_383 = tpu.memref_slice %arg2[%add3A_381] : memref<33554432xf32, #tpu.memory_space<hbm>> -> memref<16384xf32, #tpu.memory_space<hbm>>
    %dma_start3A_384 = tpu.memref_slice %arg11[%dma_start3A_382] : memref<3x!tpu.dma_semaphore, #tpu.memory_space<semaphore_mem>> -> memref<1x!tpu.dma_semaphore, #tpu.memory_space<semaphore_mem>>
    %dma_start3A_385 = tpu.memref_squeeze %dma_start3A_384 : memref<1x!tpu.dma_semaphore, #tpu.memory_space<semaphore_mem>> -> memref<!tpu.dma_semaphore, #tpu.memory_space<semaphore_mem>>
    %dma_start3A_386 = tpu.memref_slice %arg2[%add3A_381] : memref<33554432xf32, #tpu.memory_space<hbm>> -> memref<16384xf32, #tpu.memory_space<hbm>>
    tpu.enqueue_dma source(%dma_start3A_386 : memref<16384xf32, #tpu.memory_space<hbm>>) target(%arg5 : memref<16384xf32, #tpu.memory_space<vmem>>) target_semaphore(%dma_start3A_385 : memref<!tpu.dma_semaphore, #tpu.memory_space<semaphore_mem>>)
    %add3A_387 = arith.constant 212992 : i32
    %add3A_388 = arith.addi %mul3A_2, %add3A_387 : i32
    %dma_wait3A_389 = arith.constant 1 : i32
    %dma_wait3A_390 = tpu.memref_slice %arg2[%add3A_388] : memref<33554432xf32, #tpu.memory_space<hbm>> -> memref<16384xf32, #tpu.memory_space<hbm>>
    %dma_wait3A_391 = tpu.memref_slice %arg11[%dma_wait3A_389] : memref<3x!tpu.dma_semaphore, #tpu.memory_space<semaphore_mem>> -> memref<1x!tpu.dma_semaphore, #tpu.memory_space<semaphore_mem>>
    %dma_wait3A_392 = tpu.memref_squeeze %dma_wait3A_391 : memref<1x!tpu.dma_semaphore, #tpu.memory_space<semaphore_mem>> -> memref<!tpu.dma_semaphore, #tpu.memory_space<semaphore_mem>>
    %dma_wait3A_393 = tpu.memref_slice %arg2[%add3A_388] : memref<33554432xf32, #tpu.memory_space<hbm>> -> memref<16384xf32, #tpu.memory_space<hbm>>
    tpu.wait_dma2 semaphore(%dma_wait3A_392 : memref<!tpu.dma_semaphore, #tpu.memory_space<semaphore_mem>>) src(%dma_wait3A_393 : memref<16384xf32, #tpu.memory_space<hbm>>) dst(%arg6 : memref<16384xf32, #tpu.memory_space<vmem>>)
    %add3A_394 = arith.constant 212992 : i32
    %add3A_395 = arith.addi %mul3A_2, %add3A_394 : i32
    %dma_start3A_396 = arith.constant 1 : i32
    %dma_start3A_397 = tpu.memref_slice %arg4[%add3A_395] : memref<33554432xf32, #tpu.memory_space<hbm>> -> memref<16384xf32, #tpu.memory_space<hbm>>
    %dma_start3A_398 = tpu.memref_slice %arg13[%dma_start3A_396] : memref<3x!tpu.dma_semaphore, #tpu.memory_space<semaphore_mem>> -> memref<1x!tpu.dma_semaphore, #tpu.memory_space<semaphore_mem>>
    %dma_start3A_399 = tpu.memref_squeeze %dma_start3A_398 : memref<1x!tpu.dma_semaphore, #tpu.memory_space<semaphore_mem>> -> memref<!tpu.dma_semaphore, #tpu.memory_space<semaphore_mem>>
    %dma_start3A_400 = tpu.memref_slice %arg4[%add3A_395] : memref<33554432xf32, #tpu.memory_space<hbm>> -> memref<16384xf32, #tpu.memory_space<hbm>>
    tpu.enqueue_dma source(%arg6 : memref<16384xf32, #tpu.memory_space<vmem>>) target(%dma_start3A_400 : memref<16384xf32, #tpu.memory_space<hbm>>) target_semaphore(%dma_start3A_399 : memref<!tpu.dma_semaphore, #tpu.memory_space<semaphore_mem>>)
    %add3A_401 = arith.constant 212992 : i32
    %add3A_402 = arith.addi %mul3A_2, %add3A_401 : i32
    %dma_wait3A_403 = arith.constant 1 : i32
    %dma_wait3A_404 = tpu.memref_slice %arg4[%add3A_402] : memref<33554432xf32, #tpu.memory_space<hbm>> -> memref<16384xf32, #tpu.memory_space<hbm>>
    %dma_wait3A_405 = tpu.memref_slice %arg13[%dma_wait3A_403] : memref<3x!tpu.dma_semaphore, #tpu.memory_space<semaphore_mem>> -> memref<1x!tpu.dma_semaphore, #tpu.memory_space<semaphore_mem>>
    %dma_wait3A_406 = tpu.memref_squeeze %dma_wait3A_405 : memref<1x!tpu.dma_semaphore, #tpu.memory_space<semaphore_mem>> -> memref<!tpu.dma_semaphore, #tpu.memory_space<semaphore_mem>>
    %dma_wait3A_407 = tpu.memref_slice %arg4[%add3A_402] : memref<33554432xf32, #tpu.memory_space<hbm>> -> memref<16384xf32, #tpu.memory_space<hbm>>
    tpu.wait_dma2 semaphore(%dma_wait3A_406 : memref<!tpu.dma_semaphore, #tpu.memory_space<semaphore_mem>>) src(%arg6 : memref<16384xf32, #tpu.memory_space<vmem>>) dst(%dma_wait3A_407 : memref<16384xf32, #tpu.memory_space<hbm>>)
    %add3A_408 = arith.constant 262144 : i32
    %add3A_409 = arith.addi %mul3A_2, %add3A_408 : i32
    %dma_start3A_410 = arith.constant 1 : i32
    %dma_start3A_411 = tpu.memref_slice %arg2[%add3A_409] : memref<33554432xf32, #tpu.memory_space<hbm>> -> memref<16384xf32, #tpu.memory_space<hbm>>
    %dma_start3A_412 = tpu.memref_slice %arg11[%dma_start3A_410] : memref<3x!tpu.dma_semaphore, #tpu.memory_space<semaphore_mem>> -> memref<1x!tpu.dma_semaphore, #tpu.memory_space<semaphore_mem>>
    %dma_start3A_413 = tpu.memref_squeeze %dma_start3A_412 : memref<1x!tpu.dma_semaphore, #tpu.memory_space<semaphore_mem>> -> memref<!tpu.dma_semaphore, #tpu.memory_space<semaphore_mem>>
    %dma_start3A_414 = tpu.memref_slice %arg2[%add3A_409] : memref<33554432xf32, #tpu.memory_space<hbm>> -> memref<16384xf32, #tpu.memory_space<hbm>>
    tpu.enqueue_dma source(%dma_start3A_414 : memref<16384xf32, #tpu.memory_space<hbm>>) target(%arg6 : memref<16384xf32, #tpu.memory_space<vmem>>) target_semaphore(%dma_start3A_413 : memref<!tpu.dma_semaphore, #tpu.memory_space<semaphore_mem>>)
    %add3A_415 = arith.constant 229376 : i32
    %add3A_416 = arith.addi %mul3A_2, %add3A_415 : i32
    %dma_wait3A_417 = arith.constant 2 : i32
    %dma_wait3A_418 = tpu.memref_slice %arg2[%add3A_416] : memref<33554432xf32, #tpu.memory_space<hbm>> -> memref<16384xf32, #tpu.memory_space<hbm>>
    %dma_wait3A_419 = tpu.memref_slice %arg11[%dma_wait3A_417] : memref<3x!tpu.dma_semaphore, #tpu.memory_space<semaphore_mem>> -> memref<1x!tpu.dma_semaphore, #tpu.memory_space<semaphore_mem>>
    %dma_wait3A_420 = tpu.memref_squeeze %dma_wait3A_419 : memref<1x!tpu.dma_semaphore, #tpu.memory_space<semaphore_mem>> -> memref<!tpu.dma_semaphore, #tpu.memory_space<semaphore_mem>>
    %dma_wait3A_421 = tpu.memref_slice %arg2[%add3A_416] : memref<33554432xf32, #tpu.memory_space<hbm>> -> memref<16384xf32, #tpu.memory_space<hbm>>
    tpu.wait_dma2 semaphore(%dma_wait3A_420 : memref<!tpu.dma_semaphore, #tpu.memory_space<semaphore_mem>>) src(%dma_wait3A_421 : memref<16384xf32, #tpu.memory_space<hbm>>) dst(%arg7 : memref<16384xf32, #tpu.memory_space<vmem>>)
    %add3A_422 = arith.constant 229376 : i32
    %add3A_423 = arith.addi %mul3A_2, %add3A_422 : i32
    %dma_start3A_424 = arith.constant 2 : i32
    %dma_start3A_425 = tpu.memref_slice %arg4[%add3A_423] : memref<33554432xf32, #tpu.memory_space<hbm>> -> memref<16384xf32, #tpu.memory_space<hbm>>
    %dma_start3A_426 = tpu.memref_slice %arg13[%dma_start3A_424] : memref<3x!tpu.dma_semaphore, #tpu.memory_space<semaphore_mem>> -> memref<1x!tpu.dma_semaphore, #tpu.memory_space<semaphore_mem>>
    %dma_start3A_427 = tpu.memref_squeeze %dma_start3A_426 : memref<1x!tpu.dma_semaphore, #tpu.memory_space<semaphore_mem>> -> memref<!tpu.dma_semaphore, #tpu.memory_space<semaphore_mem>>
    %dma_start3A_428 = tpu.memref_slice %arg4[%add3A_423] : memref<33554432xf32, #tpu.memory_space<hbm>> -> memref<16384xf32, #tpu.memory_space<hbm>>
    tpu.enqueue_dma source(%arg7 : memref<16384xf32, #tpu.memory_space<vmem>>) target(%dma_start3A_428 : memref<16384xf32, #tpu.memory_space<hbm>>) target_semaphore(%dma_start3A_427 : memref<!tpu.dma_semaphore, #tpu.memory_space<semaphore_mem>>)
    %add3A_429 = arith.constant 229376 : i32
    %add3A_430 = arith.addi %mul3A_2, %add3A_429 : i32
    %dma_wait3A_431 = arith.constant 2 : i32
    %dma_wait3A_432 = tpu.memref_slice %arg4[%add3A_430] : memref<33554432xf32, #tpu.memory_space<hbm>> -> memref<16384xf32, #tpu.memory_space<hbm>>
    %dma_wait3A_433 = tpu.memref_slice %arg13[%dma_wait3A_431] : memref<3x!tpu.dma_semaphore, #tpu.memory_space<semaphore_mem>> -> memref<1x!tpu.dma_semaphore, #tpu.memory_space<semaphore_mem>>
    %dma_wait3A_434 = tpu.memref_squeeze %dma_wait3A_433 : memref<1x!tpu.dma_semaphore, #tpu.memory_space<semaphore_mem>> -> memref<!tpu.dma_semaphore, #tpu.memory_space<semaphore_mem>>
    %dma_wait3A_435 = tpu.memref_slice %arg4[%add3A_430] : memref<33554432xf32, #tpu.memory_space<hbm>> -> memref<16384xf32, #tpu.memory_space<hbm>>
    tpu.wait_dma2 semaphore(%dma_wait3A_434 : memref<!tpu.dma_semaphore, #tpu.memory_space<semaphore_mem>>) src(%arg7 : memref<16384xf32, #tpu.memory_space<vmem>>) dst(%dma_wait3A_435 : memref<16384xf32, #tpu.memory_space<hbm>>)
    %add3A_436 = arith.constant 278528 : i32
    %add3A_437 = arith.addi %mul3A_2, %add3A_436 : i32
    %dma_start3A_438 = arith.constant 2 : i32
    %dma_start3A_439 = tpu.memref_slice %arg2[%add3A_437] : memref<33554432xf32, #tpu.memory_space<hbm>> -> memref<16384xf32, #tpu.memory_space<hbm>>
    %dma_start3A_440 = tpu.memref_slice %arg11[%dma_start3A_438] : memref<3x!tpu.dma_semaphore, #tpu.memory_space<semaphore_mem>> -> memref<1x!tpu.dma_semaphore, #tpu.memory_space<semaphore_mem>>
    %dma_start3A_441 = tpu.memref_squeeze %dma_start3A_440 : memref<1x!tpu.dma_semaphore, #tpu.memory_space<semaphore_mem>> -> memref<!tpu.dma_semaphore, #tpu.memory_space<semaphore_mem>>
    %dma_start3A_442 = tpu.memref_slice %arg2[%add3A_437] : memref<33554432xf32, #tpu.memory_space<hbm>> -> memref<16384xf32, #tpu.memory_space<hbm>>
    tpu.enqueue_dma source(%dma_start3A_442 : memref<16384xf32, #tpu.memory_space<hbm>>) target(%arg7 : memref<16384xf32, #tpu.memory_space<vmem>>) target_semaphore(%dma_start3A_441 : memref<!tpu.dma_semaphore, #tpu.memory_space<semaphore_mem>>)
    %add3A_443 = arith.constant 245760 : i32
    %add3A_444 = arith.addi %mul3A_2, %add3A_443 : i32
    %dma_wait3A_445 = arith.constant 0 : i32
    %dma_wait3A_446 = tpu.memref_slice %arg2[%add3A_444] : memref<33554432xf32, #tpu.memory_space<hbm>> -> memref<16384xf32, #tpu.memory_space<hbm>>
    %dma_wait3A_447 = tpu.memref_slice %arg11[%dma_wait3A_445] : memref<3x!tpu.dma_semaphore, #tpu.memory_space<semaphore_mem>> -> memref<1x!tpu.dma_semaphore, #tpu.memory_space<semaphore_mem>>
    %dma_wait3A_448 = tpu.memref_squeeze %dma_wait3A_447 : memref<1x!tpu.dma_semaphore, #tpu.memory_space<semaphore_mem>> -> memref<!tpu.dma_semaphore, #tpu.memory_space<semaphore_mem>>
    %dma_wait3A_449 = tpu.memref_slice %arg2[%add3A_444] : memref<33554432xf32, #tpu.memory_space<hbm>> -> memref<16384xf32, #tpu.memory_space<hbm>>
    tpu.wait_dma2 semaphore(%dma_wait3A_448 : memref<!tpu.dma_semaphore, #tpu.memory_space<semaphore_mem>>) src(%dma_wait3A_449 : memref<16384xf32, #tpu.memory_space<hbm>>) dst(%arg5 : memref<16384xf32, #tpu.memory_space<vmem>>)
    %add3A_450 = arith.constant 245760 : i32
    %add3A_451 = arith.addi %mul3A_2, %add3A_450 : i32
    %dma_start3A_452 = arith.constant 0 : i32
    %dma_start3A_453 = tpu.memref_slice %arg4[%add3A_451] : memref<33554432xf32, #tpu.memory_space<hbm>> -> memref<16384xf32, #tpu.memory_space<hbm>>
    %dma_start3A_454 = tpu.memref_slice %arg13[%dma_start3A_452] : memref<3x!tpu.dma_semaphore, #tpu.memory_space<semaphore_mem>> -> memref<1x!tpu.dma_semaphore, #tpu.memory_space<semaphore_mem>>
    %dma_start3A_455 = tpu.memref_squeeze %dma_start3A_454 : memref<1x!tpu.dma_semaphore, #tpu.memory_space<semaphore_mem>> -> memref<!tpu.dma_semaphore, #tpu.memory_space<semaphore_mem>>
    %dma_start3A_456 = tpu.memref_slice %arg4[%add3A_451] : memref<33554432xf32, #tpu.memory_space<hbm>> -> memref<16384xf32, #tpu.memory_space<hbm>>
    tpu.enqueue_dma source(%arg5 : memref<16384xf32, #tpu.memory_space<vmem>>) target(%dma_start3A_456 : memref<16384xf32, #tpu.memory_space<hbm>>) target_semaphore(%dma_start3A_455 : memref<!tpu.dma_semaphore, #tpu.memory_space<semaphore_mem>>)
    %add3A_457 = arith.constant 245760 : i32
    %add3A_458 = arith.addi %mul3A_2, %add3A_457 : i32
    %dma_wait3A_459 = arith.constant 0 : i32
    %dma_wait3A_460 = tpu.memref_slice %arg4[%add3A_458] : memref<33554432xf32, #tpu.memory_space<hbm>> -> memref<16384xf32, #tpu.memory_space<hbm>>
    %dma_wait3A_461 = tpu.memref_slice %arg13[%dma_wait3A_459] : memref<3x!tpu.dma_semaphore, #tpu.memory_space<semaphore_mem>> -> memref<1x!tpu.dma_semaphore, #tpu.memory_space<semaphore_mem>>
    %dma_wait3A_462 = tpu.memref_squeeze %dma_wait3A_461 : memref<1x!tpu.dma_semaphore, #tpu.memory_space<semaphore_mem>> -> memref<!tpu.dma_semaphore, #tpu.memory_space<semaphore_mem>>
    %dma_wait3A_463 = tpu.memref_slice %arg4[%add3A_458] : memref<33554432xf32, #tpu.memory_space<hbm>> -> memref<16384xf32, #tpu.memory_space<hbm>>
    tpu.wait_dma2 semaphore(%dma_wait3A_462 : memref<!tpu.dma_semaphore, #tpu.memory_space<semaphore_mem>>) src(%arg5 : memref<16384xf32, #tpu.memory_space<vmem>>) dst(%dma_wait3A_463 : memref<16384xf32, #tpu.memory_space<hbm>>)
    %add3A_464 = arith.constant 294912 : i32
    %add3A_465 = arith.addi %mul3A_2, %add3A_464 : i32
    %dma_start3A_466 = arith.constant 0 : i32
    %dma_start3A_467 = tpu.memref_slice %arg2[%add3A_465] : memref<33554432xf32, #tpu.memory_space<hbm>> -> memref<16384xf32, #tpu.memory_space<hbm>>
    %dma_start3A_468 = tpu.memref_slice %arg11[%dma_start3A_466] : memref<3x!tpu.dma_semaphore, #tpu.memory_space<semaphore_mem>> -> memref<1x!tpu.dma_semaphore, #tpu.memory_space<semaphore_mem>>
    %dma_start3A_469 = tpu.memref_squeeze %dma_start3A_468 : memref<1x!tpu.dma_semaphore, #tpu.memory_space<semaphore_mem>> -> memref<!tpu.dma_semaphore, #tpu.memory_space<semaphore_mem>>
    %dma_start3A_470 = tpu.memref_slice %arg2[%add3A_465] : memref<33554432xf32, #tpu.memory_space<hbm>> -> memref<16384xf32, #tpu.memory_space<hbm>>
    tpu.enqueue_dma source(%dma_start3A_470 : memref<16384xf32, #tpu.memory_space<hbm>>) target(%arg5 : memref<16384xf32, #tpu.memory_space<vmem>>) target_semaphore(%dma_start3A_469 : memref<!tpu.dma_semaphore, #tpu.memory_space<semaphore_mem>>)
    %add3A_471 = arith.constant 262144 : i32
    %add3A_472 = arith.addi %mul3A_2, %add3A_471 : i32
    %dma_wait3A_473 = arith.constant 1 : i32
    %dma_wait3A_474 = tpu.memref_slice %arg2[%add3A_472] : memref<33554432xf32, #tpu.memory_space<hbm>> -> memref<16384xf32, #tpu.memory_space<hbm>>
    %dma_wait3A_475 = tpu.memref_slice %arg11[%dma_wait3A_473] : memref<3x!tpu.dma_semaphore, #tpu.memory_space<semaphore_mem>> -> memref<1x!tpu.dma_semaphore, #tpu.memory_space<semaphore_mem>>
    %dma_wait3A_476 = tpu.memref_squeeze %dma_wait3A_475 : memref<1x!tpu.dma_semaphore, #tpu.memory_space<semaphore_mem>> -> memref<!tpu.dma_semaphore, #tpu.memory_space<semaphore_mem>>
    %dma_wait3A_477 = tpu.memref_slice %arg2[%add3A_472] : memref<33554432xf32, #tpu.memory_space<hbm>> -> memref<16384xf32, #tpu.memory_space<hbm>>
    tpu.wait_dma2 semaphore(%dma_wait3A_476 : memref<!tpu.dma_semaphore, #tpu.memory_space<semaphore_mem>>) src(%dma_wait3A_477 : memref<16384xf32, #tpu.memory_space<hbm>>) dst(%arg6 : memref<16384xf32, #tpu.memory_space<vmem>>)
    %add3A_478 = arith.constant 262144 : i32
    %add3A_479 = arith.addi %mul3A_2, %add3A_478 : i32
    %dma_start3A_480 = arith.constant 1 : i32
    %dma_start3A_481 = tpu.memref_slice %arg4[%add3A_479] : memref<33554432xf32, #tpu.memory_space<hbm>> -> memref<16384xf32, #tpu.memory_space<hbm>>
    %dma_start3A_482 = tpu.memref_slice %arg13[%dma_start3A_480] : memref<3x!tpu.dma_semaphore, #tpu.memory_space<semaphore_mem>> -> memref<1x!tpu.dma_semaphore, #tpu.memory_space<semaphore_mem>>
    %dma_start3A_483 = tpu.memref_squeeze %dma_start3A_482 : memref<1x!tpu.dma_semaphore, #tpu.memory_space<semaphore_mem>> -> memref<!tpu.dma_semaphore, #tpu.memory_space<semaphore_mem>>
    %dma_start3A_484 = tpu.memref_slice %arg4[%add3A_479] : memref<33554432xf32, #tpu.memory_space<hbm>> -> memref<16384xf32, #tpu.memory_space<hbm>>
    tpu.enqueue_dma source(%arg6 : memref<16384xf32, #tpu.memory_space<vmem>>) target(%dma_start3A_484 : memref<16384xf32, #tpu.memory_space<hbm>>) target_semaphore(%dma_start3A_483 : memref<!tpu.dma_semaphore, #tpu.memory_space<semaphore_mem>>)
    %add3A_485 = arith.constant 262144 : i32
    %add3A_486 = arith.addi %mul3A_2, %add3A_485 : i32
    %dma_wait3A_487 = arith.constant 1 : i32
    %dma_wait3A_488 = tpu.memref_slice %arg4[%add3A_486] : memref<33554432xf32, #tpu.memory_space<hbm>> -> memref<16384xf32, #tpu.memory_space<hbm>>
    %dma_wait3A_489 = tpu.memref_slice %arg13[%dma_wait3A_487] : memref<3x!tpu.dma_semaphore, #tpu.memory_space<semaphore_mem>> -> memref<1x!tpu.dma_semaphore, #tpu.memory_space<semaphore_mem>>
    %dma_wait3A_490 = tpu.memref_squeeze %dma_wait3A_489 : memref<1x!tpu.dma_semaphore, #tpu.memory_space<semaphore_mem>> -> memref<!tpu.dma_semaphore, #tpu.memory_space<semaphore_mem>>
    %dma_wait3A_491 = tpu.memref_slice %arg4[%add3A_486] : memref<33554432xf32, #tpu.memory_space<hbm>> -> memref<16384xf32, #tpu.memory_space<hbm>>
    tpu.wait_dma2 semaphore(%dma_wait3A_490 : memref<!tpu.dma_semaphore, #tpu.memory_space<semaphore_mem>>) src(%arg6 : memref<16384xf32, #tpu.memory_space<vmem>>) dst(%dma_wait3A_491 : memref<16384xf32, #tpu.memory_space<hbm>>)
    %add3A_492 = arith.constant 311296 : i32
    %add3A_493 = arith.addi %mul3A_2, %add3A_492 : i32
    %dma_start3A_494 = arith.constant 1 : i32
    %dma_start3A_495 = tpu.memref_slice %arg2[%add3A_493] : memref<33554432xf32, #tpu.memory_space<hbm>> -> memref<16384xf32, #tpu.memory_space<hbm>>
    %dma_start3A_496 = tpu.memref_slice %arg11[%dma_start3A_494] : memref<3x!tpu.dma_semaphore, #tpu.memory_space<semaphore_mem>> -> memref<1x!tpu.dma_semaphore, #tpu.memory_space<semaphore_mem>>
    %dma_start3A_497 = tpu.memref_squeeze %dma_start3A_496 : memref<1x!tpu.dma_semaphore, #tpu.memory_space<semaphore_mem>> -> memref<!tpu.dma_semaphore, #tpu.memory_space<semaphore_mem>>
    %dma_start3A_498 = tpu.memref_slice %arg2[%add3A_493] : memref<33554432xf32, #tpu.memory_space<hbm>> -> memref<16384xf32, #tpu.memory_space<hbm>>
    tpu.enqueue_dma source(%dma_start3A_498 : memref<16384xf32, #tpu.memory_space<hbm>>) target(%arg6 : memref<16384xf32, #tpu.memory_space<vmem>>) target_semaphore(%dma_start3A_497 : memref<!tpu.dma_semaphore, #tpu.memory_space<semaphore_mem>>)
    %add3A_499 = arith.constant 278528 : i32
    %add3A_500 = arith.addi %mul3A_2, %add3A_499 : i32
    %dma_wait3A_501 = arith.constant 2 : i32
    %dma_wait3A_502 = tpu.memref_slice %arg2[%add3A_500] : memref<33554432xf32, #tpu.memory_space<hbm>> -> memref<16384xf32, #tpu.memory_space<hbm>>
    %dma_wait3A_503 = tpu.memref_slice %arg11[%dma_wait3A_501] : memref<3x!tpu.dma_semaphore, #tpu.memory_space<semaphore_mem>> -> memref<1x!tpu.dma_semaphore, #tpu.memory_space<semaphore_mem>>
    %dma_wait3A_504 = tpu.memref_squeeze %dma_wait3A_503 : memref<1x!tpu.dma_semaphore, #tpu.memory_space<semaphore_mem>> -> memref<!tpu.dma_semaphore, #tpu.memory_space<semaphore_mem>>
    %dma_wait3A_505 = tpu.memref_slice %arg2[%add3A_500] : memref<33554432xf32, #tpu.memory_space<hbm>> -> memref<16384xf32, #tpu.memory_space<hbm>>
    tpu.wait_dma2 semaphore(%dma_wait3A_504 : memref<!tpu.dma_semaphore, #tpu.memory_space<semaphore_mem>>) src(%dma_wait3A_505 : memref<16384xf32, #tpu.memory_space<hbm>>) dst(%arg7 : memref<16384xf32, #tpu.memory_space<vmem>>)
    %add3A_506 = arith.constant 278528 : i32
    %add3A_507 = arith.addi %mul3A_2, %add3A_506 : i32
    %dma_start3A_508 = arith.constant 2 : i32
    %dma_start3A_509 = tpu.memref_slice %arg4[%add3A_507] : memref<33554432xf32, #tpu.memory_space<hbm>> -> memref<16384xf32, #tpu.memory_space<hbm>>
    %dma_start3A_510 = tpu.memref_slice %arg13[%dma_start3A_508] : memref<3x!tpu.dma_semaphore, #tpu.memory_space<semaphore_mem>> -> memref<1x!tpu.dma_semaphore, #tpu.memory_space<semaphore_mem>>
    %dma_start3A_511 = tpu.memref_squeeze %dma_start3A_510 : memref<1x!tpu.dma_semaphore, #tpu.memory_space<semaphore_mem>> -> memref<!tpu.dma_semaphore, #tpu.memory_space<semaphore_mem>>
    %dma_start3A_512 = tpu.memref_slice %arg4[%add3A_507] : memref<33554432xf32, #tpu.memory_space<hbm>> -> memref<16384xf32, #tpu.memory_space<hbm>>
    tpu.enqueue_dma source(%arg7 : memref<16384xf32, #tpu.memory_space<vmem>>) target(%dma_start3A_512 : memref<16384xf32, #tpu.memory_space<hbm>>) target_semaphore(%dma_start3A_511 : memref<!tpu.dma_semaphore, #tpu.memory_space<semaphore_mem>>)
    %add3A_513 = arith.constant 278528 : i32
    %add3A_514 = arith.addi %mul3A_2, %add3A_513 : i32
    %dma_wait3A_515 = arith.constant 2 : i32
    %dma_wait3A_516 = tpu.memref_slice %arg4[%add3A_514] : memref<33554432xf32, #tpu.memory_space<hbm>> -> memref<16384xf32, #tpu.memory_space<hbm>>
    %dma_wait3A_517 = tpu.memref_slice %arg13[%dma_wait3A_515] : memref<3x!tpu.dma_semaphore, #tpu.memory_space<semaphore_mem>> -> memref<1x!tpu.dma_semaphore, #tpu.memory_space<semaphore_mem>>
    %dma_wait3A_518 = tpu.memref_squeeze %dma_wait3A_517 : memref<1x!tpu.dma_semaphore, #tpu.memory_space<semaphore_mem>> -> memref<!tpu.dma_semaphore, #tpu.memory_space<semaphore_mem>>
    %dma_wait3A_519 = tpu.memref_slice %arg4[%add3A_514] : memref<33554432xf32, #tpu.memory_space<hbm>> -> memref<16384xf32, #tpu.memory_space<hbm>>
    tpu.wait_dma2 semaphore(%dma_wait3A_518 : memref<!tpu.dma_semaphore, #tpu.memory_space<semaphore_mem>>) src(%arg7 : memref<16384xf32, #tpu.memory_space<vmem>>) dst(%dma_wait3A_519 : memref<16384xf32, #tpu.memory_space<hbm>>)
    %add3A_520 = arith.constant 327680 : i32
    %add3A_521 = arith.addi %mul3A_2, %add3A_520 : i32
    %dma_start3A_522 = arith.constant 2 : i32
    %dma_start3A_523 = tpu.memref_slice %arg2[%add3A_521] : memref<33554432xf32, #tpu.memory_space<hbm>> -> memref<16384xf32, #tpu.memory_space<hbm>>
    %dma_start3A_524 = tpu.memref_slice %arg11[%dma_start3A_522] : memref<3x!tpu.dma_semaphore, #tpu.memory_space<semaphore_mem>> -> memref<1x!tpu.dma_semaphore, #tpu.memory_space<semaphore_mem>>
    %dma_start3A_525 = tpu.memref_squeeze %dma_start3A_524 : memref<1x!tpu.dma_semaphore, #tpu.memory_space<semaphore_mem>> -> memref<!tpu.dma_semaphore, #tpu.memory_space<semaphore_mem>>
    %dma_start3A_526 = tpu.memref_slice %arg2[%add3A_521] : memref<33554432xf32, #tpu.memory_space<hbm>> -> memref<16384xf32, #tpu.memory_space<hbm>>
    tpu.enqueue_dma source(%dma_start3A_526 : memref<16384xf32, #tpu.memory_space<hbm>>) target(%arg7 : memref<16384xf32, #tpu.memory_space<vmem>>) target_semaphore(%dma_start3A_525 : memref<!tpu.dma_semaphore, #tpu.memory_space<semaphore_mem>>)
    %add3A_527 = arith.constant 294912 : i32
    %add3A_528 = arith.addi %mul3A_2, %add3A_527 : i32
    %dma_wait3A_529 = arith.constant 0 : i32
    %dma_wait3A_530 = tpu.memref_slice %arg2[%add3A_528] : memref<33554432xf32, #tpu.memory_space<hbm>> -> memref<16384xf32, #tpu.memory_space<hbm>>
    %dma_wait3A_531 = tpu.memref_slice %arg11[%dma_wait3A_529] : memref<3x!tpu.dma_semaphore, #tpu.memory_space<semaphore_mem>> -> memref<1x!tpu.dma_semaphore, #tpu.memory_space<semaphore_mem>>
    %dma_wait3A_532 = tpu.memref_squeeze %dma_wait3A_531 : memref<1x!tpu.dma_semaphore, #tpu.memory_space<semaphore_mem>> -> memref<!tpu.dma_semaphore, #tpu.memory_space<semaphore_mem>>
    %dma_wait3A_533 = tpu.memref_slice %arg2[%add3A_528] : memref<33554432xf32, #tpu.memory_space<hbm>> -> memref<16384xf32, #tpu.memory_space<hbm>>
    tpu.wait_dma2 semaphore(%dma_wait3A_532 : memref<!tpu.dma_semaphore, #tpu.memory_space<semaphore_mem>>) src(%dma_wait3A_533 : memref<16384xf32, #tpu.memory_space<hbm>>) dst(%arg5 : memref<16384xf32, #tpu.memory_space<vmem>>)
    %add3A_534 = arith.constant 294912 : i32
    %add3A_535 = arith.addi %mul3A_2, %add3A_534 : i32
    %dma_start3A_536 = arith.constant 0 : i32
    %dma_start3A_537 = tpu.memref_slice %arg4[%add3A_535] : memref<33554432xf32, #tpu.memory_space<hbm>> -> memref<16384xf32, #tpu.memory_space<hbm>>
    %dma_start3A_538 = tpu.memref_slice %arg13[%dma_start3A_536] : memref<3x!tpu.dma_semaphore, #tpu.memory_space<semaphore_mem>> -> memref<1x!tpu.dma_semaphore, #tpu.memory_space<semaphore_mem>>
    %dma_start3A_539 = tpu.memref_squeeze %dma_start3A_538 : memref<1x!tpu.dma_semaphore, #tpu.memory_space<semaphore_mem>> -> memref<!tpu.dma_semaphore, #tpu.memory_space<semaphore_mem>>
    %dma_start3A_540 = tpu.memref_slice %arg4[%add3A_535] : memref<33554432xf32, #tpu.memory_space<hbm>> -> memref<16384xf32, #tpu.memory_space<hbm>>
    tpu.enqueue_dma source(%arg5 : memref<16384xf32, #tpu.memory_space<vmem>>) target(%dma_start3A_540 : memref<16384xf32, #tpu.memory_space<hbm>>) target_semaphore(%dma_start3A_539 : memref<!tpu.dma_semaphore, #tpu.memory_space<semaphore_mem>>)
    %add3A_541 = arith.constant 294912 : i32
    %add3A_542 = arith.addi %mul3A_2, %add3A_541 : i32
    %dma_wait3A_543 = arith.constant 0 : i32
    %dma_wait3A_544 = tpu.memref_slice %arg4[%add3A_542] : memref<33554432xf32, #tpu.memory_space<hbm>> -> memref<16384xf32, #tpu.memory_space<hbm>>
    %dma_wait3A_545 = tpu.memref_slice %arg13[%dma_wait3A_543] : memref<3x!tpu.dma_semaphore, #tpu.memory_space<semaphore_mem>> -> memref<1x!tpu.dma_semaphore, #tpu.memory_space<semaphore_mem>>
    %dma_wait3A_546 = tpu.memref_squeeze %dma_wait3A_545 : memref<1x!tpu.dma_semaphore, #tpu.memory_space<semaphore_mem>> -> memref<!tpu.dma_semaphore, #tpu.memory_space<semaphore_mem>>
    %dma_wait3A_547 = tpu.memref_slice %arg4[%add3A_542] : memref<33554432xf32, #tpu.memory_space<hbm>> -> memref<16384xf32, #tpu.memory_space<hbm>>
    tpu.wait_dma2 semaphore(%dma_wait3A_546 : memref<!tpu.dma_semaphore, #tpu.memory_space<semaphore_mem>>) src(%arg5 : memref<16384xf32, #tpu.memory_space<vmem>>) dst(%dma_wait3A_547 : memref<16384xf32, #tpu.memory_space<hbm>>)
    %add3A_548 = arith.constant 344064 : i32
    %add3A_549 = arith.addi %mul3A_2, %add3A_548 : i32
    %dma_start3A_550 = arith.constant 0 : i32
    %dma_start3A_551 = tpu.memref_slice %arg2[%add3A_549] : memref<33554432xf32, #tpu.memory_space<hbm>> -> memref<16384xf32, #tpu.memory_space<hbm>>
    %dma_start3A_552 = tpu.memref_slice %arg11[%dma_start3A_550] : memref<3x!tpu.dma_semaphore, #tpu.memory_space<semaphore_mem>> -> memref<1x!tpu.dma_semaphore, #tpu.memory_space<semaphore_mem>>
    %dma_start3A_553 = tpu.memref_squeeze %dma_start3A_552 : memref<1x!tpu.dma_semaphore, #tpu.memory_space<semaphore_mem>> -> memref<!tpu.dma_semaphore, #tpu.memory_space<semaphore_mem>>
    %dma_start3A_554 = tpu.memref_slice %arg2[%add3A_549] : memref<33554432xf32, #tpu.memory_space<hbm>> -> memref<16384xf32, #tpu.memory_space<hbm>>
    tpu.enqueue_dma source(%dma_start3A_554 : memref<16384xf32, #tpu.memory_space<hbm>>) target(%arg5 : memref<16384xf32, #tpu.memory_space<vmem>>) target_semaphore(%dma_start3A_553 : memref<!tpu.dma_semaphore, #tpu.memory_space<semaphore_mem>>)
    %add3A_555 = arith.constant 311296 : i32
    %add3A_556 = arith.addi %mul3A_2, %add3A_555 : i32
    %dma_wait3A_557 = arith.constant 1 : i32
    %dma_wait3A_558 = tpu.memref_slice %arg2[%add3A_556] : memref<33554432xf32, #tpu.memory_space<hbm>> -> memref<16384xf32, #tpu.memory_space<hbm>>
    %dma_wait3A_559 = tpu.memref_slice %arg11[%dma_wait3A_557] : memref<3x!tpu.dma_semaphore, #tpu.memory_space<semaphore_mem>> -> memref<1x!tpu.dma_semaphore, #tpu.memory_space<semaphore_mem>>
    %dma_wait3A_560 = tpu.memref_squeeze %dma_wait3A_559 : memref<1x!tpu.dma_semaphore, #tpu.memory_space<semaphore_mem>> -> memref<!tpu.dma_semaphore, #tpu.memory_space<semaphore_mem>>
    %dma_wait3A_561 = tpu.memref_slice %arg2[%add3A_556] : memref<33554432xf32, #tpu.memory_space<hbm>> -> memref<16384xf32, #tpu.memory_space<hbm>>
    tpu.wait_dma2 semaphore(%dma_wait3A_560 : memref<!tpu.dma_semaphore, #tpu.memory_space<semaphore_mem>>) src(%dma_wait3A_561 : memref<16384xf32, #tpu.memory_space<hbm>>) dst(%arg6 : memref<16384xf32, #tpu.memory_space<vmem>>)
    %add3A_562 = arith.constant 311296 : i32
    %add3A_563 = arith.addi %mul3A_2, %add3A_562 : i32
    %dma_start3A_564 = arith.constant 1 : i32
    %dma_start3A_565 = tpu.memref_slice %arg4[%add3A_563] : memref<33554432xf32, #tpu.memory_space<hbm>> -> memref<16384xf32, #tpu.memory_space<hbm>>
    %dma_start3A_566 = tpu.memref_slice %arg13[%dma_start3A_564] : memref<3x!tpu.dma_semaphore, #tpu.memory_space<semaphore_mem>> -> memref<1x!tpu.dma_semaphore, #tpu.memory_space<semaphore_mem>>
    %dma_start3A_567 = tpu.memref_squeeze %dma_start3A_566 : memref<1x!tpu.dma_semaphore, #tpu.memory_space<semaphore_mem>> -> memref<!tpu.dma_semaphore, #tpu.memory_space<semaphore_mem>>
    %dma_start3A_568 = tpu.memref_slice %arg4[%add3A_563] : memref<33554432xf32, #tpu.memory_space<hbm>> -> memref<16384xf32, #tpu.memory_space<hbm>>
    tpu.enqueue_dma source(%arg6 : memref<16384xf32, #tpu.memory_space<vmem>>) target(%dma_start3A_568 : memref<16384xf32, #tpu.memory_space<hbm>>) target_semaphore(%dma_start3A_567 : memref<!tpu.dma_semaphore, #tpu.memory_space<semaphore_mem>>)
    %add3A_569 = arith.constant 311296 : i32
    %add3A_570 = arith.addi %mul3A_2, %add3A_569 : i32
    %dma_wait3A_571 = arith.constant 1 : i32
    %dma_wait3A_572 = tpu.memref_slice %arg4[%add3A_570] : memref<33554432xf32, #tpu.memory_space<hbm>> -> memref<16384xf32, #tpu.memory_space<hbm>>
    %dma_wait3A_573 = tpu.memref_slice %arg13[%dma_wait3A_571] : memref<3x!tpu.dma_semaphore, #tpu.memory_space<semaphore_mem>> -> memref<1x!tpu.dma_semaphore, #tpu.memory_space<semaphore_mem>>
    %dma_wait3A_574 = tpu.memref_squeeze %dma_wait3A_573 : memref<1x!tpu.dma_semaphore, #tpu.memory_space<semaphore_mem>> -> memref<!tpu.dma_semaphore, #tpu.memory_space<semaphore_mem>>
    %dma_wait3A_575 = tpu.memref_slice %arg4[%add3A_570] : memref<33554432xf32, #tpu.memory_space<hbm>> -> memref<16384xf32, #tpu.memory_space<hbm>>
    tpu.wait_dma2 semaphore(%dma_wait3A_574 : memref<!tpu.dma_semaphore, #tpu.memory_space<semaphore_mem>>) src(%arg6 : memref<16384xf32, #tpu.memory_space<vmem>>) dst(%dma_wait3A_575 : memref<16384xf32, #tpu.memory_space<hbm>>)
    %add3A_576 = arith.constant 360448 : i32
    %add3A_577 = arith.addi %mul3A_2, %add3A_576 : i32
    %dma_start3A_578 = arith.constant 1 : i32
    %dma_start3A_579 = tpu.memref_slice %arg2[%add3A_577] : memref<33554432xf32, #tpu.memory_space<hbm>> -> memref<16384xf32, #tpu.memory_space<hbm>>
    %dma_start3A_580 = tpu.memref_slice %arg11[%dma_start3A_578] : memref<3x!tpu.dma_semaphore, #tpu.memory_space<semaphore_mem>> -> memref<1x!tpu.dma_semaphore, #tpu.memory_space<semaphore_mem>>
    %dma_start3A_581 = tpu.memref_squeeze %dma_start3A_580 : memref<1x!tpu.dma_semaphore, #tpu.memory_space<semaphore_mem>> -> memref<!tpu.dma_semaphore, #tpu.memory_space<semaphore_mem>>
    %dma_start3A_582 = tpu.memref_slice %arg2[%add3A_577] : memref<33554432xf32, #tpu.memory_space<hbm>> -> memref<16384xf32, #tpu.memory_space<hbm>>
    tpu.enqueue_dma source(%dma_start3A_582 : memref<16384xf32, #tpu.memory_space<hbm>>) target(%arg6 : memref<16384xf32, #tpu.memory_space<vmem>>) target_semaphore(%dma_start3A_581 : memref<!tpu.dma_semaphore, #tpu.memory_space<semaphore_mem>>)
    %add3A_583 = arith.constant 327680 : i32
    %add3A_584 = arith.addi %mul3A_2, %add3A_583 : i32
    %dma_wait3A_585 = arith.constant 2 : i32
    %dma_wait3A_586 = tpu.memref_slice %arg2[%add3A_584] : memref<33554432xf32, #tpu.memory_space<hbm>> -> memref<16384xf32, #tpu.memory_space<hbm>>
    %dma_wait3A_587 = tpu.memref_slice %arg11[%dma_wait3A_585] : memref<3x!tpu.dma_semaphore, #tpu.memory_space<semaphore_mem>> -> memref<1x!tpu.dma_semaphore, #tpu.memory_space<semaphore_mem>>
    %dma_wait3A_588 = tpu.memref_squeeze %dma_wait3A_587 : memref<1x!tpu.dma_semaphore, #tpu.memory_space<semaphore_mem>> -> memref<!tpu.dma_semaphore, #tpu.memory_space<semaphore_mem>>
    %dma_wait3A_589 = tpu.memref_slice %arg2[%add3A_584] : memref<33554432xf32, #tpu.memory_space<hbm>> -> memref<16384xf32, #tpu.memory_space<hbm>>
    tpu.wait_dma2 semaphore(%dma_wait3A_588 : memref<!tpu.dma_semaphore, #tpu.memory_space<semaphore_mem>>) src(%dma_wait3A_589 : memref<16384xf32, #tpu.memory_space<hbm>>) dst(%arg7 : memref<16384xf32, #tpu.memory_space<vmem>>)
    %add3A_590 = arith.constant 327680 : i32
    %add3A_591 = arith.addi %mul3A_2, %add3A_590 : i32
    %dma_start3A_592 = arith.constant 2 : i32
    %dma_start3A_593 = tpu.memref_slice %arg4[%add3A_591] : memref<33554432xf32, #tpu.memory_space<hbm>> -> memref<16384xf32, #tpu.memory_space<hbm>>
    %dma_start3A_594 = tpu.memref_slice %arg13[%dma_start3A_592] : memref<3x!tpu.dma_semaphore, #tpu.memory_space<semaphore_mem>> -> memref<1x!tpu.dma_semaphore, #tpu.memory_space<semaphore_mem>>
    %dma_start3A_595 = tpu.memref_squeeze %dma_start3A_594 : memref<1x!tpu.dma_semaphore, #tpu.memory_space<semaphore_mem>> -> memref<!tpu.dma_semaphore, #tpu.memory_space<semaphore_mem>>
    %dma_start3A_596 = tpu.memref_slice %arg4[%add3A_591] : memref<33554432xf32, #tpu.memory_space<hbm>> -> memref<16384xf32, #tpu.memory_space<hbm>>
    tpu.enqueue_dma source(%arg7 : memref<16384xf32, #tpu.memory_space<vmem>>) target(%dma_start3A_596 : memref<16384xf32, #tpu.memory_space<hbm>>) target_semaphore(%dma_start3A_595 : memref<!tpu.dma_semaphore, #tpu.memory_space<semaphore_mem>>)
    %add3A_597 = arith.constant 327680 : i32
    %add3A_598 = arith.addi %mul3A_2, %add3A_597 : i32
    %dma_wait3A_599 = arith.constant 2 : i32
    %dma_wait3A_600 = tpu.memref_slice %arg4[%add3A_598] : memref<33554432xf32, #tpu.memory_space<hbm>> -> memref<16384xf32, #tpu.memory_space<hbm>>
    %dma_wait3A_601 = tpu.memref_slice %arg13[%dma_wait3A_599] : memref<3x!tpu.dma_semaphore, #tpu.memory_space<semaphore_mem>> -> memref<1x!tpu.dma_semaphore, #tpu.memory_space<semaphore_mem>>
    %dma_wait3A_602 = tpu.memref_squeeze %dma_wait3A_601 : memref<1x!tpu.dma_semaphore, #tpu.memory_space<semaphore_mem>> -> memref<!tpu.dma_semaphore, #tpu.memory_space<semaphore_mem>>
    %dma_wait3A_603 = tpu.memref_slice %arg4[%add3A_598] : memref<33554432xf32, #tpu.memory_space<hbm>> -> memref<16384xf32, #tpu.memory_space<hbm>>
    tpu.wait_dma2 semaphore(%dma_wait3A_602 : memref<!tpu.dma_semaphore, #tpu.memory_space<semaphore_mem>>) src(%arg7 : memref<16384xf32, #tpu.memory_space<vmem>>) dst(%dma_wait3A_603 : memref<16384xf32, #tpu.memory_space<hbm>>)
    %add3A_604 = arith.constant 376832 : i32
    %add3A_605 = arith.addi %mul3A_2, %add3A_604 : i32
    %dma_start3A_606 = arith.constant 2 : i32
    %dma_start3A_607 = tpu.memref_slice %arg2[%add3A_605] : memref<33554432xf32, #tpu.memory_space<hbm>> -> memref<16384xf32, #tpu.memory_space<hbm>>
    %dma_start3A_608 = tpu.memref_slice %arg11[%dma_start3A_606] : memref<3x!tpu.dma_semaphore, #tpu.memory_space<semaphore_mem>> -> memref<1x!tpu.dma_semaphore, #tpu.memory_space<semaphore_mem>>
    %dma_start3A_609 = tpu.memref_squeeze %dma_start3A_608 : memref<1x!tpu.dma_semaphore, #tpu.memory_space<semaphore_mem>> -> memref<!tpu.dma_semaphore, #tpu.memory_space<semaphore_mem>>
    %dma_start3A_610 = tpu.memref_slice %arg2[%add3A_605] : memref<33554432xf32, #tpu.memory_space<hbm>> -> memref<16384xf32, #tpu.memory_space<hbm>>
    tpu.enqueue_dma source(%dma_start3A_610 : memref<16384xf32, #tpu.memory_space<hbm>>) target(%arg7 : memref<16384xf32, #tpu.memory_space<vmem>>) target_semaphore(%dma_start3A_609 : memref<!tpu.dma_semaphore, #tpu.memory_space<semaphore_mem>>)
    %add3A_611 = arith.constant 344064 : i32
    %add3A_612 = arith.addi %mul3A_2, %add3A_611 : i32
    %dma_wait3A_613 = arith.constant 0 : i32
    %dma_wait3A_614 = tpu.memref_slice %arg2[%add3A_612] : memref<33554432xf32, #tpu.memory_space<hbm>> -> memref<16384xf32, #tpu.memory_space<hbm>>
    %dma_wait3A_615 = tpu.memref_slice %arg11[%dma_wait3A_613] : memref<3x!tpu.dma_semaphore, #tpu.memory_space<semaphore_mem>> -> memref<1x!tpu.dma_semaphore, #tpu.memory_space<semaphore_mem>>
    %dma_wait3A_616 = tpu.memref_squeeze %dma_wait3A_615 : memref<1x!tpu.dma_semaphore, #tpu.memory_space<semaphore_mem>> -> memref<!tpu.dma_semaphore, #tpu.memory_space<semaphore_mem>>
    %dma_wait3A_617 = tpu.memref_slice %arg2[%add3A_612] : memref<33554432xf32, #tpu.memory_space<hbm>> -> memref<16384xf32, #tpu.memory_space<hbm>>
    tpu.wait_dma2 semaphore(%dma_wait3A_616 : memref<!tpu.dma_semaphore, #tpu.memory_space<semaphore_mem>>) src(%dma_wait3A_617 : memref<16384xf32, #tpu.memory_space<hbm>>) dst(%arg5 : memref<16384xf32, #tpu.memory_space<vmem>>)
    %add3A_618 = arith.constant 344064 : i32
    %add3A_619 = arith.addi %mul3A_2, %add3A_618 : i32
    %dma_start3A_620 = arith.constant 0 : i32
    %dma_start3A_621 = tpu.memref_slice %arg4[%add3A_619] : memref<33554432xf32, #tpu.memory_space<hbm>> -> memref<16384xf32, #tpu.memory_space<hbm>>
    %dma_start3A_622 = tpu.memref_slice %arg13[%dma_start3A_620] : memref<3x!tpu.dma_semaphore, #tpu.memory_space<semaphore_mem>> -> memref<1x!tpu.dma_semaphore, #tpu.memory_space<semaphore_mem>>
    %dma_start3A_623 = tpu.memref_squeeze %dma_start3A_622 : memref<1x!tpu.dma_semaphore, #tpu.memory_space<semaphore_mem>> -> memref<!tpu.dma_semaphore, #tpu.memory_space<semaphore_mem>>
    %dma_start3A_624 = tpu.memref_slice %arg4[%add3A_619] : memref<33554432xf32, #tpu.memory_space<hbm>> -> memref<16384xf32, #tpu.memory_space<hbm>>
    tpu.enqueue_dma source(%arg5 : memref<16384xf32, #tpu.memory_space<vmem>>) target(%dma_start3A_624 : memref<16384xf32, #tpu.memory_space<hbm>>) target_semaphore(%dma_start3A_623 : memref<!tpu.dma_semaphore, #tpu.memory_space<semaphore_mem>>)
    %add3A_625 = arith.constant 344064 : i32
    %add3A_626 = arith.addi %mul3A_2, %add3A_625 : i32
    %dma_wait3A_627 = arith.constant 0 : i32
    %dma_wait3A_628 = tpu.memref_slice %arg4[%add3A_626] : memref<33554432xf32, #tpu.memory_space<hbm>> -> memref<16384xf32, #tpu.memory_space<hbm>>
    %dma_wait3A_629 = tpu.memref_slice %arg13[%dma_wait3A_627] : memref<3x!tpu.dma_semaphore, #tpu.memory_space<semaphore_mem>> -> memref<1x!tpu.dma_semaphore, #tpu.memory_space<semaphore_mem>>
    %dma_wait3A_630 = tpu.memref_squeeze %dma_wait3A_629 : memref<1x!tpu.dma_semaphore, #tpu.memory_space<semaphore_mem>> -> memref<!tpu.dma_semaphore, #tpu.memory_space<semaphore_mem>>
    %dma_wait3A_631 = tpu.memref_slice %arg4[%add3A_626] : memref<33554432xf32, #tpu.memory_space<hbm>> -> memref<16384xf32, #tpu.memory_space<hbm>>
    tpu.wait_dma2 semaphore(%dma_wait3A_630 : memref<!tpu.dma_semaphore, #tpu.memory_space<semaphore_mem>>) src(%arg5 : memref<16384xf32, #tpu.memory_space<vmem>>) dst(%dma_wait3A_631 : memref<16384xf32, #tpu.memory_space<hbm>>)
    %add3A_632 = arith.constant 393216 : i32
    %add3A_633 = arith.addi %mul3A_2, %add3A_632 : i32
    %dma_start3A_634 = arith.constant 0 : i32
    %dma_start3A_635 = tpu.memref_slice %arg2[%add3A_633] : memref<33554432xf32, #tpu.memory_space<hbm>> -> memref<16384xf32, #tpu.memory_space<hbm>>
    %dma_start3A_636 = tpu.memref_slice %arg11[%dma_start3A_634] : memref<3x!tpu.dma_semaphore, #tpu.memory_space<semaphore_mem>> -> memref<1x!tpu.dma_semaphore, #tpu.memory_space<semaphore_mem>>
    %dma_start3A_637 = tpu.memref_squeeze %dma_start3A_636 : memref<1x!tpu.dma_semaphore, #tpu.memory_space<semaphore_mem>> -> memref<!tpu.dma_semaphore, #tpu.memory_space<semaphore_mem>>
    %dma_start3A_638 = tpu.memref_slice %arg2[%add3A_633] : memref<33554432xf32, #tpu.memory_space<hbm>> -> memref<16384xf32, #tpu.memory_space<hbm>>
    tpu.enqueue_dma source(%dma_start3A_638 : memref<16384xf32, #tpu.memory_space<hbm>>) target(%arg5 : memref<16384xf32, #tpu.memory_space<vmem>>) target_semaphore(%dma_start3A_637 : memref<!tpu.dma_semaphore, #tpu.memory_space<semaphore_mem>>)
    %add3A_639 = arith.constant 360448 : i32
    %add3A_640 = arith.addi %mul3A_2, %add3A_639 : i32
    %dma_wait3A_641 = arith.constant 1 : i32
    %dma_wait3A_642 = tpu.memref_slice %arg2[%add3A_640] : memref<33554432xf32, #tpu.memory_space<hbm>> -> memref<16384xf32, #tpu.memory_space<hbm>>
    %dma_wait3A_643 = tpu.memref_slice %arg11[%dma_wait3A_641] : memref<3x!tpu.dma_semaphore, #tpu.memory_space<semaphore_mem>> -> memref<1x!tpu.dma_semaphore, #tpu.memory_space<semaphore_mem>>
    %dma_wait3A_644 = tpu.memref_squeeze %dma_wait3A_643 : memref<1x!tpu.dma_semaphore, #tpu.memory_space<semaphore_mem>> -> memref<!tpu.dma_semaphore, #tpu.memory_space<semaphore_mem>>
    %dma_wait3A_645 = tpu.memref_slice %arg2[%add3A_640] : memref<33554432xf32, #tpu.memory_space<hbm>> -> memref<16384xf32, #tpu.memory_space<hbm>>
    tpu.wait_dma2 semaphore(%dma_wait3A_644 : memref<!tpu.dma_semaphore, #tpu.memory_space<semaphore_mem>>) src(%dma_wait3A_645 : memref<16384xf32, #tpu.memory_space<hbm>>) dst(%arg6 : memref<16384xf32, #tpu.memory_space<vmem>>)
    %add3A_646 = arith.constant 360448 : i32
    %add3A_647 = arith.addi %mul3A_2, %add3A_646 : i32
    %dma_start3A_648 = arith.constant 1 : i32
    %dma_start3A_649 = tpu.memref_slice %arg4[%add3A_647] : memref<33554432xf32, #tpu.memory_space<hbm>> -> memref<16384xf32, #tpu.memory_space<hbm>>
    %dma_start3A_650 = tpu.memref_slice %arg13[%dma_start3A_648] : memref<3x!tpu.dma_semaphore, #tpu.memory_space<semaphore_mem>> -> memref<1x!tpu.dma_semaphore, #tpu.memory_space<semaphore_mem>>
    %dma_start3A_651 = tpu.memref_squeeze %dma_start3A_650 : memref<1x!tpu.dma_semaphore, #tpu.memory_space<semaphore_mem>> -> memref<!tpu.dma_semaphore, #tpu.memory_space<semaphore_mem>>
    %dma_start3A_652 = tpu.memref_slice %arg4[%add3A_647] : memref<33554432xf32, #tpu.memory_space<hbm>> -> memref<16384xf32, #tpu.memory_space<hbm>>
    tpu.enqueue_dma source(%arg6 : memref<16384xf32, #tpu.memory_space<vmem>>) target(%dma_start3A_652 : memref<16384xf32, #tpu.memory_space<hbm>>) target_semaphore(%dma_start3A_651 : memref<!tpu.dma_semaphore, #tpu.memory_space<semaphore_mem>>)
    %add3A_653 = arith.constant 360448 : i32
    %add3A_654 = arith.addi %mul3A_2, %add3A_653 : i32
    %dma_wait3A_655 = arith.constant 1 : i32
    %dma_wait3A_656 = tpu.memref_slice %arg4[%add3A_654] : memref<33554432xf32, #tpu.memory_space<hbm>> -> memref<16384xf32, #tpu.memory_space<hbm>>
    %dma_wait3A_657 = tpu.memref_slice %arg13[%dma_wait3A_655] : memref<3x!tpu.dma_semaphore, #tpu.memory_space<semaphore_mem>> -> memref<1x!tpu.dma_semaphore, #tpu.memory_space<semaphore_mem>>
    %dma_wait3A_658 = tpu.memref_squeeze %dma_wait3A_657 : memref<1x!tpu.dma_semaphore, #tpu.memory_space<semaphore_mem>> -> memref<!tpu.dma_semaphore, #tpu.memory_space<semaphore_mem>>
    %dma_wait3A_659 = tpu.memref_slice %arg4[%add3A_654] : memref<33554432xf32, #tpu.memory_space<hbm>> -> memref<16384xf32, #tpu.memory_space<hbm>>
    tpu.wait_dma2 semaphore(%dma_wait3A_658 : memref<!tpu.dma_semaphore, #tpu.memory_space<semaphore_mem>>) src(%arg6 : memref<16384xf32, #tpu.memory_space<vmem>>) dst(%dma_wait3A_659 : memref<16384xf32, #tpu.memory_space<hbm>>)
    %add3A_660 = arith.constant 409600 : i32
    %add3A_661 = arith.addi %mul3A_2, %add3A_660 : i32
    %dma_start3A_662 = arith.constant 1 : i32
    %dma_start3A_663 = tpu.memref_slice %arg2[%add3A_661] : memref<33554432xf32, #tpu.memory_space<hbm>> -> memref<16384xf32, #tpu.memory_space<hbm>>
    %dma_start3A_664 = tpu.memref_slice %arg11[%dma_start3A_662] : memref<3x!tpu.dma_semaphore, #tpu.memory_space<semaphore_mem>> -> memref<1x!tpu.dma_semaphore, #tpu.memory_space<semaphore_mem>>
    %dma_start3A_665 = tpu.memref_squeeze %dma_start3A_664 : memref<1x!tpu.dma_semaphore, #tpu.memory_space<semaphore_mem>> -> memref<!tpu.dma_semaphore, #tpu.memory_space<semaphore_mem>>
    %dma_start3A_666 = tpu.memref_slice %arg2[%add3A_661] : memref<33554432xf32, #tpu.memory_space<hbm>> -> memref<16384xf32, #tpu.memory_space<hbm>>
    tpu.enqueue_dma source(%dma_start3A_666 : memref<16384xf32, #tpu.memory_space<hbm>>) target(%arg6 : memref<16384xf32, #tpu.memory_space<vmem>>) target_semaphore(%dma_start3A_665 : memref<!tpu.dma_semaphore, #tpu.memory_space<semaphore_mem>>)
    %add3A_667 = arith.constant 376832 : i32
    %add3A_668 = arith.addi %mul3A_2, %add3A_667 : i32
    %dma_wait3A_669 = arith.constant 2 : i32
    %dma_wait3A_670 = tpu.memref_slice %arg2[%add3A_668] : memref<33554432xf32, #tpu.memory_space<hbm>> -> memref<16384xf32, #tpu.memory_space<hbm>>
    %dma_wait3A_671 = tpu.memref_slice %arg11[%dma_wait3A_669] : memref<3x!tpu.dma_semaphore, #tpu.memory_space<semaphore_mem>> -> memref<1x!tpu.dma_semaphore, #tpu.memory_space<semaphore_mem>>
    %dma_wait3A_672 = tpu.memref_squeeze %dma_wait3A_671 : memref<1x!tpu.dma_semaphore, #tpu.memory_space<semaphore_mem>> -> memref<!tpu.dma_semaphore, #tpu.memory_space<semaphore_mem>>
    %dma_wait3A_673 = tpu.memref_slice %arg2[%add3A_668] : memref<33554432xf32, #tpu.memory_space<hbm>> -> memref<16384xf32, #tpu.memory_space<hbm>>
    tpu.wait_dma2 semaphore(%dma_wait3A_672 : memref<!tpu.dma_semaphore, #tpu.memory_space<semaphore_mem>>) src(%dma_wait3A_673 : memref<16384xf32, #tpu.memory_space<hbm>>) dst(%arg7 : memref<16384xf32, #tpu.memory_space<vmem>>)
    %add3A_674 = arith.constant 376832 : i32
    %add3A_675 = arith.addi %mul3A_2, %add3A_674 : i32
    %dma_start3A_676 = arith.constant 2 : i32
    %dma_start3A_677 = tpu.memref_slice %arg4[%add3A_675] : memref<33554432xf32, #tpu.memory_space<hbm>> -> memref<16384xf32, #tpu.memory_space<hbm>>
    %dma_start3A_678 = tpu.memref_slice %arg13[%dma_start3A_676] : memref<3x!tpu.dma_semaphore, #tpu.memory_space<semaphore_mem>> -> memref<1x!tpu.dma_semaphore, #tpu.memory_space<semaphore_mem>>
    %dma_start3A_679 = tpu.memref_squeeze %dma_start3A_678 : memref<1x!tpu.dma_semaphore, #tpu.memory_space<semaphore_mem>> -> memref<!tpu.dma_semaphore, #tpu.memory_space<semaphore_mem>>
    %dma_start3A_680 = tpu.memref_slice %arg4[%add3A_675] : memref<33554432xf32, #tpu.memory_space<hbm>> -> memref<16384xf32, #tpu.memory_space<hbm>>
    tpu.enqueue_dma source(%arg7 : memref<16384xf32, #tpu.memory_space<vmem>>) target(%dma_start3A_680 : memref<16384xf32, #tpu.memory_space<hbm>>) target_semaphore(%dma_start3A_679 : memref<!tpu.dma_semaphore, #tpu.memory_space<semaphore_mem>>)
    %add3A_681 = arith.constant 376832 : i32
    %add3A_682 = arith.addi %mul3A_2, %add3A_681 : i32
    %dma_wait3A_683 = arith.constant 2 : i32
    %dma_wait3A_684 = tpu.memref_slice %arg4[%add3A_682] : memref<33554432xf32, #tpu.memory_space<hbm>> -> memref<16384xf32, #tpu.memory_space<hbm>>
    %dma_wait3A_685 = tpu.memref_slice %arg13[%dma_wait3A_683] : memref<3x!tpu.dma_semaphore, #tpu.memory_space<semaphore_mem>> -> memref<1x!tpu.dma_semaphore, #tpu.memory_space<semaphore_mem>>
    %dma_wait3A_686 = tpu.memref_squeeze %dma_wait3A_685 : memref<1x!tpu.dma_semaphore, #tpu.memory_space<semaphore_mem>> -> memref<!tpu.dma_semaphore, #tpu.memory_space<semaphore_mem>>
    %dma_wait3A_687 = tpu.memref_slice %arg4[%add3A_682] : memref<33554432xf32, #tpu.memory_space<hbm>> -> memref<16384xf32, #tpu.memory_space<hbm>>
    tpu.wait_dma2 semaphore(%dma_wait3A_686 : memref<!tpu.dma_semaphore, #tpu.memory_space<semaphore_mem>>) src(%arg7 : memref<16384xf32, #tpu.memory_space<vmem>>) dst(%dma_wait3A_687 : memref<16384xf32, #tpu.memory_space<hbm>>)
    %add3A_688 = arith.constant 425984 : i32
    %add3A_689 = arith.addi %mul3A_2, %add3A_688 : i32
    %dma_start3A_690 = arith.constant 2 : i32
    %dma_start3A_691 = tpu.memref_slice %arg2[%add3A_689] : memref<33554432xf32, #tpu.memory_space<hbm>> -> memref<16384xf32, #tpu.memory_space<hbm>>
    %dma_start3A_692 = tpu.memref_slice %arg11[%dma_start3A_690] : memref<3x!tpu.dma_semaphore, #tpu.memory_space<semaphore_mem>> -> memref<1x!tpu.dma_semaphore, #tpu.memory_space<semaphore_mem>>
    %dma_start3A_693 = tpu.memref_squeeze %dma_start3A_692 : memref<1x!tpu.dma_semaphore, #tpu.memory_space<semaphore_mem>> -> memref<!tpu.dma_semaphore, #tpu.memory_space<semaphore_mem>>
    %dma_start3A_694 = tpu.memref_slice %arg2[%add3A_689] : memref<33554432xf32, #tpu.memory_space<hbm>> -> memref<16384xf32, #tpu.memory_space<hbm>>
    tpu.enqueue_dma source(%dma_start3A_694 : memref<16384xf32, #tpu.memory_space<hbm>>) target(%arg7 : memref<16384xf32, #tpu.memory_space<vmem>>) target_semaphore(%dma_start3A_693 : memref<!tpu.dma_semaphore, #tpu.memory_space<semaphore_mem>>)
    %add3A_695 = arith.constant 393216 : i32
    %add3A_696 = arith.addi %mul3A_2, %add3A_695 : i32
    %dma_wait3A_697 = arith.constant 0 : i32
    %dma_wait3A_698 = tpu.memref_slice %arg2[%add3A_696] : memref<33554432xf32, #tpu.memory_space<hbm>> -> memref<16384xf32, #tpu.memory_space<hbm>>
    %dma_wait3A_699 = tpu.memref_slice %arg11[%dma_wait3A_697] : memref<3x!tpu.dma_semaphore, #tpu.memory_space<semaphore_mem>> -> memref<1x!tpu.dma_semaphore, #tpu.memory_space<semaphore_mem>>
    %dma_wait3A_700 = tpu.memref_squeeze %dma_wait3A_699 : memref<1x!tpu.dma_semaphore, #tpu.memory_space<semaphore_mem>> -> memref<!tpu.dma_semaphore, #tpu.memory_space<semaphore_mem>>
    %dma_wait3A_701 = tpu.memref_slice %arg2[%add3A_696] : memref<33554432xf32, #tpu.memory_space<hbm>> -> memref<16384xf32, #tpu.memory_space<hbm>>
    tpu.wait_dma2 semaphore(%dma_wait3A_700 : memref<!tpu.dma_semaphore, #tpu.memory_space<semaphore_mem>>) src(%dma_wait3A_701 : memref<16384xf32, #tpu.memory_space<hbm>>) dst(%arg5 : memref<16384xf32, #tpu.memory_space<vmem>>)
    %add3A_702 = arith.constant 393216 : i32
    %add3A_703 = arith.addi %mul3A_2, %add3A_702 : i32
    %dma_start3A_704 = arith.constant 0 : i32
    %dma_start3A_705 = tpu.memref_slice %arg4[%add3A_703] : memref<33554432xf32, #tpu.memory_space<hbm>> -> memref<16384xf32, #tpu.memory_space<hbm>>
    %dma_start3A_706 = tpu.memref_slice %arg13[%dma_start3A_704] : memref<3x!tpu.dma_semaphore, #tpu.memory_space<semaphore_mem>> -> memref<1x!tpu.dma_semaphore, #tpu.memory_space<semaphore_mem>>
    %dma_start3A_707 = tpu.memref_squeeze %dma_start3A_706 : memref<1x!tpu.dma_semaphore, #tpu.memory_space<semaphore_mem>> -> memref<!tpu.dma_semaphore, #tpu.memory_space<semaphore_mem>>
    %dma_start3A_708 = tpu.memref_slice %arg4[%add3A_703] : memref<33554432xf32, #tpu.memory_space<hbm>> -> memref<16384xf32, #tpu.memory_space<hbm>>
    tpu.enqueue_dma source(%arg5 : memref<16384xf32, #tpu.memory_space<vmem>>) target(%dma_start3A_708 : memref<16384xf32, #tpu.memory_space<hbm>>) target_semaphore(%dma_start3A_707 : memref<!tpu.dma_semaphore, #tpu.memory_space<semaphore_mem>>)
    %add3A_709 = arith.constant 393216 : i32
    %add3A_710 = arith.addi %mul3A_2, %add3A_709 : i32
    %dma_wait3A_711 = arith.constant 0 : i32
    %dma_wait3A_712 = tpu.memref_slice %arg4[%add3A_710] : memref<33554432xf32, #tpu.memory_space<hbm>> -> memref<16384xf32, #tpu.memory_space<hbm>>
    %dma_wait3A_713 = tpu.memref_slice %arg13[%dma_wait3A_711] : memref<3x!tpu.dma_semaphore, #tpu.memory_space<semaphore_mem>> -> memref<1x!tpu.dma_semaphore, #tpu.memory_space<semaphore_mem>>
    %dma_wait3A_714 = tpu.memref_squeeze %dma_wait3A_713 : memref<1x!tpu.dma_semaphore, #tpu.memory_space<semaphore_mem>> -> memref<!tpu.dma_semaphore, #tpu.memory_space<semaphore_mem>>
    %dma_wait3A_715 = tpu.memref_slice %arg4[%add3A_710] : memref<33554432xf32, #tpu.memory_space<hbm>> -> memref<16384xf32, #tpu.memory_space<hbm>>
    tpu.wait_dma2 semaphore(%dma_wait3A_714 : memref<!tpu.dma_semaphore, #tpu.memory_space<semaphore_mem>>) src(%arg5 : memref<16384xf32, #tpu.memory_space<vmem>>) dst(%dma_wait3A_715 : memref<16384xf32, #tpu.memory_space<hbm>>)
    %add3A_716 = arith.constant 442368 : i32
    %add3A_717 = arith.addi %mul3A_2, %add3A_716 : i32
    %dma_start3A_718 = arith.constant 0 : i32
    %dma_start3A_719 = tpu.memref_slice %arg2[%add3A_717] : memref<33554432xf32, #tpu.memory_space<hbm>> -> memref<16384xf32, #tpu.memory_space<hbm>>
    %dma_start3A_720 = tpu.memref_slice %arg11[%dma_start3A_718] : memref<3x!tpu.dma_semaphore, #tpu.memory_space<semaphore_mem>> -> memref<1x!tpu.dma_semaphore, #tpu.memory_space<semaphore_mem>>
    %dma_start3A_721 = tpu.memref_squeeze %dma_start3A_720 : memref<1x!tpu.dma_semaphore, #tpu.memory_space<semaphore_mem>> -> memref<!tpu.dma_semaphore, #tpu.memory_space<semaphore_mem>>
    %dma_start3A_722 = tpu.memref_slice %arg2[%add3A_717] : memref<33554432xf32, #tpu.memory_space<hbm>> -> memref<16384xf32, #tpu.memory_space<hbm>>
    tpu.enqueue_dma source(%dma_start3A_722 : memref<16384xf32, #tpu.memory_space<hbm>>) target(%arg5 : memref<16384xf32, #tpu.memory_space<vmem>>) target_semaphore(%dma_start3A_721 : memref<!tpu.dma_semaphore, #tpu.memory_space<semaphore_mem>>)
    %add3A_723 = arith.constant 409600 : i32
    %add3A_724 = arith.addi %mul3A_2, %add3A_723 : i32
    %dma_wait3A_725 = arith.constant 1 : i32
    %dma_wait3A_726 = tpu.memref_slice %arg2[%add3A_724] : memref<33554432xf32, #tpu.memory_space<hbm>> -> memref<16384xf32, #tpu.memory_space<hbm>>
    %dma_wait3A_727 = tpu.memref_slice %arg11[%dma_wait3A_725] : memref<3x!tpu.dma_semaphore, #tpu.memory_space<semaphore_mem>> -> memref<1x!tpu.dma_semaphore, #tpu.memory_space<semaphore_mem>>
    %dma_wait3A_728 = tpu.memref_squeeze %dma_wait3A_727 : memref<1x!tpu.dma_semaphore, #tpu.memory_space<semaphore_mem>> -> memref<!tpu.dma_semaphore, #tpu.memory_space<semaphore_mem>>
    %dma_wait3A_729 = tpu.memref_slice %arg2[%add3A_724] : memref<33554432xf32, #tpu.memory_space<hbm>> -> memref<16384xf32, #tpu.memory_space<hbm>>
    tpu.wait_dma2 semaphore(%dma_wait3A_728 : memref<!tpu.dma_semaphore, #tpu.memory_space<semaphore_mem>>) src(%dma_wait3A_729 : memref<16384xf32, #tpu.memory_space<hbm>>) dst(%arg6 : memref<16384xf32, #tpu.memory_space<vmem>>)
    %add3A_730 = arith.constant 409600 : i32
    %add3A_731 = arith.addi %mul3A_2, %add3A_730 : i32
    %dma_start3A_732 = arith.constant 1 : i32
    %dma_start3A_733 = tpu.memref_slice %arg4[%add3A_731] : memref<33554432xf32, #tpu.memory_space<hbm>> -> memref<16384xf32, #tpu.memory_space<hbm>>
    %dma_start3A_734 = tpu.memref_slice %arg13[%dma_start3A_732] : memref<3x!tpu.dma_semaphore, #tpu.memory_space<semaphore_mem>> -> memref<1x!tpu.dma_semaphore, #tpu.memory_space<semaphore_mem>>
    %dma_start3A_735 = tpu.memref_squeeze %dma_start3A_734 : memref<1x!tpu.dma_semaphore, #tpu.memory_space<semaphore_mem>> -> memref<!tpu.dma_semaphore, #tpu.memory_space<semaphore_mem>>
    %dma_start3A_736 = tpu.memref_slice %arg4[%add3A_731] : memref<33554432xf32, #tpu.memory_space<hbm>> -> memref<16384xf32, #tpu.memory_space<hbm>>
    tpu.enqueue_dma source(%arg6 : memref<16384xf32, #tpu.memory_space<vmem>>) target(%dma_start3A_736 : memref<16384xf32, #tpu.memory_space<hbm>>) target_semaphore(%dma_start3A_735 : memref<!tpu.dma_semaphore, #tpu.memory_space<semaphore_mem>>)
    %add3A_737 = arith.constant 409600 : i32
    %add3A_738 = arith.addi %mul3A_2, %add3A_737 : i32
    %dma_wait3A_739 = arith.constant 1 : i32
    %dma_wait3A_740 = tpu.memref_slice %arg4[%add3A_738] : memref<33554432xf32, #tpu.memory_space<hbm>> -> memref<16384xf32, #tpu.memory_space<hbm>>
    %dma_wait3A_741 = tpu.memref_slice %arg13[%dma_wait3A_739] : memref<3x!tpu.dma_semaphore, #tpu.memory_space<semaphore_mem>> -> memref<1x!tpu.dma_semaphore, #tpu.memory_space<semaphore_mem>>
    %dma_wait3A_742 = tpu.memref_squeeze %dma_wait3A_741 : memref<1x!tpu.dma_semaphore, #tpu.memory_space<semaphore_mem>> -> memref<!tpu.dma_semaphore, #tpu.memory_space<semaphore_mem>>
    %dma_wait3A_743 = tpu.memref_slice %arg4[%add3A_738] : memref<33554432xf32, #tpu.memory_space<hbm>> -> memref<16384xf32, #tpu.memory_space<hbm>>
    tpu.wait_dma2 semaphore(%dma_wait3A_742 : memref<!tpu.dma_semaphore, #tpu.memory_space<semaphore_mem>>) src(%arg6 : memref<16384xf32, #tpu.memory_space<vmem>>) dst(%dma_wait3A_743 : memref<16384xf32, #tpu.memory_space<hbm>>)
    %add3A_744 = arith.constant 458752 : i32
    %add3A_745 = arith.addi %mul3A_2, %add3A_744 : i32
    %dma_start3A_746 = arith.constant 1 : i32
    %dma_start3A_747 = tpu.memref_slice %arg2[%add3A_745] : memref<33554432xf32, #tpu.memory_space<hbm>> -> memref<16384xf32, #tpu.memory_space<hbm>>
    %dma_start3A_748 = tpu.memref_slice %arg11[%dma_start3A_746] : memref<3x!tpu.dma_semaphore, #tpu.memory_space<semaphore_mem>> -> memref<1x!tpu.dma_semaphore, #tpu.memory_space<semaphore_mem>>
    %dma_start3A_749 = tpu.memref_squeeze %dma_start3A_748 : memref<1x!tpu.dma_semaphore, #tpu.memory_space<semaphore_mem>> -> memref<!tpu.dma_semaphore, #tpu.memory_space<semaphore_mem>>
    %dma_start3A_750 = tpu.memref_slice %arg2[%add3A_745] : memref<33554432xf32, #tpu.memory_space<hbm>> -> memref<16384xf32, #tpu.memory_space<hbm>>
    tpu.enqueue_dma source(%dma_start3A_750 : memref<16384xf32, #tpu.memory_space<hbm>>) target(%arg6 : memref<16384xf32, #tpu.memory_space<vmem>>) target_semaphore(%dma_start3A_749 : memref<!tpu.dma_semaphore, #tpu.memory_space<semaphore_mem>>)
    %add3A_751 = arith.constant 425984 : i32
    %add3A_752 = arith.addi %mul3A_2, %add3A_751 : i32
    %dma_wait3A_753 = arith.constant 2 : i32
    %dma_wait3A_754 = tpu.memref_slice %arg2[%add3A_752] : memref<33554432xf32, #tpu.memory_space<hbm>> -> memref<16384xf32, #tpu.memory_space<hbm>>
    %dma_wait3A_755 = tpu.memref_slice %arg11[%dma_wait3A_753] : memref<3x!tpu.dma_semaphore, #tpu.memory_space<semaphore_mem>> -> memref<1x!tpu.dma_semaphore, #tpu.memory_space<semaphore_mem>>
    %dma_wait3A_756 = tpu.memref_squeeze %dma_wait3A_755 : memref<1x!tpu.dma_semaphore, #tpu.memory_space<semaphore_mem>> -> memref<!tpu.dma_semaphore, #tpu.memory_space<semaphore_mem>>
    %dma_wait3A_757 = tpu.memref_slice %arg2[%add3A_752] : memref<33554432xf32, #tpu.memory_space<hbm>> -> memref<16384xf32, #tpu.memory_space<hbm>>
    tpu.wait_dma2 semaphore(%dma_wait3A_756 : memref<!tpu.dma_semaphore, #tpu.memory_space<semaphore_mem>>) src(%dma_wait3A_757 : memref<16384xf32, #tpu.memory_space<hbm>>) dst(%arg7 : memref<16384xf32, #tpu.memory_space<vmem>>)
    %add3A_758 = arith.constant 425984 : i32
    %add3A_759 = arith.addi %mul3A_2, %add3A_758 : i32
    %dma_start3A_760 = arith.constant 2 : i32
    %dma_start3A_761 = tpu.memref_slice %arg4[%add3A_759] : memref<33554432xf32, #tpu.memory_space<hbm>> -> memref<16384xf32, #tpu.memory_space<hbm>>
    %dma_start3A_762 = tpu.memref_slice %arg13[%dma_start3A_760] : memref<3x!tpu.dma_semaphore, #tpu.memory_space<semaphore_mem>> -> memref<1x!tpu.dma_semaphore, #tpu.memory_space<semaphore_mem>>
    %dma_start3A_763 = tpu.memref_squeeze %dma_start3A_762 : memref<1x!tpu.dma_semaphore, #tpu.memory_space<semaphore_mem>> -> memref<!tpu.dma_semaphore, #tpu.memory_space<semaphore_mem>>
    %dma_start3A_764 = tpu.memref_slice %arg4[%add3A_759] : memref<33554432xf32, #tpu.memory_space<hbm>> -> memref<16384xf32, #tpu.memory_space<hbm>>
    tpu.enqueue_dma source(%arg7 : memref<16384xf32, #tpu.memory_space<vmem>>) target(%dma_start3A_764 : memref<16384xf32, #tpu.memory_space<hbm>>) target_semaphore(%dma_start3A_763 : memref<!tpu.dma_semaphore, #tpu.memory_space<semaphore_mem>>)
    %add3A_765 = arith.constant 425984 : i32
    %add3A_766 = arith.addi %mul3A_2, %add3A_765 : i32
    %dma_wait3A_767 = arith.constant 2 : i32
    %dma_wait3A_768 = tpu.memref_slice %arg4[%add3A_766] : memref<33554432xf32, #tpu.memory_space<hbm>> -> memref<16384xf32, #tpu.memory_space<hbm>>
    %dma_wait3A_769 = tpu.memref_slice %arg13[%dma_wait3A_767] : memref<3x!tpu.dma_semaphore, #tpu.memory_space<semaphore_mem>> -> memref<1x!tpu.dma_semaphore, #tpu.memory_space<semaphore_mem>>
    %dma_wait3A_770 = tpu.memref_squeeze %dma_wait3A_769 : memref<1x!tpu.dma_semaphore, #tpu.memory_space<semaphore_mem>> -> memref<!tpu.dma_semaphore, #tpu.memory_space<semaphore_mem>>
    %dma_wait3A_771 = tpu.memref_slice %arg4[%add3A_766] : memref<33554432xf32, #tpu.memory_space<hbm>> -> memref<16384xf32, #tpu.memory_space<hbm>>
    tpu.wait_dma2 semaphore(%dma_wait3A_770 : memref<!tpu.dma_semaphore, #tpu.memory_space<semaphore_mem>>) src(%arg7 : memref<16384xf32, #tpu.memory_space<vmem>>) dst(%dma_wait3A_771 : memref<16384xf32, #tpu.memory_space<hbm>>)
    %add3A_772 = arith.constant 475136 : i32
    %add3A_773 = arith.addi %mul3A_2, %add3A_772 : i32
    %dma_start3A_774 = arith.constant 2 : i32
    %dma_start3A_775 = tpu.memref_slice %arg2[%add3A_773] : memref<33554432xf32, #tpu.memory_space<hbm>> -> memref<16384xf32, #tpu.memory_space<hbm>>
    %dma_start3A_776 = tpu.memref_slice %arg11[%dma_start3A_774] : memref<3x!tpu.dma_semaphore, #tpu.memory_space<semaphore_mem>> -> memref<1x!tpu.dma_semaphore, #tpu.memory_space<semaphore_mem>>
    %dma_start3A_777 = tpu.memref_squeeze %dma_start3A_776 : memref<1x!tpu.dma_semaphore, #tpu.memory_space<semaphore_mem>> -> memref<!tpu.dma_semaphore, #tpu.memory_space<semaphore_mem>>
    %dma_start3A_778 = tpu.memref_slice %arg2[%add3A_773] : memref<33554432xf32, #tpu.memory_space<hbm>> -> memref<16384xf32, #tpu.memory_space<hbm>>
    tpu.enqueue_dma source(%dma_start3A_778 : memref<16384xf32, #tpu.memory_space<hbm>>) target(%arg7 : memref<16384xf32, #tpu.memory_space<vmem>>) target_semaphore(%dma_start3A_777 : memref<!tpu.dma_semaphore, #tpu.memory_space<semaphore_mem>>)
    %add3A_779 = arith.constant 442368 : i32
    %add3A_780 = arith.addi %mul3A_2, %add3A_779 : i32
    %dma_wait3A_781 = arith.constant 0 : i32
    %dma_wait3A_782 = tpu.memref_slice %arg2[%add3A_780] : memref<33554432xf32, #tpu.memory_space<hbm>> -> memref<16384xf32, #tpu.memory_space<hbm>>
    %dma_wait3A_783 = tpu.memref_slice %arg11[%dma_wait3A_781] : memref<3x!tpu.dma_semaphore, #tpu.memory_space<semaphore_mem>> -> memref<1x!tpu.dma_semaphore, #tpu.memory_space<semaphore_mem>>
    %dma_wait3A_784 = tpu.memref_squeeze %dma_wait3A_783 : memref<1x!tpu.dma_semaphore, #tpu.memory_space<semaphore_mem>> -> memref<!tpu.dma_semaphore, #tpu.memory_space<semaphore_mem>>
    %dma_wait3A_785 = tpu.memref_slice %arg2[%add3A_780] : memref<33554432xf32, #tpu.memory_space<hbm>> -> memref<16384xf32, #tpu.memory_space<hbm>>
    tpu.wait_dma2 semaphore(%dma_wait3A_784 : memref<!tpu.dma_semaphore, #tpu.memory_space<semaphore_mem>>) src(%dma_wait3A_785 : memref<16384xf32, #tpu.memory_space<hbm>>) dst(%arg5 : memref<16384xf32, #tpu.memory_space<vmem>>)
    %add3A_786 = arith.constant 442368 : i32
    %add3A_787 = arith.addi %mul3A_2, %add3A_786 : i32
    %dma_start3A_788 = arith.constant 0 : i32
    %dma_start3A_789 = tpu.memref_slice %arg4[%add3A_787] : memref<33554432xf32, #tpu.memory_space<hbm>> -> memref<16384xf32, #tpu.memory_space<hbm>>
    %dma_start3A_790 = tpu.memref_slice %arg13[%dma_start3A_788] : memref<3x!tpu.dma_semaphore, #tpu.memory_space<semaphore_mem>> -> memref<1x!tpu.dma_semaphore, #tpu.memory_space<semaphore_mem>>
    %dma_start3A_791 = tpu.memref_squeeze %dma_start3A_790 : memref<1x!tpu.dma_semaphore, #tpu.memory_space<semaphore_mem>> -> memref<!tpu.dma_semaphore, #tpu.memory_space<semaphore_mem>>
    %dma_start3A_792 = tpu.memref_slice %arg4[%add3A_787] : memref<33554432xf32, #tpu.memory_space<hbm>> -> memref<16384xf32, #tpu.memory_space<hbm>>
    tpu.enqueue_dma source(%arg5 : memref<16384xf32, #tpu.memory_space<vmem>>) target(%dma_start3A_792 : memref<16384xf32, #tpu.memory_space<hbm>>) target_semaphore(%dma_start3A_791 : memref<!tpu.dma_semaphore, #tpu.memory_space<semaphore_mem>>)
    %add3A_793 = arith.constant 442368 : i32
    %add3A_794 = arith.addi %mul3A_2, %add3A_793 : i32
    %dma_wait3A_795 = arith.constant 0 : i32
    %dma_wait3A_796 = tpu.memref_slice %arg4[%add3A_794] : memref<33554432xf32, #tpu.memory_space<hbm>> -> memref<16384xf32, #tpu.memory_space<hbm>>
    %dma_wait3A_797 = tpu.memref_slice %arg13[%dma_wait3A_795] : memref<3x!tpu.dma_semaphore, #tpu.memory_space<semaphore_mem>> -> memref<1x!tpu.dma_semaphore, #tpu.memory_space<semaphore_mem>>
    %dma_wait3A_798 = tpu.memref_squeeze %dma_wait3A_797 : memref<1x!tpu.dma_semaphore, #tpu.memory_space<semaphore_mem>> -> memref<!tpu.dma_semaphore, #tpu.memory_space<semaphore_mem>>
    %dma_wait3A_799 = tpu.memref_slice %arg4[%add3A_794] : memref<33554432xf32, #tpu.memory_space<hbm>> -> memref<16384xf32, #tpu.memory_space<hbm>>
    tpu.wait_dma2 semaphore(%dma_wait3A_798 : memref<!tpu.dma_semaphore, #tpu.memory_space<semaphore_mem>>) src(%arg5 : memref<16384xf32, #tpu.memory_space<vmem>>) dst(%dma_wait3A_799 : memref<16384xf32, #tpu.memory_space<hbm>>)
    %add3A_800 = arith.constant 491520 : i32
    %add3A_801 = arith.addi %mul3A_2, %add3A_800 : i32
    %dma_start3A_802 = arith.constant 0 : i32
    %dma_start3A_803 = tpu.memref_slice %arg2[%add3A_801] : memref<33554432xf32, #tpu.memory_space<hbm>> -> memref<16384xf32, #tpu.memory_space<hbm>>
    %dma_start3A_804 = tpu.memref_slice %arg11[%dma_start3A_802] : memref<3x!tpu.dma_semaphore, #tpu.memory_space<semaphore_mem>> -> memref<1x!tpu.dma_semaphore, #tpu.memory_space<semaphore_mem>>
    %dma_start3A_805 = tpu.memref_squeeze %dma_start3A_804 : memref<1x!tpu.dma_semaphore, #tpu.memory_space<semaphore_mem>> -> memref<!tpu.dma_semaphore, #tpu.memory_space<semaphore_mem>>
    %dma_start3A_806 = tpu.memref_slice %arg2[%add3A_801] : memref<33554432xf32, #tpu.memory_space<hbm>> -> memref<16384xf32, #tpu.memory_space<hbm>>
    tpu.enqueue_dma source(%dma_start3A_806 : memref<16384xf32, #tpu.memory_space<hbm>>) target(%arg5 : memref<16384xf32, #tpu.memory_space<vmem>>) target_semaphore(%dma_start3A_805 : memref<!tpu.dma_semaphore, #tpu.memory_space<semaphore_mem>>)
    %add3A_807 = arith.constant 458752 : i32
    %add3A_808 = arith.addi %mul3A_2, %add3A_807 : i32
    %dma_wait3A_809 = arith.constant 1 : i32
    %dma_wait3A_810 = tpu.memref_slice %arg2[%add3A_808] : memref<33554432xf32, #tpu.memory_space<hbm>> -> memref<16384xf32, #tpu.memory_space<hbm>>
    %dma_wait3A_811 = tpu.memref_slice %arg11[%dma_wait3A_809] : memref<3x!tpu.dma_semaphore, #tpu.memory_space<semaphore_mem>> -> memref<1x!tpu.dma_semaphore, #tpu.memory_space<semaphore_mem>>
    %dma_wait3A_812 = tpu.memref_squeeze %dma_wait3A_811 : memref<1x!tpu.dma_semaphore, #tpu.memory_space<semaphore_mem>> -> memref<!tpu.dma_semaphore, #tpu.memory_space<semaphore_mem>>
    %dma_wait3A_813 = tpu.memref_slice %arg2[%add3A_808] : memref<33554432xf32, #tpu.memory_space<hbm>> -> memref<16384xf32, #tpu.memory_space<hbm>>
    tpu.wait_dma2 semaphore(%dma_wait3A_812 : memref<!tpu.dma_semaphore, #tpu.memory_space<semaphore_mem>>) src(%dma_wait3A_813 : memref<16384xf32, #tpu.memory_space<hbm>>) dst(%arg6 : memref<16384xf32, #tpu.memory_space<vmem>>)
    %add3A_814 = arith.constant 458752 : i32
    %add3A_815 = arith.addi %mul3A_2, %add3A_814 : i32
    %dma_start3A_816 = arith.constant 1 : i32
    %dma_start3A_817 = tpu.memref_slice %arg4[%add3A_815] : memref<33554432xf32, #tpu.memory_space<hbm>> -> memref<16384xf32, #tpu.memory_space<hbm>>
    %dma_start3A_818 = tpu.memref_slice %arg13[%dma_start3A_816] : memref<3x!tpu.dma_semaphore, #tpu.memory_space<semaphore_mem>> -> memref<1x!tpu.dma_semaphore, #tpu.memory_space<semaphore_mem>>
    %dma_start3A_819 = tpu.memref_squeeze %dma_start3A_818 : memref<1x!tpu.dma_semaphore, #tpu.memory_space<semaphore_mem>> -> memref<!tpu.dma_semaphore, #tpu.memory_space<semaphore_mem>>
    %dma_start3A_820 = tpu.memref_slice %arg4[%add3A_815] : memref<33554432xf32, #tpu.memory_space<hbm>> -> memref<16384xf32, #tpu.memory_space<hbm>>
    tpu.enqueue_dma source(%arg6 : memref<16384xf32, #tpu.memory_space<vmem>>) target(%dma_start3A_820 : memref<16384xf32, #tpu.memory_space<hbm>>) target_semaphore(%dma_start3A_819 : memref<!tpu.dma_semaphore, #tpu.memory_space<semaphore_mem>>)
    %add3A_821 = arith.constant 458752 : i32
    %add3A_822 = arith.addi %mul3A_2, %add3A_821 : i32
    %dma_wait3A_823 = arith.constant 1 : i32
    %dma_wait3A_824 = tpu.memref_slice %arg4[%add3A_822] : memref<33554432xf32, #tpu.memory_space<hbm>> -> memref<16384xf32, #tpu.memory_space<hbm>>
    %dma_wait3A_825 = tpu.memref_slice %arg13[%dma_wait3A_823] : memref<3x!tpu.dma_semaphore, #tpu.memory_space<semaphore_mem>> -> memref<1x!tpu.dma_semaphore, #tpu.memory_space<semaphore_mem>>
    %dma_wait3A_826 = tpu.memref_squeeze %dma_wait3A_825 : memref<1x!tpu.dma_semaphore, #tpu.memory_space<semaphore_mem>> -> memref<!tpu.dma_semaphore, #tpu.memory_space<semaphore_mem>>
    %dma_wait3A_827 = tpu.memref_slice %arg4[%add3A_822] : memref<33554432xf32, #tpu.memory_space<hbm>> -> memref<16384xf32, #tpu.memory_space<hbm>>
    tpu.wait_dma2 semaphore(%dma_wait3A_826 : memref<!tpu.dma_semaphore, #tpu.memory_space<semaphore_mem>>) src(%arg6 : memref<16384xf32, #tpu.memory_space<vmem>>) dst(%dma_wait3A_827 : memref<16384xf32, #tpu.memory_space<hbm>>)
    %add3A_828 = arith.constant 507904 : i32
    %add3A_829 = arith.addi %mul3A_2, %add3A_828 : i32
    %dma_start3A_830 = arith.constant 1 : i32
    %dma_start3A_831 = tpu.memref_slice %arg2[%add3A_829] : memref<33554432xf32, #tpu.memory_space<hbm>> -> memref<16384xf32, #tpu.memory_space<hbm>>
    %dma_start3A_832 = tpu.memref_slice %arg11[%dma_start3A_830] : memref<3x!tpu.dma_semaphore, #tpu.memory_space<semaphore_mem>> -> memref<1x!tpu.dma_semaphore, #tpu.memory_space<semaphore_mem>>
    %dma_start3A_833 = tpu.memref_squeeze %dma_start3A_832 : memref<1x!tpu.dma_semaphore, #tpu.memory_space<semaphore_mem>> -> memref<!tpu.dma_semaphore, #tpu.memory_space<semaphore_mem>>
    %dma_start3A_834 = tpu.memref_slice %arg2[%add3A_829] : memref<33554432xf32, #tpu.memory_space<hbm>> -> memref<16384xf32, #tpu.memory_space<hbm>>
    tpu.enqueue_dma source(%dma_start3A_834 : memref<16384xf32, #tpu.memory_space<hbm>>) target(%arg6 : memref<16384xf32, #tpu.memory_space<vmem>>) target_semaphore(%dma_start3A_833 : memref<!tpu.dma_semaphore, #tpu.memory_space<semaphore_mem>>)
    %add3A_835 = arith.constant 475136 : i32
    %add3A_836 = arith.addi %mul3A_2, %add3A_835 : i32
    %dma_wait3A_837 = arith.constant 2 : i32
    %dma_wait3A_838 = tpu.memref_slice %arg2[%add3A_836] : memref<33554432xf32, #tpu.memory_space<hbm>> -> memref<16384xf32, #tpu.memory_space<hbm>>
    %dma_wait3A_839 = tpu.memref_slice %arg11[%dma_wait3A_837] : memref<3x!tpu.dma_semaphore, #tpu.memory_space<semaphore_mem>> -> memref<1x!tpu.dma_semaphore, #tpu.memory_space<semaphore_mem>>
    %dma_wait3A_840 = tpu.memref_squeeze %dma_wait3A_839 : memref<1x!tpu.dma_semaphore, #tpu.memory_space<semaphore_mem>> -> memref<!tpu.dma_semaphore, #tpu.memory_space<semaphore_mem>>
    %dma_wait3A_841 = tpu.memref_slice %arg2[%add3A_836] : memref<33554432xf32, #tpu.memory_space<hbm>> -> memref<16384xf32, #tpu.memory_space<hbm>>
    tpu.wait_dma2 semaphore(%dma_wait3A_840 : memref<!tpu.dma_semaphore, #tpu.memory_space<semaphore_mem>>) src(%dma_wait3A_841 : memref<16384xf32, #tpu.memory_space<hbm>>) dst(%arg7 : memref<16384xf32, #tpu.memory_space<vmem>>)
    %add3A_842 = arith.constant 475136 : i32
    %add3A_843 = arith.addi %mul3A_2, %add3A_842 : i32
    %dma_start3A_844 = arith.constant 2 : i32
    %dma_start3A_845 = tpu.memref_slice %arg4[%add3A_843] : memref<33554432xf32, #tpu.memory_space<hbm>> -> memref<16384xf32, #tpu.memory_space<hbm>>
    %dma_start3A_846 = tpu.memref_slice %arg13[%dma_start3A_844] : memref<3x!tpu.dma_semaphore, #tpu.memory_space<semaphore_mem>> -> memref<1x!tpu.dma_semaphore, #tpu.memory_space<semaphore_mem>>
    %dma_start3A_847 = tpu.memref_squeeze %dma_start3A_846 : memref<1x!tpu.dma_semaphore, #tpu.memory_space<semaphore_mem>> -> memref<!tpu.dma_semaphore, #tpu.memory_space<semaphore_mem>>
    %dma_start3A_848 = tpu.memref_slice %arg4[%add3A_843] : memref<33554432xf32, #tpu.memory_space<hbm>> -> memref<16384xf32, #tpu.memory_space<hbm>>
    tpu.enqueue_dma source(%arg7 : memref<16384xf32, #tpu.memory_space<vmem>>) target(%dma_start3A_848 : memref<16384xf32, #tpu.memory_space<hbm>>) target_semaphore(%dma_start3A_847 : memref<!tpu.dma_semaphore, #tpu.memory_space<semaphore_mem>>)
    %add3A_849 = arith.constant 475136 : i32
    %add3A_850 = arith.addi %mul3A_2, %add3A_849 : i32
    %dma_wait3A_851 = arith.constant 2 : i32
    %dma_wait3A_852 = tpu.memref_slice %arg4[%add3A_850] : memref<33554432xf32, #tpu.memory_space<hbm>> -> memref<16384xf32, #tpu.memory_space<hbm>>
    %dma_wait3A_853 = tpu.memref_slice %arg13[%dma_wait3A_851] : memref<3x!tpu.dma_semaphore, #tpu.memory_space<semaphore_mem>> -> memref<1x!tpu.dma_semaphore, #tpu.memory_space<semaphore_mem>>
    %dma_wait3A_854 = tpu.memref_squeeze %dma_wait3A_853 : memref<1x!tpu.dma_semaphore, #tpu.memory_space<semaphore_mem>> -> memref<!tpu.dma_semaphore, #tpu.memory_space<semaphore_mem>>
    %dma_wait3A_855 = tpu.memref_slice %arg4[%add3A_850] : memref<33554432xf32, #tpu.memory_space<hbm>> -> memref<16384xf32, #tpu.memory_space<hbm>>
    tpu.wait_dma2 semaphore(%dma_wait3A_854 : memref<!tpu.dma_semaphore, #tpu.memory_space<semaphore_mem>>) src(%arg7 : memref<16384xf32, #tpu.memory_space<vmem>>) dst(%dma_wait3A_855 : memref<16384xf32, #tpu.memory_space<hbm>>)
    %add3A_856 = arith.constant 524288 : i32
    %add3A_857 = arith.addi %mul3A_2, %add3A_856 : i32
    %dma_start3A_858 = arith.constant 2 : i32
    %dma_start3A_859 = tpu.memref_slice %arg2[%add3A_857] : memref<33554432xf32, #tpu.memory_space<hbm>> -> memref<16384xf32, #tpu.memory_space<hbm>>
    %dma_start3A_860 = tpu.memref_slice %arg11[%dma_start3A_858] : memref<3x!tpu.dma_semaphore, #tpu.memory_space<semaphore_mem>> -> memref<1x!tpu.dma_semaphore, #tpu.memory_space<semaphore_mem>>
    %dma_start3A_861 = tpu.memref_squeeze %dma_start3A_860 : memref<1x!tpu.dma_semaphore, #tpu.memory_space<semaphore_mem>> -> memref<!tpu.dma_semaphore, #tpu.memory_space<semaphore_mem>>
    %dma_start3A_862 = tpu.memref_slice %arg2[%add3A_857] : memref<33554432xf32, #tpu.memory_space<hbm>> -> memref<16384xf32, #tpu.memory_space<hbm>>
    tpu.enqueue_dma source(%dma_start3A_862 : memref<16384xf32, #tpu.memory_space<hbm>>) target(%arg7 : memref<16384xf32, #tpu.memory_space<vmem>>) target_semaphore(%dma_start3A_861 : memref<!tpu.dma_semaphore, #tpu.memory_space<semaphore_mem>>)
    %add3A_863 = arith.constant 491520 : i32
    %add3A_864 = arith.addi %mul3A_2, %add3A_863 : i32
    %dma_wait3A_865 = arith.constant 0 : i32
    %dma_wait3A_866 = tpu.memref_slice %arg2[%add3A_864] : memref<33554432xf32, #tpu.memory_space<hbm>> -> memref<16384xf32, #tpu.memory_space<hbm>>
    %dma_wait3A_867 = tpu.memref_slice %arg11[%dma_wait3A_865] : memref<3x!tpu.dma_semaphore, #tpu.memory_space<semaphore_mem>> -> memref<1x!tpu.dma_semaphore, #tpu.memory_space<semaphore_mem>>
    %dma_wait3A_868 = tpu.memref_squeeze %dma_wait3A_867 : memref<1x!tpu.dma_semaphore, #tpu.memory_space<semaphore_mem>> -> memref<!tpu.dma_semaphore, #tpu.memory_space<semaphore_mem>>
    %dma_wait3A_869 = tpu.memref_slice %arg2[%add3A_864] : memref<33554432xf32, #tpu.memory_space<hbm>> -> memref<16384xf32, #tpu.memory_space<hbm>>
    tpu.wait_dma2 semaphore(%dma_wait3A_868 : memref<!tpu.dma_semaphore, #tpu.memory_space<semaphore_mem>>) src(%dma_wait3A_869 : memref<16384xf32, #tpu.memory_space<hbm>>) dst(%arg5 : memref<16384xf32, #tpu.memory_space<vmem>>)
    %add3A_870 = arith.constant 491520 : i32
    %add3A_871 = arith.addi %mul3A_2, %add3A_870 : i32
    %dma_start3A_872 = arith.constant 0 : i32
    %dma_start3A_873 = tpu.memref_slice %arg4[%add3A_871] : memref<33554432xf32, #tpu.memory_space<hbm>> -> memref<16384xf32, #tpu.memory_space<hbm>>
    %dma_start3A_874 = tpu.memref_slice %arg13[%dma_start3A_872] : memref<3x!tpu.dma_semaphore, #tpu.memory_space<semaphore_mem>> -> memref<1x!tpu.dma_semaphore, #tpu.memory_space<semaphore_mem>>
    %dma_start3A_875 = tpu.memref_squeeze %dma_start3A_874 : memref<1x!tpu.dma_semaphore, #tpu.memory_space<semaphore_mem>> -> memref<!tpu.dma_semaphore, #tpu.memory_space<semaphore_mem>>
    %dma_start3A_876 = tpu.memref_slice %arg4[%add3A_871] : memref<33554432xf32, #tpu.memory_space<hbm>> -> memref<16384xf32, #tpu.memory_space<hbm>>
    tpu.enqueue_dma source(%arg5 : memref<16384xf32, #tpu.memory_space<vmem>>) target(%dma_start3A_876 : memref<16384xf32, #tpu.memory_space<hbm>>) target_semaphore(%dma_start3A_875 : memref<!tpu.dma_semaphore, #tpu.memory_space<semaphore_mem>>)
    %add3A_877 = arith.constant 491520 : i32
    %add3A_878 = arith.addi %mul3A_2, %add3A_877 : i32
    %dma_wait3A_879 = arith.constant 0 : i32
    %dma_wait3A_880 = tpu.memref_slice %arg4[%add3A_878] : memref<33554432xf32, #tpu.memory_space<hbm>> -> memref<16384xf32, #tpu.memory_space<hbm>>
    %dma_wait3A_881 = tpu.memref_slice %arg13[%dma_wait3A_879] : memref<3x!tpu.dma_semaphore, #tpu.memory_space<semaphore_mem>> -> memref<1x!tpu.dma_semaphore, #tpu.memory_space<semaphore_mem>>
    %dma_wait3A_882 = tpu.memref_squeeze %dma_wait3A_881 : memref<1x!tpu.dma_semaphore, #tpu.memory_space<semaphore_mem>> -> memref<!tpu.dma_semaphore, #tpu.memory_space<semaphore_mem>>
    %dma_wait3A_883 = tpu.memref_slice %arg4[%add3A_878] : memref<33554432xf32, #tpu.memory_space<hbm>> -> memref<16384xf32, #tpu.memory_space<hbm>>
    tpu.wait_dma2 semaphore(%dma_wait3A_882 : memref<!tpu.dma_semaphore, #tpu.memory_space<semaphore_mem>>) src(%arg5 : memref<16384xf32, #tpu.memory_space<vmem>>) dst(%dma_wait3A_883 : memref<16384xf32, #tpu.memory_space<hbm>>)
    %add3A_884 = arith.constant 540672 : i32
    %add3A_885 = arith.addi %mul3A_2, %add3A_884 : i32
    %dma_start3A_886 = arith.constant 0 : i32
    %dma_start3A_887 = tpu.memref_slice %arg2[%add3A_885] : memref<33554432xf32, #tpu.memory_space<hbm>> -> memref<16384xf32, #tpu.memory_space<hbm>>
    %dma_start3A_888 = tpu.memref_slice %arg11[%dma_start3A_886] : memref<3x!tpu.dma_semaphore, #tpu.memory_space<semaphore_mem>> -> memref<1x!tpu.dma_semaphore, #tpu.memory_space<semaphore_mem>>
    %dma_start3A_889 = tpu.memref_squeeze %dma_start3A_888 : memref<1x!tpu.dma_semaphore, #tpu.memory_space<semaphore_mem>> -> memref<!tpu.dma_semaphore, #tpu.memory_space<semaphore_mem>>
    %dma_start3A_890 = tpu.memref_slice %arg2[%add3A_885] : memref<33554432xf32, #tpu.memory_space<hbm>> -> memref<16384xf32, #tpu.memory_space<hbm>>
    tpu.enqueue_dma source(%dma_start3A_890 : memref<16384xf32, #tpu.memory_space<hbm>>) target(%arg5 : memref<16384xf32, #tpu.memory_space<vmem>>) target_semaphore(%dma_start3A_889 : memref<!tpu.dma_semaphore, #tpu.memory_space<semaphore_mem>>)
    %add3A_891 = arith.constant 507904 : i32
    %add3A_892 = arith.addi %mul3A_2, %add3A_891 : i32
    %dma_wait3A_893 = arith.constant 1 : i32
    %dma_wait3A_894 = tpu.memref_slice %arg2[%add3A_892] : memref<33554432xf32, #tpu.memory_space<hbm>> -> memref<16384xf32, #tpu.memory_space<hbm>>
    %dma_wait3A_895 = tpu.memref_slice %arg11[%dma_wait3A_893] : memref<3x!tpu.dma_semaphore, #tpu.memory_space<semaphore_mem>> -> memref<1x!tpu.dma_semaphore, #tpu.memory_space<semaphore_mem>>
    %dma_wait3A_896 = tpu.memref_squeeze %dma_wait3A_895 : memref<1x!tpu.dma_semaphore, #tpu.memory_space<semaphore_mem>> -> memref<!tpu.dma_semaphore, #tpu.memory_space<semaphore_mem>>
    %dma_wait3A_897 = tpu.memref_slice %arg2[%add3A_892] : memref<33554432xf32, #tpu.memory_space<hbm>> -> memref<16384xf32, #tpu.memory_space<hbm>>
    tpu.wait_dma2 semaphore(%dma_wait3A_896 : memref<!tpu.dma_semaphore, #tpu.memory_space<semaphore_mem>>) src(%dma_wait3A_897 : memref<16384xf32, #tpu.memory_space<hbm>>) dst(%arg6 : memref<16384xf32, #tpu.memory_space<vmem>>)
    %add3A_898 = arith.constant 507904 : i32
    %add3A_899 = arith.addi %mul3A_2, %add3A_898 : i32
    %dma_start3A_900 = arith.constant 1 : i32
    %dma_start3A_901 = tpu.memref_slice %arg4[%add3A_899] : memref<33554432xf32, #tpu.memory_space<hbm>> -> memref<16384xf32, #tpu.memory_space<hbm>>
    %dma_start3A_902 = tpu.memref_slice %arg13[%dma_start3A_900] : memref<3x!tpu.dma_semaphore, #tpu.memory_space<semaphore_mem>> -> memref<1x!tpu.dma_semaphore, #tpu.memory_space<semaphore_mem>>
    %dma_start3A_903 = tpu.memref_squeeze %dma_start3A_902 : memref<1x!tpu.dma_semaphore, #tpu.memory_space<semaphore_mem>> -> memref<!tpu.dma_semaphore, #tpu.memory_space<semaphore_mem>>
    %dma_start3A_904 = tpu.memref_slice %arg4[%add3A_899] : memref<33554432xf32, #tpu.memory_space<hbm>> -> memref<16384xf32, #tpu.memory_space<hbm>>
    tpu.enqueue_dma source(%arg6 : memref<16384xf32, #tpu.memory_space<vmem>>) target(%dma_start3A_904 : memref<16384xf32, #tpu.memory_space<hbm>>) target_semaphore(%dma_start3A_903 : memref<!tpu.dma_semaphore, #tpu.memory_space<semaphore_mem>>)
    %add3A_905 = arith.constant 507904 : i32
    %add3A_906 = arith.addi %mul3A_2, %add3A_905 : i32
    %dma_wait3A_907 = arith.constant 1 : i32
    %dma_wait3A_908 = tpu.memref_slice %arg4[%add3A_906] : memref<33554432xf32, #tpu.memory_space<hbm>> -> memref<16384xf32, #tpu.memory_space<hbm>>
    %dma_wait3A_909 = tpu.memref_slice %arg13[%dma_wait3A_907] : memref<3x!tpu.dma_semaphore, #tpu.memory_space<semaphore_mem>> -> memref<1x!tpu.dma_semaphore, #tpu.memory_space<semaphore_mem>>
    %dma_wait3A_910 = tpu.memref_squeeze %dma_wait3A_909 : memref<1x!tpu.dma_semaphore, #tpu.memory_space<semaphore_mem>> -> memref<!tpu.dma_semaphore, #tpu.memory_space<semaphore_mem>>
    %dma_wait3A_911 = tpu.memref_slice %arg4[%add3A_906] : memref<33554432xf32, #tpu.memory_space<hbm>> -> memref<16384xf32, #tpu.memory_space<hbm>>
    tpu.wait_dma2 semaphore(%dma_wait3A_910 : memref<!tpu.dma_semaphore, #tpu.memory_space<semaphore_mem>>) src(%arg6 : memref<16384xf32, #tpu.memory_space<vmem>>) dst(%dma_wait3A_911 : memref<16384xf32, #tpu.memory_space<hbm>>)
    %add3A_912 = arith.constant 557056 : i32
    %add3A_913 = arith.addi %mul3A_2, %add3A_912 : i32
    %dma_start3A_914 = arith.constant 1 : i32
    %dma_start3A_915 = tpu.memref_slice %arg2[%add3A_913] : memref<33554432xf32, #tpu.memory_space<hbm>> -> memref<16384xf32, #tpu.memory_space<hbm>>
    %dma_start3A_916 = tpu.memref_slice %arg11[%dma_start3A_914] : memref<3x!tpu.dma_semaphore, #tpu.memory_space<semaphore_mem>> -> memref<1x!tpu.dma_semaphore, #tpu.memory_space<semaphore_mem>>
    %dma_start3A_917 = tpu.memref_squeeze %dma_start3A_916 : memref<1x!tpu.dma_semaphore, #tpu.memory_space<semaphore_mem>> -> memref<!tpu.dma_semaphore, #tpu.memory_space<semaphore_mem>>
    %dma_start3A_918 = tpu.memref_slice %arg2[%add3A_913] : memref<33554432xf32, #tpu.memory_space<hbm>> -> memref<16384xf32, #tpu.memory_space<hbm>>
    tpu.enqueue_dma source(%dma_start3A_918 : memref<16384xf32, #tpu.memory_space<hbm>>) target(%arg6 : memref<16384xf32, #tpu.memory_space<vmem>>) target_semaphore(%dma_start3A_917 : memref<!tpu.dma_semaphore, #tpu.memory_space<semaphore_mem>>)
    %add3A_919 = arith.constant 524288 : i32
    %add3A_920 = arith.addi %mul3A_2, %add3A_919 : i32
    %dma_wait3A_921 = arith.constant 2 : i32
    %dma_wait3A_922 = tpu.memref_slice %arg2[%add3A_920] : memref<33554432xf32, #tpu.memory_space<hbm>> -> memref<16384xf32, #tpu.memory_space<hbm>>
    %dma_wait3A_923 = tpu.memref_slice %arg11[%dma_wait3A_921] : memref<3x!tpu.dma_semaphore, #tpu.memory_space<semaphore_mem>> -> memref<1x!tpu.dma_semaphore, #tpu.memory_space<semaphore_mem>>
    %dma_wait3A_924 = tpu.memref_squeeze %dma_wait3A_923 : memref<1x!tpu.dma_semaphore, #tpu.memory_space<semaphore_mem>> -> memref<!tpu.dma_semaphore, #tpu.memory_space<semaphore_mem>>
    %dma_wait3A_925 = tpu.memref_slice %arg2[%add3A_920] : memref<33554432xf32, #tpu.memory_space<hbm>> -> memref<16384xf32, #tpu.memory_space<hbm>>
    tpu.wait_dma2 semaphore(%dma_wait3A_924 : memref<!tpu.dma_semaphore, #tpu.memory_space<semaphore_mem>>) src(%dma_wait3A_925 : memref<16384xf32, #tpu.memory_space<hbm>>) dst(%arg7 : memref<16384xf32, #tpu.memory_space<vmem>>)
    %add3A_926 = arith.constant 524288 : i32
    %add3A_927 = arith.addi %mul3A_2, %add3A_926 : i32
    %dma_start3A_928 = arith.constant 2 : i32
    %dma_start3A_929 = tpu.memref_slice %arg4[%add3A_927] : memref<33554432xf32, #tpu.memory_space<hbm>> -> memref<16384xf32, #tpu.memory_space<hbm>>
    %dma_start3A_930 = tpu.memref_slice %arg13[%dma_start3A_928] : memref<3x!tpu.dma_semaphore, #tpu.memory_space<semaphore_mem>> -> memref<1x!tpu.dma_semaphore, #tpu.memory_space<semaphore_mem>>
    %dma_start3A_931 = tpu.memref_squeeze %dma_start3A_930 : memref<1x!tpu.dma_semaphore, #tpu.memory_space<semaphore_mem>> -> memref<!tpu.dma_semaphore, #tpu.memory_space<semaphore_mem>>
    %dma_start3A_932 = tpu.memref_slice %arg4[%add3A_927] : memref<33554432xf32, #tpu.memory_space<hbm>> -> memref<16384xf32, #tpu.memory_space<hbm>>
    tpu.enqueue_dma source(%arg7 : memref<16384xf32, #tpu.memory_space<vmem>>) target(%dma_start3A_932 : memref<16384xf32, #tpu.memory_space<hbm>>) target_semaphore(%dma_start3A_931 : memref<!tpu.dma_semaphore, #tpu.memory_space<semaphore_mem>>)
    %add3A_933 = arith.constant 524288 : i32
    %add3A_934 = arith.addi %mul3A_2, %add3A_933 : i32
    %dma_wait3A_935 = arith.constant 2 : i32
    %dma_wait3A_936 = tpu.memref_slice %arg4[%add3A_934] : memref<33554432xf32, #tpu.memory_space<hbm>> -> memref<16384xf32, #tpu.memory_space<hbm>>
    %dma_wait3A_937 = tpu.memref_slice %arg13[%dma_wait3A_935] : memref<3x!tpu.dma_semaphore, #tpu.memory_space<semaphore_mem>> -> memref<1x!tpu.dma_semaphore, #tpu.memory_space<semaphore_mem>>
    %dma_wait3A_938 = tpu.memref_squeeze %dma_wait3A_937 : memref<1x!tpu.dma_semaphore, #tpu.memory_space<semaphore_mem>> -> memref<!tpu.dma_semaphore, #tpu.memory_space<semaphore_mem>>
    %dma_wait3A_939 = tpu.memref_slice %arg4[%add3A_934] : memref<33554432xf32, #tpu.memory_space<hbm>> -> memref<16384xf32, #tpu.memory_space<hbm>>
    tpu.wait_dma2 semaphore(%dma_wait3A_938 : memref<!tpu.dma_semaphore, #tpu.memory_space<semaphore_mem>>) src(%arg7 : memref<16384xf32, #tpu.memory_space<vmem>>) dst(%dma_wait3A_939 : memref<16384xf32, #tpu.memory_space<hbm>>)
    %add3A_940 = arith.constant 573440 : i32
    %add3A_941 = arith.addi %mul3A_2, %add3A_940 : i32
    %dma_start3A_942 = arith.constant 2 : i32
    %dma_start3A_943 = tpu.memref_slice %arg2[%add3A_941] : memref<33554432xf32, #tpu.memory_space<hbm>> -> memref<16384xf32, #tpu.memory_space<hbm>>
    %dma_start3A_944 = tpu.memref_slice %arg11[%dma_start3A_942] : memref<3x!tpu.dma_semaphore, #tpu.memory_space<semaphore_mem>> -> memref<1x!tpu.dma_semaphore, #tpu.memory_space<semaphore_mem>>
    %dma_start3A_945 = tpu.memref_squeeze %dma_start3A_944 : memref<1x!tpu.dma_semaphore, #tpu.memory_space<semaphore_mem>> -> memref<!tpu.dma_semaphore, #tpu.memory_space<semaphore_mem>>
    %dma_start3A_946 = tpu.memref_slice %arg2[%add3A_941] : memref<33554432xf32, #tpu.memory_space<hbm>> -> memref<16384xf32, #tpu.memory_space<hbm>>
    tpu.enqueue_dma source(%dma_start3A_946 : memref<16384xf32, #tpu.memory_space<hbm>>) target(%arg7 : memref<16384xf32, #tpu.memory_space<vmem>>) target_semaphore(%dma_start3A_945 : memref<!tpu.dma_semaphore, #tpu.memory_space<semaphore_mem>>)
    %add3A_947 = arith.constant 540672 : i32
    %add3A_948 = arith.addi %mul3A_2, %add3A_947 : i32
    %dma_wait3A_949 = arith.constant 0 : i32
    %dma_wait3A_950 = tpu.memref_slice %arg2[%add3A_948] : memref<33554432xf32, #tpu.memory_space<hbm>> -> memref<16384xf32, #tpu.memory_space<hbm>>
    %dma_wait3A_951 = tpu.memref_slice %arg11[%dma_wait3A_949] : memref<3x!tpu.dma_semaphore, #tpu.memory_space<semaphore_mem>> -> memref<1x!tpu.dma_semaphore, #tpu.memory_space<semaphore_mem>>
    %dma_wait3A_952 = tpu.memref_squeeze %dma_wait3A_951 : memref<1x!tpu.dma_semaphore, #tpu.memory_space<semaphore_mem>> -> memref<!tpu.dma_semaphore, #tpu.memory_space<semaphore_mem>>
    %dma_wait3A_953 = tpu.memref_slice %arg2[%add3A_948] : memref<33554432xf32, #tpu.memory_space<hbm>> -> memref<16384xf32, #tpu.memory_space<hbm>>
    tpu.wait_dma2 semaphore(%dma_wait3A_952 : memref<!tpu.dma_semaphore, #tpu.memory_space<semaphore_mem>>) src(%dma_wait3A_953 : memref<16384xf32, #tpu.memory_space<hbm>>) dst(%arg5 : memref<16384xf32, #tpu.memory_space<vmem>>)
    %add3A_954 = arith.constant 540672 : i32
    %add3A_955 = arith.addi %mul3A_2, %add3A_954 : i32
    %dma_start3A_956 = arith.constant 0 : i32
    %dma_start3A_957 = tpu.memref_slice %arg4[%add3A_955] : memref<33554432xf32, #tpu.memory_space<hbm>> -> memref<16384xf32, #tpu.memory_space<hbm>>
    %dma_start3A_958 = tpu.memref_slice %arg13[%dma_start3A_956] : memref<3x!tpu.dma_semaphore, #tpu.memory_space<semaphore_mem>> -> memref<1x!tpu.dma_semaphore, #tpu.memory_space<semaphore_mem>>
    %dma_start3A_959 = tpu.memref_squeeze %dma_start3A_958 : memref<1x!tpu.dma_semaphore, #tpu.memory_space<semaphore_mem>> -> memref<!tpu.dma_semaphore, #tpu.memory_space<semaphore_mem>>
    %dma_start3A_960 = tpu.memref_slice %arg4[%add3A_955] : memref<33554432xf32, #tpu.memory_space<hbm>> -> memref<16384xf32, #tpu.memory_space<hbm>>
    tpu.enqueue_dma source(%arg5 : memref<16384xf32, #tpu.memory_space<vmem>>) target(%dma_start3A_960 : memref<16384xf32, #tpu.memory_space<hbm>>) target_semaphore(%dma_start3A_959 : memref<!tpu.dma_semaphore, #tpu.memory_space<semaphore_mem>>)
    %add3A_961 = arith.constant 540672 : i32
    %add3A_962 = arith.addi %mul3A_2, %add3A_961 : i32
    %dma_wait3A_963 = arith.constant 0 : i32
    %dma_wait3A_964 = tpu.memref_slice %arg4[%add3A_962] : memref<33554432xf32, #tpu.memory_space<hbm>> -> memref<16384xf32, #tpu.memory_space<hbm>>
    %dma_wait3A_965 = tpu.memref_slice %arg13[%dma_wait3A_963] : memref<3x!tpu.dma_semaphore, #tpu.memory_space<semaphore_mem>> -> memref<1x!tpu.dma_semaphore, #tpu.memory_space<semaphore_mem>>
    %dma_wait3A_966 = tpu.memref_squeeze %dma_wait3A_965 : memref<1x!tpu.dma_semaphore, #tpu.memory_space<semaphore_mem>> -> memref<!tpu.dma_semaphore, #tpu.memory_space<semaphore_mem>>
    %dma_wait3A_967 = tpu.memref_slice %arg4[%add3A_962] : memref<33554432xf32, #tpu.memory_space<hbm>> -> memref<16384xf32, #tpu.memory_space<hbm>>
    tpu.wait_dma2 semaphore(%dma_wait3A_966 : memref<!tpu.dma_semaphore, #tpu.memory_space<semaphore_mem>>) src(%arg5 : memref<16384xf32, #tpu.memory_space<vmem>>) dst(%dma_wait3A_967 : memref<16384xf32, #tpu.memory_space<hbm>>)
    %add3A_968 = arith.constant 589824 : i32
    %add3A_969 = arith.addi %mul3A_2, %add3A_968 : i32
    %dma_start3A_970 = arith.constant 0 : i32
    %dma_start3A_971 = tpu.memref_slice %arg2[%add3A_969] : memref<33554432xf32, #tpu.memory_space<hbm>> -> memref<16384xf32, #tpu.memory_space<hbm>>
    %dma_start3A_972 = tpu.memref_slice %arg11[%dma_start3A_970] : memref<3x!tpu.dma_semaphore, #tpu.memory_space<semaphore_mem>> -> memref<1x!tpu.dma_semaphore, #tpu.memory_space<semaphore_mem>>
    %dma_start3A_973 = tpu.memref_squeeze %dma_start3A_972 : memref<1x!tpu.dma_semaphore, #tpu.memory_space<semaphore_mem>> -> memref<!tpu.dma_semaphore, #tpu.memory_space<semaphore_mem>>
    %dma_start3A_974 = tpu.memref_slice %arg2[%add3A_969] : memref<33554432xf32, #tpu.memory_space<hbm>> -> memref<16384xf32, #tpu.memory_space<hbm>>
    tpu.enqueue_dma source(%dma_start3A_974 : memref<16384xf32, #tpu.memory_space<hbm>>) target(%arg5 : memref<16384xf32, #tpu.memory_space<vmem>>) target_semaphore(%dma_start3A_973 : memref<!tpu.dma_semaphore, #tpu.memory_space<semaphore_mem>>)
    %add3A_975 = arith.constant 557056 : i32
    %add3A_976 = arith.addi %mul3A_2, %add3A_975 : i32
    %dma_wait3A_977 = arith.constant 1 : i32
    %dma_wait3A_978 = tpu.memref_slice %arg2[%add3A_976] : memref<33554432xf32, #tpu.memory_space<hbm>> -> memref<16384xf32, #tpu.memory_space<hbm>>
    %dma_wait3A_979 = tpu.memref_slice %arg11[%dma_wait3A_977] : memref<3x!tpu.dma_semaphore, #tpu.memory_space<semaphore_mem>> -> memref<1x!tpu.dma_semaphore, #tpu.memory_space<semaphore_mem>>
    %dma_wait3A_980 = tpu.memref_squeeze %dma_wait3A_979 : memref<1x!tpu.dma_semaphore, #tpu.memory_space<semaphore_mem>> -> memref<!tpu.dma_semaphore, #tpu.memory_space<semaphore_mem>>
    %dma_wait3A_981 = tpu.memref_slice %arg2[%add3A_976] : memref<33554432xf32, #tpu.memory_space<hbm>> -> memref<16384xf32, #tpu.memory_space<hbm>>
    tpu.wait_dma2 semaphore(%dma_wait3A_980 : memref<!tpu.dma_semaphore, #tpu.memory_space<semaphore_mem>>) src(%dma_wait3A_981 : memref<16384xf32, #tpu.memory_space<hbm>>) dst(%arg6 : memref<16384xf32, #tpu.memory_space<vmem>>)
    %add3A_982 = arith.constant 557056 : i32
    %add3A_983 = arith.addi %mul3A_2, %add3A_982 : i32
    %dma_start3A_984 = arith.constant 1 : i32
    %dma_start3A_985 = tpu.memref_slice %arg4[%add3A_983] : memref<33554432xf32, #tpu.memory_space<hbm>> -> memref<16384xf32, #tpu.memory_space<hbm>>
    %dma_start3A_986 = tpu.memref_slice %arg13[%dma_start3A_984] : memref<3x!tpu.dma_semaphore, #tpu.memory_space<semaphore_mem>> -> memref<1x!tpu.dma_semaphore, #tpu.memory_space<semaphore_mem>>
    %dma_start3A_987 = tpu.memref_squeeze %dma_start3A_986 : memref<1x!tpu.dma_semaphore, #tpu.memory_space<semaphore_mem>> -> memref<!tpu.dma_semaphore, #tpu.memory_space<semaphore_mem>>
    %dma_start3A_988 = tpu.memref_slice %arg4[%add3A_983] : memref<33554432xf32, #tpu.memory_space<hbm>> -> memref<16384xf32, #tpu.memory_space<hbm>>
    tpu.enqueue_dma source(%arg6 : memref<16384xf32, #tpu.memory_space<vmem>>) target(%dma_start3A_988 : memref<16384xf32, #tpu.memory_space<hbm>>) target_semaphore(%dma_start3A_987 : memref<!tpu.dma_semaphore, #tpu.memory_space<semaphore_mem>>)
    %add3A_989 = arith.constant 557056 : i32
    %add3A_990 = arith.addi %mul3A_2, %add3A_989 : i32
    %dma_wait3A_991 = arith.constant 1 : i32
    %dma_wait3A_992 = tpu.memref_slice %arg4[%add3A_990] : memref<33554432xf32, #tpu.memory_space<hbm>> -> memref<16384xf32, #tpu.memory_space<hbm>>
    %dma_wait3A_993 = tpu.memref_slice %arg13[%dma_wait3A_991] : memref<3x!tpu.dma_semaphore, #tpu.memory_space<semaphore_mem>> -> memref<1x!tpu.dma_semaphore, #tpu.memory_space<semaphore_mem>>
    %dma_wait3A_994 = tpu.memref_squeeze %dma_wait3A_993 : memref<1x!tpu.dma_semaphore, #tpu.memory_space<semaphore_mem>> -> memref<!tpu.dma_semaphore, #tpu.memory_space<semaphore_mem>>
    %dma_wait3A_995 = tpu.memref_slice %arg4[%add3A_990] : memref<33554432xf32, #tpu.memory_space<hbm>> -> memref<16384xf32, #tpu.memory_space<hbm>>
    tpu.wait_dma2 semaphore(%dma_wait3A_994 : memref<!tpu.dma_semaphore, #tpu.memory_space<semaphore_mem>>) src(%arg6 : memref<16384xf32, #tpu.memory_space<vmem>>) dst(%dma_wait3A_995 : memref<16384xf32, #tpu.memory_space<hbm>>)
    %add3A_996 = arith.constant 606208 : i32
    %add3A_997 = arith.addi %mul3A_2, %add3A_996 : i32
    %dma_start3A_998 = arith.constant 1 : i32
    %dma_start3A_999 = tpu.memref_slice %arg2[%add3A_997] : memref<33554432xf32, #tpu.memory_space<hbm>> -> memref<16384xf32, #tpu.memory_space<hbm>>
    %dma_start3A_1000 = tpu.memref_slice %arg11[%dma_start3A_998] : memref<3x!tpu.dma_semaphore, #tpu.memory_space<semaphore_mem>> -> memref<1x!tpu.dma_semaphore, #tpu.memory_space<semaphore_mem>>
    %dma_start3A_1001 = tpu.memref_squeeze %dma_start3A_1000 : memref<1x!tpu.dma_semaphore, #tpu.memory_space<semaphore_mem>> -> memref<!tpu.dma_semaphore, #tpu.memory_space<semaphore_mem>>
    %dma_start3A_1002 = tpu.memref_slice %arg2[%add3A_997] : memref<33554432xf32, #tpu.memory_space<hbm>> -> memref<16384xf32, #tpu.memory_space<hbm>>
    tpu.enqueue_dma source(%dma_start3A_1002 : memref<16384xf32, #tpu.memory_space<hbm>>) target(%arg6 : memref<16384xf32, #tpu.memory_space<vmem>>) target_semaphore(%dma_start3A_1001 : memref<!tpu.dma_semaphore, #tpu.memory_space<semaphore_mem>>)
    %add3A_1003 = arith.constant 573440 : i32
    %add3A_1004 = arith.addi %mul3A_2, %add3A_1003 : i32
    %dma_wait3A_1005 = arith.constant 2 : i32
    %dma_wait3A_1006 = tpu.memref_slice %arg2[%add3A_1004] : memref<33554432xf32, #tpu.memory_space<hbm>> -> memref<16384xf32, #tpu.memory_space<hbm>>
    %dma_wait3A_1007 = tpu.memref_slice %arg11[%dma_wait3A_1005] : memref<3x!tpu.dma_semaphore, #tpu.memory_space<semaphore_mem>> -> memref<1x!tpu.dma_semaphore, #tpu.memory_space<semaphore_mem>>
    %dma_wait3A_1008 = tpu.memref_squeeze %dma_wait3A_1007 : memref<1x!tpu.dma_semaphore, #tpu.memory_space<semaphore_mem>> -> memref<!tpu.dma_semaphore, #tpu.memory_space<semaphore_mem>>
    %dma_wait3A_1009 = tpu.memref_slice %arg2[%add3A_1004] : memref<33554432xf32, #tpu.memory_space<hbm>> -> memref<16384xf32, #tpu.memory_space<hbm>>
    tpu.wait_dma2 semaphore(%dma_wait3A_1008 : memref<!tpu.dma_semaphore, #tpu.memory_space<semaphore_mem>>) src(%dma_wait3A_1009 : memref<16384xf32, #tpu.memory_space<hbm>>) dst(%arg7 : memref<16384xf32, #tpu.memory_space<vmem>>)
    %add3A_1010 = arith.constant 573440 : i32
    %add3A_1011 = arith.addi %mul3A_2, %add3A_1010 : i32
    %dma_start3A_1012 = arith.constant 2 : i32
    %dma_start3A_1013 = tpu.memref_slice %arg4[%add3A_1011] : memref<33554432xf32, #tpu.memory_space<hbm>> -> memref<16384xf32, #tpu.memory_space<hbm>>
    %dma_start3A_1014 = tpu.memref_slice %arg13[%dma_start3A_1012] : memref<3x!tpu.dma_semaphore, #tpu.memory_space<semaphore_mem>> -> memref<1x!tpu.dma_semaphore, #tpu.memory_space<semaphore_mem>>
    %dma_start3A_1015 = tpu.memref_squeeze %dma_start3A_1014 : memref<1x!tpu.dma_semaphore, #tpu.memory_space<semaphore_mem>> -> memref<!tpu.dma_semaphore, #tpu.memory_space<semaphore_mem>>
    %dma_start3A_1016 = tpu.memref_slice %arg4[%add3A_1011] : memref<33554432xf32, #tpu.memory_space<hbm>> -> memref<16384xf32, #tpu.memory_space<hbm>>
    tpu.enqueue_dma source(%arg7 : memref<16384xf32, #tpu.memory_space<vmem>>) target(%dma_start3A_1016 : memref<16384xf32, #tpu.memory_space<hbm>>) target_semaphore(%dma_start3A_1015 : memref<!tpu.dma_semaphore, #tpu.memory_space<semaphore_mem>>)
    %add3A_1017 = arith.constant 573440 : i32
    %add3A_1018 = arith.addi %mul3A_2, %add3A_1017 : i32
    %dma_wait3A_1019 = arith.constant 2 : i32
    %dma_wait3A_1020 = tpu.memref_slice %arg4[%add3A_1018] : memref<33554432xf32, #tpu.memory_space<hbm>> -> memref<16384xf32, #tpu.memory_space<hbm>>
    %dma_wait3A_1021 = tpu.memref_slice %arg13[%dma_wait3A_1019] : memref<3x!tpu.dma_semaphore, #tpu.memory_space<semaphore_mem>> -> memref<1x!tpu.dma_semaphore, #tpu.memory_space<semaphore_mem>>
    %dma_wait3A_1022 = tpu.memref_squeeze %dma_wait3A_1021 : memref<1x!tpu.dma_semaphore, #tpu.memory_space<semaphore_mem>> -> memref<!tpu.dma_semaphore, #tpu.memory_space<semaphore_mem>>
    %dma_wait3A_1023 = tpu.memref_slice %arg4[%add3A_1018] : memref<33554432xf32, #tpu.memory_space<hbm>> -> memref<16384xf32, #tpu.memory_space<hbm>>
    tpu.wait_dma2 semaphore(%dma_wait3A_1022 : memref<!tpu.dma_semaphore, #tpu.memory_space<semaphore_mem>>) src(%arg7 : memref<16384xf32, #tpu.memory_space<vmem>>) dst(%dma_wait3A_1023 : memref<16384xf32, #tpu.memory_space<hbm>>)
    %add3A_1024 = arith.constant 622592 : i32
    %add3A_1025 = arith.addi %mul3A_2, %add3A_1024 : i32
    %dma_start3A_1026 = arith.constant 2 : i32
    %dma_start3A_1027 = tpu.memref_slice %arg2[%add3A_1025] : memref<33554432xf32, #tpu.memory_space<hbm>> -> memref<16384xf32, #tpu.memory_space<hbm>>
    %dma_start3A_1028 = tpu.memref_slice %arg11[%dma_start3A_1026] : memref<3x!tpu.dma_semaphore, #tpu.memory_space<semaphore_mem>> -> memref<1x!tpu.dma_semaphore, #tpu.memory_space<semaphore_mem>>
    %dma_start3A_1029 = tpu.memref_squeeze %dma_start3A_1028 : memref<1x!tpu.dma_semaphore, #tpu.memory_space<semaphore_mem>> -> memref<!tpu.dma_semaphore, #tpu.memory_space<semaphore_mem>>
    %dma_start3A_1030 = tpu.memref_slice %arg2[%add3A_1025] : memref<33554432xf32, #tpu.memory_space<hbm>> -> memref<16384xf32, #tpu.memory_space<hbm>>
    tpu.enqueue_dma source(%dma_start3A_1030 : memref<16384xf32, #tpu.memory_space<hbm>>) target(%arg7 : memref<16384xf32, #tpu.memory_space<vmem>>) target_semaphore(%dma_start3A_1029 : memref<!tpu.dma_semaphore, #tpu.memory_space<semaphore_mem>>)
    %add3A_1031 = arith.constant 589824 : i32
    %add3A_1032 = arith.addi %mul3A_2, %add3A_1031 : i32
    %dma_wait3A_1033 = arith.constant 0 : i32
    %dma_wait3A_1034 = tpu.memref_slice %arg2[%add3A_1032] : memref<33554432xf32, #tpu.memory_space<hbm>> -> memref<16384xf32, #tpu.memory_space<hbm>>
    %dma_wait3A_1035 = tpu.memref_slice %arg11[%dma_wait3A_1033] : memref<3x!tpu.dma_semaphore, #tpu.memory_space<semaphore_mem>> -> memref<1x!tpu.dma_semaphore, #tpu.memory_space<semaphore_mem>>
    %dma_wait3A_1036 = tpu.memref_squeeze %dma_wait3A_1035 : memref<1x!tpu.dma_semaphore, #tpu.memory_space<semaphore_mem>> -> memref<!tpu.dma_semaphore, #tpu.memory_space<semaphore_mem>>
    %dma_wait3A_1037 = tpu.memref_slice %arg2[%add3A_1032] : memref<33554432xf32, #tpu.memory_space<hbm>> -> memref<16384xf32, #tpu.memory_space<hbm>>
    tpu.wait_dma2 semaphore(%dma_wait3A_1036 : memref<!tpu.dma_semaphore, #tpu.memory_space<semaphore_mem>>) src(%dma_wait3A_1037 : memref<16384xf32, #tpu.memory_space<hbm>>) dst(%arg5 : memref<16384xf32, #tpu.memory_space<vmem>>)
    %add3A_1038 = arith.constant 589824 : i32
    %add3A_1039 = arith.addi %mul3A_2, %add3A_1038 : i32
    %dma_start3A_1040 = arith.constant 0 : i32
    %dma_start3A_1041 = tpu.memref_slice %arg4[%add3A_1039] : memref<33554432xf32, #tpu.memory_space<hbm>> -> memref<16384xf32, #tpu.memory_space<hbm>>
    %dma_start3A_1042 = tpu.memref_slice %arg13[%dma_start3A_1040] : memref<3x!tpu.dma_semaphore, #tpu.memory_space<semaphore_mem>> -> memref<1x!tpu.dma_semaphore, #tpu.memory_space<semaphore_mem>>
    %dma_start3A_1043 = tpu.memref_squeeze %dma_start3A_1042 : memref<1x!tpu.dma_semaphore, #tpu.memory_space<semaphore_mem>> -> memref<!tpu.dma_semaphore, #tpu.memory_space<semaphore_mem>>
    %dma_start3A_1044 = tpu.memref_slice %arg4[%add3A_1039] : memref<33554432xf32, #tpu.memory_space<hbm>> -> memref<16384xf32, #tpu.memory_space<hbm>>
    tpu.enqueue_dma source(%arg5 : memref<16384xf32, #tpu.memory_space<vmem>>) target(%dma_start3A_1044 : memref<16384xf32, #tpu.memory_space<hbm>>) target_semaphore(%dma_start3A_1043 : memref<!tpu.dma_semaphore, #tpu.memory_space<semaphore_mem>>)
    %add3A_1045 = arith.constant 589824 : i32
    %add3A_1046 = arith.addi %mul3A_2, %add3A_1045 : i32
    %dma_wait3A_1047 = arith.constant 0 : i32
    %dma_wait3A_1048 = tpu.memref_slice %arg4[%add3A_1046] : memref<33554432xf32, #tpu.memory_space<hbm>> -> memref<16384xf32, #tpu.memory_space<hbm>>
    %dma_wait3A_1049 = tpu.memref_slice %arg13[%dma_wait3A_1047] : memref<3x!tpu.dma_semaphore, #tpu.memory_space<semaphore_mem>> -> memref<1x!tpu.dma_semaphore, #tpu.memory_space<semaphore_mem>>
    %dma_wait3A_1050 = tpu.memref_squeeze %dma_wait3A_1049 : memref<1x!tpu.dma_semaphore, #tpu.memory_space<semaphore_mem>> -> memref<!tpu.dma_semaphore, #tpu.memory_space<semaphore_mem>>
    %dma_wait3A_1051 = tpu.memref_slice %arg4[%add3A_1046] : memref<33554432xf32, #tpu.memory_space<hbm>> -> memref<16384xf32, #tpu.memory_space<hbm>>
    tpu.wait_dma2 semaphore(%dma_wait3A_1050 : memref<!tpu.dma_semaphore, #tpu.memory_space<semaphore_mem>>) src(%arg5 : memref<16384xf32, #tpu.memory_space<vmem>>) dst(%dma_wait3A_1051 : memref<16384xf32, #tpu.memory_space<hbm>>)
    %add3A_1052 = arith.constant 638976 : i32
    %add3A_1053 = arith.addi %mul3A_2, %add3A_1052 : i32
    %dma_start3A_1054 = arith.constant 0 : i32
    %dma_start3A_1055 = tpu.memref_slice %arg2[%add3A_1053] : memref<33554432xf32, #tpu.memory_space<hbm>> -> memref<16384xf32, #tpu.memory_space<hbm>>
    %dma_start3A_1056 = tpu.memref_slice %arg11[%dma_start3A_1054] : memref<3x!tpu.dma_semaphore, #tpu.memory_space<semaphore_mem>> -> memref<1x!tpu.dma_semaphore, #tpu.memory_space<semaphore_mem>>
    %dma_start3A_1057 = tpu.memref_squeeze %dma_start3A_1056 : memref<1x!tpu.dma_semaphore, #tpu.memory_space<semaphore_mem>> -> memref<!tpu.dma_semaphore, #tpu.memory_space<semaphore_mem>>
    %dma_start3A_1058 = tpu.memref_slice %arg2[%add3A_1053] : memref<33554432xf32, #tpu.memory_space<hbm>> -> memref<16384xf32, #tpu.memory_space<hbm>>
    tpu.enqueue_dma source(%dma_start3A_1058 : memref<16384xf32, #tpu.memory_space<hbm>>) target(%arg5 : memref<16384xf32, #tpu.memory_space<vmem>>) target_semaphore(%dma_start3A_1057 : memref<!tpu.dma_semaphore, #tpu.memory_space<semaphore_mem>>)
    %add3A_1059 = arith.constant 606208 : i32
    %add3A_1060 = arith.addi %mul3A_2, %add3A_1059 : i32
    %dma_wait3A_1061 = arith.constant 1 : i32
    %dma_wait3A_1062 = tpu.memref_slice %arg2[%add3A_1060] : memref<33554432xf32, #tpu.memory_space<hbm>> -> memref<16384xf32, #tpu.memory_space<hbm>>
    %dma_wait3A_1063 = tpu.memref_slice %arg11[%dma_wait3A_1061] : memref<3x!tpu.dma_semaphore, #tpu.memory_space<semaphore_mem>> -> memref<1x!tpu.dma_semaphore, #tpu.memory_space<semaphore_mem>>
    %dma_wait3A_1064 = tpu.memref_squeeze %dma_wait3A_1063 : memref<1x!tpu.dma_semaphore, #tpu.memory_space<semaphore_mem>> -> memref<!tpu.dma_semaphore, #tpu.memory_space<semaphore_mem>>
    %dma_wait3A_1065 = tpu.memref_slice %arg2[%add3A_1060] : memref<33554432xf32, #tpu.memory_space<hbm>> -> memref<16384xf32, #tpu.memory_space<hbm>>
    tpu.wait_dma2 semaphore(%dma_wait3A_1064 : memref<!tpu.dma_semaphore, #tpu.memory_space<semaphore_mem>>) src(%dma_wait3A_1065 : memref<16384xf32, #tpu.memory_space<hbm>>) dst(%arg6 : memref<16384xf32, #tpu.memory_space<vmem>>)
    %add3A_1066 = arith.constant 606208 : i32
    %add3A_1067 = arith.addi %mul3A_2, %add3A_1066 : i32
    %dma_start3A_1068 = arith.constant 1 : i32
    %dma_start3A_1069 = tpu.memref_slice %arg4[%add3A_1067] : memref<33554432xf32, #tpu.memory_space<hbm>> -> memref<16384xf32, #tpu.memory_space<hbm>>
    %dma_start3A_1070 = tpu.memref_slice %arg13[%dma_start3A_1068] : memref<3x!tpu.dma_semaphore, #tpu.memory_space<semaphore_mem>> -> memref<1x!tpu.dma_semaphore, #tpu.memory_space<semaphore_mem>>
    %dma_start3A_1071 = tpu.memref_squeeze %dma_start3A_1070 : memref<1x!tpu.dma_semaphore, #tpu.memory_space<semaphore_mem>> -> memref<!tpu.dma_semaphore, #tpu.memory_space<semaphore_mem>>
    %dma_start3A_1072 = tpu.memref_slice %arg4[%add3A_1067] : memref<33554432xf32, #tpu.memory_space<hbm>> -> memref<16384xf32, #tpu.memory_space<hbm>>
    tpu.enqueue_dma source(%arg6 : memref<16384xf32, #tpu.memory_space<vmem>>) target(%dma_start3A_1072 : memref<16384xf32, #tpu.memory_space<hbm>>) target_semaphore(%dma_start3A_1071 : memref<!tpu.dma_semaphore, #tpu.memory_space<semaphore_mem>>)
    %add3A_1073 = arith.constant 606208 : i32
    %add3A_1074 = arith.addi %mul3A_2, %add3A_1073 : i32
    %dma_wait3A_1075 = arith.constant 1 : i32
    %dma_wait3A_1076 = tpu.memref_slice %arg4[%add3A_1074] : memref<33554432xf32, #tpu.memory_space<hbm>> -> memref<16384xf32, #tpu.memory_space<hbm>>
    %dma_wait3A_1077 = tpu.memref_slice %arg13[%dma_wait3A_1075] : memref<3x!tpu.dma_semaphore, #tpu.memory_space<semaphore_mem>> -> memref<1x!tpu.dma_semaphore, #tpu.memory_space<semaphore_mem>>
    %dma_wait3A_1078 = tpu.memref_squeeze %dma_wait3A_1077 : memref<1x!tpu.dma_semaphore, #tpu.memory_space<semaphore_mem>> -> memref<!tpu.dma_semaphore, #tpu.memory_space<semaphore_mem>>
    %dma_wait3A_1079 = tpu.memref_slice %arg4[%add3A_1074] : memref<33554432xf32, #tpu.memory_space<hbm>> -> memref<16384xf32, #tpu.memory_space<hbm>>
    tpu.wait_dma2 semaphore(%dma_wait3A_1078 : memref<!tpu.dma_semaphore, #tpu.memory_space<semaphore_mem>>) src(%arg6 : memref<16384xf32, #tpu.memory_space<vmem>>) dst(%dma_wait3A_1079 : memref<16384xf32, #tpu.memory_space<hbm>>)
    %add3A_1080 = arith.constant 655360 : i32
    %add3A_1081 = arith.addi %mul3A_2, %add3A_1080 : i32
    %dma_start3A_1082 = arith.constant 1 : i32
    %dma_start3A_1083 = tpu.memref_slice %arg2[%add3A_1081] : memref<33554432xf32, #tpu.memory_space<hbm>> -> memref<16384xf32, #tpu.memory_space<hbm>>
    %dma_start3A_1084 = tpu.memref_slice %arg11[%dma_start3A_1082] : memref<3x!tpu.dma_semaphore, #tpu.memory_space<semaphore_mem>> -> memref<1x!tpu.dma_semaphore, #tpu.memory_space<semaphore_mem>>
    %dma_start3A_1085 = tpu.memref_squeeze %dma_start3A_1084 : memref<1x!tpu.dma_semaphore, #tpu.memory_space<semaphore_mem>> -> memref<!tpu.dma_semaphore, #tpu.memory_space<semaphore_mem>>
    %dma_start3A_1086 = tpu.memref_slice %arg2[%add3A_1081] : memref<33554432xf32, #tpu.memory_space<hbm>> -> memref<16384xf32, #tpu.memory_space<hbm>>
    tpu.enqueue_dma source(%dma_start3A_1086 : memref<16384xf32, #tpu.memory_space<hbm>>) target(%arg6 : memref<16384xf32, #tpu.memory_space<vmem>>) target_semaphore(%dma_start3A_1085 : memref<!tpu.dma_semaphore, #tpu.memory_space<semaphore_mem>>)
    %add3A_1087 = arith.constant 622592 : i32
    %add3A_1088 = arith.addi %mul3A_2, %add3A_1087 : i32
    %dma_wait3A_1089 = arith.constant 2 : i32
    %dma_wait3A_1090 = tpu.memref_slice %arg2[%add3A_1088] : memref<33554432xf32, #tpu.memory_space<hbm>> -> memref<16384xf32, #tpu.memory_space<hbm>>
    %dma_wait3A_1091 = tpu.memref_slice %arg11[%dma_wait3A_1089] : memref<3x!tpu.dma_semaphore, #tpu.memory_space<semaphore_mem>> -> memref<1x!tpu.dma_semaphore, #tpu.memory_space<semaphore_mem>>
    %dma_wait3A_1092 = tpu.memref_squeeze %dma_wait3A_1091 : memref<1x!tpu.dma_semaphore, #tpu.memory_space<semaphore_mem>> -> memref<!tpu.dma_semaphore, #tpu.memory_space<semaphore_mem>>
    %dma_wait3A_1093 = tpu.memref_slice %arg2[%add3A_1088] : memref<33554432xf32, #tpu.memory_space<hbm>> -> memref<16384xf32, #tpu.memory_space<hbm>>
    tpu.wait_dma2 semaphore(%dma_wait3A_1092 : memref<!tpu.dma_semaphore, #tpu.memory_space<semaphore_mem>>) src(%dma_wait3A_1093 : memref<16384xf32, #tpu.memory_space<hbm>>) dst(%arg7 : memref<16384xf32, #tpu.memory_space<vmem>>)
    %add3A_1094 = arith.constant 622592 : i32
    %add3A_1095 = arith.addi %mul3A_2, %add3A_1094 : i32
    %dma_start3A_1096 = arith.constant 2 : i32
    %dma_start3A_1097 = tpu.memref_slice %arg4[%add3A_1095] : memref<33554432xf32, #tpu.memory_space<hbm>> -> memref<16384xf32, #tpu.memory_space<hbm>>
    %dma_start3A_1098 = tpu.memref_slice %arg13[%dma_start3A_1096] : memref<3x!tpu.dma_semaphore, #tpu.memory_space<semaphore_mem>> -> memref<1x!tpu.dma_semaphore, #tpu.memory_space<semaphore_mem>>
    %dma_start3A_1099 = tpu.memref_squeeze %dma_start3A_1098 : memref<1x!tpu.dma_semaphore, #tpu.memory_space<semaphore_mem>> -> memref<!tpu.dma_semaphore, #tpu.memory_space<semaphore_mem>>
    %dma_start3A_1100 = tpu.memref_slice %arg4[%add3A_1095] : memref<33554432xf32, #tpu.memory_space<hbm>> -> memref<16384xf32, #tpu.memory_space<hbm>>
    tpu.enqueue_dma source(%arg7 : memref<16384xf32, #tpu.memory_space<vmem>>) target(%dma_start3A_1100 : memref<16384xf32, #tpu.memory_space<hbm>>) target_semaphore(%dma_start3A_1099 : memref<!tpu.dma_semaphore, #tpu.memory_space<semaphore_mem>>)
    %add3A_1101 = arith.constant 622592 : i32
    %add3A_1102 = arith.addi %mul3A_2, %add3A_1101 : i32
    %dma_wait3A_1103 = arith.constant 2 : i32
    %dma_wait3A_1104 = tpu.memref_slice %arg4[%add3A_1102] : memref<33554432xf32, #tpu.memory_space<hbm>> -> memref<16384xf32, #tpu.memory_space<hbm>>
    %dma_wait3A_1105 = tpu.memref_slice %arg13[%dma_wait3A_1103] : memref<3x!tpu.dma_semaphore, #tpu.memory_space<semaphore_mem>> -> memref<1x!tpu.dma_semaphore, #tpu.memory_space<semaphore_mem>>
    %dma_wait3A_1106 = tpu.memref_squeeze %dma_wait3A_1105 : memref<1x!tpu.dma_semaphore, #tpu.memory_space<semaphore_mem>> -> memref<!tpu.dma_semaphore, #tpu.memory_space<semaphore_mem>>
    %dma_wait3A_1107 = tpu.memref_slice %arg4[%add3A_1102] : memref<33554432xf32, #tpu.memory_space<hbm>> -> memref<16384xf32, #tpu.memory_space<hbm>>
    tpu.wait_dma2 semaphore(%dma_wait3A_1106 : memref<!tpu.dma_semaphore, #tpu.memory_space<semaphore_mem>>) src(%arg7 : memref<16384xf32, #tpu.memory_space<vmem>>) dst(%dma_wait3A_1107 : memref<16384xf32, #tpu.memory_space<hbm>>)
    %add3A_1108 = arith.constant 671744 : i32
    %add3A_1109 = arith.addi %mul3A_2, %add3A_1108 : i32
    %dma_start3A_1110 = arith.constant 2 : i32
    %dma_start3A_1111 = tpu.memref_slice %arg2[%add3A_1109] : memref<33554432xf32, #tpu.memory_space<hbm>> -> memref<16384xf32, #tpu.memory_space<hbm>>
    %dma_start3A_1112 = tpu.memref_slice %arg11[%dma_start3A_1110] : memref<3x!tpu.dma_semaphore, #tpu.memory_space<semaphore_mem>> -> memref<1x!tpu.dma_semaphore, #tpu.memory_space<semaphore_mem>>
    %dma_start3A_1113 = tpu.memref_squeeze %dma_start3A_1112 : memref<1x!tpu.dma_semaphore, #tpu.memory_space<semaphore_mem>> -> memref<!tpu.dma_semaphore, #tpu.memory_space<semaphore_mem>>
    %dma_start3A_1114 = tpu.memref_slice %arg2[%add3A_1109] : memref<33554432xf32, #tpu.memory_space<hbm>> -> memref<16384xf32, #tpu.memory_space<hbm>>
    tpu.enqueue_dma source(%dma_start3A_1114 : memref<16384xf32, #tpu.memory_space<hbm>>) target(%arg7 : memref<16384xf32, #tpu.memory_space<vmem>>) target_semaphore(%dma_start3A_1113 : memref<!tpu.dma_semaphore, #tpu.memory_space<semaphore_mem>>)
    %add3A_1115 = arith.constant 638976 : i32
    %add3A_1116 = arith.addi %mul3A_2, %add3A_1115 : i32
    %dma_wait3A_1117 = arith.constant 0 : i32
    %dma_wait3A_1118 = tpu.memref_slice %arg2[%add3A_1116] : memref<33554432xf32, #tpu.memory_space<hbm>> -> memref<16384xf32, #tpu.memory_space<hbm>>
    %dma_wait3A_1119 = tpu.memref_slice %arg11[%dma_wait3A_1117] : memref<3x!tpu.dma_semaphore, #tpu.memory_space<semaphore_mem>> -> memref<1x!tpu.dma_semaphore, #tpu.memory_space<semaphore_mem>>
    %dma_wait3A_1120 = tpu.memref_squeeze %dma_wait3A_1119 : memref<1x!tpu.dma_semaphore, #tpu.memory_space<semaphore_mem>> -> memref<!tpu.dma_semaphore, #tpu.memory_space<semaphore_mem>>
    %dma_wait3A_1121 = tpu.memref_slice %arg2[%add3A_1116] : memref<33554432xf32, #tpu.memory_space<hbm>> -> memref<16384xf32, #tpu.memory_space<hbm>>
    tpu.wait_dma2 semaphore(%dma_wait3A_1120 : memref<!tpu.dma_semaphore, #tpu.memory_space<semaphore_mem>>) src(%dma_wait3A_1121 : memref<16384xf32, #tpu.memory_space<hbm>>) dst(%arg5 : memref<16384xf32, #tpu.memory_space<vmem>>)
    %add3A_1122 = arith.constant 638976 : i32
    %add3A_1123 = arith.addi %mul3A_2, %add3A_1122 : i32
    %dma_start3A_1124 = arith.constant 0 : i32
    %dma_start3A_1125 = tpu.memref_slice %arg4[%add3A_1123] : memref<33554432xf32, #tpu.memory_space<hbm>> -> memref<16384xf32, #tpu.memory_space<hbm>>
    %dma_start3A_1126 = tpu.memref_slice %arg13[%dma_start3A_1124] : memref<3x!tpu.dma_semaphore, #tpu.memory_space<semaphore_mem>> -> memref<1x!tpu.dma_semaphore, #tpu.memory_space<semaphore_mem>>
    %dma_start3A_1127 = tpu.memref_squeeze %dma_start3A_1126 : memref<1x!tpu.dma_semaphore, #tpu.memory_space<semaphore_mem>> -> memref<!tpu.dma_semaphore, #tpu.memory_space<semaphore_mem>>
    %dma_start3A_1128 = tpu.memref_slice %arg4[%add3A_1123] : memref<33554432xf32, #tpu.memory_space<hbm>> -> memref<16384xf32, #tpu.memory_space<hbm>>
    tpu.enqueue_dma source(%arg5 : memref<16384xf32, #tpu.memory_space<vmem>>) target(%dma_start3A_1128 : memref<16384xf32, #tpu.memory_space<hbm>>) target_semaphore(%dma_start3A_1127 : memref<!tpu.dma_semaphore, #tpu.memory_space<semaphore_mem>>)
    %add3A_1129 = arith.constant 638976 : i32
    %add3A_1130 = arith.addi %mul3A_2, %add3A_1129 : i32
    %dma_wait3A_1131 = arith.constant 0 : i32
    %dma_wait3A_1132 = tpu.memref_slice %arg4[%add3A_1130] : memref<33554432xf32, #tpu.memory_space<hbm>> -> memref<16384xf32, #tpu.memory_space<hbm>>
    %dma_wait3A_1133 = tpu.memref_slice %arg13[%dma_wait3A_1131] : memref<3x!tpu.dma_semaphore, #tpu.memory_space<semaphore_mem>> -> memref<1x!tpu.dma_semaphore, #tpu.memory_space<semaphore_mem>>
    %dma_wait3A_1134 = tpu.memref_squeeze %dma_wait3A_1133 : memref<1x!tpu.dma_semaphore, #tpu.memory_space<semaphore_mem>> -> memref<!tpu.dma_semaphore, #tpu.memory_space<semaphore_mem>>
    %dma_wait3A_1135 = tpu.memref_slice %arg4[%add3A_1130] : memref<33554432xf32, #tpu.memory_space<hbm>> -> memref<16384xf32, #tpu.memory_space<hbm>>
    tpu.wait_dma2 semaphore(%dma_wait3A_1134 : memref<!tpu.dma_semaphore, #tpu.memory_space<semaphore_mem>>) src(%arg5 : memref<16384xf32, #tpu.memory_space<vmem>>) dst(%dma_wait3A_1135 : memref<16384xf32, #tpu.memory_space<hbm>>)
    %add3A_1136 = arith.constant 688128 : i32
    %add3A_1137 = arith.addi %mul3A_2, %add3A_1136 : i32
    %dma_start3A_1138 = arith.constant 0 : i32
    %dma_start3A_1139 = tpu.memref_slice %arg2[%add3A_1137] : memref<33554432xf32, #tpu.memory_space<hbm>> -> memref<16384xf32, #tpu.memory_space<hbm>>
    %dma_start3A_1140 = tpu.memref_slice %arg11[%dma_start3A_1138] : memref<3x!tpu.dma_semaphore, #tpu.memory_space<semaphore_mem>> -> memref<1x!tpu.dma_semaphore, #tpu.memory_space<semaphore_mem>>
    %dma_start3A_1141 = tpu.memref_squeeze %dma_start3A_1140 : memref<1x!tpu.dma_semaphore, #tpu.memory_space<semaphore_mem>> -> memref<!tpu.dma_semaphore, #tpu.memory_space<semaphore_mem>>
    %dma_start3A_1142 = tpu.memref_slice %arg2[%add3A_1137] : memref<33554432xf32, #tpu.memory_space<hbm>> -> memref<16384xf32, #tpu.memory_space<hbm>>
    tpu.enqueue_dma source(%dma_start3A_1142 : memref<16384xf32, #tpu.memory_space<hbm>>) target(%arg5 : memref<16384xf32, #tpu.memory_space<vmem>>) target_semaphore(%dma_start3A_1141 : memref<!tpu.dma_semaphore, #tpu.memory_space<semaphore_mem>>)
    %add3A_1143 = arith.constant 655360 : i32
    %add3A_1144 = arith.addi %mul3A_2, %add3A_1143 : i32
    %dma_wait3A_1145 = arith.constant 1 : i32
    %dma_wait3A_1146 = tpu.memref_slice %arg2[%add3A_1144] : memref<33554432xf32, #tpu.memory_space<hbm>> -> memref<16384xf32, #tpu.memory_space<hbm>>
    %dma_wait3A_1147 = tpu.memref_slice %arg11[%dma_wait3A_1145] : memref<3x!tpu.dma_semaphore, #tpu.memory_space<semaphore_mem>> -> memref<1x!tpu.dma_semaphore, #tpu.memory_space<semaphore_mem>>
    %dma_wait3A_1148 = tpu.memref_squeeze %dma_wait3A_1147 : memref<1x!tpu.dma_semaphore, #tpu.memory_space<semaphore_mem>> -> memref<!tpu.dma_semaphore, #tpu.memory_space<semaphore_mem>>
    %dma_wait3A_1149 = tpu.memref_slice %arg2[%add3A_1144] : memref<33554432xf32, #tpu.memory_space<hbm>> -> memref<16384xf32, #tpu.memory_space<hbm>>
    tpu.wait_dma2 semaphore(%dma_wait3A_1148 : memref<!tpu.dma_semaphore, #tpu.memory_space<semaphore_mem>>) src(%dma_wait3A_1149 : memref<16384xf32, #tpu.memory_space<hbm>>) dst(%arg6 : memref<16384xf32, #tpu.memory_space<vmem>>)
    %add3A_1150 = arith.constant 655360 : i32
    %add3A_1151 = arith.addi %mul3A_2, %add3A_1150 : i32
    %dma_start3A_1152 = arith.constant 1 : i32
    %dma_start3A_1153 = tpu.memref_slice %arg4[%add3A_1151] : memref<33554432xf32, #tpu.memory_space<hbm>> -> memref<16384xf32, #tpu.memory_space<hbm>>
    %dma_start3A_1154 = tpu.memref_slice %arg13[%dma_start3A_1152] : memref<3x!tpu.dma_semaphore, #tpu.memory_space<semaphore_mem>> -> memref<1x!tpu.dma_semaphore, #tpu.memory_space<semaphore_mem>>
    %dma_start3A_1155 = tpu.memref_squeeze %dma_start3A_1154 : memref<1x!tpu.dma_semaphore, #tpu.memory_space<semaphore_mem>> -> memref<!tpu.dma_semaphore, #tpu.memory_space<semaphore_mem>>
    %dma_start3A_1156 = tpu.memref_slice %arg4[%add3A_1151] : memref<33554432xf32, #tpu.memory_space<hbm>> -> memref<16384xf32, #tpu.memory_space<hbm>>
    tpu.enqueue_dma source(%arg6 : memref<16384xf32, #tpu.memory_space<vmem>>) target(%dma_start3A_1156 : memref<16384xf32, #tpu.memory_space<hbm>>) target_semaphore(%dma_start3A_1155 : memref<!tpu.dma_semaphore, #tpu.memory_space<semaphore_mem>>)
    %add3A_1157 = arith.constant 655360 : i32
    %add3A_1158 = arith.addi %mul3A_2, %add3A_1157 : i32
    %dma_wait3A_1159 = arith.constant 1 : i32
    %dma_wait3A_1160 = tpu.memref_slice %arg4[%add3A_1158] : memref<33554432xf32, #tpu.memory_space<hbm>> -> memref<16384xf32, #tpu.memory_space<hbm>>
    %dma_wait3A_1161 = tpu.memref_slice %arg13[%dma_wait3A_1159] : memref<3x!tpu.dma_semaphore, #tpu.memory_space<semaphore_mem>> -> memref<1x!tpu.dma_semaphore, #tpu.memory_space<semaphore_mem>>
    %dma_wait3A_1162 = tpu.memref_squeeze %dma_wait3A_1161 : memref<1x!tpu.dma_semaphore, #tpu.memory_space<semaphore_mem>> -> memref<!tpu.dma_semaphore, #tpu.memory_space<semaphore_mem>>
    %dma_wait3A_1163 = tpu.memref_slice %arg4[%add3A_1158] : memref<33554432xf32, #tpu.memory_space<hbm>> -> memref<16384xf32, #tpu.memory_space<hbm>>
    tpu.wait_dma2 semaphore(%dma_wait3A_1162 : memref<!tpu.dma_semaphore, #tpu.memory_space<semaphore_mem>>) src(%arg6 : memref<16384xf32, #tpu.memory_space<vmem>>) dst(%dma_wait3A_1163 : memref<16384xf32, #tpu.memory_space<hbm>>)
    %add3A_1164 = arith.constant 704512 : i32
    %add3A_1165 = arith.addi %mul3A_2, %add3A_1164 : i32
    %dma_start3A_1166 = arith.constant 1 : i32
    %dma_start3A_1167 = tpu.memref_slice %arg2[%add3A_1165] : memref<33554432xf32, #tpu.memory_space<hbm>> -> memref<16384xf32, #tpu.memory_space<hbm>>
    %dma_start3A_1168 = tpu.memref_slice %arg11[%dma_start3A_1166] : memref<3x!tpu.dma_semaphore, #tpu.memory_space<semaphore_mem>> -> memref<1x!tpu.dma_semaphore, #tpu.memory_space<semaphore_mem>>
    %dma_start3A_1169 = tpu.memref_squeeze %dma_start3A_1168 : memref<1x!tpu.dma_semaphore, #tpu.memory_space<semaphore_mem>> -> memref<!tpu.dma_semaphore, #tpu.memory_space<semaphore_mem>>
    %dma_start3A_1170 = tpu.memref_slice %arg2[%add3A_1165] : memref<33554432xf32, #tpu.memory_space<hbm>> -> memref<16384xf32, #tpu.memory_space<hbm>>
    tpu.enqueue_dma source(%dma_start3A_1170 : memref<16384xf32, #tpu.memory_space<hbm>>) target(%arg6 : memref<16384xf32, #tpu.memory_space<vmem>>) target_semaphore(%dma_start3A_1169 : memref<!tpu.dma_semaphore, #tpu.memory_space<semaphore_mem>>)
    %add3A_1171 = arith.constant 671744 : i32
    %add3A_1172 = arith.addi %mul3A_2, %add3A_1171 : i32
    %dma_wait3A_1173 = arith.constant 2 : i32
    %dma_wait3A_1174 = tpu.memref_slice %arg2[%add3A_1172] : memref<33554432xf32, #tpu.memory_space<hbm>> -> memref<16384xf32, #tpu.memory_space<hbm>>
    %dma_wait3A_1175 = tpu.memref_slice %arg11[%dma_wait3A_1173] : memref<3x!tpu.dma_semaphore, #tpu.memory_space<semaphore_mem>> -> memref<1x!tpu.dma_semaphore, #tpu.memory_space<semaphore_mem>>
    %dma_wait3A_1176 = tpu.memref_squeeze %dma_wait3A_1175 : memref<1x!tpu.dma_semaphore, #tpu.memory_space<semaphore_mem>> -> memref<!tpu.dma_semaphore, #tpu.memory_space<semaphore_mem>>
    %dma_wait3A_1177 = tpu.memref_slice %arg2[%add3A_1172] : memref<33554432xf32, #tpu.memory_space<hbm>> -> memref<16384xf32, #tpu.memory_space<hbm>>
    tpu.wait_dma2 semaphore(%dma_wait3A_1176 : memref<!tpu.dma_semaphore, #tpu.memory_space<semaphore_mem>>) src(%dma_wait3A_1177 : memref<16384xf32, #tpu.memory_space<hbm>>) dst(%arg7 : memref<16384xf32, #tpu.memory_space<vmem>>)
    %add3A_1178 = arith.constant 671744 : i32
    %add3A_1179 = arith.addi %mul3A_2, %add3A_1178 : i32
    %dma_start3A_1180 = arith.constant 2 : i32
    %dma_start3A_1181 = tpu.memref_slice %arg4[%add3A_1179] : memref<33554432xf32, #tpu.memory_space<hbm>> -> memref<16384xf32, #tpu.memory_space<hbm>>
    %dma_start3A_1182 = tpu.memref_slice %arg13[%dma_start3A_1180] : memref<3x!tpu.dma_semaphore, #tpu.memory_space<semaphore_mem>> -> memref<1x!tpu.dma_semaphore, #tpu.memory_space<semaphore_mem>>
    %dma_start3A_1183 = tpu.memref_squeeze %dma_start3A_1182 : memref<1x!tpu.dma_semaphore, #tpu.memory_space<semaphore_mem>> -> memref<!tpu.dma_semaphore, #tpu.memory_space<semaphore_mem>>
    %dma_start3A_1184 = tpu.memref_slice %arg4[%add3A_1179] : memref<33554432xf32, #tpu.memory_space<hbm>> -> memref<16384xf32, #tpu.memory_space<hbm>>
    tpu.enqueue_dma source(%arg7 : memref<16384xf32, #tpu.memory_space<vmem>>) target(%dma_start3A_1184 : memref<16384xf32, #tpu.memory_space<hbm>>) target_semaphore(%dma_start3A_1183 : memref<!tpu.dma_semaphore, #tpu.memory_space<semaphore_mem>>)
    %add3A_1185 = arith.constant 671744 : i32
    %add3A_1186 = arith.addi %mul3A_2, %add3A_1185 : i32
    %dma_wait3A_1187 = arith.constant 2 : i32
    %dma_wait3A_1188 = tpu.memref_slice %arg4[%add3A_1186] : memref<33554432xf32, #tpu.memory_space<hbm>> -> memref<16384xf32, #tpu.memory_space<hbm>>
    %dma_wait3A_1189 = tpu.memref_slice %arg13[%dma_wait3A_1187] : memref<3x!tpu.dma_semaphore, #tpu.memory_space<semaphore_mem>> -> memref<1x!tpu.dma_semaphore, #tpu.memory_space<semaphore_mem>>
    %dma_wait3A_1190 = tpu.memref_squeeze %dma_wait3A_1189 : memref<1x!tpu.dma_semaphore, #tpu.memory_space<semaphore_mem>> -> memref<!tpu.dma_semaphore, #tpu.memory_space<semaphore_mem>>
    %dma_wait3A_1191 = tpu.memref_slice %arg4[%add3A_1186] : memref<33554432xf32, #tpu.memory_space<hbm>> -> memref<16384xf32, #tpu.memory_space<hbm>>
    tpu.wait_dma2 semaphore(%dma_wait3A_1190 : memref<!tpu.dma_semaphore, #tpu.memory_space<semaphore_mem>>) src(%arg7 : memref<16384xf32, #tpu.memory_space<vmem>>) dst(%dma_wait3A_1191 : memref<16384xf32, #tpu.memory_space<hbm>>)
    %add3A_1192 = arith.constant 720896 : i32
    %add3A_1193 = arith.addi %mul3A_2, %add3A_1192 : i32
    %dma_start3A_1194 = arith.constant 2 : i32
    %dma_start3A_1195 = tpu.memref_slice %arg2[%add3A_1193] : memref<33554432xf32, #tpu.memory_space<hbm>> -> memref<16384xf32, #tpu.memory_space<hbm>>
    %dma_start3A_1196 = tpu.memref_slice %arg11[%dma_start3A_1194] : memref<3x!tpu.dma_semaphore, #tpu.memory_space<semaphore_mem>> -> memref<1x!tpu.dma_semaphore, #tpu.memory_space<semaphore_mem>>
    %dma_start3A_1197 = tpu.memref_squeeze %dma_start3A_1196 : memref<1x!tpu.dma_semaphore, #tpu.memory_space<semaphore_mem>> -> memref<!tpu.dma_semaphore, #tpu.memory_space<semaphore_mem>>
    %dma_start3A_1198 = tpu.memref_slice %arg2[%add3A_1193] : memref<33554432xf32, #tpu.memory_space<hbm>> -> memref<16384xf32, #tpu.memory_space<hbm>>
    tpu.enqueue_dma source(%dma_start3A_1198 : memref<16384xf32, #tpu.memory_space<hbm>>) target(%arg7 : memref<16384xf32, #tpu.memory_space<vmem>>) target_semaphore(%dma_start3A_1197 : memref<!tpu.dma_semaphore, #tpu.memory_space<semaphore_mem>>)
    %add3A_1199 = arith.constant 688128 : i32
    %add3A_1200 = arith.addi %mul3A_2, %add3A_1199 : i32
    %dma_wait3A_1201 = arith.constant 0 : i32
    %dma_wait3A_1202 = tpu.memref_slice %arg2[%add3A_1200] : memref<33554432xf32, #tpu.memory_space<hbm>> -> memref<16384xf32, #tpu.memory_space<hbm>>
    %dma_wait3A_1203 = tpu.memref_slice %arg11[%dma_wait3A_1201] : memref<3x!tpu.dma_semaphore, #tpu.memory_space<semaphore_mem>> -> memref<1x!tpu.dma_semaphore, #tpu.memory_space<semaphore_mem>>
    %dma_wait3A_1204 = tpu.memref_squeeze %dma_wait3A_1203 : memref<1x!tpu.dma_semaphore, #tpu.memory_space<semaphore_mem>> -> memref<!tpu.dma_semaphore, #tpu.memory_space<semaphore_mem>>
    %dma_wait3A_1205 = tpu.memref_slice %arg2[%add3A_1200] : memref<33554432xf32, #tpu.memory_space<hbm>> -> memref<16384xf32, #tpu.memory_space<hbm>>
    tpu.wait_dma2 semaphore(%dma_wait3A_1204 : memref<!tpu.dma_semaphore, #tpu.memory_space<semaphore_mem>>) src(%dma_wait3A_1205 : memref<16384xf32, #tpu.memory_space<hbm>>) dst(%arg5 : memref<16384xf32, #tpu.memory_space<vmem>>)
    %add3A_1206 = arith.constant 688128 : i32
    %add3A_1207 = arith.addi %mul3A_2, %add3A_1206 : i32
    %dma_start3A_1208 = arith.constant 0 : i32
    %dma_start3A_1209 = tpu.memref_slice %arg4[%add3A_1207] : memref<33554432xf32, #tpu.memory_space<hbm>> -> memref<16384xf32, #tpu.memory_space<hbm>>
    %dma_start3A_1210 = tpu.memref_slice %arg13[%dma_start3A_1208] : memref<3x!tpu.dma_semaphore, #tpu.memory_space<semaphore_mem>> -> memref<1x!tpu.dma_semaphore, #tpu.memory_space<semaphore_mem>>
    %dma_start3A_1211 = tpu.memref_squeeze %dma_start3A_1210 : memref<1x!tpu.dma_semaphore, #tpu.memory_space<semaphore_mem>> -> memref<!tpu.dma_semaphore, #tpu.memory_space<semaphore_mem>>
    %dma_start3A_1212 = tpu.memref_slice %arg4[%add3A_1207] : memref<33554432xf32, #tpu.memory_space<hbm>> -> memref<16384xf32, #tpu.memory_space<hbm>>
    tpu.enqueue_dma source(%arg5 : memref<16384xf32, #tpu.memory_space<vmem>>) target(%dma_start3A_1212 : memref<16384xf32, #tpu.memory_space<hbm>>) target_semaphore(%dma_start3A_1211 : memref<!tpu.dma_semaphore, #tpu.memory_space<semaphore_mem>>)
    %add3A_1213 = arith.constant 688128 : i32
    %add3A_1214 = arith.addi %mul3A_2, %add3A_1213 : i32
    %dma_wait3A_1215 = arith.constant 0 : i32
    %dma_wait3A_1216 = tpu.memref_slice %arg4[%add3A_1214] : memref<33554432xf32, #tpu.memory_space<hbm>> -> memref<16384xf32, #tpu.memory_space<hbm>>
    %dma_wait3A_1217 = tpu.memref_slice %arg13[%dma_wait3A_1215] : memref<3x!tpu.dma_semaphore, #tpu.memory_space<semaphore_mem>> -> memref<1x!tpu.dma_semaphore, #tpu.memory_space<semaphore_mem>>
    %dma_wait3A_1218 = tpu.memref_squeeze %dma_wait3A_1217 : memref<1x!tpu.dma_semaphore, #tpu.memory_space<semaphore_mem>> -> memref<!tpu.dma_semaphore, #tpu.memory_space<semaphore_mem>>
    %dma_wait3A_1219 = tpu.memref_slice %arg4[%add3A_1214] : memref<33554432xf32, #tpu.memory_space<hbm>> -> memref<16384xf32, #tpu.memory_space<hbm>>
    tpu.wait_dma2 semaphore(%dma_wait3A_1218 : memref<!tpu.dma_semaphore, #tpu.memory_space<semaphore_mem>>) src(%arg5 : memref<16384xf32, #tpu.memory_space<vmem>>) dst(%dma_wait3A_1219 : memref<16384xf32, #tpu.memory_space<hbm>>)
    %add3A_1220 = arith.constant 737280 : i32
    %add3A_1221 = arith.addi %mul3A_2, %add3A_1220 : i32
    %dma_start3A_1222 = arith.constant 0 : i32
    %dma_start3A_1223 = tpu.memref_slice %arg2[%add3A_1221] : memref<33554432xf32, #tpu.memory_space<hbm>> -> memref<16384xf32, #tpu.memory_space<hbm>>
    %dma_start3A_1224 = tpu.memref_slice %arg11[%dma_start3A_1222] : memref<3x!tpu.dma_semaphore, #tpu.memory_space<semaphore_mem>> -> memref<1x!tpu.dma_semaphore, #tpu.memory_space<semaphore_mem>>
    %dma_start3A_1225 = tpu.memref_squeeze %dma_start3A_1224 : memref<1x!tpu.dma_semaphore, #tpu.memory_space<semaphore_mem>> -> memref<!tpu.dma_semaphore, #tpu.memory_space<semaphore_mem>>
    %dma_start3A_1226 = tpu.memref_slice %arg2[%add3A_1221] : memref<33554432xf32, #tpu.memory_space<hbm>> -> memref<16384xf32, #tpu.memory_space<hbm>>
    tpu.enqueue_dma source(%dma_start3A_1226 : memref<16384xf32, #tpu.memory_space<hbm>>) target(%arg5 : memref<16384xf32, #tpu.memory_space<vmem>>) target_semaphore(%dma_start3A_1225 : memref<!tpu.dma_semaphore, #tpu.memory_space<semaphore_mem>>)
    %add3A_1227 = arith.constant 704512 : i32
    %add3A_1228 = arith.addi %mul3A_2, %add3A_1227 : i32
    %dma_wait3A_1229 = arith.constant 1 : i32
    %dma_wait3A_1230 = tpu.memref_slice %arg2[%add3A_1228] : memref<33554432xf32, #tpu.memory_space<hbm>> -> memref<16384xf32, #tpu.memory_space<hbm>>
    %dma_wait3A_1231 = tpu.memref_slice %arg11[%dma_wait3A_1229] : memref<3x!tpu.dma_semaphore, #tpu.memory_space<semaphore_mem>> -> memref<1x!tpu.dma_semaphore, #tpu.memory_space<semaphore_mem>>
    %dma_wait3A_1232 = tpu.memref_squeeze %dma_wait3A_1231 : memref<1x!tpu.dma_semaphore, #tpu.memory_space<semaphore_mem>> -> memref<!tpu.dma_semaphore, #tpu.memory_space<semaphore_mem>>
    %dma_wait3A_1233 = tpu.memref_slice %arg2[%add3A_1228] : memref<33554432xf32, #tpu.memory_space<hbm>> -> memref<16384xf32, #tpu.memory_space<hbm>>
    tpu.wait_dma2 semaphore(%dma_wait3A_1232 : memref<!tpu.dma_semaphore, #tpu.memory_space<semaphore_mem>>) src(%dma_wait3A_1233 : memref<16384xf32, #tpu.memory_space<hbm>>) dst(%arg6 : memref<16384xf32, #tpu.memory_space<vmem>>)
    %add3A_1234 = arith.constant 704512 : i32
    %add3A_1235 = arith.addi %mul3A_2, %add3A_1234 : i32
    %dma_start3A_1236 = arith.constant 1 : i32
    %dma_start3A_1237 = tpu.memref_slice %arg4[%add3A_1235] : memref<33554432xf32, #tpu.memory_space<hbm>> -> memref<16384xf32, #tpu.memory_space<hbm>>
    %dma_start3A_1238 = tpu.memref_slice %arg13[%dma_start3A_1236] : memref<3x!tpu.dma_semaphore, #tpu.memory_space<semaphore_mem>> -> memref<1x!tpu.dma_semaphore, #tpu.memory_space<semaphore_mem>>
    %dma_start3A_1239 = tpu.memref_squeeze %dma_start3A_1238 : memref<1x!tpu.dma_semaphore, #tpu.memory_space<semaphore_mem>> -> memref<!tpu.dma_semaphore, #tpu.memory_space<semaphore_mem>>
    %dma_start3A_1240 = tpu.memref_slice %arg4[%add3A_1235] : memref<33554432xf32, #tpu.memory_space<hbm>> -> memref<16384xf32, #tpu.memory_space<hbm>>
    tpu.enqueue_dma source(%arg6 : memref<16384xf32, #tpu.memory_space<vmem>>) target(%dma_start3A_1240 : memref<16384xf32, #tpu.memory_space<hbm>>) target_semaphore(%dma_start3A_1239 : memref<!tpu.dma_semaphore, #tpu.memory_space<semaphore_mem>>)
    %add3A_1241 = arith.constant 704512 : i32
    %add3A_1242 = arith.addi %mul3A_2, %add3A_1241 : i32
    %dma_wait3A_1243 = arith.constant 1 : i32
    %dma_wait3A_1244 = tpu.memref_slice %arg4[%add3A_1242] : memref<33554432xf32, #tpu.memory_space<hbm>> -> memref<16384xf32, #tpu.memory_space<hbm>>
    %dma_wait3A_1245 = tpu.memref_slice %arg13[%dma_wait3A_1243] : memref<3x!tpu.dma_semaphore, #tpu.memory_space<semaphore_mem>> -> memref<1x!tpu.dma_semaphore, #tpu.memory_space<semaphore_mem>>
    %dma_wait3A_1246 = tpu.memref_squeeze %dma_wait3A_1245 : memref<1x!tpu.dma_semaphore, #tpu.memory_space<semaphore_mem>> -> memref<!tpu.dma_semaphore, #tpu.memory_space<semaphore_mem>>
    %dma_wait3A_1247 = tpu.memref_slice %arg4[%add3A_1242] : memref<33554432xf32, #tpu.memory_space<hbm>> -> memref<16384xf32, #tpu.memory_space<hbm>>
    tpu.wait_dma2 semaphore(%dma_wait3A_1246 : memref<!tpu.dma_semaphore, #tpu.memory_space<semaphore_mem>>) src(%arg6 : memref<16384xf32, #tpu.memory_space<vmem>>) dst(%dma_wait3A_1247 : memref<16384xf32, #tpu.memory_space<hbm>>)
    %add3A_1248 = arith.constant 753664 : i32
    %add3A_1249 = arith.addi %mul3A_2, %add3A_1248 : i32
    %dma_start3A_1250 = arith.constant 1 : i32
    %dma_start3A_1251 = tpu.memref_slice %arg2[%add3A_1249] : memref<33554432xf32, #tpu.memory_space<hbm>> -> memref<16384xf32, #tpu.memory_space<hbm>>
    %dma_start3A_1252 = tpu.memref_slice %arg11[%dma_start3A_1250] : memref<3x!tpu.dma_semaphore, #tpu.memory_space<semaphore_mem>> -> memref<1x!tpu.dma_semaphore, #tpu.memory_space<semaphore_mem>>
    %dma_start3A_1253 = tpu.memref_squeeze %dma_start3A_1252 : memref<1x!tpu.dma_semaphore, #tpu.memory_space<semaphore_mem>> -> memref<!tpu.dma_semaphore, #tpu.memory_space<semaphore_mem>>
    %dma_start3A_1254 = tpu.memref_slice %arg2[%add3A_1249] : memref<33554432xf32, #tpu.memory_space<hbm>> -> memref<16384xf32, #tpu.memory_space<hbm>>
    tpu.enqueue_dma source(%dma_start3A_1254 : memref<16384xf32, #tpu.memory_space<hbm>>) target(%arg6 : memref<16384xf32, #tpu.memory_space<vmem>>) target_semaphore(%dma_start3A_1253 : memref<!tpu.dma_semaphore, #tpu.memory_space<semaphore_mem>>)
    %add3A_1255 = arith.constant 720896 : i32
    %add3A_1256 = arith.addi %mul3A_2, %add3A_1255 : i32
    %dma_wait3A_1257 = arith.constant 2 : i32
    %dma_wait3A_1258 = tpu.memref_slice %arg2[%add3A_1256] : memref<33554432xf32, #tpu.memory_space<hbm>> -> memref<16384xf32, #tpu.memory_space<hbm>>
    %dma_wait3A_1259 = tpu.memref_slice %arg11[%dma_wait3A_1257] : memref<3x!tpu.dma_semaphore, #tpu.memory_space<semaphore_mem>> -> memref<1x!tpu.dma_semaphore, #tpu.memory_space<semaphore_mem>>
    %dma_wait3A_1260 = tpu.memref_squeeze %dma_wait3A_1259 : memref<1x!tpu.dma_semaphore, #tpu.memory_space<semaphore_mem>> -> memref<!tpu.dma_semaphore, #tpu.memory_space<semaphore_mem>>
    %dma_wait3A_1261 = tpu.memref_slice %arg2[%add3A_1256] : memref<33554432xf32, #tpu.memory_space<hbm>> -> memref<16384xf32, #tpu.memory_space<hbm>>
    tpu.wait_dma2 semaphore(%dma_wait3A_1260 : memref<!tpu.dma_semaphore, #tpu.memory_space<semaphore_mem>>) src(%dma_wait3A_1261 : memref<16384xf32, #tpu.memory_space<hbm>>) dst(%arg7 : memref<16384xf32, #tpu.memory_space<vmem>>)
    %add3A_1262 = arith.constant 720896 : i32
    %add3A_1263 = arith.addi %mul3A_2, %add3A_1262 : i32
    %dma_start3A_1264 = arith.constant 2 : i32
    %dma_start3A_1265 = tpu.memref_slice %arg4[%add3A_1263] : memref<33554432xf32, #tpu.memory_space<hbm>> -> memref<16384xf32, #tpu.memory_space<hbm>>
    %dma_start3A_1266 = tpu.memref_slice %arg13[%dma_start3A_1264] : memref<3x!tpu.dma_semaphore, #tpu.memory_space<semaphore_mem>> -> memref<1x!tpu.dma_semaphore, #tpu.memory_space<semaphore_mem>>
    %dma_start3A_1267 = tpu.memref_squeeze %dma_start3A_1266 : memref<1x!tpu.dma_semaphore, #tpu.memory_space<semaphore_mem>> -> memref<!tpu.dma_semaphore, #tpu.memory_space<semaphore_mem>>
    %dma_start3A_1268 = tpu.memref_slice %arg4[%add3A_1263] : memref<33554432xf32, #tpu.memory_space<hbm>> -> memref<16384xf32, #tpu.memory_space<hbm>>
    tpu.enqueue_dma source(%arg7 : memref<16384xf32, #tpu.memory_space<vmem>>) target(%dma_start3A_1268 : memref<16384xf32, #tpu.memory_space<hbm>>) target_semaphore(%dma_start3A_1267 : memref<!tpu.dma_semaphore, #tpu.memory_space<semaphore_mem>>)
    %add3A_1269 = arith.constant 720896 : i32
    %add3A_1270 = arith.addi %mul3A_2, %add3A_1269 : i32
    %dma_wait3A_1271 = arith.constant 2 : i32
    %dma_wait3A_1272 = tpu.memref_slice %arg4[%add3A_1270] : memref<33554432xf32, #tpu.memory_space<hbm>> -> memref<16384xf32, #tpu.memory_space<hbm>>
    %dma_wait3A_1273 = tpu.memref_slice %arg13[%dma_wait3A_1271] : memref<3x!tpu.dma_semaphore, #tpu.memory_space<semaphore_mem>> -> memref<1x!tpu.dma_semaphore, #tpu.memory_space<semaphore_mem>>
    %dma_wait3A_1274 = tpu.memref_squeeze %dma_wait3A_1273 : memref<1x!tpu.dma_semaphore, #tpu.memory_space<semaphore_mem>> -> memref<!tpu.dma_semaphore, #tpu.memory_space<semaphore_mem>>
    %dma_wait3A_1275 = tpu.memref_slice %arg4[%add3A_1270] : memref<33554432xf32, #tpu.memory_space<hbm>> -> memref<16384xf32, #tpu.memory_space<hbm>>
    tpu.wait_dma2 semaphore(%dma_wait3A_1274 : memref<!tpu.dma_semaphore, #tpu.memory_space<semaphore_mem>>) src(%arg7 : memref<16384xf32, #tpu.memory_space<vmem>>) dst(%dma_wait3A_1275 : memref<16384xf32, #tpu.memory_space<hbm>>)
    %add3A_1276 = arith.constant 770048 : i32
    %add3A_1277 = arith.addi %mul3A_2, %add3A_1276 : i32
    %dma_start3A_1278 = arith.constant 2 : i32
    %dma_start3A_1279 = tpu.memref_slice %arg2[%add3A_1277] : memref<33554432xf32, #tpu.memory_space<hbm>> -> memref<16384xf32, #tpu.memory_space<hbm>>
    %dma_start3A_1280 = tpu.memref_slice %arg11[%dma_start3A_1278] : memref<3x!tpu.dma_semaphore, #tpu.memory_space<semaphore_mem>> -> memref<1x!tpu.dma_semaphore, #tpu.memory_space<semaphore_mem>>
    %dma_start3A_1281 = tpu.memref_squeeze %dma_start3A_1280 : memref<1x!tpu.dma_semaphore, #tpu.memory_space<semaphore_mem>> -> memref<!tpu.dma_semaphore, #tpu.memory_space<semaphore_mem>>
    %dma_start3A_1282 = tpu.memref_slice %arg2[%add3A_1277] : memref<33554432xf32, #tpu.memory_space<hbm>> -> memref<16384xf32, #tpu.memory_space<hbm>>
    tpu.enqueue_dma source(%dma_start3A_1282 : memref<16384xf32, #tpu.memory_space<hbm>>) target(%arg7 : memref<16384xf32, #tpu.memory_space<vmem>>) target_semaphore(%dma_start3A_1281 : memref<!tpu.dma_semaphore, #tpu.memory_space<semaphore_mem>>)
    %add3A_1283 = arith.constant 737280 : i32
    %add3A_1284 = arith.addi %mul3A_2, %add3A_1283 : i32
    %dma_wait3A_1285 = arith.constant 0 : i32
    %dma_wait3A_1286 = tpu.memref_slice %arg2[%add3A_1284] : memref<33554432xf32, #tpu.memory_space<hbm>> -> memref<16384xf32, #tpu.memory_space<hbm>>
    %dma_wait3A_1287 = tpu.memref_slice %arg11[%dma_wait3A_1285] : memref<3x!tpu.dma_semaphore, #tpu.memory_space<semaphore_mem>> -> memref<1x!tpu.dma_semaphore, #tpu.memory_space<semaphore_mem>>
    %dma_wait3A_1288 = tpu.memref_squeeze %dma_wait3A_1287 : memref<1x!tpu.dma_semaphore, #tpu.memory_space<semaphore_mem>> -> memref<!tpu.dma_semaphore, #tpu.memory_space<semaphore_mem>>
    %dma_wait3A_1289 = tpu.memref_slice %arg2[%add3A_1284] : memref<33554432xf32, #tpu.memory_space<hbm>> -> memref<16384xf32, #tpu.memory_space<hbm>>
    tpu.wait_dma2 semaphore(%dma_wait3A_1288 : memref<!tpu.dma_semaphore, #tpu.memory_space<semaphore_mem>>) src(%dma_wait3A_1289 : memref<16384xf32, #tpu.memory_space<hbm>>) dst(%arg5 : memref<16384xf32, #tpu.memory_space<vmem>>)
    %add3A_1290 = arith.constant 737280 : i32
    %add3A_1291 = arith.addi %mul3A_2, %add3A_1290 : i32
    %dma_start3A_1292 = arith.constant 0 : i32
    %dma_start3A_1293 = tpu.memref_slice %arg4[%add3A_1291] : memref<33554432xf32, #tpu.memory_space<hbm>> -> memref<16384xf32, #tpu.memory_space<hbm>>
    %dma_start3A_1294 = tpu.memref_slice %arg13[%dma_start3A_1292] : memref<3x!tpu.dma_semaphore, #tpu.memory_space<semaphore_mem>> -> memref<1x!tpu.dma_semaphore, #tpu.memory_space<semaphore_mem>>
    %dma_start3A_1295 = tpu.memref_squeeze %dma_start3A_1294 : memref<1x!tpu.dma_semaphore, #tpu.memory_space<semaphore_mem>> -> memref<!tpu.dma_semaphore, #tpu.memory_space<semaphore_mem>>
    %dma_start3A_1296 = tpu.memref_slice %arg4[%add3A_1291] : memref<33554432xf32, #tpu.memory_space<hbm>> -> memref<16384xf32, #tpu.memory_space<hbm>>
    tpu.enqueue_dma source(%arg5 : memref<16384xf32, #tpu.memory_space<vmem>>) target(%dma_start3A_1296 : memref<16384xf32, #tpu.memory_space<hbm>>) target_semaphore(%dma_start3A_1295 : memref<!tpu.dma_semaphore, #tpu.memory_space<semaphore_mem>>)
    %add3A_1297 = arith.constant 737280 : i32
    %add3A_1298 = arith.addi %mul3A_2, %add3A_1297 : i32
    %dma_wait3A_1299 = arith.constant 0 : i32
    %dma_wait3A_1300 = tpu.memref_slice %arg4[%add3A_1298] : memref<33554432xf32, #tpu.memory_space<hbm>> -> memref<16384xf32, #tpu.memory_space<hbm>>
    %dma_wait3A_1301 = tpu.memref_slice %arg13[%dma_wait3A_1299] : memref<3x!tpu.dma_semaphore, #tpu.memory_space<semaphore_mem>> -> memref<1x!tpu.dma_semaphore, #tpu.memory_space<semaphore_mem>>
    %dma_wait3A_1302 = tpu.memref_squeeze %dma_wait3A_1301 : memref<1x!tpu.dma_semaphore, #tpu.memory_space<semaphore_mem>> -> memref<!tpu.dma_semaphore, #tpu.memory_space<semaphore_mem>>
    %dma_wait3A_1303 = tpu.memref_slice %arg4[%add3A_1298] : memref<33554432xf32, #tpu.memory_space<hbm>> -> memref<16384xf32, #tpu.memory_space<hbm>>
    tpu.wait_dma2 semaphore(%dma_wait3A_1302 : memref<!tpu.dma_semaphore, #tpu.memory_space<semaphore_mem>>) src(%arg5 : memref<16384xf32, #tpu.memory_space<vmem>>) dst(%dma_wait3A_1303 : memref<16384xf32, #tpu.memory_space<hbm>>)
    %add3A_1304 = arith.constant 786432 : i32
    %add3A_1305 = arith.addi %mul3A_2, %add3A_1304 : i32
    %dma_start3A_1306 = arith.constant 0 : i32
    %dma_start3A_1307 = tpu.memref_slice %arg2[%add3A_1305] : memref<33554432xf32, #tpu.memory_space<hbm>> -> memref<16384xf32, #tpu.memory_space<hbm>>
    %dma_start3A_1308 = tpu.memref_slice %arg11[%dma_start3A_1306] : memref<3x!tpu.dma_semaphore, #tpu.memory_space<semaphore_mem>> -> memref<1x!tpu.dma_semaphore, #tpu.memory_space<semaphore_mem>>
    %dma_start3A_1309 = tpu.memref_squeeze %dma_start3A_1308 : memref<1x!tpu.dma_semaphore, #tpu.memory_space<semaphore_mem>> -> memref<!tpu.dma_semaphore, #tpu.memory_space<semaphore_mem>>
    %dma_start3A_1310 = tpu.memref_slice %arg2[%add3A_1305] : memref<33554432xf32, #tpu.memory_space<hbm>> -> memref<16384xf32, #tpu.memory_space<hbm>>
    tpu.enqueue_dma source(%dma_start3A_1310 : memref<16384xf32, #tpu.memory_space<hbm>>) target(%arg5 : memref<16384xf32, #tpu.memory_space<vmem>>) target_semaphore(%dma_start3A_1309 : memref<!tpu.dma_semaphore, #tpu.memory_space<semaphore_mem>>)
    %add3A_1311 = arith.constant 753664 : i32
    %add3A_1312 = arith.addi %mul3A_2, %add3A_1311 : i32
    %dma_wait3A_1313 = arith.constant 1 : i32
    %dma_wait3A_1314 = tpu.memref_slice %arg2[%add3A_1312] : memref<33554432xf32, #tpu.memory_space<hbm>> -> memref<16384xf32, #tpu.memory_space<hbm>>
    %dma_wait3A_1315 = tpu.memref_slice %arg11[%dma_wait3A_1313] : memref<3x!tpu.dma_semaphore, #tpu.memory_space<semaphore_mem>> -> memref<1x!tpu.dma_semaphore, #tpu.memory_space<semaphore_mem>>
    %dma_wait3A_1316 = tpu.memref_squeeze %dma_wait3A_1315 : memref<1x!tpu.dma_semaphore, #tpu.memory_space<semaphore_mem>> -> memref<!tpu.dma_semaphore, #tpu.memory_space<semaphore_mem>>
    %dma_wait3A_1317 = tpu.memref_slice %arg2[%add3A_1312] : memref<33554432xf32, #tpu.memory_space<hbm>> -> memref<16384xf32, #tpu.memory_space<hbm>>
    tpu.wait_dma2 semaphore(%dma_wait3A_1316 : memref<!tpu.dma_semaphore, #tpu.memory_space<semaphore_mem>>) src(%dma_wait3A_1317 : memref<16384xf32, #tpu.memory_space<hbm>>) dst(%arg6 : memref<16384xf32, #tpu.memory_space<vmem>>)
    %add3A_1318 = arith.constant 753664 : i32
    %add3A_1319 = arith.addi %mul3A_2, %add3A_1318 : i32
    %dma_start3A_1320 = arith.constant 1 : i32
    %dma_start3A_1321 = tpu.memref_slice %arg4[%add3A_1319] : memref<33554432xf32, #tpu.memory_space<hbm>> -> memref<16384xf32, #tpu.memory_space<hbm>>
    %dma_start3A_1322 = tpu.memref_slice %arg13[%dma_start3A_1320] : memref<3x!tpu.dma_semaphore, #tpu.memory_space<semaphore_mem>> -> memref<1x!tpu.dma_semaphore, #tpu.memory_space<semaphore_mem>>
    %dma_start3A_1323 = tpu.memref_squeeze %dma_start3A_1322 : memref<1x!tpu.dma_semaphore, #tpu.memory_space<semaphore_mem>> -> memref<!tpu.dma_semaphore, #tpu.memory_space<semaphore_mem>>
    %dma_start3A_1324 = tpu.memref_slice %arg4[%add3A_1319] : memref<33554432xf32, #tpu.memory_space<hbm>> -> memref<16384xf32, #tpu.memory_space<hbm>>
    tpu.enqueue_dma source(%arg6 : memref<16384xf32, #tpu.memory_space<vmem>>) target(%dma_start3A_1324 : memref<16384xf32, #tpu.memory_space<hbm>>) target_semaphore(%dma_start3A_1323 : memref<!tpu.dma_semaphore, #tpu.memory_space<semaphore_mem>>)
    %add3A_1325 = arith.constant 753664 : i32
    %add3A_1326 = arith.addi %mul3A_2, %add3A_1325 : i32
    %dma_wait3A_1327 = arith.constant 1 : i32
    %dma_wait3A_1328 = tpu.memref_slice %arg4[%add3A_1326] : memref<33554432xf32, #tpu.memory_space<hbm>> -> memref<16384xf32, #tpu.memory_space<hbm>>
    %dma_wait3A_1329 = tpu.memref_slice %arg13[%dma_wait3A_1327] : memref<3x!tpu.dma_semaphore, #tpu.memory_space<semaphore_mem>> -> memref<1x!tpu.dma_semaphore, #tpu.memory_space<semaphore_mem>>
    %dma_wait3A_1330 = tpu.memref_squeeze %dma_wait3A_1329 : memref<1x!tpu.dma_semaphore, #tpu.memory_space<semaphore_mem>> -> memref<!tpu.dma_semaphore, #tpu.memory_space<semaphore_mem>>
    %dma_wait3A_1331 = tpu.memref_slice %arg4[%add3A_1326] : memref<33554432xf32, #tpu.memory_space<hbm>> -> memref<16384xf32, #tpu.memory_space<hbm>>
    tpu.wait_dma2 semaphore(%dma_wait3A_1330 : memref<!tpu.dma_semaphore, #tpu.memory_space<semaphore_mem>>) src(%arg6 : memref<16384xf32, #tpu.memory_space<vmem>>) dst(%dma_wait3A_1331 : memref<16384xf32, #tpu.memory_space<hbm>>)
    %add3A_1332 = arith.constant 802816 : i32
    %add3A_1333 = arith.addi %mul3A_2, %add3A_1332 : i32
    %dma_start3A_1334 = arith.constant 1 : i32
    %dma_start3A_1335 = tpu.memref_slice %arg2[%add3A_1333] : memref<33554432xf32, #tpu.memory_space<hbm>> -> memref<16384xf32, #tpu.memory_space<hbm>>
    %dma_start3A_1336 = tpu.memref_slice %arg11[%dma_start3A_1334] : memref<3x!tpu.dma_semaphore, #tpu.memory_space<semaphore_mem>> -> memref<1x!tpu.dma_semaphore, #tpu.memory_space<semaphore_mem>>
    %dma_start3A_1337 = tpu.memref_squeeze %dma_start3A_1336 : memref<1x!tpu.dma_semaphore, #tpu.memory_space<semaphore_mem>> -> memref<!tpu.dma_semaphore, #tpu.memory_space<semaphore_mem>>
    %dma_start3A_1338 = tpu.memref_slice %arg2[%add3A_1333] : memref<33554432xf32, #tpu.memory_space<hbm>> -> memref<16384xf32, #tpu.memory_space<hbm>>
    tpu.enqueue_dma source(%dma_start3A_1338 : memref<16384xf32, #tpu.memory_space<hbm>>) target(%arg6 : memref<16384xf32, #tpu.memory_space<vmem>>) target_semaphore(%dma_start3A_1337 : memref<!tpu.dma_semaphore, #tpu.memory_space<semaphore_mem>>)
    %add3A_1339 = arith.constant 770048 : i32
    %add3A_1340 = arith.addi %mul3A_2, %add3A_1339 : i32
    %dma_wait3A_1341 = arith.constant 2 : i32
    %dma_wait3A_1342 = tpu.memref_slice %arg2[%add3A_1340] : memref<33554432xf32, #tpu.memory_space<hbm>> -> memref<16384xf32, #tpu.memory_space<hbm>>
    %dma_wait3A_1343 = tpu.memref_slice %arg11[%dma_wait3A_1341] : memref<3x!tpu.dma_semaphore, #tpu.memory_space<semaphore_mem>> -> memref<1x!tpu.dma_semaphore, #tpu.memory_space<semaphore_mem>>
    %dma_wait3A_1344 = tpu.memref_squeeze %dma_wait3A_1343 : memref<1x!tpu.dma_semaphore, #tpu.memory_space<semaphore_mem>> -> memref<!tpu.dma_semaphore, #tpu.memory_space<semaphore_mem>>
    %dma_wait3A_1345 = tpu.memref_slice %arg2[%add3A_1340] : memref<33554432xf32, #tpu.memory_space<hbm>> -> memref<16384xf32, #tpu.memory_space<hbm>>
    tpu.wait_dma2 semaphore(%dma_wait3A_1344 : memref<!tpu.dma_semaphore, #tpu.memory_space<semaphore_mem>>) src(%dma_wait3A_1345 : memref<16384xf32, #tpu.memory_space<hbm>>) dst(%arg7 : memref<16384xf32, #tpu.memory_space<vmem>>)
    %add3A_1346 = arith.constant 770048 : i32
    %add3A_1347 = arith.addi %mul3A_2, %add3A_1346 : i32
    %dma_start3A_1348 = arith.constant 2 : i32
    %dma_start3A_1349 = tpu.memref_slice %arg4[%add3A_1347] : memref<33554432xf32, #tpu.memory_space<hbm>> -> memref<16384xf32, #tpu.memory_space<hbm>>
    %dma_start3A_1350 = tpu.memref_slice %arg13[%dma_start3A_1348] : memref<3x!tpu.dma_semaphore, #tpu.memory_space<semaphore_mem>> -> memref<1x!tpu.dma_semaphore, #tpu.memory_space<semaphore_mem>>
    %dma_start3A_1351 = tpu.memref_squeeze %dma_start3A_1350 : memref<1x!tpu.dma_semaphore, #tpu.memory_space<semaphore_mem>> -> memref<!tpu.dma_semaphore, #tpu.memory_space<semaphore_mem>>
    %dma_start3A_1352 = tpu.memref_slice %arg4[%add3A_1347] : memref<33554432xf32, #tpu.memory_space<hbm>> -> memref<16384xf32, #tpu.memory_space<hbm>>
    tpu.enqueue_dma source(%arg7 : memref<16384xf32, #tpu.memory_space<vmem>>) target(%dma_start3A_1352 : memref<16384xf32, #tpu.memory_space<hbm>>) target_semaphore(%dma_start3A_1351 : memref<!tpu.dma_semaphore, #tpu.memory_space<semaphore_mem>>)
    %add3A_1353 = arith.constant 770048 : i32
    %add3A_1354 = arith.addi %mul3A_2, %add3A_1353 : i32
    %dma_wait3A_1355 = arith.constant 2 : i32
    %dma_wait3A_1356 = tpu.memref_slice %arg4[%add3A_1354] : memref<33554432xf32, #tpu.memory_space<hbm>> -> memref<16384xf32, #tpu.memory_space<hbm>>
    %dma_wait3A_1357 = tpu.memref_slice %arg13[%dma_wait3A_1355] : memref<3x!tpu.dma_semaphore, #tpu.memory_space<semaphore_mem>> -> memref<1x!tpu.dma_semaphore, #tpu.memory_space<semaphore_mem>>
    %dma_wait3A_1358 = tpu.memref_squeeze %dma_wait3A_1357 : memref<1x!tpu.dma_semaphore, #tpu.memory_space<semaphore_mem>> -> memref<!tpu.dma_semaphore, #tpu.memory_space<semaphore_mem>>
    %dma_wait3A_1359 = tpu.memref_slice %arg4[%add3A_1354] : memref<33554432xf32, #tpu.memory_space<hbm>> -> memref<16384xf32, #tpu.memory_space<hbm>>
    tpu.wait_dma2 semaphore(%dma_wait3A_1358 : memref<!tpu.dma_semaphore, #tpu.memory_space<semaphore_mem>>) src(%arg7 : memref<16384xf32, #tpu.memory_space<vmem>>) dst(%dma_wait3A_1359 : memref<16384xf32, #tpu.memory_space<hbm>>)
    %add3A_1360 = arith.constant 819200 : i32
    %add3A_1361 = arith.addi %mul3A_2, %add3A_1360 : i32
    %dma_start3A_1362 = arith.constant 2 : i32
    %dma_start3A_1363 = tpu.memref_slice %arg2[%add3A_1361] : memref<33554432xf32, #tpu.memory_space<hbm>> -> memref<16384xf32, #tpu.memory_space<hbm>>
    %dma_start3A_1364 = tpu.memref_slice %arg11[%dma_start3A_1362] : memref<3x!tpu.dma_semaphore, #tpu.memory_space<semaphore_mem>> -> memref<1x!tpu.dma_semaphore, #tpu.memory_space<semaphore_mem>>
    %dma_start3A_1365 = tpu.memref_squeeze %dma_start3A_1364 : memref<1x!tpu.dma_semaphore, #tpu.memory_space<semaphore_mem>> -> memref<!tpu.dma_semaphore, #tpu.memory_space<semaphore_mem>>
    %dma_start3A_1366 = tpu.memref_slice %arg2[%add3A_1361] : memref<33554432xf32, #tpu.memory_space<hbm>> -> memref<16384xf32, #tpu.memory_space<hbm>>
    tpu.enqueue_dma source(%dma_start3A_1366 : memref<16384xf32, #tpu.memory_space<hbm>>) target(%arg7 : memref<16384xf32, #tpu.memory_space<vmem>>) target_semaphore(%dma_start3A_1365 : memref<!tpu.dma_semaphore, #tpu.memory_space<semaphore_mem>>)
    %add3A_1367 = arith.constant 786432 : i32
    %add3A_1368 = arith.addi %mul3A_2, %add3A_1367 : i32
    %dma_wait3A_1369 = arith.constant 0 : i32
    %dma_wait3A_1370 = tpu.memref_slice %arg2[%add3A_1368] : memref<33554432xf32, #tpu.memory_space<hbm>> -> memref<16384xf32, #tpu.memory_space<hbm>>
    %dma_wait3A_1371 = tpu.memref_slice %arg11[%dma_wait3A_1369] : memref<3x!tpu.dma_semaphore, #tpu.memory_space<semaphore_mem>> -> memref<1x!tpu.dma_semaphore, #tpu.memory_space<semaphore_mem>>
    %dma_wait3A_1372 = tpu.memref_squeeze %dma_wait3A_1371 : memref<1x!tpu.dma_semaphore, #tpu.memory_space<semaphore_mem>> -> memref<!tpu.dma_semaphore, #tpu.memory_space<semaphore_mem>>
    %dma_wait3A_1373 = tpu.memref_slice %arg2[%add3A_1368] : memref<33554432xf32, #tpu.memory_space<hbm>> -> memref<16384xf32, #tpu.memory_space<hbm>>
    tpu.wait_dma2 semaphore(%dma_wait3A_1372 : memref<!tpu.dma_semaphore, #tpu.memory_space<semaphore_mem>>) src(%dma_wait3A_1373 : memref<16384xf32, #tpu.memory_space<hbm>>) dst(%arg5 : memref<16384xf32, #tpu.memory_space<vmem>>)
    %add3A_1374 = arith.constant 786432 : i32
    %add3A_1375 = arith.addi %mul3A_2, %add3A_1374 : i32
    %dma_start3A_1376 = arith.constant 0 : i32
    %dma_start3A_1377 = tpu.memref_slice %arg4[%add3A_1375] : memref<33554432xf32, #tpu.memory_space<hbm>> -> memref<16384xf32, #tpu.memory_space<hbm>>
    %dma_start3A_1378 = tpu.memref_slice %arg13[%dma_start3A_1376] : memref<3x!tpu.dma_semaphore, #tpu.memory_space<semaphore_mem>> -> memref<1x!tpu.dma_semaphore, #tpu.memory_space<semaphore_mem>>
    %dma_start3A_1379 = tpu.memref_squeeze %dma_start3A_1378 : memref<1x!tpu.dma_semaphore, #tpu.memory_space<semaphore_mem>> -> memref<!tpu.dma_semaphore, #tpu.memory_space<semaphore_mem>>
    %dma_start3A_1380 = tpu.memref_slice %arg4[%add3A_1375] : memref<33554432xf32, #tpu.memory_space<hbm>> -> memref<16384xf32, #tpu.memory_space<hbm>>
    tpu.enqueue_dma source(%arg5 : memref<16384xf32, #tpu.memory_space<vmem>>) target(%dma_start3A_1380 : memref<16384xf32, #tpu.memory_space<hbm>>) target_semaphore(%dma_start3A_1379 : memref<!tpu.dma_semaphore, #tpu.memory_space<semaphore_mem>>)
    %add3A_1381 = arith.constant 786432 : i32
    %add3A_1382 = arith.addi %mul3A_2, %add3A_1381 : i32
    %dma_wait3A_1383 = arith.constant 0 : i32
    %dma_wait3A_1384 = tpu.memref_slice %arg4[%add3A_1382] : memref<33554432xf32, #tpu.memory_space<hbm>> -> memref<16384xf32, #tpu.memory_space<hbm>>
    %dma_wait3A_1385 = tpu.memref_slice %arg13[%dma_wait3A_1383] : memref<3x!tpu.dma_semaphore, #tpu.memory_space<semaphore_mem>> -> memref<1x!tpu.dma_semaphore, #tpu.memory_space<semaphore_mem>>
    %dma_wait3A_1386 = tpu.memref_squeeze %dma_wait3A_1385 : memref<1x!tpu.dma_semaphore, #tpu.memory_space<semaphore_mem>> -> memref<!tpu.dma_semaphore, #tpu.memory_space<semaphore_mem>>
    %dma_wait3A_1387 = tpu.memref_slice %arg4[%add3A_1382] : memref<33554432xf32, #tpu.memory_space<hbm>> -> memref<16384xf32, #tpu.memory_space<hbm>>
    tpu.wait_dma2 semaphore(%dma_wait3A_1386 : memref<!tpu.dma_semaphore, #tpu.memory_space<semaphore_mem>>) src(%arg5 : memref<16384xf32, #tpu.memory_space<vmem>>) dst(%dma_wait3A_1387 : memref<16384xf32, #tpu.memory_space<hbm>>)
    %add3A_1388 = arith.constant 835584 : i32
    %add3A_1389 = arith.addi %mul3A_2, %add3A_1388 : i32
    %dma_start3A_1390 = arith.constant 0 : i32
    %dma_start3A_1391 = tpu.memref_slice %arg2[%add3A_1389] : memref<33554432xf32, #tpu.memory_space<hbm>> -> memref<16384xf32, #tpu.memory_space<hbm>>
    %dma_start3A_1392 = tpu.memref_slice %arg11[%dma_start3A_1390] : memref<3x!tpu.dma_semaphore, #tpu.memory_space<semaphore_mem>> -> memref<1x!tpu.dma_semaphore, #tpu.memory_space<semaphore_mem>>
    %dma_start3A_1393 = tpu.memref_squeeze %dma_start3A_1392 : memref<1x!tpu.dma_semaphore, #tpu.memory_space<semaphore_mem>> -> memref<!tpu.dma_semaphore, #tpu.memory_space<semaphore_mem>>
    %dma_start3A_1394 = tpu.memref_slice %arg2[%add3A_1389] : memref<33554432xf32, #tpu.memory_space<hbm>> -> memref<16384xf32, #tpu.memory_space<hbm>>
    tpu.enqueue_dma source(%dma_start3A_1394 : memref<16384xf32, #tpu.memory_space<hbm>>) target(%arg5 : memref<16384xf32, #tpu.memory_space<vmem>>) target_semaphore(%dma_start3A_1393 : memref<!tpu.dma_semaphore, #tpu.memory_space<semaphore_mem>>)
    %add3A_1395 = arith.constant 802816 : i32
    %add3A_1396 = arith.addi %mul3A_2, %add3A_1395 : i32
    %dma_wait3A_1397 = arith.constant 1 : i32
    %dma_wait3A_1398 = tpu.memref_slice %arg2[%add3A_1396] : memref<33554432xf32, #tpu.memory_space<hbm>> -> memref<16384xf32, #tpu.memory_space<hbm>>
    %dma_wait3A_1399 = tpu.memref_slice %arg11[%dma_wait3A_1397] : memref<3x!tpu.dma_semaphore, #tpu.memory_space<semaphore_mem>> -> memref<1x!tpu.dma_semaphore, #tpu.memory_space<semaphore_mem>>
    %dma_wait3A_1400 = tpu.memref_squeeze %dma_wait3A_1399 : memref<1x!tpu.dma_semaphore, #tpu.memory_space<semaphore_mem>> -> memref<!tpu.dma_semaphore, #tpu.memory_space<semaphore_mem>>
    %dma_wait3A_1401 = tpu.memref_slice %arg2[%add3A_1396] : memref<33554432xf32, #tpu.memory_space<hbm>> -> memref<16384xf32, #tpu.memory_space<hbm>>
    tpu.wait_dma2 semaphore(%dma_wait3A_1400 : memref<!tpu.dma_semaphore, #tpu.memory_space<semaphore_mem>>) src(%dma_wait3A_1401 : memref<16384xf32, #tpu.memory_space<hbm>>) dst(%arg6 : memref<16384xf32, #tpu.memory_space<vmem>>)
    %add3A_1402 = arith.constant 802816 : i32
    %add3A_1403 = arith.addi %mul3A_2, %add3A_1402 : i32
    %dma_start3A_1404 = arith.constant 1 : i32
    %dma_start3A_1405 = tpu.memref_slice %arg4[%add3A_1403] : memref<33554432xf32, #tpu.memory_space<hbm>> -> memref<16384xf32, #tpu.memory_space<hbm>>
    %dma_start3A_1406 = tpu.memref_slice %arg13[%dma_start3A_1404] : memref<3x!tpu.dma_semaphore, #tpu.memory_space<semaphore_mem>> -> memref<1x!tpu.dma_semaphore, #tpu.memory_space<semaphore_mem>>
    %dma_start3A_1407 = tpu.memref_squeeze %dma_start3A_1406 : memref<1x!tpu.dma_semaphore, #tpu.memory_space<semaphore_mem>> -> memref<!tpu.dma_semaphore, #tpu.memory_space<semaphore_mem>>
    %dma_start3A_1408 = tpu.memref_slice %arg4[%add3A_1403] : memref<33554432xf32, #tpu.memory_space<hbm>> -> memref<16384xf32, #tpu.memory_space<hbm>>
    tpu.enqueue_dma source(%arg6 : memref<16384xf32, #tpu.memory_space<vmem>>) target(%dma_start3A_1408 : memref<16384xf32, #tpu.memory_space<hbm>>) target_semaphore(%dma_start3A_1407 : memref<!tpu.dma_semaphore, #tpu.memory_space<semaphore_mem>>)
    %add3A_1409 = arith.constant 802816 : i32
    %add3A_1410 = arith.addi %mul3A_2, %add3A_1409 : i32
    %dma_wait3A_1411 = arith.constant 1 : i32
    %dma_wait3A_1412 = tpu.memref_slice %arg4[%add3A_1410] : memref<33554432xf32, #tpu.memory_space<hbm>> -> memref<16384xf32, #tpu.memory_space<hbm>>
    %dma_wait3A_1413 = tpu.memref_slice %arg13[%dma_wait3A_1411] : memref<3x!tpu.dma_semaphore, #tpu.memory_space<semaphore_mem>> -> memref<1x!tpu.dma_semaphore, #tpu.memory_space<semaphore_mem>>
    %dma_wait3A_1414 = tpu.memref_squeeze %dma_wait3A_1413 : memref<1x!tpu.dma_semaphore, #tpu.memory_space<semaphore_mem>> -> memref<!tpu.dma_semaphore, #tpu.memory_space<semaphore_mem>>
    %dma_wait3A_1415 = tpu.memref_slice %arg4[%add3A_1410] : memref<33554432xf32, #tpu.memory_space<hbm>> -> memref<16384xf32, #tpu.memory_space<hbm>>
    tpu.wait_dma2 semaphore(%dma_wait3A_1414 : memref<!tpu.dma_semaphore, #tpu.memory_space<semaphore_mem>>) src(%arg6 : memref<16384xf32, #tpu.memory_space<vmem>>) dst(%dma_wait3A_1415 : memref<16384xf32, #tpu.memory_space<hbm>>)
    %add3A_1416 = arith.constant 851968 : i32
    %add3A_1417 = arith.addi %mul3A_2, %add3A_1416 : i32
    %dma_start3A_1418 = arith.constant 1 : i32
    %dma_start3A_1419 = tpu.memref_slice %arg2[%add3A_1417] : memref<33554432xf32, #tpu.memory_space<hbm>> -> memref<16384xf32, #tpu.memory_space<hbm>>
    %dma_start3A_1420 = tpu.memref_slice %arg11[%dma_start3A_1418] : memref<3x!tpu.dma_semaphore, #tpu.memory_space<semaphore_mem>> -> memref<1x!tpu.dma_semaphore, #tpu.memory_space<semaphore_mem>>
    %dma_start3A_1421 = tpu.memref_squeeze %dma_start3A_1420 : memref<1x!tpu.dma_semaphore, #tpu.memory_space<semaphore_mem>> -> memref<!tpu.dma_semaphore, #tpu.memory_space<semaphore_mem>>
    %dma_start3A_1422 = tpu.memref_slice %arg2[%add3A_1417] : memref<33554432xf32, #tpu.memory_space<hbm>> -> memref<16384xf32, #tpu.memory_space<hbm>>
    tpu.enqueue_dma source(%dma_start3A_1422 : memref<16384xf32, #tpu.memory_space<hbm>>) target(%arg6 : memref<16384xf32, #tpu.memory_space<vmem>>) target_semaphore(%dma_start3A_1421 : memref<!tpu.dma_semaphore, #tpu.memory_space<semaphore_mem>>)
    %add3A_1423 = arith.constant 819200 : i32
    %add3A_1424 = arith.addi %mul3A_2, %add3A_1423 : i32
    %dma_wait3A_1425 = arith.constant 2 : i32
    %dma_wait3A_1426 = tpu.memref_slice %arg2[%add3A_1424] : memref<33554432xf32, #tpu.memory_space<hbm>> -> memref<16384xf32, #tpu.memory_space<hbm>>
    %dma_wait3A_1427 = tpu.memref_slice %arg11[%dma_wait3A_1425] : memref<3x!tpu.dma_semaphore, #tpu.memory_space<semaphore_mem>> -> memref<1x!tpu.dma_semaphore, #tpu.memory_space<semaphore_mem>>
    %dma_wait3A_1428 = tpu.memref_squeeze %dma_wait3A_1427 : memref<1x!tpu.dma_semaphore, #tpu.memory_space<semaphore_mem>> -> memref<!tpu.dma_semaphore, #tpu.memory_space<semaphore_mem>>
    %dma_wait3A_1429 = tpu.memref_slice %arg2[%add3A_1424] : memref<33554432xf32, #tpu.memory_space<hbm>> -> memref<16384xf32, #tpu.memory_space<hbm>>
    tpu.wait_dma2 semaphore(%dma_wait3A_1428 : memref<!tpu.dma_semaphore, #tpu.memory_space<semaphore_mem>>) src(%dma_wait3A_1429 : memref<16384xf32, #tpu.memory_space<hbm>>) dst(%arg7 : memref<16384xf32, #tpu.memory_space<vmem>>)
    %add3A_1430 = arith.constant 819200 : i32
    %add3A_1431 = arith.addi %mul3A_2, %add3A_1430 : i32
    %dma_start3A_1432 = arith.constant 2 : i32
    %dma_start3A_1433 = tpu.memref_slice %arg4[%add3A_1431] : memref<33554432xf32, #tpu.memory_space<hbm>> -> memref<16384xf32, #tpu.memory_space<hbm>>
    %dma_start3A_1434 = tpu.memref_slice %arg13[%dma_start3A_1432] : memref<3x!tpu.dma_semaphore, #tpu.memory_space<semaphore_mem>> -> memref<1x!tpu.dma_semaphore, #tpu.memory_space<semaphore_mem>>
    %dma_start3A_1435 = tpu.memref_squeeze %dma_start3A_1434 : memref<1x!tpu.dma_semaphore, #tpu.memory_space<semaphore_mem>> -> memref<!tpu.dma_semaphore, #tpu.memory_space<semaphore_mem>>
    %dma_start3A_1436 = tpu.memref_slice %arg4[%add3A_1431] : memref<33554432xf32, #tpu.memory_space<hbm>> -> memref<16384xf32, #tpu.memory_space<hbm>>
    tpu.enqueue_dma source(%arg7 : memref<16384xf32, #tpu.memory_space<vmem>>) target(%dma_start3A_1436 : memref<16384xf32, #tpu.memory_space<hbm>>) target_semaphore(%dma_start3A_1435 : memref<!tpu.dma_semaphore, #tpu.memory_space<semaphore_mem>>)
    %add3A_1437 = arith.constant 819200 : i32
    %add3A_1438 = arith.addi %mul3A_2, %add3A_1437 : i32
    %dma_wait3A_1439 = arith.constant 2 : i32
    %dma_wait3A_1440 = tpu.memref_slice %arg4[%add3A_1438] : memref<33554432xf32, #tpu.memory_space<hbm>> -> memref<16384xf32, #tpu.memory_space<hbm>>
    %dma_wait3A_1441 = tpu.memref_slice %arg13[%dma_wait3A_1439] : memref<3x!tpu.dma_semaphore, #tpu.memory_space<semaphore_mem>> -> memref<1x!tpu.dma_semaphore, #tpu.memory_space<semaphore_mem>>
    %dma_wait3A_1442 = tpu.memref_squeeze %dma_wait3A_1441 : memref<1x!tpu.dma_semaphore, #tpu.memory_space<semaphore_mem>> -> memref<!tpu.dma_semaphore, #tpu.memory_space<semaphore_mem>>
    %dma_wait3A_1443 = tpu.memref_slice %arg4[%add3A_1438] : memref<33554432xf32, #tpu.memory_space<hbm>> -> memref<16384xf32, #tpu.memory_space<hbm>>
    tpu.wait_dma2 semaphore(%dma_wait3A_1442 : memref<!tpu.dma_semaphore, #tpu.memory_space<semaphore_mem>>) src(%arg7 : memref<16384xf32, #tpu.memory_space<vmem>>) dst(%dma_wait3A_1443 : memref<16384xf32, #tpu.memory_space<hbm>>)
    %add3A_1444 = arith.constant 868352 : i32
    %add3A_1445 = arith.addi %mul3A_2, %add3A_1444 : i32
    %dma_start3A_1446 = arith.constant 2 : i32
    %dma_start3A_1447 = tpu.memref_slice %arg2[%add3A_1445] : memref<33554432xf32, #tpu.memory_space<hbm>> -> memref<16384xf32, #tpu.memory_space<hbm>>
    %dma_start3A_1448 = tpu.memref_slice %arg11[%dma_start3A_1446] : memref<3x!tpu.dma_semaphore, #tpu.memory_space<semaphore_mem>> -> memref<1x!tpu.dma_semaphore, #tpu.memory_space<semaphore_mem>>
    %dma_start3A_1449 = tpu.memref_squeeze %dma_start3A_1448 : memref<1x!tpu.dma_semaphore, #tpu.memory_space<semaphore_mem>> -> memref<!tpu.dma_semaphore, #tpu.memory_space<semaphore_mem>>
    %dma_start3A_1450 = tpu.memref_slice %arg2[%add3A_1445] : memref<33554432xf32, #tpu.memory_space<hbm>> -> memref<16384xf32, #tpu.memory_space<hbm>>
    tpu.enqueue_dma source(%dma_start3A_1450 : memref<16384xf32, #tpu.memory_space<hbm>>) target(%arg7 : memref<16384xf32, #tpu.memory_space<vmem>>) target_semaphore(%dma_start3A_1449 : memref<!tpu.dma_semaphore, #tpu.memory_space<semaphore_mem>>)
    %add3A_1451 = arith.constant 835584 : i32
    %add3A_1452 = arith.addi %mul3A_2, %add3A_1451 : i32
    %dma_wait3A_1453 = arith.constant 0 : i32
    %dma_wait3A_1454 = tpu.memref_slice %arg2[%add3A_1452] : memref<33554432xf32, #tpu.memory_space<hbm>> -> memref<16384xf32, #tpu.memory_space<hbm>>
    %dma_wait3A_1455 = tpu.memref_slice %arg11[%dma_wait3A_1453] : memref<3x!tpu.dma_semaphore, #tpu.memory_space<semaphore_mem>> -> memref<1x!tpu.dma_semaphore, #tpu.memory_space<semaphore_mem>>
    %dma_wait3A_1456 = tpu.memref_squeeze %dma_wait3A_1455 : memref<1x!tpu.dma_semaphore, #tpu.memory_space<semaphore_mem>> -> memref<!tpu.dma_semaphore, #tpu.memory_space<semaphore_mem>>
    %dma_wait3A_1457 = tpu.memref_slice %arg2[%add3A_1452] : memref<33554432xf32, #tpu.memory_space<hbm>> -> memref<16384xf32, #tpu.memory_space<hbm>>
    tpu.wait_dma2 semaphore(%dma_wait3A_1456 : memref<!tpu.dma_semaphore, #tpu.memory_space<semaphore_mem>>) src(%dma_wait3A_1457 : memref<16384xf32, #tpu.memory_space<hbm>>) dst(%arg5 : memref<16384xf32, #tpu.memory_space<vmem>>)
    %add3A_1458 = arith.constant 835584 : i32
    %add3A_1459 = arith.addi %mul3A_2, %add3A_1458 : i32
    %dma_start3A_1460 = arith.constant 0 : i32
    %dma_start3A_1461 = tpu.memref_slice %arg4[%add3A_1459] : memref<33554432xf32, #tpu.memory_space<hbm>> -> memref<16384xf32, #tpu.memory_space<hbm>>
    %dma_start3A_1462 = tpu.memref_slice %arg13[%dma_start3A_1460] : memref<3x!tpu.dma_semaphore, #tpu.memory_space<semaphore_mem>> -> memref<1x!tpu.dma_semaphore, #tpu.memory_space<semaphore_mem>>
    %dma_start3A_1463 = tpu.memref_squeeze %dma_start3A_1462 : memref<1x!tpu.dma_semaphore, #tpu.memory_space<semaphore_mem>> -> memref<!tpu.dma_semaphore, #tpu.memory_space<semaphore_mem>>
    %dma_start3A_1464 = tpu.memref_slice %arg4[%add3A_1459] : memref<33554432xf32, #tpu.memory_space<hbm>> -> memref<16384xf32, #tpu.memory_space<hbm>>
    tpu.enqueue_dma source(%arg5 : memref<16384xf32, #tpu.memory_space<vmem>>) target(%dma_start3A_1464 : memref<16384xf32, #tpu.memory_space<hbm>>) target_semaphore(%dma_start3A_1463 : memref<!tpu.dma_semaphore, #tpu.memory_space<semaphore_mem>>)
    %add3A_1465 = arith.constant 835584 : i32
    %add3A_1466 = arith.addi %mul3A_2, %add3A_1465 : i32
    %dma_wait3A_1467 = arith.constant 0 : i32
    %dma_wait3A_1468 = tpu.memref_slice %arg4[%add3A_1466] : memref<33554432xf32, #tpu.memory_space<hbm>> -> memref<16384xf32, #tpu.memory_space<hbm>>
    %dma_wait3A_1469 = tpu.memref_slice %arg13[%dma_wait3A_1467] : memref<3x!tpu.dma_semaphore, #tpu.memory_space<semaphore_mem>> -> memref<1x!tpu.dma_semaphore, #tpu.memory_space<semaphore_mem>>
    %dma_wait3A_1470 = tpu.memref_squeeze %dma_wait3A_1469 : memref<1x!tpu.dma_semaphore, #tpu.memory_space<semaphore_mem>> -> memref<!tpu.dma_semaphore, #tpu.memory_space<semaphore_mem>>
    %dma_wait3A_1471 = tpu.memref_slice %arg4[%add3A_1466] : memref<33554432xf32, #tpu.memory_space<hbm>> -> memref<16384xf32, #tpu.memory_space<hbm>>
    tpu.wait_dma2 semaphore(%dma_wait3A_1470 : memref<!tpu.dma_semaphore, #tpu.memory_space<semaphore_mem>>) src(%arg5 : memref<16384xf32, #tpu.memory_space<vmem>>) dst(%dma_wait3A_1471 : memref<16384xf32, #tpu.memory_space<hbm>>)
    %add3A_1472 = arith.constant 884736 : i32
    %add3A_1473 = arith.addi %mul3A_2, %add3A_1472 : i32
    %dma_start3A_1474 = arith.constant 0 : i32
    %dma_start3A_1475 = tpu.memref_slice %arg2[%add3A_1473] : memref<33554432xf32, #tpu.memory_space<hbm>> -> memref<16384xf32, #tpu.memory_space<hbm>>
    %dma_start3A_1476 = tpu.memref_slice %arg11[%dma_start3A_1474] : memref<3x!tpu.dma_semaphore, #tpu.memory_space<semaphore_mem>> -> memref<1x!tpu.dma_semaphore, #tpu.memory_space<semaphore_mem>>
    %dma_start3A_1477 = tpu.memref_squeeze %dma_start3A_1476 : memref<1x!tpu.dma_semaphore, #tpu.memory_space<semaphore_mem>> -> memref<!tpu.dma_semaphore, #tpu.memory_space<semaphore_mem>>
    %dma_start3A_1478 = tpu.memref_slice %arg2[%add3A_1473] : memref<33554432xf32, #tpu.memory_space<hbm>> -> memref<16384xf32, #tpu.memory_space<hbm>>
    tpu.enqueue_dma source(%dma_start3A_1478 : memref<16384xf32, #tpu.memory_space<hbm>>) target(%arg5 : memref<16384xf32, #tpu.memory_space<vmem>>) target_semaphore(%dma_start3A_1477 : memref<!tpu.dma_semaphore, #tpu.memory_space<semaphore_mem>>)
    %add3A_1479 = arith.constant 851968 : i32
    %add3A_1480 = arith.addi %mul3A_2, %add3A_1479 : i32
    %dma_wait3A_1481 = arith.constant 1 : i32
    %dma_wait3A_1482 = tpu.memref_slice %arg2[%add3A_1480] : memref<33554432xf32, #tpu.memory_space<hbm>> -> memref<16384xf32, #tpu.memory_space<hbm>>
    %dma_wait3A_1483 = tpu.memref_slice %arg11[%dma_wait3A_1481] : memref<3x!tpu.dma_semaphore, #tpu.memory_space<semaphore_mem>> -> memref<1x!tpu.dma_semaphore, #tpu.memory_space<semaphore_mem>>
    %dma_wait3A_1484 = tpu.memref_squeeze %dma_wait3A_1483 : memref<1x!tpu.dma_semaphore, #tpu.memory_space<semaphore_mem>> -> memref<!tpu.dma_semaphore, #tpu.memory_space<semaphore_mem>>
    %dma_wait3A_1485 = tpu.memref_slice %arg2[%add3A_1480] : memref<33554432xf32, #tpu.memory_space<hbm>> -> memref<16384xf32, #tpu.memory_space<hbm>>
    tpu.wait_dma2 semaphore(%dma_wait3A_1484 : memref<!tpu.dma_semaphore, #tpu.memory_space<semaphore_mem>>) src(%dma_wait3A_1485 : memref<16384xf32, #tpu.memory_space<hbm>>) dst(%arg6 : memref<16384xf32, #tpu.memory_space<vmem>>)
    %add3A_1486 = arith.constant 851968 : i32
    %add3A_1487 = arith.addi %mul3A_2, %add3A_1486 : i32
    %dma_start3A_1488 = arith.constant 1 : i32
    %dma_start3A_1489 = tpu.memref_slice %arg4[%add3A_1487] : memref<33554432xf32, #tpu.memory_space<hbm>> -> memref<16384xf32, #tpu.memory_space<hbm>>
    %dma_start3A_1490 = tpu.memref_slice %arg13[%dma_start3A_1488] : memref<3x!tpu.dma_semaphore, #tpu.memory_space<semaphore_mem>> -> memref<1x!tpu.dma_semaphore, #tpu.memory_space<semaphore_mem>>
    %dma_start3A_1491 = tpu.memref_squeeze %dma_start3A_1490 : memref<1x!tpu.dma_semaphore, #tpu.memory_space<semaphore_mem>> -> memref<!tpu.dma_semaphore, #tpu.memory_space<semaphore_mem>>
    %dma_start3A_1492 = tpu.memref_slice %arg4[%add3A_1487] : memref<33554432xf32, #tpu.memory_space<hbm>> -> memref<16384xf32, #tpu.memory_space<hbm>>
    tpu.enqueue_dma source(%arg6 : memref<16384xf32, #tpu.memory_space<vmem>>) target(%dma_start3A_1492 : memref<16384xf32, #tpu.memory_space<hbm>>) target_semaphore(%dma_start3A_1491 : memref<!tpu.dma_semaphore, #tpu.memory_space<semaphore_mem>>)
    %add3A_1493 = arith.constant 851968 : i32
    %add3A_1494 = arith.addi %mul3A_2, %add3A_1493 : i32
    %dma_wait3A_1495 = arith.constant 1 : i32
    %dma_wait3A_1496 = tpu.memref_slice %arg4[%add3A_1494] : memref<33554432xf32, #tpu.memory_space<hbm>> -> memref<16384xf32, #tpu.memory_space<hbm>>
    %dma_wait3A_1497 = tpu.memref_slice %arg13[%dma_wait3A_1495] : memref<3x!tpu.dma_semaphore, #tpu.memory_space<semaphore_mem>> -> memref<1x!tpu.dma_semaphore, #tpu.memory_space<semaphore_mem>>
    %dma_wait3A_1498 = tpu.memref_squeeze %dma_wait3A_1497 : memref<1x!tpu.dma_semaphore, #tpu.memory_space<semaphore_mem>> -> memref<!tpu.dma_semaphore, #tpu.memory_space<semaphore_mem>>
    %dma_wait3A_1499 = tpu.memref_slice %arg4[%add3A_1494] : memref<33554432xf32, #tpu.memory_space<hbm>> -> memref<16384xf32, #tpu.memory_space<hbm>>
    tpu.wait_dma2 semaphore(%dma_wait3A_1498 : memref<!tpu.dma_semaphore, #tpu.memory_space<semaphore_mem>>) src(%arg6 : memref<16384xf32, #tpu.memory_space<vmem>>) dst(%dma_wait3A_1499 : memref<16384xf32, #tpu.memory_space<hbm>>)
    %add3A_1500 = arith.constant 901120 : i32
    %add3A_1501 = arith.addi %mul3A_2, %add3A_1500 : i32
    %dma_start3A_1502 = arith.constant 1 : i32
    %dma_start3A_1503 = tpu.memref_slice %arg2[%add3A_1501] : memref<33554432xf32, #tpu.memory_space<hbm>> -> memref<16384xf32, #tpu.memory_space<hbm>>
    %dma_start3A_1504 = tpu.memref_slice %arg11[%dma_start3A_1502] : memref<3x!tpu.dma_semaphore, #tpu.memory_space<semaphore_mem>> -> memref<1x!tpu.dma_semaphore, #tpu.memory_space<semaphore_mem>>
    %dma_start3A_1505 = tpu.memref_squeeze %dma_start3A_1504 : memref<1x!tpu.dma_semaphore, #tpu.memory_space<semaphore_mem>> -> memref<!tpu.dma_semaphore, #tpu.memory_space<semaphore_mem>>
    %dma_start3A_1506 = tpu.memref_slice %arg2[%add3A_1501] : memref<33554432xf32, #tpu.memory_space<hbm>> -> memref<16384xf32, #tpu.memory_space<hbm>>
    tpu.enqueue_dma source(%dma_start3A_1506 : memref<16384xf32, #tpu.memory_space<hbm>>) target(%arg6 : memref<16384xf32, #tpu.memory_space<vmem>>) target_semaphore(%dma_start3A_1505 : memref<!tpu.dma_semaphore, #tpu.memory_space<semaphore_mem>>)
    %add3A_1507 = arith.constant 868352 : i32
    %add3A_1508 = arith.addi %mul3A_2, %add3A_1507 : i32
    %dma_wait3A_1509 = arith.constant 2 : i32
    %dma_wait3A_1510 = tpu.memref_slice %arg2[%add3A_1508] : memref<33554432xf32, #tpu.memory_space<hbm>> -> memref<16384xf32, #tpu.memory_space<hbm>>
    %dma_wait3A_1511 = tpu.memref_slice %arg11[%dma_wait3A_1509] : memref<3x!tpu.dma_semaphore, #tpu.memory_space<semaphore_mem>> -> memref<1x!tpu.dma_semaphore, #tpu.memory_space<semaphore_mem>>
    %dma_wait3A_1512 = tpu.memref_squeeze %dma_wait3A_1511 : memref<1x!tpu.dma_semaphore, #tpu.memory_space<semaphore_mem>> -> memref<!tpu.dma_semaphore, #tpu.memory_space<semaphore_mem>>
    %dma_wait3A_1513 = tpu.memref_slice %arg2[%add3A_1508] : memref<33554432xf32, #tpu.memory_space<hbm>> -> memref<16384xf32, #tpu.memory_space<hbm>>
    tpu.wait_dma2 semaphore(%dma_wait3A_1512 : memref<!tpu.dma_semaphore, #tpu.memory_space<semaphore_mem>>) src(%dma_wait3A_1513 : memref<16384xf32, #tpu.memory_space<hbm>>) dst(%arg7 : memref<16384xf32, #tpu.memory_space<vmem>>)
    %add3A_1514 = arith.constant 868352 : i32
    %add3A_1515 = arith.addi %mul3A_2, %add3A_1514 : i32
    %dma_start3A_1516 = arith.constant 2 : i32
    %dma_start3A_1517 = tpu.memref_slice %arg4[%add3A_1515] : memref<33554432xf32, #tpu.memory_space<hbm>> -> memref<16384xf32, #tpu.memory_space<hbm>>
    %dma_start3A_1518 = tpu.memref_slice %arg13[%dma_start3A_1516] : memref<3x!tpu.dma_semaphore, #tpu.memory_space<semaphore_mem>> -> memref<1x!tpu.dma_semaphore, #tpu.memory_space<semaphore_mem>>
    %dma_start3A_1519 = tpu.memref_squeeze %dma_start3A_1518 : memref<1x!tpu.dma_semaphore, #tpu.memory_space<semaphore_mem>> -> memref<!tpu.dma_semaphore, #tpu.memory_space<semaphore_mem>>
    %dma_start3A_1520 = tpu.memref_slice %arg4[%add3A_1515] : memref<33554432xf32, #tpu.memory_space<hbm>> -> memref<16384xf32, #tpu.memory_space<hbm>>
    tpu.enqueue_dma source(%arg7 : memref<16384xf32, #tpu.memory_space<vmem>>) target(%dma_start3A_1520 : memref<16384xf32, #tpu.memory_space<hbm>>) target_semaphore(%dma_start3A_1519 : memref<!tpu.dma_semaphore, #tpu.memory_space<semaphore_mem>>)
    %add3A_1521 = arith.constant 868352 : i32
    %add3A_1522 = arith.addi %mul3A_2, %add3A_1521 : i32
    %dma_wait3A_1523 = arith.constant 2 : i32
    %dma_wait3A_1524 = tpu.memref_slice %arg4[%add3A_1522] : memref<33554432xf32, #tpu.memory_space<hbm>> -> memref<16384xf32, #tpu.memory_space<hbm>>
    %dma_wait3A_1525 = tpu.memref_slice %arg13[%dma_wait3A_1523] : memref<3x!tpu.dma_semaphore, #tpu.memory_space<semaphore_mem>> -> memref<1x!tpu.dma_semaphore, #tpu.memory_space<semaphore_mem>>
    %dma_wait3A_1526 = tpu.memref_squeeze %dma_wait3A_1525 : memref<1x!tpu.dma_semaphore, #tpu.memory_space<semaphore_mem>> -> memref<!tpu.dma_semaphore, #tpu.memory_space<semaphore_mem>>
    %dma_wait3A_1527 = tpu.memref_slice %arg4[%add3A_1522] : memref<33554432xf32, #tpu.memory_space<hbm>> -> memref<16384xf32, #tpu.memory_space<hbm>>
    tpu.wait_dma2 semaphore(%dma_wait3A_1526 : memref<!tpu.dma_semaphore, #tpu.memory_space<semaphore_mem>>) src(%arg7 : memref<16384xf32, #tpu.memory_space<vmem>>) dst(%dma_wait3A_1527 : memref<16384xf32, #tpu.memory_space<hbm>>)
    %add3A_1528 = arith.constant 917504 : i32
    %add3A_1529 = arith.addi %mul3A_2, %add3A_1528 : i32
    %dma_start3A_1530 = arith.constant 2 : i32
    %dma_start3A_1531 = tpu.memref_slice %arg2[%add3A_1529] : memref<33554432xf32, #tpu.memory_space<hbm>> -> memref<16384xf32, #tpu.memory_space<hbm>>
    %dma_start3A_1532 = tpu.memref_slice %arg11[%dma_start3A_1530] : memref<3x!tpu.dma_semaphore, #tpu.memory_space<semaphore_mem>> -> memref<1x!tpu.dma_semaphore, #tpu.memory_space<semaphore_mem>>
    %dma_start3A_1533 = tpu.memref_squeeze %dma_start3A_1532 : memref<1x!tpu.dma_semaphore, #tpu.memory_space<semaphore_mem>> -> memref<!tpu.dma_semaphore, #tpu.memory_space<semaphore_mem>>
    %dma_start3A_1534 = tpu.memref_slice %arg2[%add3A_1529] : memref<33554432xf32, #tpu.memory_space<hbm>> -> memref<16384xf32, #tpu.memory_space<hbm>>
    tpu.enqueue_dma source(%dma_start3A_1534 : memref<16384xf32, #tpu.memory_space<hbm>>) target(%arg7 : memref<16384xf32, #tpu.memory_space<vmem>>) target_semaphore(%dma_start3A_1533 : memref<!tpu.dma_semaphore, #tpu.memory_space<semaphore_mem>>)
    %add3A_1535 = arith.constant 884736 : i32
    %add3A_1536 = arith.addi %mul3A_2, %add3A_1535 : i32
    %dma_wait3A_1537 = arith.constant 0 : i32
    %dma_wait3A_1538 = tpu.memref_slice %arg2[%add3A_1536] : memref<33554432xf32, #tpu.memory_space<hbm>> -> memref<16384xf32, #tpu.memory_space<hbm>>
    %dma_wait3A_1539 = tpu.memref_slice %arg11[%dma_wait3A_1537] : memref<3x!tpu.dma_semaphore, #tpu.memory_space<semaphore_mem>> -> memref<1x!tpu.dma_semaphore, #tpu.memory_space<semaphore_mem>>
    %dma_wait3A_1540 = tpu.memref_squeeze %dma_wait3A_1539 : memref<1x!tpu.dma_semaphore, #tpu.memory_space<semaphore_mem>> -> memref<!tpu.dma_semaphore, #tpu.memory_space<semaphore_mem>>
    %dma_wait3A_1541 = tpu.memref_slice %arg2[%add3A_1536] : memref<33554432xf32, #tpu.memory_space<hbm>> -> memref<16384xf32, #tpu.memory_space<hbm>>
    tpu.wait_dma2 semaphore(%dma_wait3A_1540 : memref<!tpu.dma_semaphore, #tpu.memory_space<semaphore_mem>>) src(%dma_wait3A_1541 : memref<16384xf32, #tpu.memory_space<hbm>>) dst(%arg5 : memref<16384xf32, #tpu.memory_space<vmem>>)
    %add3A_1542 = arith.constant 884736 : i32
    %add3A_1543 = arith.addi %mul3A_2, %add3A_1542 : i32
    %dma_start3A_1544 = arith.constant 0 : i32
    %dma_start3A_1545 = tpu.memref_slice %arg4[%add3A_1543] : memref<33554432xf32, #tpu.memory_space<hbm>> -> memref<16384xf32, #tpu.memory_space<hbm>>
    %dma_start3A_1546 = tpu.memref_slice %arg13[%dma_start3A_1544] : memref<3x!tpu.dma_semaphore, #tpu.memory_space<semaphore_mem>> -> memref<1x!tpu.dma_semaphore, #tpu.memory_space<semaphore_mem>>
    %dma_start3A_1547 = tpu.memref_squeeze %dma_start3A_1546 : memref<1x!tpu.dma_semaphore, #tpu.memory_space<semaphore_mem>> -> memref<!tpu.dma_semaphore, #tpu.memory_space<semaphore_mem>>
    %dma_start3A_1548 = tpu.memref_slice %arg4[%add3A_1543] : memref<33554432xf32, #tpu.memory_space<hbm>> -> memref<16384xf32, #tpu.memory_space<hbm>>
    tpu.enqueue_dma source(%arg5 : memref<16384xf32, #tpu.memory_space<vmem>>) target(%dma_start3A_1548 : memref<16384xf32, #tpu.memory_space<hbm>>) target_semaphore(%dma_start3A_1547 : memref<!tpu.dma_semaphore, #tpu.memory_space<semaphore_mem>>)
    %add3A_1549 = arith.constant 884736 : i32
    %add3A_1550 = arith.addi %mul3A_2, %add3A_1549 : i32
    %dma_wait3A_1551 = arith.constant 0 : i32
    %dma_wait3A_1552 = tpu.memref_slice %arg4[%add3A_1550] : memref<33554432xf32, #tpu.memory_space<hbm>> -> memref<16384xf32, #tpu.memory_space<hbm>>
    %dma_wait3A_1553 = tpu.memref_slice %arg13[%dma_wait3A_1551] : memref<3x!tpu.dma_semaphore, #tpu.memory_space<semaphore_mem>> -> memref<1x!tpu.dma_semaphore, #tpu.memory_space<semaphore_mem>>
    %dma_wait3A_1554 = tpu.memref_squeeze %dma_wait3A_1553 : memref<1x!tpu.dma_semaphore, #tpu.memory_space<semaphore_mem>> -> memref<!tpu.dma_semaphore, #tpu.memory_space<semaphore_mem>>
    %dma_wait3A_1555 = tpu.memref_slice %arg4[%add3A_1550] : memref<33554432xf32, #tpu.memory_space<hbm>> -> memref<16384xf32, #tpu.memory_space<hbm>>
    tpu.wait_dma2 semaphore(%dma_wait3A_1554 : memref<!tpu.dma_semaphore, #tpu.memory_space<semaphore_mem>>) src(%arg5 : memref<16384xf32, #tpu.memory_space<vmem>>) dst(%dma_wait3A_1555 : memref<16384xf32, #tpu.memory_space<hbm>>)
    %add3A_1556 = arith.constant 933888 : i32
    %add3A_1557 = arith.addi %mul3A_2, %add3A_1556 : i32
    %dma_start3A_1558 = arith.constant 0 : i32
    %dma_start3A_1559 = tpu.memref_slice %arg2[%add3A_1557] : memref<33554432xf32, #tpu.memory_space<hbm>> -> memref<16384xf32, #tpu.memory_space<hbm>>
    %dma_start3A_1560 = tpu.memref_slice %arg11[%dma_start3A_1558] : memref<3x!tpu.dma_semaphore, #tpu.memory_space<semaphore_mem>> -> memref<1x!tpu.dma_semaphore, #tpu.memory_space<semaphore_mem>>
    %dma_start3A_1561 = tpu.memref_squeeze %dma_start3A_1560 : memref<1x!tpu.dma_semaphore, #tpu.memory_space<semaphore_mem>> -> memref<!tpu.dma_semaphore, #tpu.memory_space<semaphore_mem>>
    %dma_start3A_1562 = tpu.memref_slice %arg2[%add3A_1557] : memref<33554432xf32, #tpu.memory_space<hbm>> -> memref<16384xf32, #tpu.memory_space<hbm>>
    tpu.enqueue_dma source(%dma_start3A_1562 : memref<16384xf32, #tpu.memory_space<hbm>>) target(%arg5 : memref<16384xf32, #tpu.memory_space<vmem>>) target_semaphore(%dma_start3A_1561 : memref<!tpu.dma_semaphore, #tpu.memory_space<semaphore_mem>>)
    %add3A_1563 = arith.constant 901120 : i32
    %add3A_1564 = arith.addi %mul3A_2, %add3A_1563 : i32
    %dma_wait3A_1565 = arith.constant 1 : i32
    %dma_wait3A_1566 = tpu.memref_slice %arg2[%add3A_1564] : memref<33554432xf32, #tpu.memory_space<hbm>> -> memref<16384xf32, #tpu.memory_space<hbm>>
    %dma_wait3A_1567 = tpu.memref_slice %arg11[%dma_wait3A_1565] : memref<3x!tpu.dma_semaphore, #tpu.memory_space<semaphore_mem>> -> memref<1x!tpu.dma_semaphore, #tpu.memory_space<semaphore_mem>>
    %dma_wait3A_1568 = tpu.memref_squeeze %dma_wait3A_1567 : memref<1x!tpu.dma_semaphore, #tpu.memory_space<semaphore_mem>> -> memref<!tpu.dma_semaphore, #tpu.memory_space<semaphore_mem>>
    %dma_wait3A_1569 = tpu.memref_slice %arg2[%add3A_1564] : memref<33554432xf32, #tpu.memory_space<hbm>> -> memref<16384xf32, #tpu.memory_space<hbm>>
    tpu.wait_dma2 semaphore(%dma_wait3A_1568 : memref<!tpu.dma_semaphore, #tpu.memory_space<semaphore_mem>>) src(%dma_wait3A_1569 : memref<16384xf32, #tpu.memory_space<hbm>>) dst(%arg6 : memref<16384xf32, #tpu.memory_space<vmem>>)
    %add3A_1570 = arith.constant 901120 : i32
    %add3A_1571 = arith.addi %mul3A_2, %add3A_1570 : i32
    %dma_start3A_1572 = arith.constant 1 : i32
    %dma_start3A_1573 = tpu.memref_slice %arg4[%add3A_1571] : memref<33554432xf32, #tpu.memory_space<hbm>> -> memref<16384xf32, #tpu.memory_space<hbm>>
    %dma_start3A_1574 = tpu.memref_slice %arg13[%dma_start3A_1572] : memref<3x!tpu.dma_semaphore, #tpu.memory_space<semaphore_mem>> -> memref<1x!tpu.dma_semaphore, #tpu.memory_space<semaphore_mem>>
    %dma_start3A_1575 = tpu.memref_squeeze %dma_start3A_1574 : memref<1x!tpu.dma_semaphore, #tpu.memory_space<semaphore_mem>> -> memref<!tpu.dma_semaphore, #tpu.memory_space<semaphore_mem>>
    %dma_start3A_1576 = tpu.memref_slice %arg4[%add3A_1571] : memref<33554432xf32, #tpu.memory_space<hbm>> -> memref<16384xf32, #tpu.memory_space<hbm>>
    tpu.enqueue_dma source(%arg6 : memref<16384xf32, #tpu.memory_space<vmem>>) target(%dma_start3A_1576 : memref<16384xf32, #tpu.memory_space<hbm>>) target_semaphore(%dma_start3A_1575 : memref<!tpu.dma_semaphore, #tpu.memory_space<semaphore_mem>>)
    %add3A_1577 = arith.constant 901120 : i32
    %add3A_1578 = arith.addi %mul3A_2, %add3A_1577 : i32
    %dma_wait3A_1579 = arith.constant 1 : i32
    %dma_wait3A_1580 = tpu.memref_slice %arg4[%add3A_1578] : memref<33554432xf32, #tpu.memory_space<hbm>> -> memref<16384xf32, #tpu.memory_space<hbm>>
    %dma_wait3A_1581 = tpu.memref_slice %arg13[%dma_wait3A_1579] : memref<3x!tpu.dma_semaphore, #tpu.memory_space<semaphore_mem>> -> memref<1x!tpu.dma_semaphore, #tpu.memory_space<semaphore_mem>>
    %dma_wait3A_1582 = tpu.memref_squeeze %dma_wait3A_1581 : memref<1x!tpu.dma_semaphore, #tpu.memory_space<semaphore_mem>> -> memref<!tpu.dma_semaphore, #tpu.memory_space<semaphore_mem>>
    %dma_wait3A_1583 = tpu.memref_slice %arg4[%add3A_1578] : memref<33554432xf32, #tpu.memory_space<hbm>> -> memref<16384xf32, #tpu.memory_space<hbm>>
    tpu.wait_dma2 semaphore(%dma_wait3A_1582 : memref<!tpu.dma_semaphore, #tpu.memory_space<semaphore_mem>>) src(%arg6 : memref<16384xf32, #tpu.memory_space<vmem>>) dst(%dma_wait3A_1583 : memref<16384xf32, #tpu.memory_space<hbm>>)
    %add3A_1584 = arith.constant 950272 : i32
    %add3A_1585 = arith.addi %mul3A_2, %add3A_1584 : i32
    %dma_start3A_1586 = arith.constant 1 : i32
    %dma_start3A_1587 = tpu.memref_slice %arg2[%add3A_1585] : memref<33554432xf32, #tpu.memory_space<hbm>> -> memref<16384xf32, #tpu.memory_space<hbm>>
    %dma_start3A_1588 = tpu.memref_slice %arg11[%dma_start3A_1586] : memref<3x!tpu.dma_semaphore, #tpu.memory_space<semaphore_mem>> -> memref<1x!tpu.dma_semaphore, #tpu.memory_space<semaphore_mem>>
    %dma_start3A_1589 = tpu.memref_squeeze %dma_start3A_1588 : memref<1x!tpu.dma_semaphore, #tpu.memory_space<semaphore_mem>> -> memref<!tpu.dma_semaphore, #tpu.memory_space<semaphore_mem>>
    %dma_start3A_1590 = tpu.memref_slice %arg2[%add3A_1585] : memref<33554432xf32, #tpu.memory_space<hbm>> -> memref<16384xf32, #tpu.memory_space<hbm>>
    tpu.enqueue_dma source(%dma_start3A_1590 : memref<16384xf32, #tpu.memory_space<hbm>>) target(%arg6 : memref<16384xf32, #tpu.memory_space<vmem>>) target_semaphore(%dma_start3A_1589 : memref<!tpu.dma_semaphore, #tpu.memory_space<semaphore_mem>>)
    %add3A_1591 = arith.constant 917504 : i32
    %add3A_1592 = arith.addi %mul3A_2, %add3A_1591 : i32
    %dma_wait3A_1593 = arith.constant 2 : i32
    %dma_wait3A_1594 = tpu.memref_slice %arg2[%add3A_1592] : memref<33554432xf32, #tpu.memory_space<hbm>> -> memref<16384xf32, #tpu.memory_space<hbm>>
    %dma_wait3A_1595 = tpu.memref_slice %arg11[%dma_wait3A_1593] : memref<3x!tpu.dma_semaphore, #tpu.memory_space<semaphore_mem>> -> memref<1x!tpu.dma_semaphore, #tpu.memory_space<semaphore_mem>>
    %dma_wait3A_1596 = tpu.memref_squeeze %dma_wait3A_1595 : memref<1x!tpu.dma_semaphore, #tpu.memory_space<semaphore_mem>> -> memref<!tpu.dma_semaphore, #tpu.memory_space<semaphore_mem>>
    %dma_wait3A_1597 = tpu.memref_slice %arg2[%add3A_1592] : memref<33554432xf32, #tpu.memory_space<hbm>> -> memref<16384xf32, #tpu.memory_space<hbm>>
    tpu.wait_dma2 semaphore(%dma_wait3A_1596 : memref<!tpu.dma_semaphore, #tpu.memory_space<semaphore_mem>>) src(%dma_wait3A_1597 : memref<16384xf32, #tpu.memory_space<hbm>>) dst(%arg7 : memref<16384xf32, #tpu.memory_space<vmem>>)
    %add3A_1598 = arith.constant 917504 : i32
    %add3A_1599 = arith.addi %mul3A_2, %add3A_1598 : i32
    %dma_start3A_1600 = arith.constant 2 : i32
    %dma_start3A_1601 = tpu.memref_slice %arg4[%add3A_1599] : memref<33554432xf32, #tpu.memory_space<hbm>> -> memref<16384xf32, #tpu.memory_space<hbm>>
    %dma_start3A_1602 = tpu.memref_slice %arg13[%dma_start3A_1600] : memref<3x!tpu.dma_semaphore, #tpu.memory_space<semaphore_mem>> -> memref<1x!tpu.dma_semaphore, #tpu.memory_space<semaphore_mem>>
    %dma_start3A_1603 = tpu.memref_squeeze %dma_start3A_1602 : memref<1x!tpu.dma_semaphore, #tpu.memory_space<semaphore_mem>> -> memref<!tpu.dma_semaphore, #tpu.memory_space<semaphore_mem>>
    %dma_start3A_1604 = tpu.memref_slice %arg4[%add3A_1599] : memref<33554432xf32, #tpu.memory_space<hbm>> -> memref<16384xf32, #tpu.memory_space<hbm>>
    tpu.enqueue_dma source(%arg7 : memref<16384xf32, #tpu.memory_space<vmem>>) target(%dma_start3A_1604 : memref<16384xf32, #tpu.memory_space<hbm>>) target_semaphore(%dma_start3A_1603 : memref<!tpu.dma_semaphore, #tpu.memory_space<semaphore_mem>>)
    %add3A_1605 = arith.constant 917504 : i32
    %add3A_1606 = arith.addi %mul3A_2, %add3A_1605 : i32
    %dma_wait3A_1607 = arith.constant 2 : i32
    %dma_wait3A_1608 = tpu.memref_slice %arg4[%add3A_1606] : memref<33554432xf32, #tpu.memory_space<hbm>> -> memref<16384xf32, #tpu.memory_space<hbm>>
    %dma_wait3A_1609 = tpu.memref_slice %arg13[%dma_wait3A_1607] : memref<3x!tpu.dma_semaphore, #tpu.memory_space<semaphore_mem>> -> memref<1x!tpu.dma_semaphore, #tpu.memory_space<semaphore_mem>>
    %dma_wait3A_1610 = tpu.memref_squeeze %dma_wait3A_1609 : memref<1x!tpu.dma_semaphore, #tpu.memory_space<semaphore_mem>> -> memref<!tpu.dma_semaphore, #tpu.memory_space<semaphore_mem>>
    %dma_wait3A_1611 = tpu.memref_slice %arg4[%add3A_1606] : memref<33554432xf32, #tpu.memory_space<hbm>> -> memref<16384xf32, #tpu.memory_space<hbm>>
    tpu.wait_dma2 semaphore(%dma_wait3A_1610 : memref<!tpu.dma_semaphore, #tpu.memory_space<semaphore_mem>>) src(%arg7 : memref<16384xf32, #tpu.memory_space<vmem>>) dst(%dma_wait3A_1611 : memref<16384xf32, #tpu.memory_space<hbm>>)
    %add3A_1612 = arith.constant 966656 : i32
    %add3A_1613 = arith.addi %mul3A_2, %add3A_1612 : i32
    %dma_start3A_1614 = arith.constant 2 : i32
    %dma_start3A_1615 = tpu.memref_slice %arg2[%add3A_1613] : memref<33554432xf32, #tpu.memory_space<hbm>> -> memref<16384xf32, #tpu.memory_space<hbm>>
    %dma_start3A_1616 = tpu.memref_slice %arg11[%dma_start3A_1614] : memref<3x!tpu.dma_semaphore, #tpu.memory_space<semaphore_mem>> -> memref<1x!tpu.dma_semaphore, #tpu.memory_space<semaphore_mem>>
    %dma_start3A_1617 = tpu.memref_squeeze %dma_start3A_1616 : memref<1x!tpu.dma_semaphore, #tpu.memory_space<semaphore_mem>> -> memref<!tpu.dma_semaphore, #tpu.memory_space<semaphore_mem>>
    %dma_start3A_1618 = tpu.memref_slice %arg2[%add3A_1613] : memref<33554432xf32, #tpu.memory_space<hbm>> -> memref<16384xf32, #tpu.memory_space<hbm>>
    tpu.enqueue_dma source(%dma_start3A_1618 : memref<16384xf32, #tpu.memory_space<hbm>>) target(%arg7 : memref<16384xf32, #tpu.memory_space<vmem>>) target_semaphore(%dma_start3A_1617 : memref<!tpu.dma_semaphore, #tpu.memory_space<semaphore_mem>>)
    %add3A_1619 = arith.constant 933888 : i32
    %add3A_1620 = arith.addi %mul3A_2, %add3A_1619 : i32
    %dma_wait3A_1621 = arith.constant 0 : i32
    %dma_wait3A_1622 = tpu.memref_slice %arg2[%add3A_1620] : memref<33554432xf32, #tpu.memory_space<hbm>> -> memref<16384xf32, #tpu.memory_space<hbm>>
    %dma_wait3A_1623 = tpu.memref_slice %arg11[%dma_wait3A_1621] : memref<3x!tpu.dma_semaphore, #tpu.memory_space<semaphore_mem>> -> memref<1x!tpu.dma_semaphore, #tpu.memory_space<semaphore_mem>>
    %dma_wait3A_1624 = tpu.memref_squeeze %dma_wait3A_1623 : memref<1x!tpu.dma_semaphore, #tpu.memory_space<semaphore_mem>> -> memref<!tpu.dma_semaphore, #tpu.memory_space<semaphore_mem>>
    %dma_wait3A_1625 = tpu.memref_slice %arg2[%add3A_1620] : memref<33554432xf32, #tpu.memory_space<hbm>> -> memref<16384xf32, #tpu.memory_space<hbm>>
    tpu.wait_dma2 semaphore(%dma_wait3A_1624 : memref<!tpu.dma_semaphore, #tpu.memory_space<semaphore_mem>>) src(%dma_wait3A_1625 : memref<16384xf32, #tpu.memory_space<hbm>>) dst(%arg5 : memref<16384xf32, #tpu.memory_space<vmem>>)
    %add3A_1626 = arith.constant 933888 : i32
    %add3A_1627 = arith.addi %mul3A_2, %add3A_1626 : i32
    %dma_start3A_1628 = arith.constant 0 : i32
    %dma_start3A_1629 = tpu.memref_slice %arg4[%add3A_1627] : memref<33554432xf32, #tpu.memory_space<hbm>> -> memref<16384xf32, #tpu.memory_space<hbm>>
    %dma_start3A_1630 = tpu.memref_slice %arg13[%dma_start3A_1628] : memref<3x!tpu.dma_semaphore, #tpu.memory_space<semaphore_mem>> -> memref<1x!tpu.dma_semaphore, #tpu.memory_space<semaphore_mem>>
    %dma_start3A_1631 = tpu.memref_squeeze %dma_start3A_1630 : memref<1x!tpu.dma_semaphore, #tpu.memory_space<semaphore_mem>> -> memref<!tpu.dma_semaphore, #tpu.memory_space<semaphore_mem>>
    %dma_start3A_1632 = tpu.memref_slice %arg4[%add3A_1627] : memref<33554432xf32, #tpu.memory_space<hbm>> -> memref<16384xf32, #tpu.memory_space<hbm>>
    tpu.enqueue_dma source(%arg5 : memref<16384xf32, #tpu.memory_space<vmem>>) target(%dma_start3A_1632 : memref<16384xf32, #tpu.memory_space<hbm>>) target_semaphore(%dma_start3A_1631 : memref<!tpu.dma_semaphore, #tpu.memory_space<semaphore_mem>>)
    %add3A_1633 = arith.constant 933888 : i32
    %add3A_1634 = arith.addi %mul3A_2, %add3A_1633 : i32
    %dma_wait3A_1635 = arith.constant 0 : i32
    %dma_wait3A_1636 = tpu.memref_slice %arg4[%add3A_1634] : memref<33554432xf32, #tpu.memory_space<hbm>> -> memref<16384xf32, #tpu.memory_space<hbm>>
    %dma_wait3A_1637 = tpu.memref_slice %arg13[%dma_wait3A_1635] : memref<3x!tpu.dma_semaphore, #tpu.memory_space<semaphore_mem>> -> memref<1x!tpu.dma_semaphore, #tpu.memory_space<semaphore_mem>>
    %dma_wait3A_1638 = tpu.memref_squeeze %dma_wait3A_1637 : memref<1x!tpu.dma_semaphore, #tpu.memory_space<semaphore_mem>> -> memref<!tpu.dma_semaphore, #tpu.memory_space<semaphore_mem>>
    %dma_wait3A_1639 = tpu.memref_slice %arg4[%add3A_1634] : memref<33554432xf32, #tpu.memory_space<hbm>> -> memref<16384xf32, #tpu.memory_space<hbm>>
    tpu.wait_dma2 semaphore(%dma_wait3A_1638 : memref<!tpu.dma_semaphore, #tpu.memory_space<semaphore_mem>>) src(%arg5 : memref<16384xf32, #tpu.memory_space<vmem>>) dst(%dma_wait3A_1639 : memref<16384xf32, #tpu.memory_space<hbm>>)
    %add3A_1640 = arith.constant 983040 : i32
    %add3A_1641 = arith.addi %mul3A_2, %add3A_1640 : i32
    %dma_start3A_1642 = arith.constant 0 : i32
    %dma_start3A_1643 = tpu.memref_slice %arg2[%add3A_1641] : memref<33554432xf32, #tpu.memory_space<hbm>> -> memref<16384xf32, #tpu.memory_space<hbm>>
    %dma_start3A_1644 = tpu.memref_slice %arg11[%dma_start3A_1642] : memref<3x!tpu.dma_semaphore, #tpu.memory_space<semaphore_mem>> -> memref<1x!tpu.dma_semaphore, #tpu.memory_space<semaphore_mem>>
    %dma_start3A_1645 = tpu.memref_squeeze %dma_start3A_1644 : memref<1x!tpu.dma_semaphore, #tpu.memory_space<semaphore_mem>> -> memref<!tpu.dma_semaphore, #tpu.memory_space<semaphore_mem>>
    %dma_start3A_1646 = tpu.memref_slice %arg2[%add3A_1641] : memref<33554432xf32, #tpu.memory_space<hbm>> -> memref<16384xf32, #tpu.memory_space<hbm>>
    tpu.enqueue_dma source(%dma_start3A_1646 : memref<16384xf32, #tpu.memory_space<hbm>>) target(%arg5 : memref<16384xf32, #tpu.memory_space<vmem>>) target_semaphore(%dma_start3A_1645 : memref<!tpu.dma_semaphore, #tpu.memory_space<semaphore_mem>>)
    %add3A_1647 = arith.constant 950272 : i32
    %add3A_1648 = arith.addi %mul3A_2, %add3A_1647 : i32
    %dma_wait3A_1649 = arith.constant 1 : i32
    %dma_wait3A_1650 = tpu.memref_slice %arg2[%add3A_1648] : memref<33554432xf32, #tpu.memory_space<hbm>> -> memref<16384xf32, #tpu.memory_space<hbm>>
    %dma_wait3A_1651 = tpu.memref_slice %arg11[%dma_wait3A_1649] : memref<3x!tpu.dma_semaphore, #tpu.memory_space<semaphore_mem>> -> memref<1x!tpu.dma_semaphore, #tpu.memory_space<semaphore_mem>>
    %dma_wait3A_1652 = tpu.memref_squeeze %dma_wait3A_1651 : memref<1x!tpu.dma_semaphore, #tpu.memory_space<semaphore_mem>> -> memref<!tpu.dma_semaphore, #tpu.memory_space<semaphore_mem>>
    %dma_wait3A_1653 = tpu.memref_slice %arg2[%add3A_1648] : memref<33554432xf32, #tpu.memory_space<hbm>> -> memref<16384xf32, #tpu.memory_space<hbm>>
    tpu.wait_dma2 semaphore(%dma_wait3A_1652 : memref<!tpu.dma_semaphore, #tpu.memory_space<semaphore_mem>>) src(%dma_wait3A_1653 : memref<16384xf32, #tpu.memory_space<hbm>>) dst(%arg6 : memref<16384xf32, #tpu.memory_space<vmem>>)
    %add3A_1654 = arith.constant 950272 : i32
    %add3A_1655 = arith.addi %mul3A_2, %add3A_1654 : i32
    %dma_start3A_1656 = arith.constant 1 : i32
    %dma_start3A_1657 = tpu.memref_slice %arg4[%add3A_1655] : memref<33554432xf32, #tpu.memory_space<hbm>> -> memref<16384xf32, #tpu.memory_space<hbm>>
    %dma_start3A_1658 = tpu.memref_slice %arg13[%dma_start3A_1656] : memref<3x!tpu.dma_semaphore, #tpu.memory_space<semaphore_mem>> -> memref<1x!tpu.dma_semaphore, #tpu.memory_space<semaphore_mem>>
    %dma_start3A_1659 = tpu.memref_squeeze %dma_start3A_1658 : memref<1x!tpu.dma_semaphore, #tpu.memory_space<semaphore_mem>> -> memref<!tpu.dma_semaphore, #tpu.memory_space<semaphore_mem>>
    %dma_start3A_1660 = tpu.memref_slice %arg4[%add3A_1655] : memref<33554432xf32, #tpu.memory_space<hbm>> -> memref<16384xf32, #tpu.memory_space<hbm>>
    tpu.enqueue_dma source(%arg6 : memref<16384xf32, #tpu.memory_space<vmem>>) target(%dma_start3A_1660 : memref<16384xf32, #tpu.memory_space<hbm>>) target_semaphore(%dma_start3A_1659 : memref<!tpu.dma_semaphore, #tpu.memory_space<semaphore_mem>>)
    %add3A_1661 = arith.constant 950272 : i32
    %add3A_1662 = arith.addi %mul3A_2, %add3A_1661 : i32
    %dma_wait3A_1663 = arith.constant 1 : i32
    %dma_wait3A_1664 = tpu.memref_slice %arg4[%add3A_1662] : memref<33554432xf32, #tpu.memory_space<hbm>> -> memref<16384xf32, #tpu.memory_space<hbm>>
    %dma_wait3A_1665 = tpu.memref_slice %arg13[%dma_wait3A_1663] : memref<3x!tpu.dma_semaphore, #tpu.memory_space<semaphore_mem>> -> memref<1x!tpu.dma_semaphore, #tpu.memory_space<semaphore_mem>>
    %dma_wait3A_1666 = tpu.memref_squeeze %dma_wait3A_1665 : memref<1x!tpu.dma_semaphore, #tpu.memory_space<semaphore_mem>> -> memref<!tpu.dma_semaphore, #tpu.memory_space<semaphore_mem>>
    %dma_wait3A_1667 = tpu.memref_slice %arg4[%add3A_1662] : memref<33554432xf32, #tpu.memory_space<hbm>> -> memref<16384xf32, #tpu.memory_space<hbm>>
    tpu.wait_dma2 semaphore(%dma_wait3A_1666 : memref<!tpu.dma_semaphore, #tpu.memory_space<semaphore_mem>>) src(%arg6 : memref<16384xf32, #tpu.memory_space<vmem>>) dst(%dma_wait3A_1667 : memref<16384xf32, #tpu.memory_space<hbm>>)
    %add3A_1668 = arith.constant 999424 : i32
    %add3A_1669 = arith.addi %mul3A_2, %add3A_1668 : i32
    %dma_start3A_1670 = arith.constant 1 : i32
    %dma_start3A_1671 = tpu.memref_slice %arg2[%add3A_1669] : memref<33554432xf32, #tpu.memory_space<hbm>> -> memref<16384xf32, #tpu.memory_space<hbm>>
    %dma_start3A_1672 = tpu.memref_slice %arg11[%dma_start3A_1670] : memref<3x!tpu.dma_semaphore, #tpu.memory_space<semaphore_mem>> -> memref<1x!tpu.dma_semaphore, #tpu.memory_space<semaphore_mem>>
    %dma_start3A_1673 = tpu.memref_squeeze %dma_start3A_1672 : memref<1x!tpu.dma_semaphore, #tpu.memory_space<semaphore_mem>> -> memref<!tpu.dma_semaphore, #tpu.memory_space<semaphore_mem>>
    %dma_start3A_1674 = tpu.memref_slice %arg2[%add3A_1669] : memref<33554432xf32, #tpu.memory_space<hbm>> -> memref<16384xf32, #tpu.memory_space<hbm>>
    tpu.enqueue_dma source(%dma_start3A_1674 : memref<16384xf32, #tpu.memory_space<hbm>>) target(%arg6 : memref<16384xf32, #tpu.memory_space<vmem>>) target_semaphore(%dma_start3A_1673 : memref<!tpu.dma_semaphore, #tpu.memory_space<semaphore_mem>>)
    %add3A_1675 = arith.constant 966656 : i32
    %add3A_1676 = arith.addi %mul3A_2, %add3A_1675 : i32
    %dma_wait3A_1677 = arith.constant 2 : i32
    %dma_wait3A_1678 = tpu.memref_slice %arg2[%add3A_1676] : memref<33554432xf32, #tpu.memory_space<hbm>> -> memref<16384xf32, #tpu.memory_space<hbm>>
    %dma_wait3A_1679 = tpu.memref_slice %arg11[%dma_wait3A_1677] : memref<3x!tpu.dma_semaphore, #tpu.memory_space<semaphore_mem>> -> memref<1x!tpu.dma_semaphore, #tpu.memory_space<semaphore_mem>>
    %dma_wait3A_1680 = tpu.memref_squeeze %dma_wait3A_1679 : memref<1x!tpu.dma_semaphore, #tpu.memory_space<semaphore_mem>> -> memref<!tpu.dma_semaphore, #tpu.memory_space<semaphore_mem>>
    %dma_wait3A_1681 = tpu.memref_slice %arg2[%add3A_1676] : memref<33554432xf32, #tpu.memory_space<hbm>> -> memref<16384xf32, #tpu.memory_space<hbm>>
    tpu.wait_dma2 semaphore(%dma_wait3A_1680 : memref<!tpu.dma_semaphore, #tpu.memory_space<semaphore_mem>>) src(%dma_wait3A_1681 : memref<16384xf32, #tpu.memory_space<hbm>>) dst(%arg7 : memref<16384xf32, #tpu.memory_space<vmem>>)
    %add3A_1682 = arith.constant 966656 : i32
    %add3A_1683 = arith.addi %mul3A_2, %add3A_1682 : i32
    %dma_start3A_1684 = arith.constant 2 : i32
    %dma_start3A_1685 = tpu.memref_slice %arg4[%add3A_1683] : memref<33554432xf32, #tpu.memory_space<hbm>> -> memref<16384xf32, #tpu.memory_space<hbm>>
    %dma_start3A_1686 = tpu.memref_slice %arg13[%dma_start3A_1684] : memref<3x!tpu.dma_semaphore, #tpu.memory_space<semaphore_mem>> -> memref<1x!tpu.dma_semaphore, #tpu.memory_space<semaphore_mem>>
    %dma_start3A_1687 = tpu.memref_squeeze %dma_start3A_1686 : memref<1x!tpu.dma_semaphore, #tpu.memory_space<semaphore_mem>> -> memref<!tpu.dma_semaphore, #tpu.memory_space<semaphore_mem>>
    %dma_start3A_1688 = tpu.memref_slice %arg4[%add3A_1683] : memref<33554432xf32, #tpu.memory_space<hbm>> -> memref<16384xf32, #tpu.memory_space<hbm>>
    tpu.enqueue_dma source(%arg7 : memref<16384xf32, #tpu.memory_space<vmem>>) target(%dma_start3A_1688 : memref<16384xf32, #tpu.memory_space<hbm>>) target_semaphore(%dma_start3A_1687 : memref<!tpu.dma_semaphore, #tpu.memory_space<semaphore_mem>>)
    %add3A_1689 = arith.constant 966656 : i32
    %add3A_1690 = arith.addi %mul3A_2, %add3A_1689 : i32
    %dma_wait3A_1691 = arith.constant 2 : i32
    %dma_wait3A_1692 = tpu.memref_slice %arg4[%add3A_1690] : memref<33554432xf32, #tpu.memory_space<hbm>> -> memref<16384xf32, #tpu.memory_space<hbm>>
    %dma_wait3A_1693 = tpu.memref_slice %arg13[%dma_wait3A_1691] : memref<3x!tpu.dma_semaphore, #tpu.memory_space<semaphore_mem>> -> memref<1x!tpu.dma_semaphore, #tpu.memory_space<semaphore_mem>>
    %dma_wait3A_1694 = tpu.memref_squeeze %dma_wait3A_1693 : memref<1x!tpu.dma_semaphore, #tpu.memory_space<semaphore_mem>> -> memref<!tpu.dma_semaphore, #tpu.memory_space<semaphore_mem>>
    %dma_wait3A_1695 = tpu.memref_slice %arg4[%add3A_1690] : memref<33554432xf32, #tpu.memory_space<hbm>> -> memref<16384xf32, #tpu.memory_space<hbm>>
    tpu.wait_dma2 semaphore(%dma_wait3A_1694 : memref<!tpu.dma_semaphore, #tpu.memory_space<semaphore_mem>>) src(%arg7 : memref<16384xf32, #tpu.memory_space<vmem>>) dst(%dma_wait3A_1695 : memref<16384xf32, #tpu.memory_space<hbm>>)
    %add3A_1696 = arith.constant 1015808 : i32
    %add3A_1697 = arith.addi %mul3A_2, %add3A_1696 : i32
    %dma_start3A_1698 = arith.constant 2 : i32
    %dma_start3A_1699 = tpu.memref_slice %arg2[%add3A_1697] : memref<33554432xf32, #tpu.memory_space<hbm>> -> memref<16384xf32, #tpu.memory_space<hbm>>
    %dma_start3A_1700 = tpu.memref_slice %arg11[%dma_start3A_1698] : memref<3x!tpu.dma_semaphore, #tpu.memory_space<semaphore_mem>> -> memref<1x!tpu.dma_semaphore, #tpu.memory_space<semaphore_mem>>
    %dma_start3A_1701 = tpu.memref_squeeze %dma_start3A_1700 : memref<1x!tpu.dma_semaphore, #tpu.memory_space<semaphore_mem>> -> memref<!tpu.dma_semaphore, #tpu.memory_space<semaphore_mem>>
    %dma_start3A_1702 = tpu.memref_slice %arg2[%add3A_1697] : memref<33554432xf32, #tpu.memory_space<hbm>> -> memref<16384xf32, #tpu.memory_space<hbm>>
    tpu.enqueue_dma source(%dma_start3A_1702 : memref<16384xf32, #tpu.memory_space<hbm>>) target(%arg7 : memref<16384xf32, #tpu.memory_space<vmem>>) target_semaphore(%dma_start3A_1701 : memref<!tpu.dma_semaphore, #tpu.memory_space<semaphore_mem>>)
    %add3A_1703 = arith.constant 983040 : i32
    %add3A_1704 = arith.addi %mul3A_2, %add3A_1703 : i32
    %dma_wait3A_1705 = arith.constant 0 : i32
    %dma_wait3A_1706 = tpu.memref_slice %arg2[%add3A_1704] : memref<33554432xf32, #tpu.memory_space<hbm>> -> memref<16384xf32, #tpu.memory_space<hbm>>
    %dma_wait3A_1707 = tpu.memref_slice %arg11[%dma_wait3A_1705] : memref<3x!tpu.dma_semaphore, #tpu.memory_space<semaphore_mem>> -> memref<1x!tpu.dma_semaphore, #tpu.memory_space<semaphore_mem>>
    %dma_wait3A_1708 = tpu.memref_squeeze %dma_wait3A_1707 : memref<1x!tpu.dma_semaphore, #tpu.memory_space<semaphore_mem>> -> memref<!tpu.dma_semaphore, #tpu.memory_space<semaphore_mem>>
    %dma_wait3A_1709 = tpu.memref_slice %arg2[%add3A_1704] : memref<33554432xf32, #tpu.memory_space<hbm>> -> memref<16384xf32, #tpu.memory_space<hbm>>
    tpu.wait_dma2 semaphore(%dma_wait3A_1708 : memref<!tpu.dma_semaphore, #tpu.memory_space<semaphore_mem>>) src(%dma_wait3A_1709 : memref<16384xf32, #tpu.memory_space<hbm>>) dst(%arg5 : memref<16384xf32, #tpu.memory_space<vmem>>)
    %add3A_1710 = arith.constant 983040 : i32
    %add3A_1711 = arith.addi %mul3A_2, %add3A_1710 : i32
    %dma_start3A_1712 = arith.constant 0 : i32
    %dma_start3A_1713 = tpu.memref_slice %arg4[%add3A_1711] : memref<33554432xf32, #tpu.memory_space<hbm>> -> memref<16384xf32, #tpu.memory_space<hbm>>
    %dma_start3A_1714 = tpu.memref_slice %arg13[%dma_start3A_1712] : memref<3x!tpu.dma_semaphore, #tpu.memory_space<semaphore_mem>> -> memref<1x!tpu.dma_semaphore, #tpu.memory_space<semaphore_mem>>
    %dma_start3A_1715 = tpu.memref_squeeze %dma_start3A_1714 : memref<1x!tpu.dma_semaphore, #tpu.memory_space<semaphore_mem>> -> memref<!tpu.dma_semaphore, #tpu.memory_space<semaphore_mem>>
    %dma_start3A_1716 = tpu.memref_slice %arg4[%add3A_1711] : memref<33554432xf32, #tpu.memory_space<hbm>> -> memref<16384xf32, #tpu.memory_space<hbm>>
    tpu.enqueue_dma source(%arg5 : memref<16384xf32, #tpu.memory_space<vmem>>) target(%dma_start3A_1716 : memref<16384xf32, #tpu.memory_space<hbm>>) target_semaphore(%dma_start3A_1715 : memref<!tpu.dma_semaphore, #tpu.memory_space<semaphore_mem>>)
    %add3A_1717 = arith.constant 983040 : i32
    %add3A_1718 = arith.addi %mul3A_2, %add3A_1717 : i32
    %dma_wait3A_1719 = arith.constant 0 : i32
    %dma_wait3A_1720 = tpu.memref_slice %arg4[%add3A_1718] : memref<33554432xf32, #tpu.memory_space<hbm>> -> memref<16384xf32, #tpu.memory_space<hbm>>
    %dma_wait3A_1721 = tpu.memref_slice %arg13[%dma_wait3A_1719] : memref<3x!tpu.dma_semaphore, #tpu.memory_space<semaphore_mem>> -> memref<1x!tpu.dma_semaphore, #tpu.memory_space<semaphore_mem>>
    %dma_wait3A_1722 = tpu.memref_squeeze %dma_wait3A_1721 : memref<1x!tpu.dma_semaphore, #tpu.memory_space<semaphore_mem>> -> memref<!tpu.dma_semaphore, #tpu.memory_space<semaphore_mem>>
    %dma_wait3A_1723 = tpu.memref_slice %arg4[%add3A_1718] : memref<33554432xf32, #tpu.memory_space<hbm>> -> memref<16384xf32, #tpu.memory_space<hbm>>
    tpu.wait_dma2 semaphore(%dma_wait3A_1722 : memref<!tpu.dma_semaphore, #tpu.memory_space<semaphore_mem>>) src(%arg5 : memref<16384xf32, #tpu.memory_space<vmem>>) dst(%dma_wait3A_1723 : memref<16384xf32, #tpu.memory_space<hbm>>)
    %add3A_1724 = arith.constant 1032192 : i32
    %add3A_1725 = arith.addi %mul3A_2, %add3A_1724 : i32
    %dma_start3A_1726 = arith.constant 0 : i32
    %dma_start3A_1727 = tpu.memref_slice %arg2[%add3A_1725] : memref<33554432xf32, #tpu.memory_space<hbm>> -> memref<16384xf32, #tpu.memory_space<hbm>>
    %dma_start3A_1728 = tpu.memref_slice %arg11[%dma_start3A_1726] : memref<3x!tpu.dma_semaphore, #tpu.memory_space<semaphore_mem>> -> memref<1x!tpu.dma_semaphore, #tpu.memory_space<semaphore_mem>>
    %dma_start3A_1729 = tpu.memref_squeeze %dma_start3A_1728 : memref<1x!tpu.dma_semaphore, #tpu.memory_space<semaphore_mem>> -> memref<!tpu.dma_semaphore, #tpu.memory_space<semaphore_mem>>
    %dma_start3A_1730 = tpu.memref_slice %arg2[%add3A_1725] : memref<33554432xf32, #tpu.memory_space<hbm>> -> memref<16384xf32, #tpu.memory_space<hbm>>
    tpu.enqueue_dma source(%dma_start3A_1730 : memref<16384xf32, #tpu.memory_space<hbm>>) target(%arg5 : memref<16384xf32, #tpu.memory_space<vmem>>) target_semaphore(%dma_start3A_1729 : memref<!tpu.dma_semaphore, #tpu.memory_space<semaphore_mem>>)
    %add3A_1731 = arith.constant 999424 : i32
    %add3A_1732 = arith.addi %mul3A_2, %add3A_1731 : i32
    %dma_wait3A_1733 = arith.constant 1 : i32
    %dma_wait3A_1734 = tpu.memref_slice %arg2[%add3A_1732] : memref<33554432xf32, #tpu.memory_space<hbm>> -> memref<16384xf32, #tpu.memory_space<hbm>>
    %dma_wait3A_1735 = tpu.memref_slice %arg11[%dma_wait3A_1733] : memref<3x!tpu.dma_semaphore, #tpu.memory_space<semaphore_mem>> -> memref<1x!tpu.dma_semaphore, #tpu.memory_space<semaphore_mem>>
    %dma_wait3A_1736 = tpu.memref_squeeze %dma_wait3A_1735 : memref<1x!tpu.dma_semaphore, #tpu.memory_space<semaphore_mem>> -> memref<!tpu.dma_semaphore, #tpu.memory_space<semaphore_mem>>
    %dma_wait3A_1737 = tpu.memref_slice %arg2[%add3A_1732] : memref<33554432xf32, #tpu.memory_space<hbm>> -> memref<16384xf32, #tpu.memory_space<hbm>>
    tpu.wait_dma2 semaphore(%dma_wait3A_1736 : memref<!tpu.dma_semaphore, #tpu.memory_space<semaphore_mem>>) src(%dma_wait3A_1737 : memref<16384xf32, #tpu.memory_space<hbm>>) dst(%arg6 : memref<16384xf32, #tpu.memory_space<vmem>>)
    %add3A_1738 = arith.constant 999424 : i32
    %add3A_1739 = arith.addi %mul3A_2, %add3A_1738 : i32
    %dma_start3A_1740 = arith.constant 1 : i32
    %dma_start3A_1741 = tpu.memref_slice %arg4[%add3A_1739] : memref<33554432xf32, #tpu.memory_space<hbm>> -> memref<16384xf32, #tpu.memory_space<hbm>>
    %dma_start3A_1742 = tpu.memref_slice %arg13[%dma_start3A_1740] : memref<3x!tpu.dma_semaphore, #tpu.memory_space<semaphore_mem>> -> memref<1x!tpu.dma_semaphore, #tpu.memory_space<semaphore_mem>>
    %dma_start3A_1743 = tpu.memref_squeeze %dma_start3A_1742 : memref<1x!tpu.dma_semaphore, #tpu.memory_space<semaphore_mem>> -> memref<!tpu.dma_semaphore, #tpu.memory_space<semaphore_mem>>
    %dma_start3A_1744 = tpu.memref_slice %arg4[%add3A_1739] : memref<33554432xf32, #tpu.memory_space<hbm>> -> memref<16384xf32, #tpu.memory_space<hbm>>
    tpu.enqueue_dma source(%arg6 : memref<16384xf32, #tpu.memory_space<vmem>>) target(%dma_start3A_1744 : memref<16384xf32, #tpu.memory_space<hbm>>) target_semaphore(%dma_start3A_1743 : memref<!tpu.dma_semaphore, #tpu.memory_space<semaphore_mem>>)
    %add3A_1745 = arith.constant 1015808 : i32
    %add3A_1746 = arith.addi %mul3A_2, %add3A_1745 : i32
    %dma_wait3A_1747 = arith.constant 2 : i32
    %dma_wait3A_1748 = tpu.memref_slice %arg2[%add3A_1746] : memref<33554432xf32, #tpu.memory_space<hbm>> -> memref<16384xf32, #tpu.memory_space<hbm>>
    %dma_wait3A_1749 = tpu.memref_slice %arg11[%dma_wait3A_1747] : memref<3x!tpu.dma_semaphore, #tpu.memory_space<semaphore_mem>> -> memref<1x!tpu.dma_semaphore, #tpu.memory_space<semaphore_mem>>
    %dma_wait3A_1750 = tpu.memref_squeeze %dma_wait3A_1749 : memref<1x!tpu.dma_semaphore, #tpu.memory_space<semaphore_mem>> -> memref<!tpu.dma_semaphore, #tpu.memory_space<semaphore_mem>>
    %dma_wait3A_1751 = tpu.memref_slice %arg2[%add3A_1746] : memref<33554432xf32, #tpu.memory_space<hbm>> -> memref<16384xf32, #tpu.memory_space<hbm>>
    tpu.wait_dma2 semaphore(%dma_wait3A_1750 : memref<!tpu.dma_semaphore, #tpu.memory_space<semaphore_mem>>) src(%dma_wait3A_1751 : memref<16384xf32, #tpu.memory_space<hbm>>) dst(%arg7 : memref<16384xf32, #tpu.memory_space<vmem>>)
    %add3A_1752 = arith.constant 1015808 : i32
    %add3A_1753 = arith.addi %mul3A_2, %add3A_1752 : i32
    %dma_start3A_1754 = arith.constant 2 : i32
    %dma_start3A_1755 = tpu.memref_slice %arg4[%add3A_1753] : memref<33554432xf32, #tpu.memory_space<hbm>> -> memref<16384xf32, #tpu.memory_space<hbm>>
    %dma_start3A_1756 = tpu.memref_slice %arg13[%dma_start3A_1754] : memref<3x!tpu.dma_semaphore, #tpu.memory_space<semaphore_mem>> -> memref<1x!tpu.dma_semaphore, #tpu.memory_space<semaphore_mem>>
    %dma_start3A_1757 = tpu.memref_squeeze %dma_start3A_1756 : memref<1x!tpu.dma_semaphore, #tpu.memory_space<semaphore_mem>> -> memref<!tpu.dma_semaphore, #tpu.memory_space<semaphore_mem>>
    %dma_start3A_1758 = tpu.memref_slice %arg4[%add3A_1753] : memref<33554432xf32, #tpu.memory_space<hbm>> -> memref<16384xf32, #tpu.memory_space<hbm>>
    tpu.enqueue_dma source(%arg7 : memref<16384xf32, #tpu.memory_space<vmem>>) target(%dma_start3A_1758 : memref<16384xf32, #tpu.memory_space<hbm>>) target_semaphore(%dma_start3A_1757 : memref<!tpu.dma_semaphore, #tpu.memory_space<semaphore_mem>>)
    %add3A_1759 = arith.constant 1032192 : i32
    %add3A_1760 = arith.addi %mul3A_2, %add3A_1759 : i32
    %dma_wait3A_1761 = arith.constant 0 : i32
    %dma_wait3A_1762 = tpu.memref_slice %arg2[%add3A_1760] : memref<33554432xf32, #tpu.memory_space<hbm>> -> memref<16384xf32, #tpu.memory_space<hbm>>
    %dma_wait3A_1763 = tpu.memref_slice %arg11[%dma_wait3A_1761] : memref<3x!tpu.dma_semaphore, #tpu.memory_space<semaphore_mem>> -> memref<1x!tpu.dma_semaphore, #tpu.memory_space<semaphore_mem>>
    %dma_wait3A_1764 = tpu.memref_squeeze %dma_wait3A_1763 : memref<1x!tpu.dma_semaphore, #tpu.memory_space<semaphore_mem>> -> memref<!tpu.dma_semaphore, #tpu.memory_space<semaphore_mem>>
    %dma_wait3A_1765 = tpu.memref_slice %arg2[%add3A_1760] : memref<33554432xf32, #tpu.memory_space<hbm>> -> memref<16384xf32, #tpu.memory_space<hbm>>
    tpu.wait_dma2 semaphore(%dma_wait3A_1764 : memref<!tpu.dma_semaphore, #tpu.memory_space<semaphore_mem>>) src(%dma_wait3A_1765 : memref<16384xf32, #tpu.memory_space<hbm>>) dst(%arg5 : memref<16384xf32, #tpu.memory_space<vmem>>)
    %add3A_1766 = arith.constant 1032192 : i32
    %add3A_1767 = arith.addi %mul3A_2, %add3A_1766 : i32
    %dma_start3A_1768 = arith.constant 0 : i32
    %dma_start3A_1769 = tpu.memref_slice %arg4[%add3A_1767] : memref<33554432xf32, #tpu.memory_space<hbm>> -> memref<16384xf32, #tpu.memory_space<hbm>>
    %dma_start3A_1770 = tpu.memref_slice %arg13[%dma_start3A_1768] : memref<3x!tpu.dma_semaphore, #tpu.memory_space<semaphore_mem>> -> memref<1x!tpu.dma_semaphore, #tpu.memory_space<semaphore_mem>>
    %dma_start3A_1771 = tpu.memref_squeeze %dma_start3A_1770 : memref<1x!tpu.dma_semaphore, #tpu.memory_space<semaphore_mem>> -> memref<!tpu.dma_semaphore, #tpu.memory_space<semaphore_mem>>
    %dma_start3A_1772 = tpu.memref_slice %arg4[%add3A_1767] : memref<33554432xf32, #tpu.memory_space<hbm>> -> memref<16384xf32, #tpu.memory_space<hbm>>
    tpu.enqueue_dma source(%arg5 : memref<16384xf32, #tpu.memory_space<vmem>>) target(%dma_start3A_1772 : memref<16384xf32, #tpu.memory_space<hbm>>) target_semaphore(%dma_start3A_1771 : memref<!tpu.dma_semaphore, #tpu.memory_space<semaphore_mem>>)
    %add3A_1773 = arith.constant 999424 : i32
    %add3A_1774 = arith.addi %mul3A_2, %add3A_1773 : i32
    %dma_wait3A_1775 = arith.constant 1 : i32
    %dma_wait3A_1776 = tpu.memref_slice %arg4[%add3A_1774] : memref<33554432xf32, #tpu.memory_space<hbm>> -> memref<16384xf32, #tpu.memory_space<hbm>>
    %dma_wait3A_1777 = tpu.memref_slice %arg13[%dma_wait3A_1775] : memref<3x!tpu.dma_semaphore, #tpu.memory_space<semaphore_mem>> -> memref<1x!tpu.dma_semaphore, #tpu.memory_space<semaphore_mem>>
    %dma_wait3A_1778 = tpu.memref_squeeze %dma_wait3A_1777 : memref<1x!tpu.dma_semaphore, #tpu.memory_space<semaphore_mem>> -> memref<!tpu.dma_semaphore, #tpu.memory_space<semaphore_mem>>
    %dma_wait3A_1779 = tpu.memref_slice %arg4[%add3A_1774] : memref<33554432xf32, #tpu.memory_space<hbm>> -> memref<16384xf32, #tpu.memory_space<hbm>>
    tpu.wait_dma2 semaphore(%dma_wait3A_1778 : memref<!tpu.dma_semaphore, #tpu.memory_space<semaphore_mem>>) src(%arg6 : memref<16384xf32, #tpu.memory_space<vmem>>) dst(%dma_wait3A_1779 : memref<16384xf32, #tpu.memory_space<hbm>>)
    %add3A_1780 = arith.constant 1015808 : i32
    %add3A_1781 = arith.addi %mul3A_2, %add3A_1780 : i32
    %dma_wait3A_1782 = arith.constant 2 : i32
    %dma_wait3A_1783 = tpu.memref_slice %arg4[%add3A_1781] : memref<33554432xf32, #tpu.memory_space<hbm>> -> memref<16384xf32, #tpu.memory_space<hbm>>
    %dma_wait3A_1784 = tpu.memref_slice %arg13[%dma_wait3A_1782] : memref<3x!tpu.dma_semaphore, #tpu.memory_space<semaphore_mem>> -> memref<1x!tpu.dma_semaphore, #tpu.memory_space<semaphore_mem>>
    %dma_wait3A_1785 = tpu.memref_squeeze %dma_wait3A_1784 : memref<1x!tpu.dma_semaphore, #tpu.memory_space<semaphore_mem>> -> memref<!tpu.dma_semaphore, #tpu.memory_space<semaphore_mem>>
    %dma_wait3A_1786 = tpu.memref_slice %arg4[%add3A_1781] : memref<33554432xf32, #tpu.memory_space<hbm>> -> memref<16384xf32, #tpu.memory_space<hbm>>
    tpu.wait_dma2 semaphore(%dma_wait3A_1785 : memref<!tpu.dma_semaphore, #tpu.memory_space<semaphore_mem>>) src(%arg7 : memref<16384xf32, #tpu.memory_space<vmem>>) dst(%dma_wait3A_1786 : memref<16384xf32, #tpu.memory_space<hbm>>)
    %add3A_1787 = arith.constant 1032192 : i32
    %add3A_1788 = arith.addi %mul3A_2, %add3A_1787 : i32
    %dma_wait3A_1789 = arith.constant 0 : i32
    %dma_wait3A_1790 = tpu.memref_slice %arg4[%add3A_1788] : memref<33554432xf32, #tpu.memory_space<hbm>> -> memref<16384xf32, #tpu.memory_space<hbm>>
    %dma_wait3A_1791 = tpu.memref_slice %arg13[%dma_wait3A_1789] : memref<3x!tpu.dma_semaphore, #tpu.memory_space<semaphore_mem>> -> memref<1x!tpu.dma_semaphore, #tpu.memory_space<semaphore_mem>>
    %dma_wait3A_1792 = tpu.memref_squeeze %dma_wait3A_1791 : memref<1x!tpu.dma_semaphore, #tpu.memory_space<semaphore_mem>> -> memref<!tpu.dma_semaphore, #tpu.memory_space<semaphore_mem>>
    %dma_wait3A_1793 = tpu.memref_slice %arg4[%add3A_1788] : memref<33554432xf32, #tpu.memory_space<hbm>> -> memref<16384xf32, #tpu.memory_space<hbm>>
    tpu.wait_dma2 semaphore(%dma_wait3A_1792 : memref<!tpu.dma_semaphore, #tpu.memory_space<semaphore_mem>>) src(%arg5 : memref<16384xf32, #tpu.memory_space<vmem>>) dst(%dma_wait3A_1793 : memref<16384xf32, #tpu.memory_space<hbm>>)
    return
  }
}

</mosaic_0001>

<sc_bundles>
// kernel: kernel.3.cloned.1.call-start
scs
__scs_entry_jumppad:
0x0: {  	(pc) =	sbr.rel $0x88, $3  }
0x1: {  	(tag) =	ssettag $0x0;
	lr =	simm.s32 $0x1  }
0x2: {  	[smem:$0x3F9F] =	sst lr;
	_ =	strace $0xD0000000  }
0x3: {  	_ = 	snop  }
0x4: {  	_ = 	snop  }
0x5: {  	_ = 	snop  }
0x6: {  	_ = 	snop  }
0x7: {  	_ = 	snop  }
__scs_overlays_trampoline_lowered:
0x8: {  	[smem:$0x3FAE] =	sst s0  }
0x9: {  	[smem:$0x3FAF] =	sst s1  }
0xa: {  	[smem:$0x3FB0] =	sst s2  }
0xb: {  	[smem:$0x3FB1] =	sst s3  }
0xc: {  	[smem:$0x3FB2] =	sst s4  }
0xd: {  	[smem:$0x3FB3] =	sst s5  }
0xe: {  	[smem:$0x3FB4] =	sst s6  }
0xf: {  	[smem:$0x3FB5] =	sst s7  }
0x10: {  	[smem:$0x3FB6] =	sst s8  }
0x11: {  	[smem:$0x3FB7] =	sst s9;
	s0 =	simm.s32 @!p0 $0x0  }
0x12: {  	s1 =	sld [smem:$0x3F9D];
	s0 =	simm.s32 @p0 $0x1  }
0x13: {  	[smem:$0x3FB8] =	sst s0;
	s0 =	simm.s32 @!p1 $0x0  }
0x14: {  	s2 =	sld [smem:$0x3F9C];
	s0 =	simm.s32 @p1 $0x1  }
0x15: {  	[smem:$0x3FB9] =	sst s0;
	s0 =	simm.s32 @!p2 $0x0  }
0x16: {  	s3 =	sld [smem:$0x3FDB];
	s0 =	simm.s32 @p2 $0x1  }
0x17: {  	s4 =	simm.s32 $0x1BF5;
	[smem:$0x3FBB] =	sst s0  }
0x18: {  	s0 =	sld [smem:$0x3F9E];
	_ =	swait.ge [sflag:s4], $0x0  }
0x19: {  	s7 =	sld [smem:$0x3F9F]  }
0x1a: {  	s8 =	sadd.s32 $0xFFFFE003, lr  }
0x1b: {  	s9 =	sadd.s32 $0xFFFFFEF7, lr;
	s5 =	simm.s32 $0xFFFFFFFF;
	p2 =	slt.u32 s8, $0xFFFFF086  }
0x1c: {  	p1 =	slt.u32 s9, $0xF7A;
	s5 =	simm.s32 @!p2 $0x0  }
0x1d: {  	s5 =	simm.s32 @p1 $0x1;
	p0 =	seq.s32 s7, s2  }
0x1e: {  	s7 =	smul.u32 @!p0 $0xF7A, s2;
	p2 =	seq.s32 @!p0 s5, $0x0  }
0x1f: {  	s9 =	smul.u32 $0xF7A, s1;
	s8 =	simm.s32 @!p0 $0x1BF5;
	p2 =	por !p2, p0  }
0x20: {  	[sflag:s8] =	ssyncset.s32 @!p0 $0xFFFFF086;
	s6 =	sadd.s32 @!p0 s3, s7;
	s7 =	simm.s32 @!p0 $0x108  }
0x21: {  	s3 =	sadd.s32 s3, s9;
	s6 =	sadd.s32 @!p0 $0x88, s6;
	s7 =	simm.s32 @p2 $0x1082  }
0x22: {  	[simem:s7], [sflag:s8] =	dma.local @!p0 [hbm:s6], $0xF7A  }
0x23: {  	s9 =	sor.u32 $0xD0000000, s2;
	s6 =	simm.s32 $0x108;
	_ =	swait.ge @!p0 [sflag:s8], $0x0  }
0x24: {  	s3 =	sadd.s32 $0x88, s3;
	s6 =	simm.s32 @!p1 $0x1082;
	[sflag:s4] =	ssyncset.s32 $0xFFFFF086  }
0x25: {  	[simem:s6], [sflag:s4] =	dma.local [hbm:s3], $0xF7A  }
0x26: {  	[smem:$0x3F9F] =	sst s1;
	(tag) =	ssettag s2;
	_ =	strace s9  }
0x27: {  	s1 =	sld [smem:$0x3FAF]  }
0x28: {  	s2 =	sld [smem:$0x3FB0]  }
0x29: {  	s4 =	sld [smem:$0x3FB2]  }
0x2a: {  	p0 =	seq.s32 s5, $0x0;
	s5 =	sld [smem:$0x3FB3]  }
0x2b: {  	s6 =	sld [smem:$0x3FB4]  }
0x2c: {  	s7 =	sld [smem:$0x3FB5]  }
0x2d: {  	s3 =	simm.s32 $0x108;
	s8 =	sld [smem:$0x3FB6]  }
0x2e: {  	s3 =	simm.s32 @!p0 $0x1082;
	s9 =	sld [smem:$0x3FB7]  }
0x2f: {  	lr =	sadd.s32 s0, s3;
	s0 =	sld [smem:$0x3FAE]  }
0x30: {  	s3 =	sld [smem:$0x3FB1]  }
0x31: {  	[smem:$0x3FBA] =	sst s10  }
0x32: {  	s10 =	sld [smem:$0x3FB8];
	_ =	sdelay $0x3  }
0x33: {  	p0 =	seq.s32 s10, $0x1;
	s10 =	sld [smem:$0x3FBA];
	_ =	sdelay $0x3  }
0x34: {  	[smem:$0x3FBA] =	sst s10  }
0x35: {  	s10 =	sld [smem:$0x3FB9];
	_ =	sdelay $0x3  }
0x36: {  	p1 =	seq.s32 s10, $0x1;
	s10 =	sld [smem:$0x3FBA];
	_ =	sdelay $0x3  }
0x37: {  	[smem:$0x3FBA] =	sst s10  }
0x38: {  	s10 =	sld [smem:$0x3FBB]  }
0x39: {  	_ = 	snop;
	(pc) =	sbr.ind lr, $3  }
0x3a: {  	_ = 	snop  }
0x3b: {  	_ = 	snop  }
0x3c: {  	p2 =	seq.s32 s10, $0x1;
	s10 =	sld [smem:$0x3FBA]  }
0x3d: {  	_ =	shalt  }
0x3e: {  	_ =	shalt  }
0x3f: {  	_ =	shalt  }
0x40: {  	_ =	shalt  }
0x41: {  	_ =	shalt  }
0x42: {  	_ =	shalt  }
0x43: {  	_ =	shalt  }
0x44: {  	_ =	shalt  }
0x45: {  	_ =	shalt  }
0x46: {  	_ =	shalt  }
0x47: {  	_ =	shalt  }
0x48: {  	_ =	shalt  }
0x49: {  	_ =	shalt  }
0x4a: {  	_ =	shalt  }
0x4b: {  	_ =	shalt  }
0x4c: {  	_ =	shalt  }
0x4d: {  	_ =	shalt  }
0x4e: {  	_ =	shalt  }
0x4f: {  	_ =	shalt  }
0x50: {  	_ =	shalt  }
0x51: {  	_ =	shalt  }
0x52: {  	_ =	shalt  }
0x53: {  	_ =	shalt  }
0x54: {  	_ =	shalt  }
0x55: {  	_ =	shalt  }
0x56: {  	_ =	shalt  }
0x57: {  	_ =	shalt  }
0x58: {  	_ =	shalt  }
0x59: {  	_ =	shalt  }
0x5a: {  	_ =	shalt  }
0x5b: {  	_ =	shalt  }
0x5c: {  	_ =	shalt  }
0x5d: {  	_ =	shalt  }
0x5e: {  	_ =	shalt  }
0x5f: {  	_ =	shalt  }
0x60: {  	_ =	shalt  }
0x61: {  	_ =	shalt  }
0x62: {  	_ =	shalt  }
0x63: {  	_ =	shalt  }
0x64: {  	_ =	shalt  }
0x65: {  	_ =	shalt  }
0x66: {  	_ =	shalt  }
0x67: {  	_ =	shalt  }
0x68: {  	_ =	shalt  }
0x69: {  	_ =	shalt  }
0x6a: {  	_ =	shalt  }
0x6b: {  	_ =	shalt  }
0x6c: {  	_ =	shalt  }
0x6d: {  	_ =	shalt  }
0x6e: {  	_ =	shalt  }
0x6f: {  	_ =	shalt  }
0x70: {  	_ =	shalt  }
0x71: {  	_ =	shalt  }
0x72: {  	_ =	shalt  }
0x73: {  	_ =	shalt  }
0x74: {  	_ =	shalt  }
0x75: {  	_ =	shalt  }
0x76: {  	_ =	shalt  }
0x77: {  	_ =	shalt  }
0x78: {  	_ =	shalt  }
0x79: {  	_ =	shalt  }
0x7a: {  	_ =	shalt  }
0x7b: {  	_ =	shalt  }
0x7c: {  	_ =	shalt  }
0x7d: {  	_ =	shalt  }
0x7e: {  	_ =	shalt  }
0x7f: {  	_ =	shalt  }
0x80: {  	_ =	shalt  }
0x81: {  	_ =	shalt  }
0x82: {  	_ =	shalt  }
0x83: {  	_ =	shalt  }
0x84: {  	_ =	shalt  }
0x85: {  	_ =	shalt  }
0x86: {  	_ =	shalt  }
0x87: {  	_ =	shalt  }
.Lfunc_end0:
.L_simem_size_0:
called_computation.2_lowered:
.L_overlay_start_0:
0x88: {  	s2 =	sld [smem:$0x3FD9]  }
0x89: {  	s3 =	sld [smem:$0x3FFE];
	_ =	sdelay $0x1  }
0x8a: {  	s1 =	srdreg.scid  }
0x8b: {  	s0 =	sand.u32 $0x1, s1  }
0x8c: {  	s17 =	sshll.u32 s0, $0xA;
	s2 =	sadd.s32 s3, s2  }
0x8d: {  	s2 =	sadd.s32 s2, s17  }
0x8e: {  	[smem:$0x3FC6] =	sst s2  }
0x8f: {  	_ = 	snop  }
0x90: {  	s2 =	sld [smem:$0x3FD0];
	(tm) =	ssettm $0x1  }
0x91: {  	s18 =	sld [smem:$0x3FFB];
	_ =	sdelay $0x3  }
0x92: {  	_ =	strace s18  }
0x93: {  	s3 =	sld [smem:$0x3FFC];
	_ =	sdelay $0x3  }
0x94: {  	_ =	strace s3  }
0x95: {  	s3 =	sld [smem:$0x3FFD];
	_ =	sdelay $0x3  }
0x96: {  	_ =	strace s3  }
0x97: {  	_ =	strace $0x8FFFFFFF  }
0x98: {  	s19 =	sld [smem:$0x3FDB];
	_ =	sdelay $0x1  }
0x99: {  	s4 =	simm.s32 $_scs_section_size  }
0x9a: {  	s5 =	simm.s32 $_size__tile_overlayer_lowered;
	s6 =	simm.s32 $_tile_overlayer_lowered  }
0x9b: {  	s22 =	simm.s32 $0x1BFF;
	s21 =	sshll.u32 s6, $0x1;
	s3 =	sadd.s32 s4, s19  }
0x9c: {  	s7 =	simm.s32 $0x0;
	s20 =	sshll.u32 s5, $0x1;
	s5 =	sadd.s32 s21, s3  }
0x9d: {  	[timem:s7], [sflag:s22] =	dma.local [hbm:s5], s20  }
0x9e: {  	_ =	swait.ge [sflag:s22], s20  }
0x9f: {  	s4 =	ssub.s32 $0x0, s20;
	[sflag:s22] =	ssyncset.done $0x0  }
0xa0: {  	[sflag:s22] =	ssyncadd.s32 s4;
	_ =	sdelay $0x1  }
0xa1: {  	s23 =	simm.s32 $0x1B8B  }
0xa2: {  	_ =	swait.ge [sflag:s23], $0x1  }
0xa3: {  	[sflag:s23] =	ssyncset.done $0x0  }
0xa4: {  	s25 =	simm.s32 $0x1B8E;
	s24 =	sld [smem:$0x3FFE];
	[sflag:s23] =	ssyncadd.s32 $0xFFFFFFFF  }
0xa5: {  	s26 =	simm.s32 $execute0_lowered;
	[smem:$0x3FD2] =	sst s25  }
0xa6: {  	s5 =	sshll.u32 s26, $0x1;
	_ =	strace $0x8000004C;
	[dreg:$0x1] =	wrdreg $0xFFFFFFFF  }
0xa7: {  	s28 =	simm.s32 $_size_execute0_lowered;
	s3 =	sadd.s32 s3, s5;
	[dreg:$0x0] =	wrdreg $0x0  }
0xa8: {  	s5 =	sshll.u32 s28, $0x1;
	[dreg:$0x2] =	wrdreg s3  }
0xa9: {  	[dreg:$0x3] =	wrdreg s5  }
0xaa: {  	[dreg:$0x4] =	wrdreg $0xC0  }
0xab: {  	_ =	task [dreg:s7], $0x5FFFF  }
0xac: {  	[dreg:$0x1] =	wrdreg $0xFFFFFFFF  }
0xad: {  	[dreg:$0x0] =	wrdreg $0x60  }
0xae: {  	[dreg:$0x2] =	wrdreg s2  }
0xaf: {  	[dreg:$0x3] =	wrdreg s24  }
0xb0: {  	[dreg:$0x4] =	wrdreg $0x9  }
0xb1: {  	_ =	task.clear_ibuf [dreg:s7], $0x5FFFF;
	_ =	strace $0x9000004C  }
0xb2: {  	s29 =	simm.s32 $0x9;
	_ =	strace $0x8000004E  }
0xb3: {  	_ =	swait.ge [sflag:s29], $0x1  }
0xb4: {  	[sflag:s29] =	ssyncadd.s32 $0xFFFFFFFF  }
0xb5: {  	_ =	strace $0x9000004E  }
0xb6: {  	_ =	sfence  }
0xb7: {  	s30 =	sld [smem:$0x0];
	_ =	sdelay $0x2  }
0xb8: {  	s31 =	sshll.u32 s1, $0xD;
	s1 =	sshrl.u32 s1, $0x2  }
0xb9: {  	s3 =	sand.u32 $0x4000, s31;
	s1 =	sadd.s32 s1, s30  }
0xba: {  	s0 =	sor.u32 s3, s0;
	s1 =	sshll.u32 s1, $0x11  }
0xbb: {  	s0 =	sor.u32 s1, s0  }
0xbc: {  	s0 =	sadd.s32 $0x8F2B, s0  }
0xbd: {  	[sflag:s0] =	ssyncadd.remote.s32 $0x1  }
0xbe: {  	_ =	sfence.sel $0xFFFF  }
0xbf: {  	[dreg:$0x0] =	wrdreg $0xFFFFFFFF;
	(pc) =	sbr.abs _section_cstart, $3  }
0xc0: {  	[dreg:$0x1] =	wrdreg $0xFFFFFFFF  }
0xc1: {  	_ =	task.clear_ibuf [dreg:s7], $0x2FFFF;
	_ =	strace $0x9FFFFFFF  }
0xc2: {  	(tm) =	ssettm $0x7FFFFFFF  }
0xc3: {  	_ =	shalt  }
tec
execute0_lowered:
.L_overlay_start_1:
0x0: {  	(tag) =	ssettag $0x1  }
0x1: {  	s0 =	rddreg [dreg:$0x0];
	s2 =	srdreg.scid  }
0x2: {  	s1 =	rddreg [dreg:$0x1];
	s3 =	stileid.u32;
	s5 =	sand.u32 $0x1, s2  }
0x3: {  	s2 =	simm.s32 $0x0;
	s3 =	sshll.u32 s3, $0x12;
	s4 =	sshll.u32 s5, $0x11  }
0x4: {  	[smem:$0x7FF] =	sst s2;
	s3 =	sor.u32 s4, s3  }
0x5: {  	_ =	strace $0x8000004D;
	s4 =	sadd.s32 s0, s3;
	s6 =	sor.u32 $0x800, s3  }
0x6: {  	s8 =	sor.u32 $0x1000, s3;
	[dreg:$0x3] =	wrdreg s4;
	s7 =	sadd.s32 s0, s6  }
0x7: {  	s25 =	sor.u32 $0x1800, s3;
	s23 =	sadd.s32 s0, s8;
	[dreg:$0x4] =	wrdreg s7  }
0x8: {  	s10 =	sor.u32 $0x2000, s3;
	s26 =	sadd.s32 s0, s25;
	[dreg:$0x5] =	wrdreg s23  }
0x9: {  	s13 =	sor.u32 $0x2800, s3;
	s11 =	sadd.s32 s0, s10;
	[dreg:$0x7] =	wrdreg s26  }
0xa: {  	s16 =	sor.u32 $0x3000, s3;
	s14 =	sadd.s32 s0, s13;
	[dreg:$0x9] =	wrdreg s11  }
0xb: {  	s19 =	sor.u32 $0x3800, s3;
	s17 =	sadd.s32 s0, s16;
	[dreg:$0xb] =	wrdreg s14  }
0xc: {  	s20 =	sadd.s32 s0, s19;
	[dreg:$0xd] =	wrdreg s17  }
0xd: {  	s4 =	sadd.s32 $0x100C00, s1;
	[dreg:$0xf] =	wrdreg s20  }
0xe: {  	s24 =	sadd.s32 s4, s3;
	s1 =	rddreg [dreg:$0x3]  }
0xf: {  	s9 =	sadd.s32 s4, s6;
	[dreg:$0x6] =	wrdreg s24  }
0x10: {  	s12 =	sadd.s32 s4, s8;
	[dreg:$0x8] =	wrdreg s9  }
0x11: {  	s15 =	sadd.s32 s4, s25;
	[dreg:$0xa] =	wrdreg s12  }
0x12: {  	s18 =	sadd.s32 s4, s10;
	[dreg:$0xc] =	wrdreg s15  }
0x13: {  	s22 =	sor.u32 $0x4000, s3;
	s21 =	sadd.s32 s4, s13;
	[dreg:$0xe] =	wrdreg s18  }
0x14: {  	s23 =	sadd.s32 s0, s22;
	[dreg:$0x10] =	wrdreg s21  }
0x15: {  	s25 =	sor.u32 $0x4800, s3;
	[dreg:$0x11] =	wrdreg s23;
	s24 =	sadd.s32 s4, s16  }
0x16: {  	s26 =	sadd.s32 s0, s25;
	[dreg:$0x12] =	wrdreg s24  }
0x17: {  	s10 =	sor.u32 $0x5000, s3;
	s9 =	sadd.s32 s4, s19;
	[dreg:$0x13] =	wrdreg s26  }
0x18: {  	s11 =	sadd.s32 s0, s10;
	[dreg:$0x14] =	wrdreg s9  }
0x19: {  	s13 =	sor.u32 $0x5800, s3;
	s12 =	sadd.s32 s4, s22;
	[dreg:$0x15] =	wrdreg s11  }
0x1a: {  	s14 =	sadd.s32 s0, s13;
	[dreg:$0x16] =	wrdreg s12  }
0x1b: {  	s15 =	sadd.s32 s4, s25;
	[dreg:$0x17] =	wrdreg s14  }
0x1c: {  	s18 =	sadd.s32 s4, s10;
	[dreg:$0x18] =	wrdreg s15  }
0x1d: {  	s16 =	sor.u32 $0x6000, s3;
	s21 =	sadd.s32 s4, s13;
	[dreg:$0x1a] =	wrdreg s18  }
0x1e: {  	s19 =	sor.u32 $0x6800, s3;
	s17 =	sadd.s32 s0, s16;
	[dreg:$0x1c] =	wrdreg s21  }
0x1f: {  	s22 =	sor.u32 $0x7000, s3;
	s20 =	sadd.s32 s0, s19;
	[dreg:$0x19] =	wrdreg s17  }
0x20: {  	s23 =	sadd.s32 s0, s22;
	[dreg:$0x1b] =	wrdreg s20  }
0x21: {  	s25 =	sor.u32 $0x7800, s3;
	s24 =	sadd.s32 s4, s16;
	[dreg:$0x1d] =	wrdreg s23  }
0x22: {  	s26 =	sadd.s32 s0, s25;
	[dreg:$0x1e] =	wrdreg s24  }
0x23: {  	s10 =	sor.u32 $0x8000, s3;
	s9 =	sadd.s32 s4, s19;
	[dreg:$0x1f] =	wrdreg s26  }
0x24: {  	s11 =	sadd.s32 s0, s10;
	[smem:$0x7AF] =	sst s9  }
0x25: {  	s13 =	sor.u32 $0x8800, s3;
	s12 =	sadd.s32 s4, s22;
	[smem:$0x7B0] =	sst s11  }
0x26: {  	s14 =	sadd.s32 s0, s13;
	[smem:$0x7B1] =	sst s12  }
0x27: {  	s15 =	sadd.s32 s4, s25;
	[smem:$0x7B2] =	sst s14  }
0x28: {  	s18 =	sadd.s32 s4, s10;
	[smem:$0x7B3] =	sst s15  }
0x29: {  	s16 =	sor.u32 $0x9000, s3;
	s21 =	sadd.s32 s4, s13;
	[smem:$0x7B5] =	sst s18  }
0x2a: {  	s19 =	sor.u32 $0x9800, s3;
	s17 =	sadd.s32 s0, s16;
	[smem:$0x7B7] =	sst s21  }
0x2b: {  	s22 =	sor.u32 $0xA000, s3;
	s20 =	sadd.s32 s0, s19;
	[smem:$0x7B4] =	sst s17  }
0x2c: {  	s23 =	sadd.s32 s0, s22;
	[smem:$0x7B6] =	sst s20  }
0x2d: {  	s25 =	sor.u32 $0xA800, s3;
	s24 =	sadd.s32 s4, s16;
	[smem:$0x7B8] =	sst s23  }
0x2e: {  	s26 =	sadd.s32 s0, s25;
	[smem:$0x7B9] =	sst s24  }
0x2f: {  	s10 =	sor.u32 $0xB000, s3;
	s9 =	sadd.s32 s4, s19;
	[smem:$0x7BA] =	sst s26  }
0x30: {  	s11 =	sadd.s32 s0, s10;
	[smem:$0x7BB] =	sst s9  }
0x31: {  	s13 =	sor.u32 $0xB800, s3;
	s12 =	sadd.s32 s4, s22;
	[smem:$0x7BC] =	sst s11  }
0x32: {  	s14 =	sadd.s32 s0, s13;
	[smem:$0x7BD] =	sst s12  }
0x33: {  	s15 =	sadd.s32 s4, s25;
	[smem:$0x7BE] =	sst s14  }
0x34: {  	s18 =	sadd.s32 s4, s10;
	[smem:$0x7BF] =	sst s15  }
0x35: {  	s16 =	sor.u32 $0xC000, s3;
	s21 =	sadd.s32 s4, s13;
	[smem:$0x7C1] =	sst s18  }
0x36: {  	s19 =	sor.u32 $0xC800, s3;
	s17 =	sadd.s32 s0, s16;
	[smem:$0x7C3] =	sst s21  }
0x37: {  	s22 =	sor.u32 $0xD000, s3;
	s20 =	sadd.s32 s0, s19;
	[smem:$0x7C0] =	sst s17  }
0x38: {  	s23 =	sadd.s32 s0, s22;
	[smem:$0x7C2] =	sst s20  }
0x39: {  	s25 =	sor.u32 $0xD800, s3;
	s24 =	sadd.s32 s4, s16;
	[smem:$0x7C4] =	sst s23  }
0x3a: {  	s26 =	sadd.s32 s0, s25;
	[smem:$0x7C5] =	sst s24  }
0x3b: {  	s10 =	sor.u32 $0xE000, s3;
	s9 =	sadd.s32 s4, s19;
	[smem:$0x7C6] =	sst s26  }
0x3c: {  	s11 =	sadd.s32 s0, s10;
	[smem:$0x7C7] =	sst s9  }
0x3d: {  	s13 =	sor.u32 $0xE800, s3;
	s12 =	sadd.s32 s4, s22;
	[smem:$0x7C8] =	sst s11  }
0x3e: {  	s14 =	sadd.s32 s0, s13;
	[smem:$0x7C9] =	sst s12  }
0x3f: {  	s15 =	sadd.s32 s4, s25;
	[smem:$0x7CA] =	sst s14  }
0x40: {  	s18 =	sadd.s32 s4, s10;
	[smem:$0x7CB] =	sst s15  }
0x41: {  	s16 =	sor.u32 $0xF000, s3;
	s21 =	sadd.s32 s4, s13;
	[smem:$0x7CD] =	sst s18  }
0x42: {  	s19 =	sor.u32 $0xF800, s3;
	s17 =	sadd.s32 s0, s16;
	[smem:$0x7CF] =	sst s21  }
0x43: {  	s22 =	sor.u32 $0x10000, s3;
	s20 =	sadd.s32 s0, s19;
	[smem:$0x7CC] =	sst s17  }
0x44: {  	s23 =	sadd.s32 s0, s22;
	[smem:$0x7CE] =	sst s20  }
0x45: {  	s25 =	sor.u32 $0x10800, s3;
	s24 =	sadd.s32 s4, s16;
	[smem:$0x7D0] =	sst s23  }
0x46: {  	s26 =	sadd.s32 s0, s25;
	[smem:$0x7D1] =	sst s24  }
0x47: {  	s10 =	sor.u32 $0x11000, s3;
	s9 =	sadd.s32 s4, s19;
	[smem:$0x7D2] =	sst s26  }
0x48: {  	s11 =	sadd.s32 s0, s10;
	[smem:$0x7D3] =	sst s9  }
0x49: {  	s13 =	sor.u32 $0x11800, s3;
	s12 =	sadd.s32 s4, s22;
	[smem:$0x7D4] =	sst s11  }
0x4a: {  	s14 =	sadd.s32 s0, s13;
	[smem:$0x7D5] =	sst s12  }
0x4b: {  	s15 =	sadd.s32 s4, s25;
	[smem:$0x7D6] =	sst s14  }
0x4c: {  	s18 =	sadd.s32 s4, s10;
	[smem:$0x7D7] =	sst s15  }
0x4d: {  	s16 =	sor.u32 $0x12000, s3;
	s21 =	sadd.s32 s4, s13;
	[smem:$0x7D9] =	sst s18  }
0x4e: {  	s19 =	sor.u32 $0x12800, s3;
	s17 =	sadd.s32 s0, s16;
	[smem:$0x7DB] =	sst s21  }
0x4f: {  	s22 =	sor.u32 $0x13000, s3;
	s20 =	sadd.s32 s0, s19;
	[smem:$0x7D8] =	sst s17  }
0x50: {  	s23 =	sadd.s32 s0, s22;
	[smem:$0x7DA] =	sst s20  }
0x51: {  	s25 =	sor.u32 $0x13800, s3;
	s24 =	sadd.s32 s4, s16;
	[smem:$0x7DC] =	sst s23  }
0x52: {  	s26 =	sadd.s32 s0, s25;
	[smem:$0x7DD] =	sst s24  }
0x53: {  	s10 =	sor.u32 $0x14000, s3;
	s9 =	sadd.s32 s4, s19;
	[smem:$0x7DE] =	sst s26  }
0x54: {  	s11 =	sadd.s32 s0, s10;
	[smem:$0x7DF] =	sst s9  }
0x55: {  	s13 =	sor.u32 $0x14800, s3;
	s12 =	sadd.s32 s4, s22;
	[smem:$0x7E0] =	sst s11  }
0x56: {  	s14 =	sadd.s32 s0, s13;
	[smem:$0x7E1] =	sst s12  }
0x57: {  	s15 =	sadd.s32 s4, s25;
	[smem:$0x7E2] =	sst s14  }
0x58: {  	s18 =	sadd.s32 s4, s10;
	[smem:$0x7E3] =	sst s15  }
0x59: {  	s16 =	sor.u32 $0x15000, s3;
	s21 =	sadd.s32 s4, s13;
	[smem:$0x7E5] =	sst s18  }
0x5a: {  	s19 =	sor.u32 $0x15800, s3;
	s17 =	sadd.s32 s0, s16;
	[smem:$0x7E7] =	sst s21  }
0x5b: {  	s22 =	sor.u32 $0x16000, s3;
	s20 =	sadd.s32 s0, s19;
	[smem:$0x7E4] =	sst s17  }
0x5c: {  	s23 =	sadd.s32 s0, s22;
	[smem:$0x7E6] =	sst s20  }
0x5d: {  	s25 =	sor.u32 $0x16800, s3;
	s24 =	sadd.s32 s4, s16;
	[smem:$0x7E8] =	sst s23  }
0x5e: {  	s26 =	sadd.s32 s0, s25;
	[smem:$0x7E9] =	sst s24  }
0x5f: {  	s10 =	sor.u32 $0x17000, s3;
	s9 =	sadd.s32 s4, s19;
	[smem:$0x7EA] =	sst s26  }
0x60: {  	p0 =	por $0x0, $0x0;
	s11 =	sadd.s32 s0, s10;
	[smem:$0x7EB] =	sst s9  }
0x61: {  	s13 =	sor.u32 $0x17800, s3;
	s12 =	sadd.s32 s4, s22;
	[smem:$0x7EC] =	sst s11  }
0x62: {  	s5 =	ssub.s32 $0x2, s5;
	s14 =	sadd.s32 s0, s13;
	[smem:$0x7ED] =	sst s12  }
0x63: {  	s8 =	sor.u32 $0x1D000, s3;
	s15 =	sadd.s32 s4, s25;
	[smem:$0x7EE] =	sst s14  }
0x64: {  	s7 =	simm.s32 $0x6;
	s18 =	sadd.s32 s4, s10;
	[smem:$0x7EF] =	sst s15  }
0x65: {  	s16 =	sor.u32 $0x18000, s3;
	s21 =	sadd.s32 s4, s13;
	[smem:$0x7F1] =	sst s18  }
0x66: {  	s19 =	sor.u32 $0x18800, s3;
	s17 =	sadd.s32 s0, s16;
	[smem:$0x7F3] =	sst s21  }
0x67: {  	s22 =	sor.u32 $0x19000, s3;
	s20 =	sadd.s32 s0, s19;
	[smem:$0x7F0] =	sst s17  }
0x68: {  	s25 =	sor.u32 $0x19800, s3;
	s23 =	sadd.s32 s0, s22;
	[smem:$0x7F2] =	sst s20  }
0x69: {  	s10 =	sor.u32 $0x1A000, s3;
	s24 =	sadd.s32 s4, s16;
	[smem:$0x7F4] =	sst s23  }
0x6a: {  	s13 =	sor.u32 $0x1A800, s3;
	s26 =	sadd.s32 s0, s25;
	[smem:$0x7F5] =	sst s24  }
0x6b: {  	s9 =	sadd.s32 s4, s19;
	s11 =	sadd.s32 s0, s10;
	[smem:$0x7F6] =	sst s26  }
0x6c: {  	s12 =	sadd.s32 s4, s22;
	s14 =	sadd.s32 s0, s13;
	[smem:$0x7F7] =	sst s9  }
0x6d: {  	s15 =	sadd.s32 s4, s25;
	s16 =	sor.u32 $0x1B000, s3;
	[smem:$0x7F8] =	sst s11  }
0x6e: {  	s18 =	sadd.s32 s4, s10;
	s19 =	sor.u32 $0x1B800, s3;
	[smem:$0x7F9] =	sst s12  }
0x6f: {  	s30 =	sadd.s32 s4, s13;
	s21 =	sor.u32 $0x1C800, s3;
	[smem:$0x7FA] =	sst s14  }
0x70: {  	s10 =	sor.u32 $0x1D800, s3;
	s9 =	sshrl.u32 s5, $0x1;
	[smem:$0x7FB] =	sst s15  }
0x71: {  	s17 =	sadd.s32 s0, s16;
	[smem:$0x7FD] =	sst s18;
	s31 =	sadd.s32 s0, s19  }
0x72: {  	s20 =	sor.u32 $0x1C000, s3;
	s28 =	sadd.s32 s4, s16;
	s26 =	sadd.s32 s0, s21  }
0x73: {  	s25 =	sadd.s32 s4, s19;
	s24 =	sadd.s32 s0, s8;
	s22 =	sadd.s32 s0, s10  }
0x74: {  	s11 =	sor.u32 $0x1E000, s3;
	s21 =	sadd.s32 s4, s21;
	s12 =	sor.u32 $0x1E800, s3  }
0x75: {  	s19 =	sadd.s32 s4, s8;
	s15 =	sor.u32 $0x1F000, s3;
	s16 =	sadd.s32 s4, s10  }
0x76: {  	s3 =	sor.u32 $0x1F800, s3;
	s8 =	simm.s32 $0x8000;
	s9 =	ssub.s32 s5, s9  }
0x77: {  	s10 =	simm.s32 $0x1;
	[smem:$0x7FC] =	sst s17;
	s17 =	smax.u32 s9, $0x1  }
0x78: {  	s29 =	sadd.s32 s0, s20;
	s23 =	sadd.s32 s4, s20;
	p1 =	sne.s32 s17, $0x1  }
.Ltmp0:
0x79: {  	s20 =	sadd.s32 s0, s11;
	s18 =	sadd.s32 s0, s12;
	(pc) =	sbr.rel @!p1 .LBB2_3-.Ltmp0, $4  }
0x7a: {  	s14 =	sadd.s32 s0, s15;
	s13 =	sadd.s32 s4, s11;
	s11 =	sadd.s32 s0, s3  }
0x7b: {  	s6 =	sadd.s32 s4, s12;
	s5 =	sadd.s32 s4, s15;
	s4 =	sadd.s32 s4, s3  }
0x7c: {  	s12 =	simm.s32 $0x4000;
	s3 =	simm.s32 $0x4;
	s15 =	simm.s32 $0x3  }
0x7d: {  	s9 =	simm.s32 $0x5;
	s0 =	sadd.s32 $0xFFFFFFFF, s17;
	s17 =	simm.s32 $0x2  }
0x7e: {  	[smem:$0x7AE] =	sst s0  }
0x7f: {  	[tilespmem:s2], [sflag:$0x1] =	stream.linear.gather [hbm4b:s1+s2], $0x4000, $0x38;
	[tilespmem:$0xC000] =	vst v63  }
0x80: {  	s0 =	rddreg [dreg:$0x4]  }
0x81: {  	[tilespmem:s12], [sflag:$0x2] =	stream.linear.gather [hbm4b:s0+s2], $0x4000, $0x38;
	[tilespmem:$0xC000] =	vst v63  }
0x82: {  	s1 =	rddreg [dreg:$0x5]  }
0x83: {  	[tilespmem:s8], [sflag:$0x3] =	stream.linear.gather [hbm4b:s1+s2], $0x4000, $0x38;
	[tilespmem:$0xC000] =	vst v63  }
0x84: {  	_ =	swait.ge [sflag:s10], $0x4000  }
0x85: {  	[sflag:s10] =	ssyncset.done $0x0  }
0x86: {  	s1 =	rddreg [dreg:$0x6];
	[sflag:s10] =	ssyncadd.s32 $0xFFFFC000  }
0x87: {  	[hbm4b:s1+s2] =	stream.linear.scatter [tilespmem:s2], [sflag:$0x4], $0x4000, $0x38;
	[tilespmem:$0xC000] =	vst v63  }
0x88: {  	_ =	swait.ge [sflag:s3], $0x4000  }
0x89: {  	[sflag:s3] =	ssyncset.done $0x0  }
0x8a: {  	s1 =	rddreg [dreg:$0x7];
	[sflag:s3] =	ssyncadd.s32 $0xFFFFC000  }
0x8b: {  	[tilespmem:s2], [sflag:$0x1] =	stream.linear.gather [hbm4b:s1+s2], $0x4000, $0x38;
	[tilespmem:$0xC000] =	vst v63  }
0x8c: {  	_ =	swait.ge [sflag:s17], $0x4000  }
0x8d: {  	[sflag:s17] =	ssyncset.done $0x0  }
0x8e: {  	s1 =	rddreg [dreg:$0x8];
	[sflag:s17] =	ssyncadd.s32 $0xFFFFC000  }
0x8f: {  	[hbm4b:s1+s2] =	stream.linear.scatter [tilespmem:s12], [sflag:$0x5], $0x4000, $0x38;
	[tilespmem:$0xC000] =	vst v63  }
0x90: {  	_ =	swait.ge [sflag:s9], $0x4000  }
0x91: {  	[sflag:s9] =	ssyncset.done $0x0  }
0x92: {  	s1 =	rddreg [dreg:$0x9];
	[sflag:s9] =	ssyncadd.s32 $0xFFFFC000  }
0x93: {  	[tilespmem:s12], [sflag:$0x2] =	stream.linear.gather [hbm4b:s1+s2], $0x4000, $0x38;
	[tilespmem:$0xC000] =	vst v63  }
0x94: {  	_ =	swait.ge [sflag:s15], $0x4000  }
0x95: {  	[sflag:s15] =	ssyncset.done $0x0  }
0x96: {  	s1 =	rddreg [dreg:$0xa];
	[sflag:s15] =	ssyncadd.s32 $0xFFFFC000  }
0x97: {  	[hbm4b:s1+s2] =	stream.linear.scatter [tilespmem:s8], [sflag:$0x6], $0x4000, $0x38;
	[tilespmem:$0xC000] =	vst v63  }
0x98: {  	_ =	swait.ge [sflag:s7], $0x4000  }
0x99: {  	[sflag:s7] =	ssyncset.done $0x0  }
0x9a: {  	s1 =	rddreg [dreg:$0xb];
	[sflag:s7] =	ssyncadd.s32 $0xFFFFC000  }
0x9b: {  	[tilespmem:s8], [sflag:$0x3] =	stream.linear.gather [hbm4b:s1+s2], $0x4000, $0x38;
	[tilespmem:$0xC000] =	vst v63  }
0x9c: {  	_ =	swait.ge [sflag:s10], $0x4000  }
0x9d: {  	[sflag:s10] =	ssyncset.done $0x0  }
0x9e: {  	s1 =	rddreg [dreg:$0xc];
	[sflag:s10] =	ssyncadd.s32 $0xFFFFC000  }
0x9f: {  	[hbm4b:s1+s2] =	stream.linear.scatter [tilespmem:s2], [sflag:$0x4], $0x4000, $0x38;
	[tilespmem:$0xC000] =	vst v63  }
0xa0: {  	_ =	swait.ge [sflag:s3], $0x4000  }
0xa1: {  	[sflag:s3] =	ssyncset.done $0x0  }
0xa2: {  	s1 =	rddreg [dreg:$0xd];
	[sflag:s3] =	ssyncadd.s32 $0xFFFFC000  }
0xa3: {  	[tilespmem:s2], [sflag:$0x1] =	stream.linear.gather [hbm4b:s1+s2], $0x4000, $0x38;
	[tilespmem:$0xC000] =	vst v63  }
0xa4: {  	_ =	swait.ge [sflag:s17], $0x4000  }
0xa5: {  	[sflag:s17] =	ssyncset.done $0x0  }
0xa6: {  	s1 =	rddreg [dreg:$0xe];
	[sflag:s17] =	ssyncadd.s32 $0xFFFFC000  }
0xa7: {  	[hbm4b:s1+s2] =	stream.linear.scatter [tilespmem:s12], [sflag:$0x5], $0x4000, $0x38;
	[tilespmem:$0xC000] =	vst v63  }
0xa8: {  	_ =	swait.ge [sflag:s9], $0x4000  }
0xa9: {  	[sflag:s9] =	ssyncset.done $0x0  }
0xaa: {  	s1 =	rddreg [dreg:$0xf];
	[sflag:s9] =	ssyncadd.s32 $0xFFFFC000  }
0xab: {  	[tilespmem:s12], [sflag:$0x2] =	stream.linear.gather [hbm4b:s1+s2], $0x4000, $0x38;
	[tilespmem:$0xC000] =	vst v63  }
0xac: {  	_ =	swait.ge [sflag:s15], $0x4000  }
0xad: {  	[sflag:s15] =	ssyncset.done $0x0  }
0xae: {  	s1 =	rddreg [dreg:$0x10];
	[sflag:s15] =	ssyncadd.s32 $0xFFFFC000  }
0xaf: {  	[hbm4b:s1+s2] =	stream.linear.scatter [tilespmem:s8], [sflag:$0x6], $0x4000, $0x38;
	[tilespmem:$0xC000] =	vst v63  }
0xb0: {  	_ =	swait.ge [sflag:s7], $0x4000  }
0xb1: {  	[sflag:s7] =	ssyncset.done $0x0  }
0xb2: {  	s1 =	rddreg [dreg:$0x11];
	[sflag:s7] =	ssyncadd.s32 $0xFFFFC000  }
0xb3: {  	[tilespmem:s8], [sflag:$0x3] =	stream.linear.gather [hbm4b:s1+s2], $0x4000, $0x38;
	[tilespmem:$0xC000] =	vst v63  }
0xb4: {  	_ =	swait.ge [sflag:s10], $0x4000  }
0xb5: {  	[sflag:s10] =	ssyncset.done $0x0  }
0xb6: {  	s1 =	rddreg [dreg:$0x12];
	[sflag:s10] =	ssyncadd.s32 $0xFFFFC000  }
0xb7: {  	[hbm4b:s1+s2] =	stream.linear.scatter [tilespmem:s2], [sflag:$0x4], $0x4000, $0x38;
	[tilespmem:$0xC000] =	vst v63  }
0xb8: {  	_ =	swait.ge [sflag:s3], $0x4000  }
0xb9: {  	[sflag:s3] =	ssyncset.done $0x0  }
0xba: {  	s1 =	rddreg [dreg:$0x13];
	[sflag:s3] =	ssyncadd.s32 $0xFFFFC000  }
0xbb: {  	[tilespmem:s2], [sflag:$0x1] =	stream.linear.gather [hbm4b:s1+s2], $0x4000, $0x38;
	[tilespmem:$0xC000] =	vst v63  }
0xbc: {  	_ =	swait.ge [sflag:s17], $0x4000  }
0xbd: {  	[sflag:s17] =	ssyncset.done $0x0  }
0xbe: {  	s1 =	rddreg [dreg:$0x14];
	[sflag:s17] =	ssyncadd.s32 $0xFFFFC000  }
0xbf: {  	[hbm4b:s1+s2] =	stream.linear.scatter [tilespmem:s12], [sflag:$0x5], $0x4000, $0x38;
	[tilespmem:$0xC000] =	vst v63  }
0xc0: {  	_ =	swait.ge [sflag:s9], $0x4000  }
0xc1: {  	[sflag:s9] =	ssyncset.done $0x0  }
0xc2: {  	s1 =	rddreg [dreg:$0x15];
	[sflag:s9] =	ssyncadd.s32 $0xFFFFC000  }
0xc3: {  	[tilespmem:s12], [sflag:$0x2] =	stream.linear.gather [hbm4b:s1+s2], $0x4000, $0x38;
	[tilespmem:$0xC000] =	vst v63  }
0xc4: {  	_ =	swait.ge [sflag:s15], $0x4000  }
0xc5: {  	[sflag:s15] =	ssyncset.done $0x0  }
0xc6: {  	s1 =	rddreg [dreg:$0x16];
	[sflag:s15] =	ssyncadd.s32 $0xFFFFC000  }
0xc7: {  	[hbm4b:s1+s2] =	stream.linear.scatter [tilespmem:s8], [sflag:$0x6], $0x4000, $0x38;
	[tilespmem:$0xC000] =	vst v63  }
0xc8: {  	_ =	swait.ge [sflag:s7], $0x4000  }
0xc9: {  	[sflag:s7] =	ssyncset.done $0x0  }
0xca: {  	s1 =	rddreg [dreg:$0x17];
	[sflag:s7] =	ssyncadd.s32 $0xFFFFC000  }
0xcb: {  	[tilespmem:s8], [sflag:$0x3] =	stream.linear.gather [hbm4b:s1+s2], $0x4000, $0x38;
	[tilespmem:$0xC000] =	vst v63  }
0xcc: {  	_ =	swait.ge [sflag:s10], $0x4000  }
0xcd: {  	[sflag:s10] =	ssyncset.done $0x0  }
0xce: {  	s1 =	rddreg [dreg:$0x18];
	[sflag:s10] =	ssyncadd.s32 $0xFFFFC000  }
0xcf: {  	[hbm4b:s1+s2] =	stream.linear.scatter [tilespmem:s2], [sflag:$0x4], $0x4000, $0x38;
	[tilespmem:$0xC000] =	vst v63  }
0xd0: {  	_ =	swait.ge [sflag:s3], $0x4000  }
0xd1: {  	[sflag:s3] =	ssyncset.done $0x0  }
0xd2: {  	s1 =	rddreg [dreg:$0x19];
	[sflag:s3] =	ssyncadd.s32 $0xFFFFC000  }
0xd3: {  	[tilespmem:s2], [sflag:$0x1] =	stream.linear.gather [hbm4b:s1+s2], $0x4000, $0x38;
	[tilespmem:$0xC000] =	vst v63  }
0xd4: {  	_ =	swait.ge [sflag:s17], $0x4000  }
0xd5: {  	[sflag:s17] =	ssyncset.done $0x0  }
0xd6: {  	s1 =	rddreg [dreg:$0x1a];
	[sflag:s17] =	ssyncadd.s32 $0xFFFFC000  }
0xd7: {  	[hbm4b:s1+s2] =	stream.linear.scatter [tilespmem:s12], [sflag:$0x5], $0x4000, $0x38;
	[tilespmem:$0xC000] =	vst v63  }
0xd8: {  	_ =	swait.ge [sflag:s9], $0x4000  }
0xd9: {  	[sflag:s9] =	ssyncset.done $0x0  }
0xda: {  	s1 =	rddreg [dreg:$0x1b];
	[sflag:s9] =	ssyncadd.s32 $0xFFFFC000  }
0xdb: {  	[tilespmem:s12], [sflag:$0x2] =	stream.linear.gather [hbm4b:s1+s2], $0x4000, $0x38;
	[tilespmem:$0xC000] =	vst v63  }
0xdc: {  	_ =	swait.ge [sflag:s15], $0x4000  }
0xdd: {  	[sflag:s15] =	ssyncset.done $0x0  }
0xde: {  	s1 =	rddreg [dreg:$0x1c];
	[sflag:s15] =	ssyncadd.s32 $0xFFFFC000  }
0xdf: {  	[hbm4b:s1+s2] =	stream.linear.scatter [tilespmem:s8], [sflag:$0x6], $0x4000, $0x38;
	[tilespmem:$0xC000] =	vst v63  }
0xe0: {  	_ =	swait.ge [sflag:s7], $0x4000  }
0xe1: {  	[sflag:s7] =	ssyncset.done $0x0  }
0xe2: {  	s1 =	rddreg [dreg:$0x1d];
	[sflag:s7] =	ssyncadd.s32 $0xFFFFC000  }
0xe3: {  	[tilespmem:s8], [sflag:$0x3] =	stream.linear.gather [hbm4b:s1+s2], $0x4000, $0x38;
	[tilespmem:$0xC000] =	vst v63  }
0xe4: {  	_ =	swait.ge [sflag:s10], $0x4000  }
0xe5: {  	[sflag:s10] =	ssyncset.done $0x0  }
0xe6: {  	s1 =	rddreg [dreg:$0x1e];
	[sflag:s10] =	ssyncadd.s32 $0xFFFFC000  }
0xe7: {  	[hbm4b:s1+s2] =	stream.linear.scatter [tilespmem:s2], [sflag:$0x4], $0x4000, $0x38;
	[tilespmem:$0xC000] =	vst v63  }
0xe8: {  	_ =	swait.ge [sflag:s3], $0x4000  }
0xe9: {  	[sflag:s3] =	ssyncset.done $0x0  }
0xea: {  	s1 =	rddreg [dreg:$0x1f];
	[sflag:s3] =	ssyncadd.s32 $0xFFFFC000  }
0xeb: {  	[tilespmem:s2], [sflag:$0x1] =	stream.linear.gather [hbm4b:s1+s2], $0x4000, $0x38;
	[tilespmem:$0xC000] =	vst v63  }
0xec: {  	_ =	swait.ge [sflag:s17], $0x4000  }
0xed: {  	s1 =	sld [smem:$0x7AF]  }
0xee: {  	[sflag:s17] =	ssyncset.done $0x0  }
0xef: {  	[sflag:s17] =	ssyncadd.s32 $0xFFFFC000  }
0xf0: {  	[hbm4b:s1+s2] =	stream.linear.scatter [tilespmem:s12], [sflag:$0x5], $0x4000, $0x38;
	[tilespmem:$0xC000] =	vst v63  }
0xf1: {  	_ =	swait.ge [sflag:s9], $0x4000  }
0xf2: {  	s1 =	sld [smem:$0x7B0]  }
0xf3: {  	[sflag:s9] =	ssyncset.done $0x0  }
0xf4: {  	[sflag:s9] =	ssyncadd.s32 $0xFFFFC000  }
0xf5: {  	[tilespmem:s12], [sflag:$0x2] =	stream.linear.gather [hbm4b:s1+s2], $0x4000, $0x38;
	[tilespmem:$0xC000] =	vst v63  }
0xf6: {  	_ =	swait.ge [sflag:s15], $0x4000  }
0xf7: {  	s1 =	sld [smem:$0x7B1]  }
0xf8: {  	[sflag:s15] =	ssyncset.done $0x0  }
0xf9: {  	[sflag:s15] =	ssyncadd.s32 $0xFFFFC000  }
0xfa: {  	[hbm4b:s1+s2] =	stream.linear.scatter [tilespmem:s8], [sflag:$0x6], $0x4000, $0x38;
	[tilespmem:$0xC000] =	vst v63  }
0xfb: {  	_ =	swait.ge [sflag:s7], $0x4000  }
0xfc: {  	s1 =	sld [smem:$0x7B2]  }
0xfd: {  	[sflag:s7] =	ssyncset.done $0x0  }
0xfe: {  	[sflag:s7] =	ssyncadd.s32 $0xFFFFC000  }
0xff: {  	[tilespmem:s8], [sflag:$0x3] =	stream.linear.gather [hbm4b:s1+s2], $0x4000, $0x38;
	[tilespmem:$0xC000] =	vst v63  }
0x100: {  	_ =	swait.ge [sflag:s10], $0x4000  }
0x101: {  	s1 =	sld [smem:$0x7B3]  }
0x102: {  	[sflag:s10] =	ssyncset.done $0x0  }
0x103: {  	[sflag:s10] =	ssyncadd.s32 $0xFFFFC000  }
0x104: {  	[hbm4b:s1+s2] =	stream.linear.scatter [tilespmem:s2], [sflag:$0x4], $0x4000, $0x38;
	[tilespmem:$0xC000] =	vst v63  }
0x105: {  	_ =	swait.ge [sflag:s3], $0x4000  }
0x106: {  	s1 =	sld [smem:$0x7B4]  }
0x107: {  	[sflag:s3] =	ssyncset.done $0x0  }
0x108: {  	[sflag:s3] =	ssyncadd.s32 $0xFFFFC000  }
0x109: {  	[tilespmem:s2], [sflag:$0x1] =	stream.linear.gather [hbm4b:s1+s2], $0x4000, $0x38;
	[tilespmem:$0xC000] =	vst v63  }
0x10a: {  	_ =	swait.ge [sflag:s17], $0x4000  }
0x10b: {  	s1 =	sld [smem:$0x7B5]  }
0x10c: {  	[sflag:s17] =	ssyncset.done $0x0  }
0x10d: {  	[sflag:s17] =	ssyncadd.s32 $0xFFFFC000  }
0x10e: {  	[hbm4b:s1+s2] =	stream.linear.scatter [tilespmem:s12], [sflag:$0x5], $0x4000, $0x38;
	[tilespmem:$0xC000] =	vst v63  }
0x10f: {  	_ =	swait.ge [sflag:s9], $0x4000  }
0x110: {  	s1 =	sld [smem:$0x7B6]  }
0x111: {  	[sflag:s9] =	ssyncset.done $0x0  }
0x112: {  	[sflag:s9] =	ssyncadd.s32 $0xFFFFC000  }
0x113: {  	[tilespmem:s12], [sflag:$0x2] =	stream.linear.gather [hbm4b:s1+s2], $0x4000, $0x38;
	[tilespmem:$0xC000] =	vst v63  }
0x114: {  	_ =	swait.ge [sflag:s15], $0x4000  }
0x115: {  	s1 =	sld [smem:$0x7B7]  }
0x116: {  	[sflag:s15] =	ssyncset.done $0x0  }
0x117: {  	[sflag:s15] =	ssyncadd.s32 $0xFFFFC000  }
0x118: {  	[hbm4b:s1+s2] =	stream.linear.scatter [tilespmem:s8], [sflag:$0x6], $0x4000, $0x38;
	[tilespmem:$0xC000] =	vst v63  }
0x119: {  	_ =	swait.ge [sflag:s7], $0x4000  }
0x11a: {  	s1 =	sld [smem:$0x7B8]  }
0x11b: {  	[sflag:s7] =	ssyncset.done $0x0  }
0x11c: {  	[sflag:s7] =	ssyncadd.s32 $0xFFFFC000  }
0x11d: {  	[tilespmem:s8], [sflag:$0x3] =	stream.linear.gather [hbm4b:s1+s2], $0x4000, $0x38;
	[tilespmem:$0xC000] =	vst v63  }
0x11e: {  	_ =	swait.ge [sflag:s10], $0x4000  }
0x11f: {  	s1 =	sld [smem:$0x7B9]  }
0x120: {  	[sflag:s10] =	ssyncset.done $0x0  }
0x121: {  	[sflag:s10] =	ssyncadd.s32 $0xFFFFC000  }
0x122: {  	[hbm4b:s1+s2] =	stream.linear.scatter [tilespmem:s2], [sflag:$0x4], $0x4000, $0x38;
	[tilespmem:$0xC000] =	vst v63  }
0x123: {  	_ =	swait.ge [sflag:s3], $0x4000  }
0x124: {  	s1 =	sld [smem:$0x7BA]  }
0x125: {  	[sflag:s3] =	ssyncset.done $0x0  }
0x126: {  	[sflag:s3] =	ssyncadd.s32 $0xFFFFC000  }
0x127: {  	[tilespmem:s2], [sflag:$0x1] =	stream.linear.gather [hbm4b:s1+s2], $0x4000, $0x38;
	[tilespmem:$0xC000] =	vst v63  }
0x128: {  	_ =	swait.ge [sflag:s17], $0x4000  }
0x129: {  	s1 =	sld [smem:$0x7BB]  }
0x12a: {  	[sflag:s17] =	ssyncset.done $0x0  }
0x12b: {  	[sflag:s17] =	ssyncadd.s32 $0xFFFFC000  }
0x12c: {  	[hbm4b:s1+s2] =	stream.linear.scatter [tilespmem:s12], [sflag:$0x5], $0x4000, $0x38;
	[tilespmem:$0xC000] =	vst v63  }
0x12d: {  	_ =	swait.ge [sflag:s9], $0x4000  }
0x12e: {  	s1 =	sld [smem:$0x7BC]  }
0x12f: {  	[sflag:s9] =	ssyncset.done $0x0  }
0x130: {  	[sflag:s9] =	ssyncadd.s32 $0xFFFFC000  }
0x131: {  	[tilespmem:s12], [sflag:$0x2] =	stream.linear.gather [hbm4b:s1+s2], $0x4000, $0x38;
	[tilespmem:$0xC000] =	vst v63  }
0x132: {  	_ =	swait.ge [sflag:s15], $0x4000  }
0x133: {  	s1 =	sld [smem:$0x7BD]  }
0x134: {  	[sflag:s15] =	ssyncset.done $0x0  }
0x135: {  	[sflag:s15] =	ssyncadd.s32 $0xFFFFC000  }
0x136: {  	[hbm4b:s1+s2] =	stream.linear.scatter [tilespmem:s8], [sflag:$0x6], $0x4000, $0x38;
	[tilespmem:$0xC000] =	vst v63  }
0x137: {  	_ =	swait.ge [sflag:s7], $0x4000  }
0x138: {  	s1 =	sld [smem:$0x7BE]  }
0x139: {  	[sflag:s7] =	ssyncset.done $0x0  }
0x13a: {  	[sflag:s7] =	ssyncadd.s32 $0xFFFFC000  }
0x13b: {  	[tilespmem:s8], [sflag:$0x3] =	stream.linear.gather [hbm4b:s1+s2], $0x4000, $0x38;
	[tilespmem:$0xC000] =	vst v63  }
0x13c: {  	_ =	swait.ge [sflag:s10], $0x4000  }
0x13d: {  	s1 =	sld [smem:$0x7BF]  }
0x13e: {  	[sflag:s10] =	ssyncset.done $0x0  }
0x13f: {  	[sflag:s10] =	ssyncadd.s32 $0xFFFFC000  }
0x140: {  	[hbm4b:s1+s2] =	stream.linear.scatter [tilespmem:s2], [sflag:$0x4], $0x4000, $0x38;
	[tilespmem:$0xC000] =	vst v63  }
0x141: {  	_ =	swait.ge [sflag:s3], $0x4000  }
0x142: {  	s1 =	sld [smem:$0x7C0]  }
0x143: {  	[sflag:s3] =	ssyncset.done $0x0  }
0x144: {  	[sflag:s3] =	ssyncadd.s32 $0xFFFFC000  }
0x145: {  	[tilespmem:s2], [sflag:$0x1] =	stream.linear.gather [hbm4b:s1+s2], $0x4000, $0x38;
	[tilespmem:$0xC000] =	vst v63  }
0x146: {  	_ =	swait.ge [sflag:s17], $0x4000  }
0x147: {  	s1 =	sld [smem:$0x7C1]  }
0x148: {  	[sflag:s17] =	ssyncset.done $0x0  }
0x149: {  	[sflag:s17] =	ssyncadd.s32 $0xFFFFC000  }
0x14a: {  	[hbm4b:s1+s2] =	stream.linear.scatter [tilespmem:s12], [sflag:$0x5], $0x4000, $0x38;
	[tilespmem:$0xC000] =	vst v63  }
0x14b: {  	_ =	swait.ge [sflag:s9], $0x4000  }
0x14c: {  	s1 =	sld [smem:$0x7C2]  }
0x14d: {  	[sflag:s9] =	ssyncset.done $0x0  }
0x14e: {  	[sflag:s9] =	ssyncadd.s32 $0xFFFFC000  }
0x14f: {  	[tilespmem:s12], [sflag:$0x2] =	stream.linear.gather [hbm4b:s1+s2], $0x4000, $0x38;
	[tilespmem:$0xC000] =	vst v63  }
0x150: {  	_ =	swait.ge [sflag:s15], $0x4000  }
0x151: {  	s1 =	sld [smem:$0x7C3]  }
0x152: {  	[sflag:s15] =	ssyncset.done $0x0  }
0x153: {  	[sflag:s15] =	ssyncadd.s32 $0xFFFFC000  }
0x154: {  	[hbm4b:s1+s2] =	stream.linear.scatter [tilespmem:s8], [sflag:$0x6], $0x4000, $0x38;
	[tilespmem:$0xC000] =	vst v63  }
0x155: {  	_ =	swait.ge [sflag:s7], $0x4000  }
0x156: {  	s1 =	sld [smem:$0x7C4]  }
0x157: {  	[sflag:s7] =	ssyncset.done $0x0  }
0x158: {  	[sflag:s7] =	ssyncadd.s32 $0xFFFFC000  }
0x159: {  	[tilespmem:s8], [sflag:$0x3] =	stream.linear.gather [hbm4b:s1+s2], $0x4000, $0x38;
	[tilespmem:$0xC000] =	vst v63  }
0x15a: {  	_ =	swait.ge [sflag:s10], $0x4000  }
0x15b: {  	s1 =	sld [smem:$0x7C5]  }
0x15c: {  	[sflag:s10] =	ssyncset.done $0x0  }
0x15d: {  	[sflag:s10] =	ssyncadd.s32 $0xFFFFC000  }
0x15e: {  	[hbm4b:s1+s2] =	stream.linear.scatter [tilespmem:s2], [sflag:$0x4], $0x4000, $0x38;
	[tilespmem:$0xC000] =	vst v63  }
0x15f: {  	_ =	swait.ge [sflag:s3], $0x4000  }
0x160: {  	s1 =	sld [smem:$0x7C6]  }
0x161: {  	[sflag:s3] =	ssyncset.done $0x0  }
0x162: {  	[sflag:s3] =	ssyncadd.s32 $0xFFFFC000  }
0x163: {  	[tilespmem:s2], [sflag:$0x1] =	stream.linear.gather [hbm4b:s1+s2], $0x4000, $0x38;
	[tilespmem:$0xC000] =	vst v63  }
0x164: {  	_ =	swait.ge [sflag:s17], $0x4000  }
0x165: {  	s1 =	sld [smem:$0x7C7]  }
0x166: {  	[sflag:s17] =	ssyncset.done $0x0  }
0x167: {  	[sflag:s17] =	ssyncadd.s32 $0xFFFFC000  }
0x168: {  	[hbm4b:s1+s2] =	stream.linear.scatter [tilespmem:s12], [sflag:$0x5], $0x4000, $0x38;
	[tilespmem:$0xC000] =	vst v63  }
0x169: {  	_ =	swait.ge [sflag:s9], $0x4000  }
0x16a: {  	s1 =	sld [smem:$0x7C8]  }
0x16b: {  	[sflag:s9] =	ssyncset.done $0x0  }
0x16c: {  	[sflag:s9] =	ssyncadd.s32 $0xFFFFC000  }
0x16d: {  	[tilespmem:s12], [sflag:$0x2] =	stream.linear.gather [hbm4b:s1+s2], $0x4000, $0x38;
	[tilespmem:$0xC000] =	vst v63  }
0x16e: {  	_ =	swait.ge [sflag:s15], $0x4000  }
0x16f: {  	s1 =	sld [smem:$0x7C9]  }
0x170: {  	[sflag:s15] =	ssyncset.done $0x0  }
0x171: {  	[sflag:s15] =	ssyncadd.s32 $0xFFFFC000  }
0x172: {  	[hbm4b:s1+s2] =	stream.linear.scatter [tilespmem:s8], [sflag:$0x6], $0x4000, $0x38;
	[tilespmem:$0xC000] =	vst v63  }
0x173: {  	_ =	swait.ge [sflag:s7], $0x4000  }
0x174: {  	s1 =	sld [smem:$0x7CA]  }
0x175: {  	[sflag:s7] =	ssyncset.done $0x0  }
0x176: {  	[sflag:s7] =	ssyncadd.s32 $0xFFFFC000  }
0x177: {  	[tilespmem:s8], [sflag:$0x3] =	stream.linear.gather [hbm4b:s1+s2], $0x4000, $0x38;
	[tilespmem:$0xC000] =	vst v63  }
0x178: {  	_ =	swait.ge [sflag:s10], $0x4000  }
0x179: {  	s1 =	sld [smem:$0x7CB]  }
0x17a: {  	[sflag:s10] =	ssyncset.done $0x0  }
0x17b: {  	[sflag:s10] =	ssyncadd.s32 $0xFFFFC000  }
0x17c: {  	[hbm4b:s1+s2] =	stream.linear.scatter [tilespmem:s2], [sflag:$0x4], $0x4000, $0x38;
	[tilespmem:$0xC000] =	vst v63  }
0x17d: {  	_ =	swait.ge [sflag:s3], $0x4000  }
0x17e: {  	s1 =	sld [smem:$0x7CC]  }
0x17f: {  	[sflag:s3] =	ssyncset.done $0x0  }
0x180: {  	[sflag:s3] =	ssyncadd.s32 $0xFFFFC000  }
0x181: {  	[tilespmem:s2], [sflag:$0x1] =	stream.linear.gather [hbm4b:s1+s2], $0x4000, $0x38;
	[tilespmem:$0xC000] =	vst v63  }
0x182: {  	_ =	swait.ge [sflag:s17], $0x4000  }
0x183: {  	s1 =	sld [smem:$0x7CD]  }
0x184: {  	[sflag:s17] =	ssyncset.done $0x0  }
0x185: {  	[sflag:s17] =	ssyncadd.s32 $0xFFFFC000  }
0x186: {  	[hbm4b:s1+s2] =	stream.linear.scatter [tilespmem:s12], [sflag:$0x5], $0x4000, $0x38;
	[tilespmem:$0xC000] =	vst v63  }
0x187: {  	_ =	swait.ge [sflag:s9], $0x4000  }
0x188: {  	s1 =	sld [smem:$0x7CE]  }
0x189: {  	[sflag:s9] =	ssyncset.done $0x0  }
0x18a: {  	[sflag:s9] =	ssyncadd.s32 $0xFFFFC000  }
0x18b: {  	[tilespmem:s12], [sflag:$0x2] =	stream.linear.gather [hbm4b:s1+s2], $0x4000, $0x38;
	[tilespmem:$0xC000] =	vst v63  }
0x18c: {  	_ =	swait.ge [sflag:s15], $0x4000  }
0x18d: {  	s1 =	sld [smem:$0x7CF]  }
0x18e: {  	[sflag:s15] =	ssyncset.done $0x0  }
0x18f: {  	[sflag:s15] =	ssyncadd.s32 $0xFFFFC000  }
0x190: {  	[hbm4b:s1+s2] =	stream.linear.scatter [tilespmem:s8], [sflag:$0x6], $0x4000, $0x38;
	[tilespmem:$0xC000] =	vst v63  }
0x191: {  	_ =	swait.ge [sflag:s7], $0x4000  }
0x192: {  	s1 =	sld [smem:$0x7D0]  }
0x193: {  	[sflag:s7] =	ssyncset.done $0x0  }
0x194: {  	[sflag:s7] =	ssyncadd.s32 $0xFFFFC000  }
0x195: {  	[tilespmem:s8], [sflag:$0x3] =	stream.linear.gather [hbm4b:s1+s2], $0x4000, $0x38;
	[tilespmem:$0xC000] =	vst v63  }
0x196: {  	_ =	swait.ge [sflag:s10], $0x4000  }
0x197: {  	s1 =	sld [smem:$0x7D1]  }
0x198: {  	[sflag:s10] =	ssyncset.done $0x0  }
0x199: {  	[sflag:s10] =	ssyncadd.s32 $0xFFFFC000  }
0x19a: {  	[hbm4b:s1+s2] =	stream.linear.scatter [tilespmem:s2], [sflag:$0x4], $0x4000, $0x38;
	[tilespmem:$0xC000] =	vst v63  }
0x19b: {  	_ =	swait.ge [sflag:s3], $0x4000  }
0x19c: {  	s1 =	sld [smem:$0x7D2]  }
0x19d: {  	[sflag:s3] =	ssyncset.done $0x0  }
0x19e: {  	[sflag:s3] =	ssyncadd.s32 $0xFFFFC000  }
0x19f: {  	[tilespmem:s2], [sflag:$0x1] =	stream.linear.gather [hbm4b:s1+s2], $0x4000, $0x38;
	[tilespmem:$0xC000] =	vst v63  }
0x1a0: {  	_ =	swait.ge [sflag:s17], $0x4000  }
0x1a1: {  	s1 =	sld [smem:$0x7D3]  }
0x1a2: {  	[sflag:s17] =	ssyncset.done $0x0  }
0x1a3: {  	[sflag:s17] =	ssyncadd.s32 $0xFFFFC000  }
0x1a4: {  	[hbm4b:s1+s2] =	stream.linear.scatter [tilespmem:s12], [sflag:$0x5], $0x4000, $0x38;
	[tilespmem:$0xC000] =	vst v63  }
0x1a5: {  	_ =	swait.ge [sflag:s9], $0x4000  }
0x1a6: {  	s1 =	sld [smem:$0x7D4]  }
0x1a7: {  	[sflag:s9] =	ssyncset.done $0x0  }
0x1a8: {  	[sflag:s9] =	ssyncadd.s32 $0xFFFFC000  }
0x1a9: {  	[tilespmem:s12], [sflag:$0x2] =	stream.linear.gather [hbm4b:s1+s2], $0x4000, $0x38;
	[tilespmem:$0xC000] =	vst v63  }
0x1aa: {  	_ =	swait.ge [sflag:s15], $0x4000  }
0x1ab: {  	s1 =	sld [smem:$0x7D5]  }
0x1ac: {  	[sflag:s15] =	ssyncset.done $0x0  }
0x1ad: {  	[sflag:s15] =	ssyncadd.s32 $0xFFFFC000  }
0x1ae: {  	[hbm4b:s1+s2] =	stream.linear.scatter [tilespmem:s8], [sflag:$0x6], $0x4000, $0x38;
	[tilespmem:$0xC000] =	vst v63  }
0x1af: {  	_ =	swait.ge [sflag:s7], $0x4000  }
0x1b0: {  	s1 =	sld [smem:$0x7D6]  }
0x1b1: {  	[sflag:s7] =	ssyncset.done $0x0  }
0x1b2: {  	[sflag:s7] =	ssyncadd.s32 $0xFFFFC000  }
0x1b3: {  	[tilespmem:s8], [sflag:$0x3] =	stream.linear.gather [hbm4b:s1+s2], $0x4000, $0x38;
	[tilespmem:$0xC000] =	vst v63  }
0x1b4: {  	_ =	swait.ge [sflag:s10], $0x4000  }
0x1b5: {  	s1 =	sld [smem:$0x7D7]  }
0x1b6: {  	[sflag:s10] =	ssyncset.done $0x0  }
0x1b7: {  	[sflag:s10] =	ssyncadd.s32 $0xFFFFC000  }
0x1b8: {  	[hbm4b:s1+s2] =	stream.linear.scatter [tilespmem:s2], [sflag:$0x4], $0x4000, $0x38;
	[tilespmem:$0xC000] =	vst v63  }
0x1b9: {  	_ =	swait.ge [sflag:s3], $0x4000  }
0x1ba: {  	s1 =	sld [smem:$0x7D8]  }
0x1bb: {  	[sflag:s3] =	ssyncset.done $0x0  }
0x1bc: {  	[sflag:s3] =	ssyncadd.s32 $0xFFFFC000  }
0x1bd: {  	[tilespmem:s2], [sflag:$0x1] =	stream.linear.gather [hbm4b:s1+s2], $0x4000, $0x38;
	[tilespmem:$0xC000] =	vst v63  }
0x1be: {  	_ =	swait.ge [sflag:s17], $0x4000  }
0x1bf: {  	s1 =	sld [smem:$0x7D9]  }
0x1c0: {  	[sflag:s17] =	ssyncset.done $0x0  }
0x1c1: {  	[sflag:s17] =	ssyncadd.s32 $0xFFFFC000  }
0x1c2: {  	[hbm4b:s1+s2] =	stream.linear.scatter [tilespmem:s12], [sflag:$0x5], $0x4000, $0x38;
	[tilespmem:$0xC000] =	vst v63  }
0x1c3: {  	_ =	swait.ge [sflag:s9], $0x4000  }
0x1c4: {  	s1 =	sld [smem:$0x7DA]  }
0x1c5: {  	[sflag:s9] =	ssyncset.done $0x0  }
0x1c6: {  	[sflag:s9] =	ssyncadd.s32 $0xFFFFC000  }
0x1c7: {  	[tilespmem:s12], [sflag:$0x2] =	stream.linear.gather [hbm4b:s1+s2], $0x4000, $0x38;
	[tilespmem:$0xC000] =	vst v63  }
0x1c8: {  	_ =	swait.ge [sflag:s15], $0x4000  }
0x1c9: {  	s1 =	sld [smem:$0x7DB]  }
0x1ca: {  	[sflag:s15] =	ssyncset.done $0x0  }
0x1cb: {  	[sflag:s15] =	ssyncadd.s32 $0xFFFFC000  }
0x1cc: {  	[hbm4b:s1+s2] =	stream.linear.scatter [tilespmem:s8], [sflag:$0x6], $0x4000, $0x38;
	[tilespmem:$0xC000] =	vst v63  }
0x1cd: {  	_ =	swait.ge [sflag:s7], $0x4000  }
0x1ce: {  	s1 =	sld [smem:$0x7DC]  }
0x1cf: {  	[sflag:s7] =	ssyncset.done $0x0  }
0x1d0: {  	[sflag:s7] =	ssyncadd.s32 $0xFFFFC000  }
0x1d1: {  	[tilespmem:s8], [sflag:$0x3] =	stream.linear.gather [hbm4b:s1+s2], $0x4000, $0x38;
	[tilespmem:$0xC000] =	vst v63  }
0x1d2: {  	_ =	swait.ge [sflag:s10], $0x4000  }
0x1d3: {  	s1 =	sld [smem:$0x7DD]  }
0x1d4: {  	[sflag:s10] =	ssyncset.done $0x0  }
0x1d5: {  	[sflag:s10] =	ssyncadd.s32 $0xFFFFC000  }
0x1d6: {  	[hbm4b:s1+s2] =	stream.linear.scatter [tilespmem:s2], [sflag:$0x4], $0x4000, $0x38;
	[tilespmem:$0xC000] =	vst v63  }
0x1d7: {  	_ =	swait.ge [sflag:s3], $0x4000  }
0x1d8: {  	s1 =	sld [smem:$0x7DE]  }
0x1d9: {  	[sflag:s3] =	ssyncset.done $0x0  }
0x1da: {  	[sflag:s3] =	ssyncadd.s32 $0xFFFFC000  }
0x1db: {  	[tilespmem:s2], [sflag:$0x1] =	stream.linear.gather [hbm4b:s1+s2], $0x4000, $0x38;
	[tilespmem:$0xC000] =	vst v63  }
0x1dc: {  	_ =	swait.ge [sflag:s17], $0x4000  }
0x1dd: {  	s1 =	sld [smem:$0x7DF]  }
0x1de: {  	[sflag:s17] =	ssyncset.done $0x0  }
0x1df: {  	[sflag:s17] =	ssyncadd.s32 $0xFFFFC000  }
0x1e0: {  	[hbm4b:s1+s2] =	stream.linear.scatter [tilespmem:s12], [sflag:$0x5], $0x4000, $0x38;
	[tilespmem:$0xC000] =	vst v63  }
0x1e1: {  	_ =	swait.ge [sflag:s9], $0x4000  }
0x1e2: {  	s1 =	sld [smem:$0x7E0]  }
0x1e3: {  	[sflag:s9] =	ssyncset.done $0x0  }
0x1e4: {  	[sflag:s9] =	ssyncadd.s32 $0xFFFFC000  }
0x1e5: {  	[tilespmem:s12], [sflag:$0x2] =	stream.linear.gather [hbm4b:s1+s2], $0x4000, $0x38;
	[tilespmem:$0xC000] =	vst v63  }
0x1e6: {  	_ =	swait.ge [sflag:s15], $0x4000  }
0x1e7: {  	s1 =	sld [smem:$0x7E1]  }
0x1e8: {  	[sflag:s15] =	ssyncset.done $0x0  }
0x1e9: {  	[sflag:s15] =	ssyncadd.s32 $0xFFFFC000  }
0x1ea: {  	[hbm4b:s1+s2] =	stream.linear.scatter [tilespmem:s8], [sflag:$0x6], $0x4000, $0x38;
	[tilespmem:$0xC000] =	vst v63  }
0x1eb: {  	_ =	swait.ge [sflag:s7], $0x4000  }
0x1ec: {  	s1 =	sld [smem:$0x7E2]  }
0x1ed: {  	[sflag:s7] =	ssyncset.done $0x0  }
0x1ee: {  	[sflag:s7] =	ssyncadd.s32 $0xFFFFC000  }
0x1ef: {  	[tilespmem:s8], [sflag:$0x3] =	stream.linear.gather [hbm4b:s1+s2], $0x4000, $0x38;
	[tilespmem:$0xC000] =	vst v63  }
0x1f0: {  	_ =	swait.ge [sflag:s10], $0x4000  }
0x1f1: {  	s1 =	sld [smem:$0x7E3]  }
0x1f2: {  	[sflag:s10] =	ssyncset.done $0x0  }
0x1f3: {  	[sflag:s10] =	ssyncadd.s32 $0xFFFFC000  }
0x1f4: {  	[hbm4b:s1+s2] =	stream.linear.scatter [tilespmem:s2], [sflag:$0x4], $0x4000, $0x38;
	[tilespmem:$0xC000] =	vst v63  }
0x1f5: {  	_ =	swait.ge [sflag:s3], $0x4000  }
0x1f6: {  	s1 =	sld [smem:$0x7E4]  }
0x1f7: {  	[sflag:s3] =	ssyncset.done $0x0  }
0x1f8: {  	[sflag:s3] =	ssyncadd.s32 $0xFFFFC000  }
0x1f9: {  	[tilespmem:s2], [sflag:$0x1] =	stream.linear.gather [hbm4b:s1+s2], $0x4000, $0x38;
	[tilespmem:$0xC000] =	vst v63  }
0x1fa: {  	_ =	swait.ge [sflag:s17], $0x4000  }
0x1fb: {  	s1 =	sld [smem:$0x7E5]  }
0x1fc: {  	[sflag:s17] =	ssyncset.done $0x0  }
0x1fd: {  	[sflag:s17] =	ssyncadd.s32 $0xFFFFC000  }
0x1fe: {  	[hbm4b:s1+s2] =	stream.linear.scatter [tilespmem:s12], [sflag:$0x5], $0x4000, $0x38;
	[tilespmem:$0xC000] =	vst v63  }
0x1ff: {  	_ =	swait.ge [sflag:s9], $0x4000  }
0x200: {  	s1 =	sld [smem:$0x7E6]  }
0x201: {  	[sflag:s9] =	ssyncset.done $0x0  }
0x202: {  	[sflag:s9] =	ssyncadd.s32 $0xFFFFC000  }
0x203: {  	[tilespmem:s12], [sflag:$0x2] =	stream.linear.gather [hbm4b:s1+s2], $0x4000, $0x38;
	[tilespmem:$0xC000] =	vst v63  }
0x204: {  	_ =	swait.ge [sflag:s15], $0x4000  }
0x205: {  	s1 =	sld [smem:$0x7E7]  }
0x206: {  	[sflag:s15] =	ssyncset.done $0x0  }
0x207: {  	[sflag:s15] =	ssyncadd.s32 $0xFFFFC000  }
0x208: {  	[hbm4b:s1+s2] =	stream.linear.scatter [tilespmem:s8], [sflag:$0x6], $0x4000, $0x38;
	[tilespmem:$0xC000] =	vst v63  }
0x209: {  	_ =	swait.ge [sflag:s7], $0x4000  }
0x20a: {  	s1 =	sld [smem:$0x7E8]  }
0x20b: {  	[sflag:s7] =	ssyncset.done $0x0  }
0x20c: {  	[sflag:s7] =	ssyncadd.s32 $0xFFFFC000  }
0x20d: {  	[tilespmem:s8], [sflag:$0x3] =	stream.linear.gather [hbm4b:s1+s2], $0x4000, $0x38;
	[tilespmem:$0xC000] =	vst v63  }
0x20e: {  	_ =	swait.ge [sflag:s10], $0x4000  }
0x20f: {  	s1 =	sld [smem:$0x7E9]  }
0x210: {  	[sflag:s10] =	ssyncset.done $0x0  }
0x211: {  	[sflag:s10] =	ssyncadd.s32 $0xFFFFC000  }
0x212: {  	[hbm4b:s1+s2] =	stream.linear.scatter [tilespmem:s2], [sflag:$0x4], $0x4000, $0x38;
	[tilespmem:$0xC000] =	vst v63  }
0x213: {  	_ =	swait.ge [sflag:s3], $0x4000  }
0x214: {  	s1 =	sld [smem:$0x7EA]  }
0x215: {  	[sflag:s3] =	ssyncset.done $0x0  }
0x216: {  	[sflag:s3] =	ssyncadd.s32 $0xFFFFC000  }
0x217: {  	[tilespmem:s2], [sflag:$0x1] =	stream.linear.gather [hbm4b:s1+s2], $0x4000, $0x38;
	[tilespmem:$0xC000] =	vst v63  }
0x218: {  	_ =	swait.ge [sflag:s17], $0x4000  }
0x219: {  	s1 =	sld [smem:$0x7EB]  }
0x21a: {  	[sflag:s17] =	ssyncset.done $0x0  }
0x21b: {  	[sflag:s17] =	ssyncadd.s32 $0xFFFFC000  }
0x21c: {  	[hbm4b:s1+s2] =	stream.linear.scatter [tilespmem:s12], [sflag:$0x5], $0x4000, $0x38;
	[tilespmem:$0xC000] =	vst v63  }
0x21d: {  	_ =	swait.ge [sflag:s9], $0x4000  }
0x21e: {  	s1 =	sld [smem:$0x7EC]  }
0x21f: {  	[sflag:s9] =	ssyncset.done $0x0  }
0x220: {  	[sflag:s9] =	ssyncadd.s32 $0xFFFFC000  }
0x221: {  	[tilespmem:s12], [sflag:$0x2] =	stream.linear.gather [hbm4b:s1+s2], $0x4000, $0x38;
	[tilespmem:$0xC000] =	vst v63  }
0x222: {  	_ =	swait.ge [sflag:s15], $0x4000  }
0x223: {  	s1 =	sld [smem:$0x7ED]  }
0x224: {  	[sflag:s15] =	ssyncset.done $0x0  }
0x225: {  	[sflag:s15] =	ssyncadd.s32 $0xFFFFC000  }
0x226: {  	[hbm4b:s1+s2] =	stream.linear.scatter [tilespmem:s8], [sflag:$0x6], $0x4000, $0x38;
	[tilespmem:$0xC000] =	vst v63  }
0x227: {  	_ =	swait.ge [sflag:s7], $0x4000  }
0x228: {  	s1 =	sld [smem:$0x7EE]  }
0x229: {  	[sflag:s7] =	ssyncset.done $0x0  }
0x22a: {  	[sflag:s7] =	ssyncadd.s32 $0xFFFFC000  }
0x22b: {  	[tilespmem:s8], [sflag:$0x3] =	stream.linear.gather [hbm4b:s1+s2], $0x4000, $0x38;
	[tilespmem:$0xC000] =	vst v63  }
0x22c: {  	_ =	swait.ge [sflag:s10], $0x4000  }
0x22d: {  	s1 =	sld [smem:$0x7EF]  }
0x22e: {  	[sflag:s10] =	ssyncset.done $0x0  }
0x22f: {  	[sflag:s10] =	ssyncadd.s32 $0xFFFFC000  }
0x230: {  	[hbm4b:s1+s2] =	stream.linear.scatter [tilespmem:s2], [sflag:$0x4], $0x4000, $0x38;
	[tilespmem:$0xC000] =	vst v63  }
0x231: {  	_ =	swait.ge [sflag:s3], $0x4000  }
0x232: {  	s1 =	sld [smem:$0x7F0]  }
0x233: {  	[sflag:s3] =	ssyncset.done $0x0  }
0x234: {  	[sflag:s3] =	ssyncadd.s32 $0xFFFFC000  }
0x235: {  	[tilespmem:s2], [sflag:$0x1] =	stream.linear.gather [hbm4b:s1+s2], $0x4000, $0x38;
	[tilespmem:$0xC000] =	vst v63  }
0x236: {  	_ =	swait.ge [sflag:s17], $0x4000  }
0x237: {  	s1 =	sld [smem:$0x7F1]  }
0x238: {  	[sflag:s17] =	ssyncset.done $0x0  }
0x239: {  	[sflag:s17] =	ssyncadd.s32 $0xFFFFC000  }
0x23a: {  	[hbm4b:s1+s2] =	stream.linear.scatter [tilespmem:s12], [sflag:$0x5], $0x4000, $0x38;
	[tilespmem:$0xC000] =	vst v63  }
0x23b: {  	_ =	swait.ge [sflag:s9], $0x4000  }
0x23c: {  	s1 =	sld [smem:$0x7F2]  }
0x23d: {  	[sflag:s9] =	ssyncset.done $0x0  }
0x23e: {  	[sflag:s9] =	ssyncadd.s32 $0xFFFFC000  }
0x23f: {  	[tilespmem:s12], [sflag:$0x2] =	stream.linear.gather [hbm4b:s1+s2], $0x4000, $0x38;
	[tilespmem:$0xC000] =	vst v63  }
0x240: {  	_ =	swait.ge [sflag:s15], $0x4000  }
0x241: {  	s1 =	sld [smem:$0x7F3]  }
0x242: {  	[sflag:s15] =	ssyncset.done $0x0  }
0x243: {  	[sflag:s15] =	ssyncadd.s32 $0xFFFFC000  }
0x244: {  	[hbm4b:s1+s2] =	stream.linear.scatter [tilespmem:s8], [sflag:$0x6], $0x4000, $0x38;
	[tilespmem:$0xC000] =	vst v63  }
0x245: {  	_ =	swait.ge [sflag:s7], $0x4000  }
0x246: {  	s1 =	sld [smem:$0x7F4]  }
0x247: {  	[sflag:s7] =	ssyncset.done $0x0  }
0x248: {  	[sflag:s7] =	ssyncadd.s32 $0xFFFFC000  }
0x249: {  	[tilespmem:s8], [sflag:$0x3] =	stream.linear.gather [hbm4b:s1+s2], $0x4000, $0x38;
	[tilespmem:$0xC000] =	vst v63  }
0x24a: {  	_ =	swait.ge [sflag:s10], $0x4000  }
0x24b: {  	s1 =	sld [smem:$0x7F5]  }
0x24c: {  	[sflag:s10] =	ssyncset.done $0x0  }
0x24d: {  	[sflag:s10] =	ssyncadd.s32 $0xFFFFC000  }
0x24e: {  	[hbm4b:s1+s2] =	stream.linear.scatter [tilespmem:s2], [sflag:$0x4], $0x4000, $0x38;
	[tilespmem:$0xC000] =	vst v63  }
0x24f: {  	_ =	swait.ge [sflag:s3], $0x4000  }
0x250: {  	s1 =	sld [smem:$0x7F6]  }
0x251: {  	[sflag:s3] =	ssyncset.done $0x0  }
0x252: {  	[sflag:s3] =	ssyncadd.s32 $0xFFFFC000  }
0x253: {  	[tilespmem:s2], [sflag:$0x1] =	stream.linear.gather [hbm4b:s1+s2], $0x4000, $0x38;
	[tilespmem:$0xC000] =	vst v63  }
0x254: {  	_ =	swait.ge [sflag:s17], $0x4000  }
0x255: {  	s1 =	sld [smem:$0x7F7]  }
0x256: {  	[sflag:s17] =	ssyncset.done $0x0  }
0x257: {  	[sflag:s17] =	ssyncadd.s32 $0xFFFFC000  }
0x258: {  	[hbm4b:s1+s2] =	stream.linear.scatter [tilespmem:s12], [sflag:$0x5], $0x4000, $0x38;
	[tilespmem:$0xC000] =	vst v63  }
0x259: {  	_ =	swait.ge [sflag:s9], $0x4000  }
0x25a: {  	s1 =	sld [smem:$0x7F8]  }
0x25b: {  	[sflag:s9] =	ssyncset.done $0x0  }
0x25c: {  	[sflag:s9] =	ssyncadd.s32 $0xFFFFC000  }
0x25d: {  	[tilespmem:s12], [sflag:$0x2] =	stream.linear.gather [hbm4b:s1+s2], $0x4000, $0x38;
	[tilespmem:$0xC000] =	vst v63  }
0x25e: {  	_ =	swait.ge [sflag:s15], $0x4000  }
0x25f: {  	s1 =	sld [smem:$0x7F9]  }
0x260: {  	[sflag:s15] =	ssyncset.done $0x0  }
0x261: {  	[sflag:s15] =	ssyncadd.s32 $0xFFFFC000  }
0x262: {  	[hbm4b:s1+s2] =	stream.linear.scatter [tilespmem:s8], [sflag:$0x6], $0x4000, $0x38;
	[tilespmem:$0xC000] =	vst v63  }
0x263: {  	_ =	swait.ge [sflag:s7], $0x4000  }
0x264: {  	s1 =	sld [smem:$0x7FA]  }
0x265: {  	[sflag:s7] =	ssyncset.done $0x0  }
0x266: {  	[sflag:s7] =	ssyncadd.s32 $0xFFFFC000  }
0x267: {  	[tilespmem:s8], [sflag:$0x3] =	stream.linear.gather [hbm4b:s1+s2], $0x4000, $0x38;
	[tilespmem:$0xC000] =	vst v63  }
0x268: {  	_ =	swait.ge [sflag:s10], $0x4000  }
0x269: {  	s1 =	sld [smem:$0x7FB]  }
0x26a: {  	[sflag:s10] =	ssyncset.done $0x0  }
0x26b: {  	[sflag:s10] =	ssyncadd.s32 $0xFFFFC000  }
0x26c: {  	[hbm4b:s1+s2] =	stream.linear.scatter [tilespmem:s2], [sflag:$0x4], $0x4000, $0x38;
	[tilespmem:$0xC000] =	vst v63  }
0x26d: {  	_ =	swait.ge [sflag:s3], $0x4000  }
0x26e: {  	s1 =	sld [smem:$0x7FC]  }
0x26f: {  	[sflag:s3] =	ssyncset.done $0x0  }
0x270: {  	[sflag:s3] =	ssyncadd.s32 $0xFFFFC000  }
0x271: {  	[tilespmem:s2], [sflag:$0x1] =	stream.linear.gather [hbm4b:s1+s2], $0x4000, $0x38;
	[tilespmem:$0xC000] =	vst v63  }
0x272: {  	_ =	swait.ge [sflag:s17], $0x4000  }
0x273: {  	s1 =	sld [smem:$0x7FD]  }
0x274: {  	[sflag:s17] =	ssyncset.done $0x0  }
0x275: {  	[sflag:s17] =	ssyncadd.s32 $0xFFFFC000  }
0x276: {  	[hbm4b:s1+s2] =	stream.linear.scatter [tilespmem:s12], [sflag:$0x5], $0x4000, $0x38;
	[tilespmem:$0xC000] =	vst v63  }
0x277: {  	_ =	swait.ge [sflag:s9], $0x4000  }
0x278: {  	[sflag:s9] =	ssyncset.done $0x0  }
0x279: {  	[sflag:s9] =	ssyncadd.s32 $0xFFFFC000  }
0x27a: {  	[tilespmem:s12], [sflag:$0x2] =	stream.linear.gather [hbm4b:s31+s2], $0x4000, $0x38;
	[tilespmem:$0xC000] =	vst v63  }
0x27b: {  	_ =	swait.ge [sflag:s15], $0x4000  }
0x27c: {  	[sflag:s15] =	ssyncset.done $0x0  }
0x27d: {  	[sflag:s15] =	ssyncadd.s32 $0xFFFFC000  }
0x27e: {  	[hbm4b:s30+s2] =	stream.linear.scatter [tilespmem:s8], [sflag:$0x6], $0x4000, $0x38;
	[tilespmem:$0xC000] =	vst v63  }
0x27f: {  	_ =	swait.ge [sflag:s7], $0x4000  }
0x280: {  	[sflag:s7] =	ssyncset.done $0x0  }
0x281: {  	[sflag:s7] =	ssyncadd.s32 $0xFFFFC000  }
0x282: {  	[tilespmem:s8], [sflag:$0x3] =	stream.linear.gather [hbm4b:s29+s2], $0x4000, $0x38;
	[tilespmem:$0xC000] =	vst v63  }
0x283: {  	_ =	swait.ge [sflag:s10], $0x4000  }
0x284: {  	[sflag:s10] =	ssyncset.done $0x0  }
0x285: {  	[sflag:s10] =	ssyncadd.s32 $0xFFFFC000  }
0x286: {  	[hbm4b:s28+s2] =	stream.linear.scatter [tilespmem:s2], [sflag:$0x4], $0x4000, $0x38;
	[tilespmem:$0xC000] =	vst v63  }
0x287: {  	_ =	swait.ge [sflag:s3], $0x4000  }
0x288: {  	[sflag:s3] =	ssyncset.done $0x0  }
0x289: {  	[sflag:s3] =	ssyncadd.s32 $0xFFFFC000  }
0x28a: {  	[tilespmem:s2], [sflag:$0x1] =	stream.linear.gather [hbm4b:s26+s2], $0x4000, $0x38;
	[tilespmem:$0xC000] =	vst v63  }
0x28b: {  	_ =	swait.ge [sflag:s17], $0x4000  }
0x28c: {  	[sflag:s17] =	ssyncset.done $0x0  }
0x28d: {  	[sflag:s17] =	ssyncadd.s32 $0xFFFFC000  }
0x28e: {  	[hbm4b:s25+s2] =	stream.linear.scatter [tilespmem:s12], [sflag:$0x5], $0x4000, $0x38;
	[tilespmem:$0xC000] =	vst v63  }
0x28f: {  	_ =	swait.ge [sflag:s9], $0x4000  }
0x290: {  	[sflag:s9] =	ssyncset.done $0x0  }
0x291: {  	[sflag:s9] =	ssyncadd.s32 $0xFFFFC000  }
0x292: {  	[tilespmem:s12], [sflag:$0x2] =	stream.linear.gather [hbm4b:s24+s2], $0x4000, $0x38;
	[tilespmem:$0xC000] =	vst v63  }
0x293: {  	_ =	swait.ge [sflag:s15], $0x4000  }
0x294: {  	[sflag:s15] =	ssyncset.done $0x0  }
0x295: {  	[sflag:s15] =	ssyncadd.s32 $0xFFFFC000  }
0x296: {  	[hbm4b:s23+s2] =	stream.linear.scatter [tilespmem:s8], [sflag:$0x6], $0x4000, $0x38;
	[tilespmem:$0xC000] =	vst v63  }
0x297: {  	_ =	swait.ge [sflag:s7], $0x4000  }
0x298: {  	[sflag:s7] =	ssyncset.done $0x0  }
0x299: {  	[sflag:s7] =	ssyncadd.s32 $0xFFFFC000  }
0x29a: {  	[tilespmem:s8], [sflag:$0x3] =	stream.linear.gather [hbm4b:s22+s2], $0x4000, $0x38;
	[tilespmem:$0xC000] =	vst v63  }
0x29b: {  	_ =	swait.ge [sflag:s10], $0x4000  }
0x29c: {  	[sflag:s10] =	ssyncset.done $0x0  }
0x29d: {  	[sflag:s10] =	ssyncadd.s32 $0xFFFFC000  }
0x29e: {  	[hbm4b:s21+s2] =	stream.linear.scatter [tilespmem:s2], [sflag:$0x4], $0x4000, $0x38;
	[tilespmem:$0xC000] =	vst v63  }
0x29f: {  	_ =	swait.ge [sflag:s3], $0x4000  }
0x2a0: {  	[sflag:s3] =	ssyncset.done $0x0  }
0x2a1: {  	[sflag:s3] =	ssyncadd.s32 $0xFFFFC000  }
0x2a2: {  	[tilespmem:s2], [sflag:$0x1] =	stream.linear.gather [hbm4b:s20+s2], $0x4000, $0x38;
	[tilespmem:$0xC000] =	vst v63  }
0x2a3: {  	_ =	swait.ge [sflag:s17], $0x4000  }
0x2a4: {  	[sflag:s17] =	ssyncset.done $0x0  }
0x2a5: {  	[sflag:s17] =	ssyncadd.s32 $0xFFFFC000  }
0x2a6: {  	[hbm4b:s19+s2] =	stream.linear.scatter [tilespmem:s12], [sflag:$0x5], $0x4000, $0x38;
	[tilespmem:$0xC000] =	vst v63  }
0x2a7: {  	_ =	swait.ge [sflag:s9], $0x4000  }
0x2a8: {  	[sflag:s9] =	ssyncset.done $0x0  }
0x2a9: {  	[sflag:s9] =	ssyncadd.s32 $0xFFFFC000  }
0x2aa: {  	[tilespmem:s12], [sflag:$0x2] =	stream.linear.gather [hbm4b:s18+s2], $0x4000, $0x38;
	[tilespmem:$0xC000] =	vst v63  }
0x2ab: {  	_ =	swait.ge [sflag:s15], $0x4000  }
0x2ac: {  	[sflag:s15] =	ssyncset.done $0x0  }
0x2ad: {  	[sflag:s15] =	ssyncadd.s32 $0xFFFFC000  }
0x2ae: {  	[hbm4b:s16+s2] =	stream.linear.scatter [tilespmem:s8], [sflag:$0x6], $0x4000, $0x38;
	[tilespmem:$0xC000] =	vst v63  }
0x2af: {  	_ =	swait.ge [sflag:s7], $0x4000  }
0x2b0: {  	[sflag:s7] =	ssyncset.done $0x0  }
0x2b1: {  	[sflag:s7] =	ssyncadd.s32 $0xFFFFC000  }
0x2b2: {  	[tilespmem:s8], [sflag:$0x3] =	stream.linear.gather [hbm4b:s14+s2], $0x4000, $0x38;
	[tilespmem:$0xC000] =	vst v63  }
0x2b3: {  	_ =	swait.ge [sflag:s10], $0x4000  }
0x2b4: {  	[sflag:s10] =	ssyncset.done $0x0  }
0x2b5: {  	[sflag:s10] =	ssyncadd.s32 $0xFFFFC000  }
0x2b6: {  	[hbm4b:s13+s2] =	stream.linear.scatter [tilespmem:s2], [sflag:$0x4], $0x4000, $0x38;
	[tilespmem:$0xC000] =	vst v63  }
0x2b7: {  	_ =	swait.ge [sflag:s3], $0x4000  }
0x2b8: {  	[sflag:s3] =	ssyncset.done $0x0  }
0x2b9: {  	[sflag:s3] =	ssyncadd.s32 $0xFFFFC000  }
0x2ba: {  	[tilespmem:s2], [sflag:$0x1] =	stream.linear.gather [hbm4b:s11+s2], $0x4000, $0x38;
	[tilespmem:$0xC000] =	vst v63  }
0x2bb: {  	_ =	swait.ge [sflag:s17], $0x4000  }
0x2bc: {  	[sflag:s17] =	ssyncset.done $0x0  }
0x2bd: {  	[sflag:s17] =	ssyncadd.s32 $0xFFFFC000  }
0x2be: {  	[hbm4b:s6+s2] =	stream.linear.scatter [tilespmem:s12], [sflag:$0x5], $0x4000, $0x38;
	[tilespmem:$0xC000] =	vst v63  }
0x2bf: {  	_ =	swait.ge [sflag:s15], $0x4000  }
0x2c0: {  	[sflag:s15] =	ssyncset.done $0x0  }
0x2c1: {  	[sflag:s15] =	ssyncadd.s32 $0xFFFFC000  }
0x2c2: {  	[hbm4b:s5+s2] =	stream.linear.scatter [tilespmem:s8], [sflag:$0x6], $0x4000, $0x38;
	[tilespmem:$0xC000] =	vst v63  }
0x2c3: {  	_ =	swait.ge [sflag:s10], $0x4000  }
0x2c4: {  	[sflag:s10] =	ssyncset.done $0x0  }
0x2c5: {  	[sflag:s10] =	ssyncadd.s32 $0xFFFFC000  }
0x2c6: {  	[hbm4b:s4+s2] =	stream.linear.scatter [tilespmem:s2], [sflag:$0x4], $0x4000, $0x38;
	[tilespmem:$0xC000] =	vst v63  }
0x2c7: {  	_ =	swait.ge [sflag:s9], $0x4000  }
0x2c8: {  	[sflag:s9] =	ssyncset.done $0x0  }
0x2c9: {  	[sflag:s9] =	ssyncadd.s32 $0xFFFFC000  }
0x2ca: {  	_ =	swait.ge [sflag:s7], $0x4000  }
0x2cb: {  	s1 =	sld [smem:$0x7AE];
	_ =	sdelay $0x2  }
0x2cc: {  	p1 =	sne.s32 s1, $0x1  }
.Ltmp1:
0x2cd: {  	_ = 	snop;
	(pc) =	sbr.rel @!p1 .LBB2_3-.Ltmp1, $4  }
0x2ce: {  	[sflag:s7] =	ssyncset.done $0x0  }
0x2cf: {  	[sflag:s7] =	ssyncadd.s32 $0xFFFFC000  }
0x2d0: {  	p0 =	por $0x1, $0x1;
	_ =	swait.ge [sflag:s3], $0x4000  }
0x2d1: {  	s0 =	sadd.s32 $0xFFFFFFFF, s1;
	s1 =	rddreg [dreg:$0x3];
	[sflag:s3] =	ssyncset.done $0x0  }
.LBB2_2:
0x2d2: {  	p1 =	sne.s32 s0, $0x1;
	s8 =	sadd.s32 $0xFFFFFFFF, s0;
	[sflag:s3] =	ssyncadd.s32 $0xFFFFC000  }
0x2d3: {  	s0 =	smov.u32 s31;
	s31 =	smov.u32 s30;
	s30 =	smov.u32 s29  }
0x2d4: {  	s29 =	smov.u32 s28;
	s28 =	smov.u32 s26;
	s26 =	smov.u32 s25  }
0x2d5: {  	s25 =	smov.u32 s24;
	s24 =	smov.u32 s23;
	s23 =	smov.u32 s22  }
0x2d6: {  	s22 =	smov.u32 s21;
	s21 =	smov.u32 s20;
	s20 =	smov.u32 s19  }
0x2d7: {  	s19 =	smov.u32 s18;
	s18 =	smov.u32 s16;
	s16 =	smov.u32 s14  }
0x2d8: {  	s14 =	smov.u32 s13;
	s13 =	smov.u32 s11;
	s11 =	smov.u32 s6  }
0x2d9: {  	[tilespmem:s2], [sflag:$0x1] =	stream.linear.gather [hbm4b:s1+s2], $0x4000, $0x38;
	[tilespmem:$0xC000] =	vst v63  }
0x2da: {  	s6 =	smov.u32 s5;
	s5 =	smov.u32 s4;
	s4 =	rddreg [dreg:$0x4]  }
0x2db: {  	[tilespmem:s12], [sflag:$0x2] =	stream.linear.gather [hbm4b:s4+s2], $0x4000, $0x38;
	[tilespmem:$0xC000] =	vst v63  }
0x2dc: {  	s1 =	rddreg [dreg:$0x5];
	s4 =	smov.u32 s5  }
0x2dd: {  	s5 =	smov.u32 s6;
	s6 =	smov.u32 s11;
	s11 =	smov.u32 s13  }
0x2de: {  	s13 =	smov.u32 s14;
	s14 =	smov.u32 s16;
	s16 =	smov.u32 s18  }
0x2df: {  	s18 =	smov.u32 s19;
	s19 =	smov.u32 s20;
	s20 =	smov.u32 s21  }
0x2e0: {  	s21 =	smov.u32 s22;
	s22 =	smov.u32 s23;
	s23 =	smov.u32 s24  }
0x2e1: {  	s24 =	smov.u32 s25;
	s25 =	smov.u32 s26;
	s26 =	smov.u32 s28  }
0x2e2: {  	s28 =	smov.u32 s29;
	s29 =	smov.u32 s30;
	s30 =	smov.u32 s31  }
0x2e3: {  	s31 =	smov.u32 s0;
	s0 =	smov.u32 s8;
	s8 =	simm.s32 $0x8000  }
0x2e4: {  	[tilespmem:s8], [sflag:$0x3] =	stream.linear.gather [hbm4b:s1+s2], $0x4000, $0x38;
	[tilespmem:$0xC000] =	vst v63  }
0x2e5: {  	_ =	swait.ge [sflag:s10], $0x4000  }
0x2e6: {  	[sflag:s10] =	ssyncset.done $0x0  }
0x2e7: {  	s1 =	rddreg [dreg:$0x6];
	[sflag:s10] =	ssyncadd.s32 $0xFFFFC000  }
0x2e8: {  	[hbm4b:s1+s2] =	stream.linear.scatter [tilespmem:s2], [sflag:$0x4], $0x4000, $0x38;
	[tilespmem:$0xC000] =	vst v63  }
0x2e9: {  	_ =	swait.ge [sflag:s3], $0x4000  }
0x2ea: {  	[sflag:s3] =	ssyncset.done $0x0  }
0x2eb: {  	s1 =	rddreg [dreg:$0x7];
	[sflag:s3] =	ssyncadd.s32 $0xFFFFC000  }
0x2ec: {  	[tilespmem:s2], [sflag:$0x1] =	stream.linear.gather [hbm4b:s1+s2], $0x4000, $0x38;
	[tilespmem:$0xC000] =	vst v63  }
0x2ed: {  	_ =	swait.ge [sflag:s17], $0x4000  }
0x2ee: {  	[sflag:s17] =	ssyncset.done $0x0  }
0x2ef: {  	s1 =	rddreg [dreg:$0x8];
	[sflag:s17] =	ssyncadd.s32 $0xFFFFC000  }
0x2f0: {  	[hbm4b:s1+s2] =	stream.linear.scatter [tilespmem:s12], [sflag:$0x5], $0x4000, $0x38;
	[tilespmem:$0xC000] =	vst v63  }
0x2f1: {  	_ =	swait.ge [sflag:s9], $0x4000  }
0x2f2: {  	[sflag:s9] =	ssyncset.done $0x0  }
0x2f3: {  	s1 =	rddreg [dreg:$0x9];
	[sflag:s9] =	ssyncadd.s32 $0xFFFFC000  }
0x2f4: {  	[tilespmem:s12], [sflag:$0x2] =	stream.linear.gather [hbm4b:s1+s2], $0x4000, $0x38;
	[tilespmem:$0xC000] =	vst v63  }
0x2f5: {  	_ =	swait.ge [sflag:s15], $0x4000  }
0x2f6: {  	[sflag:s15] =	ssyncset.done $0x0  }
0x2f7: {  	s1 =	rddreg [dreg:$0xa];
	[sflag:s15] =	ssyncadd.s32 $0xFFFFC000  }
0x2f8: {  	[hbm4b:s1+s2] =	stream.linear.scatter [tilespmem:s8], [sflag:$0x6], $0x4000, $0x38;
	[tilespmem:$0xC000] =	vst v63  }
0x2f9: {  	_ =	swait.ge [sflag:s7], $0x4000  }
0x2fa: {  	[sflag:s7] =	ssyncset.done $0x0  }
0x2fb: {  	s1 =	rddreg [dreg:$0xb];
	[sflag:s7] =	ssyncadd.s32 $0xFFFFC000  }
0x2fc: {  	[tilespmem:s8], [sflag:$0x3] =	stream.linear.gather [hbm4b:s1+s2], $0x4000, $0x38;
	[tilespmem:$0xC000] =	vst v63  }
0x2fd: {  	_ =	swait.ge [sflag:s10], $0x4000  }
0x2fe: {  	[sflag:s10] =	ssyncset.done $0x0  }
0x2ff: {  	s1 =	rddreg [dreg:$0xc];
	[sflag:s10] =	ssyncadd.s32 $0xFFFFC000  }
0x300: {  	[hbm4b:s1+s2] =	stream.linear.scatter [tilespmem:s2], [sflag:$0x4], $0x4000, $0x38;
	[tilespmem:$0xC000] =	vst v63  }
0x301: {  	_ =	swait.ge [sflag:s3], $0x4000  }
0x302: {  	[sflag:s3] =	ssyncset.done $0x0  }
0x303: {  	s1 =	rddreg [dreg:$0xd];
	[sflag:s3] =	ssyncadd.s32 $0xFFFFC000  }
0x304: {  	[tilespmem:s2], [sflag:$0x1] =	stream.linear.gather [hbm4b:s1+s2], $0x4000, $0x38;
	[tilespmem:$0xC000] =	vst v63  }
0x305: {  	_ =	swait.ge [sflag:s17], $0x4000  }
0x306: {  	[sflag:s17] =	ssyncset.done $0x0  }
0x307: {  	s1 =	rddreg [dreg:$0xe];
	[sflag:s17] =	ssyncadd.s32 $0xFFFFC000  }
0x308: {  	[hbm4b:s1+s2] =	stream.linear.scatter [tilespmem:s12], [sflag:$0x5], $0x4000, $0x38;
	[tilespmem:$0xC000] =	vst v63  }
0x309: {  	_ =	swait.ge [sflag:s9], $0x4000  }
0x30a: {  	[sflag:s9] =	ssyncset.done $0x0  }
0x30b: {  	s1 =	rddreg [dreg:$0xf];
	[sflag:s9] =	ssyncadd.s32 $0xFFFFC000  }
0x30c: {  	[tilespmem:s12], [sflag:$0x2] =	stream.linear.gather [hbm4b:s1+s2], $0x4000, $0x38;
	[tilespmem:$0xC000] =	vst v63  }
0x30d: {  	_ =	swait.ge [sflag:s15], $0x4000  }
0x30e: {  	[sflag:s15] =	ssyncset.done $0x0  }
0x30f: {  	s1 =	rddreg [dreg:$0x10];
	[sflag:s15] =	ssyncadd.s32 $0xFFFFC000  }
0x310: {  	[hbm4b:s1+s2] =	stream.linear.scatter [tilespmem:s8], [sflag:$0x6], $0x4000, $0x38;
	[tilespmem:$0xC000] =	vst v63  }
0x311: {  	_ =	swait.ge [sflag:s7], $0x4000  }
0x312: {  	[sflag:s7] =	ssyncset.done $0x0  }
0x313: {  	s1 =	rddreg [dreg:$0x11];
	[sflag:s7] =	ssyncadd.s32 $0xFFFFC000  }
0x314: {  	[tilespmem:s8], [sflag:$0x3] =	stream.linear.gather [hbm4b:s1+s2], $0x4000, $0x38;
	[tilespmem:$0xC000] =	vst v63  }
0x315: {  	_ =	swait.ge [sflag:s10], $0x4000  }
0x316: {  	[sflag:s10] =	ssyncset.done $0x0  }
0x317: {  	s1 =	rddreg [dreg:$0x12];
	[sflag:s10] =	ssyncadd.s32 $0xFFFFC000  }
0x318: {  	[hbm4b:s1+s2] =	stream.linear.scatter [tilespmem:s2], [sflag:$0x4], $0x4000, $0x38;
	[tilespmem:$0xC000] =	vst v63  }
0x319: {  	_ =	swait.ge [sflag:s3], $0x4000  }
0x31a: {  	[sflag:s3] =	ssyncset.done $0x0  }
0x31b: {  	s1 =	rddreg [dreg:$0x13];
	[sflag:s3] =	ssyncadd.s32 $0xFFFFC000  }
0x31c: {  	[tilespmem:s2], [sflag:$0x1] =	stream.linear.gather [hbm4b:s1+s2], $0x4000, $0x38;
	[tilespmem:$0xC000] =	vst v63  }
0x31d: {  	_ =	swait.ge [sflag:s17], $0x4000  }
0x31e: {  	[sflag:s17] =	ssyncset.done $0x0  }
0x31f: {  	s1 =	rddreg [dreg:$0x14];
	[sflag:s17] =	ssyncadd.s32 $0xFFFFC000  }
0x320: {  	[hbm4b:s1+s2] =	stream.linear.scatter [tilespmem:s12], [sflag:$0x5], $0x4000, $0x38;
	[tilespmem:$0xC000] =	vst v63  }
0x321: {  	_ =	swait.ge [sflag:s9], $0x4000  }
0x322: {  	[sflag:s9] =	ssyncset.done $0x0  }
0x323: {  	s1 =	rddreg [dreg:$0x15];
	[sflag:s9] =	ssyncadd.s32 $0xFFFFC000  }
0x324: {  	[tilespmem:s12], [sflag:$0x2] =	stream.linear.gather [hbm4b:s1+s2], $0x4000, $0x38;
	[tilespmem:$0xC000] =	vst v63  }
0x325: {  	_ =	swait.ge [sflag:s15], $0x4000  }
0x326: {  	[sflag:s15] =	ssyncset.done $0x0  }
0x327: {  	s1 =	rddreg [dreg:$0x16];
	[sflag:s15] =	ssyncadd.s32 $0xFFFFC000  }
0x328: {  	[hbm4b:s1+s2] =	stream.linear.scatter [tilespmem:s8], [sflag:$0x6], $0x4000, $0x38;
	[tilespmem:$0xC000] =	vst v63  }
0x329: {  	_ =	swait.ge [sflag:s7], $0x4000  }
0x32a: {  	[sflag:s7] =	ssyncset.done $0x0  }
0x32b: {  	s1 =	rddreg [dreg:$0x17];
	[sflag:s7] =	ssyncadd.s32 $0xFFFFC000  }
0x32c: {  	[tilespmem:s8], [sflag:$0x3] =	stream.linear.gather [hbm4b:s1+s2], $0x4000, $0x38;
	[tilespmem:$0xC000] =	vst v63  }
0x32d: {  	_ =	swait.ge [sflag:s10], $0x4000  }
0x32e: {  	[sflag:s10] =	ssyncset.done $0x0  }
0x32f: {  	s1 =	rddreg [dreg:$0x18];
	[sflag:s10] =	ssyncadd.s32 $0xFFFFC000  }
0x330: {  	[hbm4b:s1+s2] =	stream.linear.scatter [tilespmem:s2], [sflag:$0x4], $0x4000, $0x38;
	[tilespmem:$0xC000] =	vst v63  }
0x331: {  	_ =	swait.ge [sflag:s3], $0x4000  }
0x332: {  	[sflag:s3] =	ssyncset.done $0x0  }
0x333: {  	s1 =	rddreg [dreg:$0x19];
	[sflag:s3] =	ssyncadd.s32 $0xFFFFC000  }
0x334: {  	[tilespmem:s2], [sflag:$0x1] =	stream.linear.gather [hbm4b:s1+s2], $0x4000, $0x38;
	[tilespmem:$0xC000] =	vst v63  }
0x335: {  	_ =	swait.ge [sflag:s17], $0x4000  }
0x336: {  	[sflag:s17] =	ssyncset.done $0x0  }
0x337: {  	s1 =	rddreg [dreg:$0x1a];
	[sflag:s17] =	ssyncadd.s32 $0xFFFFC000  }
0x338: {  	[hbm4b:s1+s2] =	stream.linear.scatter [tilespmem:s12], [sflag:$0x5], $0x4000, $0x38;
	[tilespmem:$0xC000] =	vst v63  }
0x339: {  	_ =	swait.ge [sflag:s9], $0x4000  }
0x33a: {  	[sflag:s9] =	ssyncset.done $0x0  }
0x33b: {  	s1 =	rddreg [dreg:$0x1b];
	[sflag:s9] =	ssyncadd.s32 $0xFFFFC000  }
0x33c: {  	[tilespmem:s12], [sflag:$0x2] =	stream.linear.gather [hbm4b:s1+s2], $0x4000, $0x38;
	[tilespmem:$0xC000] =	vst v63  }
0x33d: {  	_ =	swait.ge [sflag:s15], $0x4000  }
0x33e: {  	[sflag:s15] =	ssyncset.done $0x0  }
0x33f: {  	s1 =	rddreg [dreg:$0x1c];
	[sflag:s15] =	ssyncadd.s32 $0xFFFFC000  }
0x340: {  	[hbm4b:s1+s2] =	stream.linear.scatter [tilespmem:s8], [sflag:$0x6], $0x4000, $0x38;
	[tilespmem:$0xC000] =	vst v63  }
0x341: {  	_ =	swait.ge [sflag:s7], $0x4000  }
0x342: {  	[sflag:s7] =	ssyncset.done $0x0  }
0x343: {  	s1 =	rddreg [dreg:$0x1d];
	[sflag:s7] =	ssyncadd.s32 $0xFFFFC000  }
0x344: {  	[tilespmem:s8], [sflag:$0x3] =	stream.linear.gather [hbm4b:s1+s2], $0x4000, $0x38;
	[tilespmem:$0xC000] =	vst v63  }
0x345: {  	_ =	swait.ge [sflag:s10], $0x4000  }
0x346: {  	[sflag:s10] =	ssyncset.done $0x0  }
0x347: {  	s1 =	rddreg [dreg:$0x1e];
	[sflag:s10] =	ssyncadd.s32 $0xFFFFC000  }
0x348: {  	[hbm4b:s1+s2] =	stream.linear.scatter [tilespmem:s2], [sflag:$0x4], $0x4000, $0x38;
	[tilespmem:$0xC000] =	vst v63  }
0x349: {  	_ =	swait.ge [sflag:s3], $0x4000  }
0x34a: {  	[sflag:s3] =	ssyncset.done $0x0  }
0x34b: {  	s1 =	rddreg [dreg:$0x1f];
	[sflag:s3] =	ssyncadd.s32 $0xFFFFC000  }
0x34c: {  	[tilespmem:s2], [sflag:$0x1] =	stream.linear.gather [hbm4b:s1+s2], $0x4000, $0x38;
	[tilespmem:$0xC000] =	vst v63  }
0x34d: {  	_ =	swait.ge [sflag:s17], $0x4000  }
0x34e: {  	s1 =	sld [smem:$0x7AF]  }
0x34f: {  	[sflag:s17] =	ssyncset.done $0x0  }
0x350: {  	[sflag:s17] =	ssyncadd.s32 $0xFFFFC000  }
0x351: {  	[hbm4b:s1+s2] =	stream.linear.scatter [tilespmem:s12], [sflag:$0x5], $0x4000, $0x38;
	[tilespmem:$0xC000] =	vst v63  }
0x352: {  	_ =	swait.ge [sflag:s9], $0x4000  }
0x353: {  	s1 =	sld [smem:$0x7B0]  }
0x354: {  	[sflag:s9] =	ssyncset.done $0x0  }
0x355: {  	[sflag:s9] =	ssyncadd.s32 $0xFFFFC000  }
0x356: {  	[tilespmem:s12], [sflag:$0x2] =	stream.linear.gather [hbm4b:s1+s2], $0x4000, $0x38;
	[tilespmem:$0xC000] =	vst v63  }
0x357: {  	_ =	swait.ge [sflag:s15], $0x4000  }
0x358: {  	s1 =	sld [smem:$0x7B1]  }
0x359: {  	[sflag:s15] =	ssyncset.done $0x0  }
0x35a: {  	[sflag:s15] =	ssyncadd.s32 $0xFFFFC000  }
0x35b: {  	[hbm4b:s1+s2] =	stream.linear.scatter [tilespmem:s8], [sflag:$0x6], $0x4000, $0x38;
	[tilespmem:$0xC000] =	vst v63  }
0x35c: {  	_ =	swait.ge [sflag:s7], $0x4000  }
0x35d: {  	s1 =	sld [smem:$0x7B2]  }
0x35e: {  	[sflag:s7] =	ssyncset.done $0x0  }
0x35f: {  	[sflag:s7] =	ssyncadd.s32 $0xFFFFC000  }
0x360: {  	[tilespmem:s8], [sflag:$0x3] =	stream.linear.gather [hbm4b:s1+s2], $0x4000, $0x38;
	[tilespmem:$0xC000] =	vst v63  }
0x361: {  	_ =	swait.ge [sflag:s10], $0x4000  }
0x362: {  	s1 =	sld [smem:$0x7B3]  }
0x363: {  	[sflag:s10] =	ssyncset.done $0x0  }
0x364: {  	[sflag:s10] =	ssyncadd.s32 $0xFFFFC000  }
0x365: {  	[hbm4b:s1+s2] =	stream.linear.scatter [tilespmem:s2], [sflag:$0x4], $0x4000, $0x38;
	[tilespmem:$0xC000] =	vst v63  }
0x366: {  	_ =	swait.ge [sflag:s3], $0x4000  }
0x367: {  	s1 =	sld [smem:$0x7B4]  }
0x368: {  	[sflag:s3] =	ssyncset.done $0x0  }
0x369: {  	[sflag:s3] =	ssyncadd.s32 $0xFFFFC000  }
0x36a: {  	[tilespmem:s2], [sflag:$0x1] =	stream.linear.gather [hbm4b:s1+s2], $0x4000, $0x38;
	[tilespmem:$0xC000] =	vst v63  }
0x36b: {  	_ =	swait.ge [sflag:s17], $0x4000  }
0x36c: {  	s1 =	sld [smem:$0x7B5]  }
0x36d: {  	[sflag:s17] =	ssyncset.done $0x0  }
0x36e: {  	[sflag:s17] =	ssyncadd.s32 $0xFFFFC000  }
0x36f: {  	[hbm4b:s1+s2] =	stream.linear.scatter [tilespmem:s12], [sflag:$0x5], $0x4000, $0x38;
	[tilespmem:$0xC000] =	vst v63  }
0x370: {  	_ =	swait.ge [sflag:s9], $0x4000  }
0x371: {  	s1 =	sld [smem:$0x7B6]  }
0x372: {  	[sflag:s9] =	ssyncset.done $0x0  }
0x373: {  	[sflag:s9] =	ssyncadd.s32 $0xFFFFC000  }
0x374: {  	[tilespmem:s12], [sflag:$0x2] =	stream.linear.gather [hbm4b:s1+s2], $0x4000, $0x38;
	[tilespmem:$0xC000] =	vst v63  }
0x375: {  	_ =	swait.ge [sflag:s15], $0x4000  }
0x376: {  	s1 =	sld [smem:$0x7B7]  }
0x377: {  	[sflag:s15] =	ssyncset.done $0x0  }
0x378: {  	[sflag:s15] =	ssyncadd.s32 $0xFFFFC000  }
0x379: {  	[hbm4b:s1+s2] =	stream.linear.scatter [tilespmem:s8], [sflag:$0x6], $0x4000, $0x38;
	[tilespmem:$0xC000] =	vst v63  }
0x37a: {  	_ =	swait.ge [sflag:s7], $0x4000  }
0x37b: {  	s1 =	sld [smem:$0x7B8]  }
0x37c: {  	[sflag:s7] =	ssyncset.done $0x0  }
0x37d: {  	[sflag:s7] =	ssyncadd.s32 $0xFFFFC000  }
0x37e: {  	[tilespmem:s8], [sflag:$0x3] =	stream.linear.gather [hbm4b:s1+s2], $0x4000, $0x38;
	[tilespmem:$0xC000] =	vst v63  }
0x37f: {  	_ =	swait.ge [sflag:s10], $0x4000  }
0x380: {  	s1 =	sld [smem:$0x7B9]  }
0x381: {  	[sflag:s10] =	ssyncset.done $0x0  }
0x382: {  	[sflag:s10] =	ssyncadd.s32 $0xFFFFC000  }
0x383: {  	[hbm4b:s1+s2] =	stream.linear.scatter [tilespmem:s2], [sflag:$0x4], $0x4000, $0x38;
	[tilespmem:$0xC000] =	vst v63  }
0x384: {  	_ =	swait.ge [sflag:s3], $0x4000  }
0x385: {  	s1 =	sld [smem:$0x7BA]  }
0x386: {  	[sflag:s3] =	ssyncset.done $0x0  }
0x387: {  	[sflag:s3] =	ssyncadd.s32 $0xFFFFC000  }
0x388: {  	[tilespmem:s2], [sflag:$0x1] =	stream.linear.gather [hbm4b:s1+s2], $0x4000, $0x38;
	[tilespmem:$0xC000] =	vst v63  }
0x389: {  	_ =	swait.ge [sflag:s17], $0x4000  }
0x38a: {  	s1 =	sld [smem:$0x7BB]  }
0x38b: {  	[sflag:s17] =	ssyncset.done $0x0  }
0x38c: {  	[sflag:s17] =	ssyncadd.s32 $0xFFFFC000  }
0x38d: {  	[hbm4b:s1+s2] =	stream.linear.scatter [tilespmem:s12], [sflag:$0x5], $0x4000, $0x38;
	[tilespmem:$0xC000] =	vst v63  }
0x38e: {  	_ =	swait.ge [sflag:s9], $0x4000  }
0x38f: {  	s1 =	sld [smem:$0x7BC]  }
0x390: {  	[sflag:s9] =	ssyncset.done $0x0  }
0x391: {  	[sflag:s9] =	ssyncadd.s32 $0xFFFFC000  }
0x392: {  	[tilespmem:s12], [sflag:$0x2] =	stream.linear.gather [hbm4b:s1+s2], $0x4000, $0x38;
	[tilespmem:$0xC000] =	vst v63  }
0x393: {  	_ =	swait.ge [sflag:s15], $0x4000  }
0x394: {  	s1 =	sld [smem:$0x7BD]  }
0x395: {  	[sflag:s15] =	ssyncset.done $0x0  }
0x396: {  	[sflag:s15] =	ssyncadd.s32 $0xFFFFC000  }
0x397: {  	[hbm4b:s1+s2] =	stream.linear.scatter [tilespmem:s8], [sflag:$0x6], $0x4000, $0x38;
	[tilespmem:$0xC000] =	vst v63  }
0x398: {  	_ =	swait.ge [sflag:s7], $0x4000  }
0x399: {  	s1 =	sld [smem:$0x7BE]  }
0x39a: {  	[sflag:s7] =	ssyncset.done $0x0  }
0x39b: {  	[sflag:s7] =	ssyncadd.s32 $0xFFFFC000  }
0x39c: {  	[tilespmem:s8], [sflag:$0x3] =	stream.linear.gather [hbm4b:s1+s2], $0x4000, $0x38;
	[tilespmem:$0xC000] =	vst v63  }
0x39d: {  	_ =	swait.ge [sflag:s10], $0x4000  }
0x39e: {  	s1 =	sld [smem:$0x7BF]  }
0x39f: {  	[sflag:s10] =	ssyncset.done $0x0  }
0x3a0: {  	[sflag:s10] =	ssyncadd.s32 $0xFFFFC000  }
0x3a1: {  	[hbm4b:s1+s2] =	stream.linear.scatter [tilespmem:s2], [sflag:$0x4], $0x4000, $0x38;
	[tilespmem:$0xC000] =	vst v63  }
0x3a2: {  	_ =	swait.ge [sflag:s3], $0x4000  }
0x3a3: {  	s1 =	sld [smem:$0x7C0]  }
0x3a4: {  	[sflag:s3] =	ssyncset.done $0x0  }
0x3a5: {  	[sflag:s3] =	ssyncadd.s32 $0xFFFFC000  }
0x3a6: {  	[tilespmem:s2], [sflag:$0x1] =	stream.linear.gather [hbm4b:s1+s2], $0x4000, $0x38;
	[tilespmem:$0xC000] =	vst v63  }
0x3a7: {  	_ =	swait.ge [sflag:s17], $0x4000  }
0x3a8: {  	s1 =	sld [smem:$0x7C1]  }
0x3a9: {  	[sflag:s17] =	ssyncset.done $0x0  }
0x3aa: {  	[sflag:s17] =	ssyncadd.s32 $0xFFFFC000  }
0x3ab: {  	[hbm4b:s1+s2] =	stream.linear.scatter [tilespmem:s12], [sflag:$0x5], $0x4000, $0x38;
	[tilespmem:$0xC000] =	vst v63  }
0x3ac: {  	_ =	swait.ge [sflag:s9], $0x4000  }
0x3ad: {  	s1 =	sld [smem:$0x7C2]  }
0x3ae: {  	[sflag:s9] =	ssyncset.done $0x0  }
0x3af: {  	[sflag:s9] =	ssyncadd.s32 $0xFFFFC000  }
0x3b0: {  	[tilespmem:s12], [sflag:$0x2] =	stream.linear.gather [hbm4b:s1+s2], $0x4000, $0x38;
	[tilespmem:$0xC000] =	vst v63  }
0x3b1: {  	_ =	swait.ge [sflag:s15], $0x4000  }
0x3b2: {  	s1 =	sld [smem:$0x7C3]  }
0x3b3: {  	[sflag:s15] =	ssyncset.done $0x0  }
0x3b4: {  	[sflag:s15] =	ssyncadd.s32 $0xFFFFC000  }
0x3b5: {  	[hbm4b:s1+s2] =	stream.linear.scatter [tilespmem:s8], [sflag:$0x6], $0x4000, $0x38;
	[tilespmem:$0xC000] =	vst v63  }
0x3b6: {  	_ =	swait.ge [sflag:s7], $0x4000  }
0x3b7: {  	s1 =	sld [smem:$0x7C4]  }
0x3b8: {  	[sflag:s7] =	ssyncset.done $0x0  }
0x3b9: {  	[sflag:s7] =	ssyncadd.s32 $0xFFFFC000  }
0x3ba: {  	[tilespmem:s8], [sflag:$0x3] =	stream.linear.gather [hbm4b:s1+s2], $0x4000, $0x38;
	[tilespmem:$0xC000] =	vst v63  }
0x3bb: {  	_ =	swait.ge [sflag:s10], $0x4000  }
0x3bc: {  	s1 =	sld [smem:$0x7C5]  }
0x3bd: {  	[sflag:s10] =	ssyncset.done $0x0  }
0x3be: {  	[sflag:s10] =	ssyncadd.s32 $0xFFFFC000  }
0x3bf: {  	[hbm4b:s1+s2] =	stream.linear.scatter [tilespmem:s2], [sflag:$0x4], $0x4000, $0x38;
	[tilespmem:$0xC000] =	vst v63  }
0x3c0: {  	_ =	swait.ge [sflag:s3], $0x4000  }
0x3c1: {  	s1 =	sld [smem:$0x7C6]  }
0x3c2: {  	[sflag:s3] =	ssyncset.done $0x0  }
0x3c3: {  	[sflag:s3] =	ssyncadd.s32 $0xFFFFC000  }
0x3c4: {  	[tilespmem:s2], [sflag:$0x1] =	stream.linear.gather [hbm4b:s1+s2], $0x4000, $0x38;
	[tilespmem:$0xC000] =	vst v63  }
0x3c5: {  	_ =	swait.ge [sflag:s17], $0x4000  }
0x3c6: {  	s1 =	sld [smem:$0x7C7]  }
0x3c7: {  	[sflag:s17] =	ssyncset.done $0x0  }
0x3c8: {  	[sflag:s17] =	ssyncadd.s32 $0xFFFFC000  }
0x3c9: {  	[hbm4b:s1+s2] =	stream.linear.scatter [tilespmem:s12], [sflag:$0x5], $0x4000, $0x38;
	[tilespmem:$0xC000] =	vst v63  }
0x3ca: {  	_ =	swait.ge [sflag:s9], $0x4000  }
0x3cb: {  	s1 =	sld [smem:$0x7C8]  }
0x3cc: {  	[sflag:s9] =	ssyncset.done $0x0  }
0x3cd: {  	[sflag:s9] =	ssyncadd.s32 $0xFFFFC000  }
0x3ce: {  	[tilespmem:s12], [sflag:$0x2] =	stream.linear.gather [hbm4b:s1+s2], $0x4000, $0x38;
	[tilespmem:$0xC000] =	vst v63  }
0x3cf: {  	_ =	swait.ge [sflag:s15], $0x4000  }
0x3d0: {  	s1 =	sld [smem:$0x7C9]  }
0x3d1: {  	[sflag:s15] =	ssyncset.done $0x0  }
0x3d2: {  	[sflag:s15] =	ssyncadd.s32 $0xFFFFC000  }
0x3d3: {  	[hbm4b:s1+s2] =	stream.linear.scatter [tilespmem:s8], [sflag:$0x6], $0x4000, $0x38;
	[tilespmem:$0xC000] =	vst v63  }
0x3d4: {  	_ =	swait.ge [sflag:s7], $0x4000  }
0x3d5: {  	s1 =	sld [smem:$0x7CA]  }
0x3d6: {  	[sflag:s7] =	ssyncset.done $0x0  }
0x3d7: {  	[sflag:s7] =	ssyncadd.s32 $0xFFFFC000  }
0x3d8: {  	[tilespmem:s8], [sflag:$0x3] =	stream.linear.gather [hbm4b:s1+s2], $0x4000, $0x38;
	[tilespmem:$0xC000] =	vst v63  }
0x3d9: {  	_ =	swait.ge [sflag:s10], $0x4000  }
0x3da: {  	s1 =	sld [smem:$0x7CB]  }
0x3db: {  	[sflag:s10] =	ssyncset.done $0x0  }
0x3dc: {  	[sflag:s10] =	ssyncadd.s32 $0xFFFFC000  }
0x3dd: {  	[hbm4b:s1+s2] =	stream.linear.scatter [tilespmem:s2], [sflag:$0x4], $0x4000, $0x38;
	[tilespmem:$0xC000] =	vst v63  }
0x3de: {  	_ =	swait.ge [sflag:s3], $0x4000  }
0x3df: {  	s1 =	sld [smem:$0x7CC]  }
0x3e0: {  	[sflag:s3] =	ssyncset.done $0x0  }
0x3e1: {  	[sflag:s3] =	ssyncadd.s32 $0xFFFFC000  }
0x3e2: {  	[tilespmem:s2], [sflag:$0x1] =	stream.linear.gather [hbm4b:s1+s2], $0x4000, $0x38;
	[tilespmem:$0xC000] =	vst v63  }
0x3e3: {  	_ =	swait.ge [sflag:s17], $0x4000  }
0x3e4: {  	s1 =	sld [smem:$0x7CD]  }
0x3e5: {  	[sflag:s17] =	ssyncset.done $0x0  }
0x3e6: {  	[sflag:s17] =	ssyncadd.s32 $0xFFFFC000  }
0x3e7: {  	[hbm4b:s1+s2] =	stream.linear.scatter [tilespmem:s12], [sflag:$0x5], $0x4000, $0x38;
	[tilespmem:$0xC000] =	vst v63  }
0x3e8: {  	_ =	swait.ge [sflag:s9], $0x4000  }
0x3e9: {  	s1 =	sld [smem:$0x7CE]  }
0x3ea: {  	[sflag:s9] =	ssyncset.done $0x0  }
0x3eb: {  	[sflag:s9] =	ssyncadd.s32 $0xFFFFC000  }
0x3ec: {  	[tilespmem:s12], [sflag:$0x2] =	stream.linear.gather [hbm4b:s1+s2], $0x4000, $0x38;
	[tilespmem:$0xC000] =	vst v63  }
0x3ed: {  	_ =	swait.ge [sflag:s15], $0x4000  }
0x3ee: {  	s1 =	sld [smem:$0x7CF]  }
0x3ef: {  	[sflag:s15] =	ssyncset.done $0x0  }
0x3f0: {  	[sflag:s15] =	ssyncadd.s32 $0xFFFFC000  }
0x3f1: {  	[hbm4b:s1+s2] =	stream.linear.scatter [tilespmem:s8], [sflag:$0x6], $0x4000, $0x38;
	[tilespmem:$0xC000] =	vst v63  }
0x3f2: {  	_ =	swait.ge [sflag:s7], $0x4000  }
0x3f3: {  	s1 =	sld [smem:$0x7D0]  }
0x3f4: {  	[sflag:s7] =	ssyncset.done $0x0  }
0x3f5: {  	[sflag:s7] =	ssyncadd.s32 $0xFFFFC000  }
0x3f6: {  	[tilespmem:s8], [sflag:$0x3] =	stream.linear.gather [hbm4b:s1+s2], $0x4000, $0x38;
	[tilespmem:$0xC000] =	vst v63  }
0x3f7: {  	_ =	swait.ge [sflag:s10], $0x4000  }
0x3f8: {  	s1 =	sld [smem:$0x7D1]  }
0x3f9: {  	[sflag:s10] =	ssyncset.done $0x0  }
0x3fa: {  	[sflag:s10] =	ssyncadd.s32 $0xFFFFC000  }
0x3fb: {  	[hbm4b:s1+s2] =	stream.linear.scatter [tilespmem:s2], [sflag:$0x4], $0x4000, $0x38;
	[tilespmem:$0xC000] =	vst v63  }
0x3fc: {  	_ =	swait.ge [sflag:s3], $0x4000  }
0x3fd: {  	s1 =	sld [smem:$0x7D2]  }
0x3fe: {  	[sflag:s3] =	ssyncset.done $0x0  }
0x3ff: {  	[sflag:s3] =	ssyncadd.s32 $0xFFFFC000  }
0x400: {  	[tilespmem:s2], [sflag:$0x1] =	stream.linear.gather [hbm4b:s1+s2], $0x4000, $0x38;
	[tilespmem:$0xC000] =	vst v63  }
0x401: {  	_ =	swait.ge [sflag:s17], $0x4000  }
0x402: {  	s1 =	sld [smem:$0x7D3]  }
0x403: {  	[sflag:s17] =	ssyncset.done $0x0  }
0x404: {  	[sflag:s17] =	ssyncadd.s32 $0xFFFFC000  }
0x405: {  	[hbm4b:s1+s2] =	stream.linear.scatter [tilespmem:s12], [sflag:$0x5], $0x4000, $0x38;
	[tilespmem:$0xC000] =	vst v63  }
0x406: {  	_ =	swait.ge [sflag:s9], $0x4000  }
0x407: {  	s1 =	sld [smem:$0x7D4]  }
0x408: {  	[sflag:s9] =	ssyncset.done $0x0  }
0x409: {  	[sflag:s9] =	ssyncadd.s32 $0xFFFFC000  }
0x40a: {  	[tilespmem:s12], [sflag:$0x2] =	stream.linear.gather [hbm4b:s1+s2], $0x4000, $0x38;
	[tilespmem:$0xC000] =	vst v63  }
0x40b: {  	_ =	swait.ge [sflag:s15], $0x4000  }
0x40c: {  	s1 =	sld [smem:$0x7D5]  }
0x40d: {  	[sflag:s15] =	ssyncset.done $0x0  }
0x40e: {  	[sflag:s15] =	ssyncadd.s32 $0xFFFFC000  }
0x40f: {  	[hbm4b:s1+s2] =	stream.linear.scatter [tilespmem:s8], [sflag:$0x6], $0x4000, $0x38;
	[tilespmem:$0xC000] =	vst v63  }
0x410: {  	_ =	swait.ge [sflag:s7], $0x4000  }
0x411: {  	s1 =	sld [smem:$0x7D6]  }
0x412: {  	[sflag:s7] =	ssyncset.done $0x0  }
0x413: {  	[sflag:s7] =	ssyncadd.s32 $0xFFFFC000  }
0x414: {  	[tilespmem:s8], [sflag:$0x3] =	stream.linear.gather [hbm4b:s1+s2], $0x4000, $0x38;
	[tilespmem:$0xC000] =	vst v63  }
0x415: {  	_ =	swait.ge [sflag:s10], $0x4000  }
0x416: {  	s1 =	sld [smem:$0x7D7]  }
0x417: {  	[sflag:s10] =	ssyncset.done $0x0  }
0x418: {  	[sflag:s10] =	ssyncadd.s32 $0xFFFFC000  }
0x419: {  	[hbm4b:s1+s2] =	stream.linear.scatter [tilespmem:s2], [sflag:$0x4], $0x4000, $0x38;
	[tilespmem:$0xC000] =	vst v63  }
0x41a: {  	_ =	swait.ge [sflag:s3], $0x4000  }
0x41b: {  	s1 =	sld [smem:$0x7D8]  }
0x41c: {  	[sflag:s3] =	ssyncset.done $0x0  }
0x41d: {  	[sflag:s3] =	ssyncadd.s32 $0xFFFFC000  }
0x41e: {  	[tilespmem:s2], [sflag:$0x1] =	stream.linear.gather [hbm4b:s1+s2], $0x4000, $0x38;
	[tilespmem:$0xC000] =	vst v63  }
0x41f: {  	_ =	swait.ge [sflag:s17], $0x4000  }
0x420: {  	s1 =	sld [smem:$0x7D9]  }
0x421: {  	[sflag:s17] =	ssyncset.done $0x0  }
0x422: {  	[sflag:s17] =	ssyncadd.s32 $0xFFFFC000  }
0x423: {  	[hbm4b:s1+s2] =	stream.linear.scatter [tilespmem:s12], [sflag:$0x5], $0x4000, $0x38;
	[tilespmem:$0xC000] =	vst v63  }
0x424: {  	_ =	swait.ge [sflag:s9], $0x4000  }
0x425: {  	s1 =	sld [smem:$0x7DA]  }
0x426: {  	[sflag:s9] =	ssyncset.done $0x0  }
0x427: {  	[sflag:s9] =	ssyncadd.s32 $0xFFFFC000  }
0x428: {  	[tilespmem:s12], [sflag:$0x2] =	stream.linear.gather [hbm4b:s1+s2], $0x4000, $0x38;
	[tilespmem:$0xC000] =	vst v63  }
0x429: {  	_ =	swait.ge [sflag:s15], $0x4000  }
0x42a: {  	s1 =	sld [smem:$0x7DB]  }
0x42b: {  	[sflag:s15] =	ssyncset.done $0x0  }
0x42c: {  	[sflag:s15] =	ssyncadd.s32 $0xFFFFC000  }
0x42d: {  	[hbm4b:s1+s2] =	stream.linear.scatter [tilespmem:s8], [sflag:$0x6], $0x4000, $0x38;
	[tilespmem:$0xC000] =	vst v63  }
0x42e: {  	_ =	swait.ge [sflag:s7], $0x4000  }
0x42f: {  	s1 =	sld [smem:$0x7DC]  }
0x430: {  	[sflag:s7] =	ssyncset.done $0x0  }
0x431: {  	[sflag:s7] =	ssyncadd.s32 $0xFFFFC000  }
0x432: {  	[tilespmem:s8], [sflag:$0x3] =	stream.linear.gather [hbm4b:s1+s2], $0x4000, $0x38;
	[tilespmem:$0xC000] =	vst v63  }
0x433: {  	_ =	swait.ge [sflag:s10], $0x4000  }
0x434: {  	s1 =	sld [smem:$0x7DD]  }
0x435: {  	[sflag:s10] =	ssyncset.done $0x0  }
0x436: {  	[sflag:s10] =	ssyncadd.s32 $0xFFFFC000  }
0x437: {  	[hbm4b:s1+s2] =	stream.linear.scatter [tilespmem:s2], [sflag:$0x4], $0x4000, $0x38;
	[tilespmem:$0xC000] =	vst v63  }
0x438: {  	_ =	swait.ge [sflag:s3], $0x4000  }
0x439: {  	s1 =	sld [smem:$0x7DE]  }
0x43a: {  	[sflag:s3] =	ssyncset.done $0x0  }
0x43b: {  	[sflag:s3] =	ssyncadd.s32 $0xFFFFC000  }
0x43c: {  	[tilespmem:s2], [sflag:$0x1] =	stream.linear.gather [hbm4b:s1+s2], $0x4000, $0x38;
	[tilespmem:$0xC000] =	vst v63  }
0x43d: {  	_ =	swait.ge [sflag:s17], $0x4000  }
0x43e: {  	s1 =	sld [smem:$0x7DF]  }
0x43f: {  	[sflag:s17] =	ssyncset.done $0x0  }
0x440: {  	[sflag:s17] =	ssyncadd.s32 $0xFFFFC000  }
0x441: {  	[hbm4b:s1+s2] =	stream.linear.scatter [tilespmem:s12], [sflag:$0x5], $0x4000, $0x38;
	[tilespmem:$0xC000] =	vst v63  }
0x442: {  	_ =	swait.ge [sflag:s9], $0x4000  }
0x443: {  	s1 =	sld [smem:$0x7E0]  }
0x444: {  	[sflag:s9] =	ssyncset.done $0x0  }
0x445: {  	[sflag:s9] =	ssyncadd.s32 $0xFFFFC000  }
0x446: {  	[tilespmem:s12], [sflag:$0x2] =	stream.linear.gather [hbm4b:s1+s2], $0x4000, $0x38;
	[tilespmem:$0xC000] =	vst v63  }
0x447: {  	_ =	swait.ge [sflag:s15], $0x4000  }
0x448: {  	s1 =	sld [smem:$0x7E1]  }
0x449: {  	[sflag:s15] =	ssyncset.done $0x0  }
0x44a: {  	[sflag:s15] =	ssyncadd.s32 $0xFFFFC000  }
0x44b: {  	[hbm4b:s1+s2] =	stream.linear.scatter [tilespmem:s8], [sflag:$0x6], $0x4000, $0x38;
	[tilespmem:$0xC000] =	vst v63  }
0x44c: {  	_ =	swait.ge [sflag:s7], $0x4000  }
0x44d: {  	s1 =	sld [smem:$0x7E2]  }
0x44e: {  	[sflag:s7] =	ssyncset.done $0x0  }
0x44f: {  	[sflag:s7] =	ssyncadd.s32 $0xFFFFC000  }
0x450: {  	[tilespmem:s8], [sflag:$0x3] =	stream.linear.gather [hbm4b:s1+s2], $0x4000, $0x38;
	[tilespmem:$0xC000] =	vst v63  }
0x451: {  	_ =	swait.ge [sflag:s10], $0x4000  }
0x452: {  	s1 =	sld [smem:$0x7E3]  }
0x453: {  	[sflag:s10] =	ssyncset.done $0x0  }
0x454: {  	[sflag:s10] =	ssyncadd.s32 $0xFFFFC000  }
0x455: {  	[hbm4b:s1+s2] =	stream.linear.scatter [tilespmem:s2], [sflag:$0x4], $0x4000, $0x38;
	[tilespmem:$0xC000] =	vst v63  }
0x456: {  	_ =	swait.ge [sflag:s3], $0x4000  }
0x457: {  	s1 =	sld [smem:$0x7E4]  }
0x458: {  	[sflag:s3] =	ssyncset.done $0x0  }
0x459: {  	[sflag:s3] =	ssyncadd.s32 $0xFFFFC000  }
0x45a: {  	[tilespmem:s2], [sflag:$0x1] =	stream.linear.gather [hbm4b:s1+s2], $0x4000, $0x38;
	[tilespmem:$0xC000] =	vst v63  }
0x45b: {  	_ =	swait.ge [sflag:s17], $0x4000  }
0x45c: {  	s1 =	sld [smem:$0x7E5]  }
0x45d: {  	[sflag:s17] =	ssyncset.done $0x0  }
0x45e: {  	[sflag:s17] =	ssyncadd.s32 $0xFFFFC000  }
0x45f: {  	[hbm4b:s1+s2] =	stream.linear.scatter [tilespmem:s12], [sflag:$0x5], $0x4000, $0x38;
	[tilespmem:$0xC000] =	vst v63  }
0x460: {  	_ =	swait.ge [sflag:s9], $0x4000  }
0x461: {  	s1 =	sld [smem:$0x7E6]  }
0x462: {  	[sflag:s9] =	ssyncset.done $0x0  }
0x463: {  	[sflag:s9] =	ssyncadd.s32 $0xFFFFC000  }
0x464: {  	[tilespmem:s12], [sflag:$0x2] =	stream.linear.gather [hbm4b:s1+s2], $0x4000, $0x38;
	[tilespmem:$0xC000] =	vst v63  }
0x465: {  	_ =	swait.ge [sflag:s15], $0x4000  }
0x466: {  	s1 =	sld [smem:$0x7E7]  }
0x467: {  	[sflag:s15] =	ssyncset.done $0x0  }
0x468: {  	[sflag:s15] =	ssyncadd.s32 $0xFFFFC000  }
0x469: {  	[hbm4b:s1+s2] =	stream.linear.scatter [tilespmem:s8], [sflag:$0x6], $0x4000, $0x38;
	[tilespmem:$0xC000] =	vst v63  }
0x46a: {  	_ =	swait.ge [sflag:s7], $0x4000  }
0x46b: {  	s1 =	sld [smem:$0x7E8]  }
0x46c: {  	[sflag:s7] =	ssyncset.done $0x0  }
0x46d: {  	[sflag:s7] =	ssyncadd.s32 $0xFFFFC000  }
0x46e: {  	[tilespmem:s8], [sflag:$0x3] =	stream.linear.gather [hbm4b:s1+s2], $0x4000, $0x38;
	[tilespmem:$0xC000] =	vst v63  }
0x46f: {  	_ =	swait.ge [sflag:s10], $0x4000  }
0x470: {  	s1 =	sld [smem:$0x7E9]  }
0x471: {  	[sflag:s10] =	ssyncset.done $0x0  }
0x472: {  	[sflag:s10] =	ssyncadd.s32 $0xFFFFC000  }
0x473: {  	[hbm4b:s1+s2] =	stream.linear.scatter [tilespmem:s2], [sflag:$0x4], $0x4000, $0x38;
	[tilespmem:$0xC000] =	vst v63  }
0x474: {  	_ =	swait.ge [sflag:s3], $0x4000  }
0x475: {  	s1 =	sld [smem:$0x7EA]  }
0x476: {  	[sflag:s3] =	ssyncset.done $0x0  }
0x477: {  	[sflag:s3] =	ssyncadd.s32 $0xFFFFC000  }
0x478: {  	[tilespmem:s2], [sflag:$0x1] =	stream.linear.gather [hbm4b:s1+s2], $0x4000, $0x38;
	[tilespmem:$0xC000] =	vst v63  }
0x479: {  	_ =	swait.ge [sflag:s17], $0x4000  }
0x47a: {  	s1 =	sld [smem:$0x7EB]  }
0x47b: {  	[sflag:s17] =	ssyncset.done $0x0  }
0x47c: {  	[sflag:s17] =	ssyncadd.s32 $0xFFFFC000  }
0x47d: {  	[hbm4b:s1+s2] =	stream.linear.scatter [tilespmem:s12], [sflag:$0x5], $0x4000, $0x38;
	[tilespmem:$0xC000] =	vst v63  }
0x47e: {  	_ =	swait.ge [sflag:s9], $0x4000  }
0x47f: {  	s1 =	sld [smem:$0x7EC]  }
0x480: {  	[sflag:s9] =	ssyncset.done $0x0  }
0x481: {  	[sflag:s9] =	ssyncadd.s32 $0xFFFFC000  }
0x482: {  	[tilespmem:s12], [sflag:$0x2] =	stream.linear.gather [hbm4b:s1+s2], $0x4000, $0x38;
	[tilespmem:$0xC000] =	vst v63  }
0x483: {  	_ =	swait.ge [sflag:s15], $0x4000  }
0x484: {  	s1 =	sld [smem:$0x7ED]  }
0x485: {  	[sflag:s15] =	ssyncset.done $0x0  }
0x486: {  	[sflag:s15] =	ssyncadd.s32 $0xFFFFC000  }
0x487: {  	[hbm4b:s1+s2] =	stream.linear.scatter [tilespmem:s8], [sflag:$0x6], $0x4000, $0x38;
	[tilespmem:$0xC000] =	vst v63  }
0x488: {  	_ =	swait.ge [sflag:s7], $0x4000  }
0x489: {  	s1 =	sld [smem:$0x7EE]  }
0x48a: {  	[sflag:s7] =	ssyncset.done $0x0  }
0x48b: {  	[sflag:s7] =	ssyncadd.s32 $0xFFFFC000  }
0x48c: {  	[tilespmem:s8], [sflag:$0x3] =	stream.linear.gather [hbm4b:s1+s2], $0x4000, $0x38;
	[tilespmem:$0xC000] =	vst v63  }
0x48d: {  	_ =	swait.ge [sflag:s10], $0x4000  }
0x48e: {  	s1 =	sld [smem:$0x7EF]  }
0x48f: {  	[sflag:s10] =	ssyncset.done $0x0  }
0x490: {  	[sflag:s10] =	ssyncadd.s32 $0xFFFFC000  }
0x491: {  	[hbm4b:s1+s2] =	stream.linear.scatter [tilespmem:s2], [sflag:$0x4], $0x4000, $0x38;
	[tilespmem:$0xC000] =	vst v63  }
0x492: {  	_ =	swait.ge [sflag:s3], $0x4000  }
0x493: {  	s1 =	sld [smem:$0x7F0]  }
0x494: {  	[sflag:s3] =	ssyncset.done $0x0  }
0x495: {  	[sflag:s3] =	ssyncadd.s32 $0xFFFFC000  }
0x496: {  	[tilespmem:s2], [sflag:$0x1] =	stream.linear.gather [hbm4b:s1+s2], $0x4000, $0x38;
	[tilespmem:$0xC000] =	vst v63  }
0x497: {  	_ =	swait.ge [sflag:s17], $0x4000  }
0x498: {  	s1 =	sld [smem:$0x7F1]  }
0x499: {  	[sflag:s17] =	ssyncset.done $0x0  }
0x49a: {  	[sflag:s17] =	ssyncadd.s32 $0xFFFFC000  }
0x49b: {  	[hbm4b:s1+s2] =	stream.linear.scatter [tilespmem:s12], [sflag:$0x5], $0x4000, $0x38;
	[tilespmem:$0xC000] =	vst v63  }
0x49c: {  	_ =	swait.ge [sflag:s9], $0x4000  }
0x49d: {  	s1 =	sld [smem:$0x7F2]  }
0x49e: {  	[sflag:s9] =	ssyncset.done $0x0  }
0x49f: {  	[sflag:s9] =	ssyncadd.s32 $0xFFFFC000  }
0x4a0: {  	[tilespmem:s12], [sflag:$0x2] =	stream.linear.gather [hbm4b:s1+s2], $0x4000, $0x38;
	[tilespmem:$0xC000] =	vst v63  }
0x4a1: {  	_ =	swait.ge [sflag:s15], $0x4000  }
0x4a2: {  	s1 =	sld [smem:$0x7F3]  }
0x4a3: {  	[sflag:s15] =	ssyncset.done $0x0  }
0x4a4: {  	[sflag:s15] =	ssyncadd.s32 $0xFFFFC000  }
0x4a5: {  	[hbm4b:s1+s2] =	stream.linear.scatter [tilespmem:s8], [sflag:$0x6], $0x4000, $0x38;
	[tilespmem:$0xC000] =	vst v63  }
0x4a6: {  	_ =	swait.ge [sflag:s7], $0x4000  }
0x4a7: {  	s1 =	sld [smem:$0x7F4]  }
0x4a8: {  	[sflag:s7] =	ssyncset.done $0x0  }
0x4a9: {  	[sflag:s7] =	ssyncadd.s32 $0xFFFFC000  }
0x4aa: {  	[tilespmem:s8], [sflag:$0x3] =	stream.linear.gather [hbm4b:s1+s2], $0x4000, $0x38;
	[tilespmem:$0xC000] =	vst v63  }
0x4ab: {  	_ =	swait.ge [sflag:s10], $0x4000  }
0x4ac: {  	s1 =	sld [smem:$0x7F5]  }
0x4ad: {  	[sflag:s10] =	ssyncset.done $0x0  }
0x4ae: {  	[sflag:s10] =	ssyncadd.s32 $0xFFFFC000  }
0x4af: {  	[hbm4b:s1+s2] =	stream.linear.scatter [tilespmem:s2], [sflag:$0x4], $0x4000, $0x38;
	[tilespmem:$0xC000] =	vst v63  }
0x4b0: {  	_ =	swait.ge [sflag:s3], $0x4000  }
0x4b1: {  	s1 =	sld [smem:$0x7F6]  }
0x4b2: {  	[sflag:s3] =	ssyncset.done $0x0  }
0x4b3: {  	[sflag:s3] =	ssyncadd.s32 $0xFFFFC000  }
0x4b4: {  	[tilespmem:s2], [sflag:$0x1] =	stream.linear.gather [hbm4b:s1+s2], $0x4000, $0x38;
	[tilespmem:$0xC000] =	vst v63  }
0x4b5: {  	_ =	swait.ge [sflag:s17], $0x4000  }
0x4b6: {  	s1 =	sld [smem:$0x7F7]  }
0x4b7: {  	[sflag:s17] =	ssyncset.done $0x0  }
0x4b8: {  	[sflag:s17] =	ssyncadd.s32 $0xFFFFC000  }
0x4b9: {  	[hbm4b:s1+s2] =	stream.linear.scatter [tilespmem:s12], [sflag:$0x5], $0x4000, $0x38;
	[tilespmem:$0xC000] =	vst v63  }
0x4ba: {  	_ =	swait.ge [sflag:s9], $0x4000  }
0x4bb: {  	s1 =	sld [smem:$0x7F8]  }
0x4bc: {  	[sflag:s9] =	ssyncset.done $0x0  }
0x4bd: {  	[sflag:s9] =	ssyncadd.s32 $0xFFFFC000  }
0x4be: {  	[tilespmem:s12], [sflag:$0x2] =	stream.linear.gather [hbm4b:s1+s2], $0x4000, $0x38;
	[tilespmem:$0xC000] =	vst v63  }
0x4bf: {  	_ =	swait.ge [sflag:s15], $0x4000  }
0x4c0: {  	s1 =	sld [smem:$0x7F9]  }
0x4c1: {  	[sflag:s15] =	ssyncset.done $0x0  }
0x4c2: {  	[sflag:s15] =	ssyncadd.s32 $0xFFFFC000  }
0x4c3: {  	[hbm4b:s1+s2] =	stream.linear.scatter [tilespmem:s8], [sflag:$0x6], $0x4000, $0x38;
	[tilespmem:$0xC000] =	vst v63  }
0x4c4: {  	_ =	swait.ge [sflag:s7], $0x4000  }
0x4c5: {  	s1 =	sld [smem:$0x7FA]  }
0x4c6: {  	[sflag:s7] =	ssyncset.done $0x0  }
0x4c7: {  	[sflag:s7] =	ssyncadd.s32 $0xFFFFC000  }
0x4c8: {  	[tilespmem:s8], [sflag:$0x3] =	stream.linear.gather [hbm4b:s1+s2], $0x4000, $0x38;
	[tilespmem:$0xC000] =	vst v63  }
0x4c9: {  	_ =	swait.ge [sflag:s10], $0x4000  }
0x4ca: {  	s1 =	sld [smem:$0x7FB]  }
0x4cb: {  	[sflag:s10] =	ssyncset.done $0x0  }
0x4cc: {  	[sflag:s10] =	ssyncadd.s32 $0xFFFFC000  }
0x4cd: {  	[hbm4b:s1+s2] =	stream.linear.scatter [tilespmem:s2], [sflag:$0x4], $0x4000, $0x38;
	[tilespmem:$0xC000] =	vst v63  }
0x4ce: {  	_ =	swait.ge [sflag:s3], $0x4000  }
0x4cf: {  	s1 =	sld [smem:$0x7FC]  }
0x4d0: {  	[sflag:s3] =	ssyncset.done $0x0  }
0x4d1: {  	[sflag:s3] =	ssyncadd.s32 $0xFFFFC000  }
0x4d2: {  	[tilespmem:s2], [sflag:$0x1] =	stream.linear.gather [hbm4b:s1+s2], $0x4000, $0x38;
	[tilespmem:$0xC000] =	vst v63  }
0x4d3: {  	_ =	swait.ge [sflag:s17], $0x4000  }
0x4d4: {  	s1 =	sld [smem:$0x7FD]  }
0x4d5: {  	[sflag:s17] =	ssyncset.done $0x0  }
0x4d6: {  	[sflag:s17] =	ssyncadd.s32 $0xFFFFC000  }
0x4d7: {  	[hbm4b:s1+s2] =	stream.linear.scatter [tilespmem:s12], [sflag:$0x5], $0x4000, $0x38;
	[tilespmem:$0xC000] =	vst v63  }
0x4d8: {  	_ =	swait.ge [sflag:s9], $0x4000  }
0x4d9: {  	[sflag:s9] =	ssyncset.done $0x0  }
0x4da: {  	[sflag:s9] =	ssyncadd.s32 $0xFFFFC000  }
0x4db: {  	[tilespmem:s12], [sflag:$0x2] =	stream.linear.gather [hbm4b:s31+s2], $0x4000, $0x38;
	[tilespmem:$0xC000] =	vst v63  }
0x4dc: {  	_ =	swait.ge [sflag:s15], $0x4000  }
0x4dd: {  	[sflag:s15] =	ssyncset.done $0x0  }
0x4de: {  	[sflag:s15] =	ssyncadd.s32 $0xFFFFC000  }
0x4df: {  	[hbm4b:s30+s2] =	stream.linear.scatter [tilespmem:s8], [sflag:$0x6], $0x4000, $0x38;
	[tilespmem:$0xC000] =	vst v63  }
0x4e0: {  	_ =	swait.ge [sflag:s7], $0x4000  }
0x4e1: {  	[sflag:s7] =	ssyncset.done $0x0  }
0x4e2: {  	[sflag:s7] =	ssyncadd.s32 $0xFFFFC000  }
0x4e3: {  	[tilespmem:s8], [sflag:$0x3] =	stream.linear.gather [hbm4b:s29+s2], $0x4000, $0x38;
	[tilespmem:$0xC000] =	vst v63  }
0x4e4: {  	_ =	swait.ge [sflag:s10], $0x4000  }
0x4e5: {  	[sflag:s10] =	ssyncset.done $0x0  }
0x4e6: {  	[sflag:s10] =	ssyncadd.s32 $0xFFFFC000  }
0x4e7: {  	[hbm4b:s28+s2] =	stream.linear.scatter [tilespmem:s2], [sflag:$0x4], $0x4000, $0x38;
	[tilespmem:$0xC000] =	vst v63  }
0x4e8: {  	_ =	swait.ge [sflag:s3], $0x4000  }
0x4e9: {  	[sflag:s3] =	ssyncset.done $0x0  }
0x4ea: {  	[sflag:s3] =	ssyncadd.s32 $0xFFFFC000  }
0x4eb: {  	[tilespmem:s2], [sflag:$0x1] =	stream.linear.gather [hbm4b:s26+s2], $0x4000, $0x38;
	[tilespmem:$0xC000] =	vst v63  }
0x4ec: {  	_ =	swait.ge [sflag:s17], $0x4000  }
0x4ed: {  	[sflag:s17] =	ssyncset.done $0x0  }
0x4ee: {  	[sflag:s17] =	ssyncadd.s32 $0xFFFFC000  }
0x4ef: {  	[hbm4b:s25+s2] =	stream.linear.scatter [tilespmem:s12], [sflag:$0x5], $0x4000, $0x38;
	[tilespmem:$0xC000] =	vst v63  }
0x4f0: {  	_ =	swait.ge [sflag:s9], $0x4000  }
0x4f1: {  	[sflag:s9] =	ssyncset.done $0x0  }
0x4f2: {  	[sflag:s9] =	ssyncadd.s32 $0xFFFFC000  }
0x4f3: {  	[tilespmem:s12], [sflag:$0x2] =	stream.linear.gather [hbm4b:s24+s2], $0x4000, $0x38;
	[tilespmem:$0xC000] =	vst v63  }
0x4f4: {  	_ =	swait.ge [sflag:s15], $0x4000  }
0x4f5: {  	[sflag:s15] =	ssyncset.done $0x0  }
0x4f6: {  	[sflag:s15] =	ssyncadd.s32 $0xFFFFC000  }
0x4f7: {  	[hbm4b:s23+s2] =	stream.linear.scatter [tilespmem:s8], [sflag:$0x6], $0x4000, $0x38;
	[tilespmem:$0xC000] =	vst v63  }
0x4f8: {  	_ =	swait.ge [sflag:s7], $0x4000  }
0x4f9: {  	[sflag:s7] =	ssyncset.done $0x0  }
0x4fa: {  	[sflag:s7] =	ssyncadd.s32 $0xFFFFC000  }
0x4fb: {  	[tilespmem:s8], [sflag:$0x3] =	stream.linear.gather [hbm4b:s22+s2], $0x4000, $0x38;
	[tilespmem:$0xC000] =	vst v63  }
0x4fc: {  	_ =	swait.ge [sflag:s10], $0x4000  }
0x4fd: {  	[sflag:s10] =	ssyncset.done $0x0  }
0x4fe: {  	[sflag:s10] =	ssyncadd.s32 $0xFFFFC000  }
0x4ff: {  	[hbm4b:s21+s2] =	stream.linear.scatter [tilespmem:s2], [sflag:$0x4], $0x4000, $0x38;
	[tilespmem:$0xC000] =	vst v63  }
0x500: {  	_ =	swait.ge [sflag:s3], $0x4000  }
0x501: {  	[sflag:s3] =	ssyncset.done $0x0  }
0x502: {  	[sflag:s3] =	ssyncadd.s32 $0xFFFFC000  }
0x503: {  	[tilespmem:s2], [sflag:$0x1] =	stream.linear.gather [hbm4b:s20+s2], $0x4000, $0x38;
	[tilespmem:$0xC000] =	vst v63  }
0x504: {  	_ =	swait.ge [sflag:s17], $0x4000  }
0x505: {  	[sflag:s17] =	ssyncset.done $0x0  }
0x506: {  	[sflag:s17] =	ssyncadd.s32 $0xFFFFC000  }
0x507: {  	[hbm4b:s19+s2] =	stream.linear.scatter [tilespmem:s12], [sflag:$0x5], $0x4000, $0x38;
	[tilespmem:$0xC000] =	vst v63  }
0x508: {  	_ =	swait.ge [sflag:s9], $0x4000  }
0x509: {  	[sflag:s9] =	ssyncset.done $0x0  }
0x50a: {  	[sflag:s9] =	ssyncadd.s32 $0xFFFFC000  }
0x50b: {  	[tilespmem:s12], [sflag:$0x2] =	stream.linear.gather [hbm4b:s18+s2], $0x4000, $0x38;
	[tilespmem:$0xC000] =	vst v63  }
0x50c: {  	_ =	swait.ge [sflag:s15], $0x4000  }
0x50d: {  	[sflag:s15] =	ssyncset.done $0x0  }
0x50e: {  	[sflag:s15] =	ssyncadd.s32 $0xFFFFC000  }
0x50f: {  	[hbm4b:s16+s2] =	stream.linear.scatter [tilespmem:s8], [sflag:$0x6], $0x4000, $0x38;
	[tilespmem:$0xC000] =	vst v63  }
0x510: {  	_ =	swait.ge [sflag:s7], $0x4000  }
0x511: {  	[sflag:s7] =	ssyncset.done $0x0  }
0x512: {  	[sflag:s7] =	ssyncadd.s32 $0xFFFFC000  }
0x513: {  	[tilespmem:s8], [sflag:$0x3] =	stream.linear.gather [hbm4b:s14+s2], $0x4000, $0x38;
	[tilespmem:$0xC000] =	vst v63  }
0x514: {  	_ =	swait.ge [sflag:s10], $0x4000  }
0x515: {  	[sflag:s10] =	ssyncset.done $0x0  }
0x516: {  	[sflag:s10] =	ssyncadd.s32 $0xFFFFC000  }
0x517: {  	[hbm4b:s13+s2] =	stream.linear.scatter [tilespmem:s2], [sflag:$0x4], $0x4000, $0x38;
	[tilespmem:$0xC000] =	vst v63  }
0x518: {  	_ =	swait.ge [sflag:s3], $0x4000  }
0x519: {  	[sflag:s3] =	ssyncset.done $0x0  }
0x51a: {  	[sflag:s3] =	ssyncadd.s32 $0xFFFFC000  }
0x51b: {  	[tilespmem:s2], [sflag:$0x1] =	stream.linear.gather [hbm4b:s11+s2], $0x4000, $0x38;
	[tilespmem:$0xC000] =	vst v63  }
0x51c: {  	_ =	swait.ge [sflag:s17], $0x4000  }
0x51d: {  	[sflag:s17] =	ssyncset.done $0x0  }
0x51e: {  	[sflag:s17] =	ssyncadd.s32 $0xFFFFC000  }
0x51f: {  	[hbm4b:s6+s2] =	stream.linear.scatter [tilespmem:s12], [sflag:$0x5], $0x4000, $0x38;
	[tilespmem:$0xC000] =	vst v63  }
0x520: {  	_ =	swait.ge [sflag:s15], $0x4000  }
0x521: {  	[sflag:s15] =	ssyncset.done $0x0  }
0x522: {  	[sflag:s15] =	ssyncadd.s32 $0xFFFFC000  }
0x523: {  	[hbm4b:s5+s2] =	stream.linear.scatter [tilespmem:s8], [sflag:$0x6], $0x4000, $0x38;
	[tilespmem:$0xC000] =	vst v63  }
0x524: {  	_ =	swait.ge [sflag:s10], $0x4000  }
0x525: {  	[sflag:s10] =	ssyncset.done $0x0  }
0x526: {  	[sflag:s10] =	ssyncadd.s32 $0xFFFFC000  }
0x527: {  	[hbm4b:s4+s2] =	stream.linear.scatter [tilespmem:s2], [sflag:$0x4], $0x4000, $0x38;
	[tilespmem:$0xC000] =	vst v63  }
0x528: {  	_ =	swait.ge [sflag:s9], $0x4000  }
0x529: {  	[sflag:s9] =	ssyncset.done $0x0  }
0x52a: {  	[sflag:s9] =	ssyncadd.s32 $0xFFFFC000  }
.Ltmp2:
0x52b: {  	_ =	swait.ge [sflag:s7], $0x4000;
	(pc) =	sbr.rel @p1 .LBB2_2-.Ltmp2, $4  }
0x52c: {  	[sflag:s7] =	ssyncset.done $0x0  }
0x52d: {  	[sflag:s7] =	ssyncadd.s32 $0xFFFFC000  }
0x52e: {  	_ =	swait.ge [sflag:s3], $0x4000  }
0x52f: {  	s1 =	rddreg [dreg:$0x3];
	[sflag:s3] =	ssyncset.done $0x0  }
.LBB2_3:
0x530: {  	[sflag:s3] =	ssyncadd.s32 @p0 $0xFFFFC000  }
0x531: {  	[tilespmem:s2], [sflag:$0x1] =	stream.linear.gather [hbm4b:s1+s2], $0x4000, $0x38;
	[tilespmem:$0xC000] =	vst v63  }
0x532: {  	s0 =	rddreg [dreg:$0x4]  }
0x533: {  	[tilespmem:s12], [sflag:$0x2] =	stream.linear.gather [hbm4b:s0+s2], $0x4000, $0x38;
	[tilespmem:$0xC000] =	vst v63  }
0x534: {  	s1 =	rddreg [dreg:$0x5]  }
0x535: {  	[tilespmem:s8], [sflag:$0x3] =	stream.linear.gather [hbm4b:s1+s2], $0x4000, $0x38;
	[tilespmem:$0xC000] =	vst v63  }
0x536: {  	_ =	swait.ge [sflag:s10], $0x4000  }
0x537: {  	[sflag:s10] =	ssyncset.done $0x0  }
0x538: {  	s1 =	rddreg [dreg:$0x6];
	[sflag:s10] =	ssyncadd.s32 $0xFFFFC000  }
0x539: {  	[hbm4b:s1+s2] =	stream.linear.scatter [tilespmem:s2], [sflag:$0x4], $0x4000, $0x38;
	[tilespmem:$0xC000] =	vst v63  }
0x53a: {  	_ =	swait.ge [sflag:s3], $0x4000  }
0x53b: {  	[sflag:s3] =	ssyncset.done $0x0  }
0x53c: {  	s1 =	rddreg [dreg:$0x7];
	[sflag:s3] =	ssyncadd.s32 $0xFFFFC000  }
0x53d: {  	[tilespmem:s2], [sflag:$0x1] =	stream.linear.gather [hbm4b:s1+s2], $0x4000, $0x38;
	[tilespmem:$0xC000] =	vst v63  }
0x53e: {  	_ =	swait.ge [sflag:s17], $0x4000  }
0x53f: {  	[sflag:s17] =	ssyncset.done $0x0  }
0x540: {  	s1 =	rddreg [dreg:$0x8];
	[sflag:s17] =	ssyncadd.s32 $0xFFFFC000  }
0x541: {  	[hbm4b:s1+s2] =	stream.linear.scatter [tilespmem:s12], [sflag:$0x5], $0x4000, $0x38;
	[tilespmem:$0xC000] =	vst v63  }
0x542: {  	_ =	swait.ge [sflag:s9], $0x4000  }
0x543: {  	[sflag:s9] =	ssyncset.done $0x0  }
0x544: {  	s1 =	rddreg [dreg:$0x9];
	[sflag:s9] =	ssyncadd.s32 $0xFFFFC000  }
0x545: {  	[tilespmem:s12], [sflag:$0x2] =	stream.linear.gather [hbm4b:s1+s2], $0x4000, $0x38;
	[tilespmem:$0xC000] =	vst v63  }
0x546: {  	_ =	swait.ge [sflag:s15], $0x4000  }
0x547: {  	[sflag:s15] =	ssyncset.done $0x0  }
0x548: {  	s1 =	rddreg [dreg:$0xa];
	[sflag:s15] =	ssyncadd.s32 $0xFFFFC000  }
0x549: {  	[hbm4b:s1+s2] =	stream.linear.scatter [tilespmem:s8], [sflag:$0x6], $0x4000, $0x38;
	[tilespmem:$0xC000] =	vst v63  }
0x54a: {  	_ =	swait.ge [sflag:s7], $0x4000  }
0x54b: {  	[sflag:s7] =	ssyncset.done $0x0  }
0x54c: {  	s1 =	rddreg [dreg:$0xb];
	[sflag:s7] =	ssyncadd.s32 $0xFFFFC000  }
0x54d: {  	[tilespmem:s8], [sflag:$0x3] =	stream.linear.gather [hbm4b:s1+s2], $0x4000, $0x38;
	[tilespmem:$0xC000] =	vst v63  }
0x54e: {  	_ =	swait.ge [sflag:s10], $0x4000  }
0x54f: {  	[sflag:s10] =	ssyncset.done $0x0  }
0x550: {  	s1 =	rddreg [dreg:$0xc];
	[sflag:s10] =	ssyncadd.s32 $0xFFFFC000  }
0x551: {  	[hbm4b:s1+s2] =	stream.linear.scatter [tilespmem:s2], [sflag:$0x4], $0x4000, $0x38;
	[tilespmem:$0xC000] =	vst v63  }
0x552: {  	_ =	swait.ge [sflag:s3], $0x4000  }
0x553: {  	[sflag:s3] =	ssyncset.done $0x0  }
0x554: {  	s1 =	rddreg [dreg:$0xd];
	[sflag:s3] =	ssyncadd.s32 $0xFFFFC000  }
0x555: {  	[tilespmem:s2], [sflag:$0x1] =	stream.linear.gather [hbm4b:s1+s2], $0x4000, $0x38;
	[tilespmem:$0xC000] =	vst v63  }
0x556: {  	_ =	swait.ge [sflag:s17], $0x4000  }
0x557: {  	[sflag:s17] =	ssyncset.done $0x0  }
0x558: {  	s1 =	rddreg [dreg:$0xe];
	[sflag:s17] =	ssyncadd.s32 $0xFFFFC000  }
0x559: {  	[hbm4b:s1+s2] =	stream.linear.scatter [tilespmem:s12], [sflag:$0x5], $0x4000, $0x38;
	[tilespmem:$0xC000] =	vst v63  }
0x55a: {  	_ =	swait.ge [sflag:s9], $0x4000  }
0x55b: {  	[sflag:s9] =	ssyncset.done $0x0  }
0x55c: {  	s1 =	rddreg [dreg:$0xf];
	[sflag:s9] =	ssyncadd.s32 $0xFFFFC000  }
0x55d: {  	[tilespmem:s12], [sflag:$0x2] =	stream.linear.gather [hbm4b:s1+s2], $0x4000, $0x38;
	[tilespmem:$0xC000] =	vst v63  }
0x55e: {  	_ =	swait.ge [sflag:s15], $0x4000  }
0x55f: {  	[sflag:s15] =	ssyncset.done $0x0  }
0x560: {  	s1 =	rddreg [dreg:$0x10];
	[sflag:s15] =	ssyncadd.s32 $0xFFFFC000  }
0x561: {  	[hbm4b:s1+s2] =	stream.linear.scatter [tilespmem:s8], [sflag:$0x6], $0x4000, $0x38;
	[tilespmem:$0xC000] =	vst v63  }
0x562: {  	_ =	swait.ge [sflag:s7], $0x4000  }
0x563: {  	[sflag:s7] =	ssyncset.done $0x0  }
0x564: {  	s1 =	rddreg [dreg:$0x11];
	[sflag:s7] =	ssyncadd.s32 $0xFFFFC000  }
0x565: {  	[tilespmem:s8], [sflag:$0x3] =	stream.linear.gather [hbm4b:s1+s2], $0x4000, $0x38;
	[tilespmem:$0xC000] =	vst v63  }
0x566: {  	_ =	swait.ge [sflag:s10], $0x4000  }
0x567: {  	[sflag:s10] =	ssyncset.done $0x0  }
0x568: {  	s1 =	rddreg [dreg:$0x12];
	[sflag:s10] =	ssyncadd.s32 $0xFFFFC000  }
0x569: {  	[hbm4b:s1+s2] =	stream.linear.scatter [tilespmem:s2], [sflag:$0x4], $0x4000, $0x38;
	[tilespmem:$0xC000] =	vst v63  }
0x56a: {  	_ =	swait.ge [sflag:s3], $0x4000  }
0x56b: {  	[sflag:s3] =	ssyncset.done $0x0  }
0x56c: {  	s1 =	rddreg [dreg:$0x13];
	[sflag:s3] =	ssyncadd.s32 $0xFFFFC000  }
0x56d: {  	[tilespmem:s2], [sflag:$0x1] =	stream.linear.gather [hbm4b:s1+s2], $0x4000, $0x38;
	[tilespmem:$0xC000] =	vst v63  }
0x56e: {  	_ =	swait.ge [sflag:s17], $0x4000  }
0x56f: {  	[sflag:s17] =	ssyncset.done $0x0  }
0x570: {  	s1 =	rddreg [dreg:$0x14];
	[sflag:s17] =	ssyncadd.s32 $0xFFFFC000  }
0x571: {  	[hbm4b:s1+s2] =	stream.linear.scatter [tilespmem:s12], [sflag:$0x5], $0x4000, $0x38;
	[tilespmem:$0xC000] =	vst v63  }
0x572: {  	_ =	swait.ge [sflag:s9], $0x4000  }
0x573: {  	[sflag:s9] =	ssyncset.done $0x0  }
0x574: {  	s1 =	rddreg [dreg:$0x15];
	[sflag:s9] =	ssyncadd.s32 $0xFFFFC000  }
0x575: {  	[tilespmem:s12], [sflag:$0x2] =	stream.linear.gather [hbm4b:s1+s2], $0x4000, $0x38;
	[tilespmem:$0xC000] =	vst v63  }
0x576: {  	_ =	swait.ge [sflag:s15], $0x4000  }
0x577: {  	[sflag:s15] =	ssyncset.done $0x0  }
0x578: {  	s1 =	rddreg [dreg:$0x16];
	[sflag:s15] =	ssyncadd.s32 $0xFFFFC000  }
0x579: {  	[hbm4b:s1+s2] =	stream.linear.scatter [tilespmem:s8], [sflag:$0x6], $0x4000, $0x38;
	[tilespmem:$0xC000] =	vst v63  }
0x57a: {  	_ =	swait.ge [sflag:s7], $0x4000  }
0x57b: {  	[sflag:s7] =	ssyncset.done $0x0  }
0x57c: {  	s1 =	rddreg [dreg:$0x17];
	[sflag:s7] =	ssyncadd.s32 $0xFFFFC000  }
0x57d: {  	[tilespmem:s8], [sflag:$0x3] =	stream.linear.gather [hbm4b:s1+s2], $0x4000, $0x38;
	[tilespmem:$0xC000] =	vst v63  }
0x57e: {  	_ =	swait.ge [sflag:s10], $0x4000  }
0x57f: {  	[sflag:s10] =	ssyncset.done $0x0  }
0x580: {  	s1 =	rddreg [dreg:$0x18];
	[sflag:s10] =	ssyncadd.s32 $0xFFFFC000  }
0x581: {  	[hbm4b:s1+s2] =	stream.linear.scatter [tilespmem:s2], [sflag:$0x4], $0x4000, $0x38;
	[tilespmem:$0xC000] =	vst v63  }
0x582: {  	_ =	swait.ge [sflag:s3], $0x4000  }
0x583: {  	[sflag:s3] =	ssyncset.done $0x0  }
0x584: {  	s1 =	rddreg [dreg:$0x19];
	[sflag:s3] =	ssyncadd.s32 $0xFFFFC000  }
0x585: {  	[tilespmem:s2], [sflag:$0x1] =	stream.linear.gather [hbm4b:s1+s2], $0x4000, $0x38;
	[tilespmem:$0xC000] =	vst v63  }
0x586: {  	_ =	swait.ge [sflag:s17], $0x4000  }
0x587: {  	[sflag:s17] =	ssyncset.done $0x0  }
0x588: {  	s1 =	rddreg [dreg:$0x1a];
	[sflag:s17] =	ssyncadd.s32 $0xFFFFC000  }
0x589: {  	[hbm4b:s1+s2] =	stream.linear.scatter [tilespmem:s12], [sflag:$0x5], $0x4000, $0x38;
	[tilespmem:$0xC000] =	vst v63  }
0x58a: {  	_ =	swait.ge [sflag:s9], $0x4000  }
0x58b: {  	[sflag:s9] =	ssyncset.done $0x0  }
0x58c: {  	s1 =	rddreg [dreg:$0x1b];
	[sflag:s9] =	ssyncadd.s32 $0xFFFFC000  }
0x58d: {  	[tilespmem:s12], [sflag:$0x2] =	stream.linear.gather [hbm4b:s1+s2], $0x4000, $0x38;
	[tilespmem:$0xC000] =	vst v63  }
0x58e: {  	_ =	swait.ge [sflag:s15], $0x4000  }
0x58f: {  	[sflag:s15] =	ssyncset.done $0x0  }
0x590: {  	s1 =	rddreg [dreg:$0x1c];
	[sflag:s15] =	ssyncadd.s32 $0xFFFFC000  }
0x591: {  	[hbm4b:s1+s2] =	stream.linear.scatter [tilespmem:s8], [sflag:$0x6], $0x4000, $0x38;
	[tilespmem:$0xC000] =	vst v63  }
0x592: {  	_ =	swait.ge [sflag:s7], $0x4000  }
0x593: {  	[sflag:s7] =	ssyncset.done $0x0  }
0x594: {  	s1 =	rddreg [dreg:$0x1d];
	[sflag:s7] =	ssyncadd.s32 $0xFFFFC000  }
0x595: {  	[tilespmem:s8], [sflag:$0x3] =	stream.linear.gather [hbm4b:s1+s2], $0x4000, $0x38;
	[tilespmem:$0xC000] =	vst v63  }
0x596: {  	_ =	swait.ge [sflag:s10], $0x4000  }
0x597: {  	[sflag:s10] =	ssyncset.done $0x0  }
0x598: {  	s1 =	rddreg [dreg:$0x1e];
	[sflag:s10] =	ssyncadd.s32 $0xFFFFC000  }
0x599: {  	[hbm4b:s1+s2] =	stream.linear.scatter [tilespmem:s2], [sflag:$0x4], $0x4000, $0x38;
	[tilespmem:$0xC000] =	vst v63  }
0x59a: {  	_ =	swait.ge [sflag:s3], $0x4000  }
0x59b: {  	[sflag:s3] =	ssyncset.done $0x0  }
0x59c: {  	s1 =	rddreg [dreg:$0x1f];
	[sflag:s3] =	ssyncadd.s32 $0xFFFFC000  }
0x59d: {  	[tilespmem:s2], [sflag:$0x1] =	stream.linear.gather [hbm4b:s1+s2], $0x4000, $0x38;
	[tilespmem:$0xC000] =	vst v63  }
0x59e: {  	_ =	swait.ge [sflag:s17], $0x4000  }
0x59f: {  	s1 =	sld [smem:$0x7AF]  }
0x5a0: {  	[sflag:s17] =	ssyncset.done $0x0  }
0x5a1: {  	[sflag:s17] =	ssyncadd.s32 $0xFFFFC000  }
0x5a2: {  	[hbm4b:s1+s2] =	stream.linear.scatter [tilespmem:s12], [sflag:$0x5], $0x4000, $0x38;
	[tilespmem:$0xC000] =	vst v63  }
0x5a3: {  	_ =	swait.ge [sflag:s9], $0x4000  }
0x5a4: {  	s1 =	sld [smem:$0x7B0]  }
0x5a5: {  	[sflag:s9] =	ssyncset.done $0x0  }
0x5a6: {  	[sflag:s9] =	ssyncadd.s32 $0xFFFFC000  }
0x5a7: {  	[tilespmem:s12], [sflag:$0x2] =	stream.linear.gather [hbm4b:s1+s2], $0x4000, $0x38;
	[tilespmem:$0xC000] =	vst v63  }
0x5a8: {  	_ =	swait.ge [sflag:s15], $0x4000  }
0x5a9: {  	s1 =	sld [smem:$0x7B1]  }
0x5aa: {  	[sflag:s15] =	ssyncset.done $0x0  }
0x5ab: {  	[sflag:s15] =	ssyncadd.s32 $0xFFFFC000  }
0x5ac: {  	[hbm4b:s1+s2] =	stream.linear.scatter [tilespmem:s8], [sflag:$0x6], $0x4000, $0x38;
	[tilespmem:$0xC000] =	vst v63  }
0x5ad: {  	_ =	swait.ge [sflag:s7], $0x4000  }
0x5ae: {  	s1 =	sld [smem:$0x7B2]  }
0x5af: {  	[sflag:s7] =	ssyncset.done $0x0  }
0x5b0: {  	[sflag:s7] =	ssyncadd.s32 $0xFFFFC000  }
0x5b1: {  	[tilespmem:s8], [sflag:$0x3] =	stream.linear.gather [hbm4b:s1+s2], $0x4000, $0x38;
	[tilespmem:$0xC000] =	vst v63  }
0x5b2: {  	_ =	swait.ge [sflag:s10], $0x4000  }
0x5b3: {  	s1 =	sld [smem:$0x7B3]  }
0x5b4: {  	[sflag:s10] =	ssyncset.done $0x0  }
0x5b5: {  	[sflag:s10] =	ssyncadd.s32 $0xFFFFC000  }
0x5b6: {  	[hbm4b:s1+s2] =	stream.linear.scatter [tilespmem:s2], [sflag:$0x4], $0x4000, $0x38;
	[tilespmem:$0xC000] =	vst v63  }
0x5b7: {  	_ =	swait.ge [sflag:s3], $0x4000  }
0x5b8: {  	s1 =	sld [smem:$0x7B4]  }
0x5b9: {  	[sflag:s3] =	ssyncset.done $0x0  }
0x5ba: {  	[sflag:s3] =	ssyncadd.s32 $0xFFFFC000  }
0x5bb: {  	[tilespmem:s2], [sflag:$0x1] =	stream.linear.gather [hbm4b:s1+s2], $0x4000, $0x38;
	[tilespmem:$0xC000] =	vst v63  }
0x5bc: {  	_ =	swait.ge [sflag:s17], $0x4000  }
0x5bd: {  	s1 =	sld [smem:$0x7B5]  }
0x5be: {  	[sflag:s17] =	ssyncset.done $0x0  }
0x5bf: {  	[sflag:s17] =	ssyncadd.s32 $0xFFFFC000  }
0x5c0: {  	[hbm4b:s1+s2] =	stream.linear.scatter [tilespmem:s12], [sflag:$0x5], $0x4000, $0x38;
	[tilespmem:$0xC000] =	vst v63  }
0x5c1: {  	_ =	swait.ge [sflag:s9], $0x4000  }
0x5c2: {  	s1 =	sld [smem:$0x7B6]  }
0x5c3: {  	[sflag:s9] =	ssyncset.done $0x0  }
0x5c4: {  	[sflag:s9] =	ssyncadd.s32 $0xFFFFC000  }
0x5c5: {  	[tilespmem:s12], [sflag:$0x2] =	stream.linear.gather [hbm4b:s1+s2], $0x4000, $0x38;
	[tilespmem:$0xC000] =	vst v63  }
0x5c6: {  	_ =	swait.ge [sflag:s15], $0x4000  }
0x5c7: {  	s1 =	sld [smem:$0x7B7]  }
0x5c8: {  	[sflag:s15] =	ssyncset.done $0x0  }
0x5c9: {  	[sflag:s15] =	ssyncadd.s32 $0xFFFFC000  }
0x5ca: {  	[hbm4b:s1+s2] =	stream.linear.scatter [tilespmem:s8], [sflag:$0x6], $0x4000, $0x38;
	[tilespmem:$0xC000] =	vst v63  }
0x5cb: {  	_ =	swait.ge [sflag:s7], $0x4000  }
0x5cc: {  	s1 =	sld [smem:$0x7B8]  }
0x5cd: {  	[sflag:s7] =	ssyncset.done $0x0  }
0x5ce: {  	[sflag:s7] =	ssyncadd.s32 $0xFFFFC000  }
0x5cf: {  	[tilespmem:s8], [sflag:$0x3] =	stream.linear.gather [hbm4b:s1+s2], $0x4000, $0x38;
	[tilespmem:$0xC000] =	vst v63  }
0x5d0: {  	_ =	swait.ge [sflag:s10], $0x4000  }
0x5d1: {  	s1 =	sld [smem:$0x7B9]  }
0x5d2: {  	[sflag:s10] =	ssyncset.done $0x0  }
0x5d3: {  	[sflag:s10] =	ssyncadd.s32 $0xFFFFC000  }
0x5d4: {  	[hbm4b:s1+s2] =	stream.linear.scatter [tilespmem:s2], [sflag:$0x4], $0x4000, $0x38;
	[tilespmem:$0xC000] =	vst v63  }
0x5d5: {  	_ =	swait.ge [sflag:s3], $0x4000  }
0x5d6: {  	s1 =	sld [smem:$0x7BA]  }
0x5d7: {  	[sflag:s3] =	ssyncset.done $0x0  }
0x5d8: {  	[sflag:s3] =	ssyncadd.s32 $0xFFFFC000  }
0x5d9: {  	[tilespmem:s2], [sflag:$0x1] =	stream.linear.gather [hbm4b:s1+s2], $0x4000, $0x38;
	[tilespmem:$0xC000] =	vst v63  }
0x5da: {  	_ =	swait.ge [sflag:s17], $0x4000  }
0x5db: {  	s1 =	sld [smem:$0x7BB]  }
0x5dc: {  	[sflag:s17] =	ssyncset.done $0x0  }
0x5dd: {  	[sflag:s17] =	ssyncadd.s32 $0xFFFFC000  }
0x5de: {  	[hbm4b:s1+s2] =	stream.linear.scatter [tilespmem:s12], [sflag:$0x5], $0x4000, $0x38;
	[tilespmem:$0xC000] =	vst v63  }
0x5df: {  	_ =	swait.ge [sflag:s9], $0x4000  }
0x5e0: {  	s1 =	sld [smem:$0x7BC]  }
0x5e1: {  	[sflag:s9] =	ssyncset.done $0x0  }
0x5e2: {  	[sflag:s9] =	ssyncadd.s32 $0xFFFFC000  }
0x5e3: {  	[tilespmem:s12], [sflag:$0x2] =	stream.linear.gather [hbm4b:s1+s2], $0x4000, $0x38;
	[tilespmem:$0xC000] =	vst v63  }
0x5e4: {  	_ =	swait.ge [sflag:s15], $0x4000  }
0x5e5: {  	s1 =	sld [smem:$0x7BD]  }
0x5e6: {  	[sflag:s15] =	ssyncset.done $0x0  }
0x5e7: {  	[sflag:s15] =	ssyncadd.s32 $0xFFFFC000  }
0x5e8: {  	[hbm4b:s1+s2] =	stream.linear.scatter [tilespmem:s8], [sflag:$0x6], $0x4000, $0x38;
	[tilespmem:$0xC000] =	vst v63  }
0x5e9: {  	_ =	swait.ge [sflag:s7], $0x4000  }
0x5ea: {  	s1 =	sld [smem:$0x7BE]  }
0x5eb: {  	[sflag:s7] =	ssyncset.done $0x0  }
0x5ec: {  	[sflag:s7] =	ssyncadd.s32 $0xFFFFC000  }
0x5ed: {  	[tilespmem:s8], [sflag:$0x3] =	stream.linear.gather [hbm4b:s1+s2], $0x4000, $0x38;
	[tilespmem:$0xC000] =	vst v63  }
0x5ee: {  	_ =	swait.ge [sflag:s10], $0x4000  }
0x5ef: {  	s1 =	sld [smem:$0x7BF]  }
0x5f0: {  	[sflag:s10] =	ssyncset.done $0x0  }
0x5f1: {  	[sflag:s10] =	ssyncadd.s32 $0xFFFFC000  }
0x5f2: {  	[hbm4b:s1+s2] =	stream.linear.scatter [tilespmem:s2], [sflag:$0x4], $0x4000, $0x38;
	[tilespmem:$0xC000] =	vst v63  }
0x5f3: {  	_ =	swait.ge [sflag:s3], $0x4000  }
0x5f4: {  	s1 =	sld [smem:$0x7C0]  }
0x5f5: {  	[sflag:s3] =	ssyncset.done $0x0  }
0x5f6: {  	[sflag:s3] =	ssyncadd.s32 $0xFFFFC000  }
0x5f7: {  	[tilespmem:s2], [sflag:$0x1] =	stream.linear.gather [hbm4b:s1+s2], $0x4000, $0x38;
	[tilespmem:$0xC000] =	vst v63  }
0x5f8: {  	_ =	swait.ge [sflag:s17], $0x4000  }
0x5f9: {  	s1 =	sld [smem:$0x7C1]  }
0x5fa: {  	[sflag:s17] =	ssyncset.done $0x0  }
0x5fb: {  	[sflag:s17] =	ssyncadd.s32 $0xFFFFC000  }
0x5fc: {  	[hbm4b:s1+s2] =	stream.linear.scatter [tilespmem:s12], [sflag:$0x5], $0x4000, $0x38;
	[tilespmem:$0xC000] =	vst v63  }
0x5fd: {  	_ =	swait.ge [sflag:s9], $0x4000  }
0x5fe: {  	s1 =	sld [smem:$0x7C2]  }
0x5ff: {  	[sflag:s9] =	ssyncset.done $0x0  }
0x600: {  	[sflag:s9] =	ssyncadd.s32 $0xFFFFC000  }
0x601: {  	[tilespmem:s12], [sflag:$0x2] =	stream.linear.gather [hbm4b:s1+s2], $0x4000, $0x38;
	[tilespmem:$0xC000] =	vst v63  }
0x602: {  	_ =	swait.ge [sflag:s15], $0x4000  }
0x603: {  	s1 =	sld [smem:$0x7C3]  }
0x604: {  	[sflag:s15] =	ssyncset.done $0x0  }
0x605: {  	[sflag:s15] =	ssyncadd.s32 $0xFFFFC000  }
0x606: {  	[hbm4b:s1+s2] =	stream.linear.scatter [tilespmem:s8], [sflag:$0x6], $0x4000, $0x38;
	[tilespmem:$0xC000] =	vst v63  }
0x607: {  	_ =	swait.ge [sflag:s7], $0x4000  }
0x608: {  	s1 =	sld [smem:$0x7C4]  }
0x609: {  	[sflag:s7] =	ssyncset.done $0x0  }
0x60a: {  	[sflag:s7] =	ssyncadd.s32 $0xFFFFC000  }
0x60b: {  	[tilespmem:s8], [sflag:$0x3] =	stream.linear.gather [hbm4b:s1+s2], $0x4000, $0x38;
	[tilespmem:$0xC000] =	vst v63  }
0x60c: {  	_ =	swait.ge [sflag:s10], $0x4000  }
0x60d: {  	s1 =	sld [smem:$0x7C5]  }
0x60e: {  	[sflag:s10] =	ssyncset.done $0x0  }
0x60f: {  	[sflag:s10] =	ssyncadd.s32 $0xFFFFC000  }
0x610: {  	[hbm4b:s1+s2] =	stream.linear.scatter [tilespmem:s2], [sflag:$0x4], $0x4000, $0x38;
	[tilespmem:$0xC000] =	vst v63  }
0x611: {  	_ =	swait.ge [sflag:s3], $0x4000  }
0x612: {  	s1 =	sld [smem:$0x7C6]  }
0x613: {  	[sflag:s3] =	ssyncset.done $0x0  }
0x614: {  	[sflag:s3] =	ssyncadd.s32 $0xFFFFC000  }
0x615: {  	[tilespmem:s2], [sflag:$0x1] =	stream.linear.gather [hbm4b:s1+s2], $0x4000, $0x38;
	[tilespmem:$0xC000] =	vst v63  }
0x616: {  	_ =	swait.ge [sflag:s17], $0x4000  }
0x617: {  	s1 =	sld [smem:$0x7C7]  }
0x618: {  	[sflag:s17] =	ssyncset.done $0x0  }
0x619: {  	[sflag:s17] =	ssyncadd.s32 $0xFFFFC000  }
0x61a: {  	[hbm4b:s1+s2] =	stream.linear.scatter [tilespmem:s12], [sflag:$0x5], $0x4000, $0x38;
	[tilespmem:$0xC000] =	vst v63  }
0x61b: {  	_ =	swait.ge [sflag:s9], $0x4000  }
0x61c: {  	s1 =	sld [smem:$0x7C8]  }
0x61d: {  	[sflag:s9] =	ssyncset.done $0x0  }
0x61e: {  	[sflag:s9] =	ssyncadd.s32 $0xFFFFC000  }
0x61f: {  	[tilespmem:s12], [sflag:$0x2] =	stream.linear.gather [hbm4b:s1+s2], $0x4000, $0x38;
	[tilespmem:$0xC000] =	vst v63  }
0x620: {  	_ =	swait.ge [sflag:s15], $0x4000  }
0x621: {  	s1 =	sld [smem:$0x7C9]  }
0x622: {  	[sflag:s15] =	ssyncset.done $0x0  }
0x623: {  	[sflag:s15] =	ssyncadd.s32 $0xFFFFC000  }
0x624: {  	[hbm4b:s1+s2] =	stream.linear.scatter [tilespmem:s8], [sflag:$0x6], $0x4000, $0x38;
	[tilespmem:$0xC000] =	vst v63  }
0x625: {  	_ =	swait.ge [sflag:s7], $0x4000  }
0x626: {  	s1 =	sld [smem:$0x7CA]  }
0x627: {  	[sflag:s7] =	ssyncset.done $0x0  }
0x628: {  	[sflag:s7] =	ssyncadd.s32 $0xFFFFC000  }
0x629: {  	[tilespmem:s8], [sflag:$0x3] =	stream.linear.gather [hbm4b:s1+s2], $0x4000, $0x38;
	[tilespmem:$0xC000] =	vst v63  }
0x62a: {  	_ =	swait.ge [sflag:s10], $0x4000  }
0x62b: {  	s1 =	sld [smem:$0x7CB]  }
0x62c: {  	[sflag:s10] =	ssyncset.done $0x0  }
0x62d: {  	[sflag:s10] =	ssyncadd.s32 $0xFFFFC000  }
0x62e: {  	[hbm4b:s1+s2] =	stream.linear.scatter [tilespmem:s2], [sflag:$0x4], $0x4000, $0x38;
	[tilespmem:$0xC000] =	vst v63  }
0x62f: {  	_ =	swait.ge [sflag:s3], $0x4000  }
0x630: {  	s1 =	sld [smem:$0x7CC]  }
0x631: {  	[sflag:s3] =	ssyncset.done $0x0  }
0x632: {  	[sflag:s3] =	ssyncadd.s32 $0xFFFFC000  }
0x633: {  	[tilespmem:s2], [sflag:$0x1] =	stream.linear.gather [hbm4b:s1+s2], $0x4000, $0x38;
	[tilespmem:$0xC000] =	vst v63  }
0x634: {  	_ =	swait.ge [sflag:s17], $0x4000  }
0x635: {  	s1 =	sld [smem:$0x7CD]  }
0x636: {  	[sflag:s17] =	ssyncset.done $0x0  }
0x637: {  	[sflag:s17] =	ssyncadd.s32 $0xFFFFC000  }
0x638: {  	[hbm4b:s1+s2] =	stream.linear.scatter [tilespmem:s12], [sflag:$0x5], $0x4000, $0x38;
	[tilespmem:$0xC000] =	vst v63  }
0x639: {  	_ =	swait.ge [sflag:s9], $0x4000  }
0x63a: {  	s1 =	sld [smem:$0x7CE]  }
0x63b: {  	[sflag:s9] =	ssyncset.done $0x0  }
0x63c: {  	[sflag:s9] =	ssyncadd.s32 $0xFFFFC000  }
0x63d: {  	[tilespmem:s12], [sflag:$0x2] =	stream.linear.gather [hbm4b:s1+s2], $0x4000, $0x38;
	[tilespmem:$0xC000] =	vst v63  }
0x63e: {  	_ =	swait.ge [sflag:s15], $0x4000  }
0x63f: {  	s1 =	sld [smem:$0x7CF]  }
0x640: {  	[sflag:s15] =	ssyncset.done $0x0  }
0x641: {  	[sflag:s15] =	ssyncadd.s32 $0xFFFFC000  }
0x642: {  	[hbm4b:s1+s2] =	stream.linear.scatter [tilespmem:s8], [sflag:$0x6], $0x4000, $0x38;
	[tilespmem:$0xC000] =	vst v63  }
0x643: {  	_ =	swait.ge [sflag:s7], $0x4000  }
0x644: {  	s1 =	sld [smem:$0x7D0]  }
0x645: {  	[sflag:s7] =	ssyncset.done $0x0  }
0x646: {  	[sflag:s7] =	ssyncadd.s32 $0xFFFFC000  }
0x647: {  	[tilespmem:s8], [sflag:$0x3] =	stream.linear.gather [hbm4b:s1+s2], $0x4000, $0x38;
	[tilespmem:$0xC000] =	vst v63  }
0x648: {  	_ =	swait.ge [sflag:s10], $0x4000  }
0x649: {  	s1 =	sld [smem:$0x7D1]  }
0x64a: {  	[sflag:s10] =	ssyncset.done $0x0  }
0x64b: {  	[sflag:s10] =	ssyncadd.s32 $0xFFFFC000  }
0x64c: {  	[hbm4b:s1+s2] =	stream.linear.scatter [tilespmem:s2], [sflag:$0x4], $0x4000, $0x38;
	[tilespmem:$0xC000] =	vst v63  }
0x64d: {  	_ =	swait.ge [sflag:s3], $0x4000  }
0x64e: {  	s1 =	sld [smem:$0x7D2]  }
0x64f: {  	[sflag:s3] =	ssyncset.done $0x0  }
0x650: {  	[sflag:s3] =	ssyncadd.s32 $0xFFFFC000  }
0x651: {  	[tilespmem:s2], [sflag:$0x1] =	stream.linear.gather [hbm4b:s1+s2], $0x4000, $0x38;
	[tilespmem:$0xC000] =	vst v63  }
0x652: {  	_ =	swait.ge [sflag:s17], $0x4000  }
0x653: {  	s1 =	sld [smem:$0x7D3]  }
0x654: {  	[sflag:s17] =	ssyncset.done $0x0  }
0x655: {  	[sflag:s17] =	ssyncadd.s32 $0xFFFFC000  }
0x656: {  	[hbm4b:s1+s2] =	stream.linear.scatter [tilespmem:s12], [sflag:$0x5], $0x4000, $0x38;
	[tilespmem:$0xC000] =	vst v63  }
0x657: {  	_ =	swait.ge [sflag:s9], $0x4000  }
0x658: {  	s1 =	sld [smem:$0x7D4]  }
0x659: {  	[sflag:s9] =	ssyncset.done $0x0  }
0x65a: {  	[sflag:s9] =	ssyncadd.s32 $0xFFFFC000  }
0x65b: {  	[tilespmem:s12], [sflag:$0x2] =	stream.linear.gather [hbm4b:s1+s2], $0x4000, $0x38;
	[tilespmem:$0xC000] =	vst v63  }
0x65c: {  	_ =	swait.ge [sflag:s15], $0x4000  }
0x65d: {  	s1 =	sld [smem:$0x7D5]  }
0x65e: {  	[sflag:s15] =	ssyncset.done $0x0  }
0x65f: {  	[sflag:s15] =	ssyncadd.s32 $0xFFFFC000  }
0x660: {  	[hbm4b:s1+s2] =	stream.linear.scatter [tilespmem:s8], [sflag:$0x6], $0x4000, $0x38;
	[tilespmem:$0xC000] =	vst v63  }
0x661: {  	_ =	swait.ge [sflag:s7], $0x4000  }
0x662: {  	s1 =	sld [smem:$0x7D6]  }
0x663: {  	[sflag:s7] =	ssyncset.done $0x0  }
0x664: {  	[sflag:s7] =	ssyncadd.s32 $0xFFFFC000  }
0x665: {  	[tilespmem:s8], [sflag:$0x3] =	stream.linear.gather [hbm4b:s1+s2], $0x4000, $0x38;
	[tilespmem:$0xC000] =	vst v63  }
0x666: {  	_ =	swait.ge [sflag:s10], $0x4000  }
0x667: {  	s1 =	sld [smem:$0x7D7]  }
0x668: {  	[sflag:s10] =	ssyncset.done $0x0  }
0x669: {  	[sflag:s10] =	ssyncadd.s32 $0xFFFFC000  }
0x66a: {  	[hbm4b:s1+s2] =	stream.linear.scatter [tilespmem:s2], [sflag:$0x4], $0x4000, $0x38;
	[tilespmem:$0xC000] =	vst v63  }
0x66b: {  	_ =	swait.ge [sflag:s3], $0x4000  }
0x66c: {  	s1 =	sld [smem:$0x7D8]  }
0x66d: {  	[sflag:s3] =	ssyncset.done $0x0  }
0x66e: {  	[sflag:s3] =	ssyncadd.s32 $0xFFFFC000  }
0x66f: {  	[tilespmem:s2], [sflag:$0x1] =	stream.linear.gather [hbm4b:s1+s2], $0x4000, $0x38;
	[tilespmem:$0xC000] =	vst v63  }
0x670: {  	_ =	swait.ge [sflag:s17], $0x4000  }
0x671: {  	s1 =	sld [smem:$0x7D9]  }
0x672: {  	[sflag:s17] =	ssyncset.done $0x0  }
0x673: {  	[sflag:s17] =	ssyncadd.s32 $0xFFFFC000  }
0x674: {  	[hbm4b:s1+s2] =	stream.linear.scatter [tilespmem:s12], [sflag:$0x5], $0x4000, $0x38;
	[tilespmem:$0xC000] =	vst v63  }
0x675: {  	_ =	swait.ge [sflag:s9], $0x4000  }
0x676: {  	s1 =	sld [smem:$0x7DA]  }
0x677: {  	[sflag:s9] =	ssyncset.done $0x0  }
0x678: {  	[sflag:s9] =	ssyncadd.s32 $0xFFFFC000  }
0x679: {  	[tilespmem:s12], [sflag:$0x2] =	stream.linear.gather [hbm4b:s1+s2], $0x4000, $0x38;
	[tilespmem:$0xC000] =	vst v63  }
0x67a: {  	_ =	swait.ge [sflag:s15], $0x4000  }
0x67b: {  	s1 =	sld [smem:$0x7DB]  }
0x67c: {  	[sflag:s15] =	ssyncset.done $0x0  }
0x67d: {  	[sflag:s15] =	ssyncadd.s32 $0xFFFFC000  }
0x67e: {  	[hbm4b:s1+s2] =	stream.linear.scatter [tilespmem:s8], [sflag:$0x6], $0x4000, $0x38;
	[tilespmem:$0xC000] =	vst v63  }
0x67f: {  	_ =	swait.ge [sflag:s7], $0x4000  }
0x680: {  	s1 =	sld [smem:$0x7DC]  }
0x681: {  	[sflag:s7] =	ssyncset.done $0x0  }
0x682: {  	[sflag:s7] =	ssyncadd.s32 $0xFFFFC000  }
0x683: {  	[tilespmem:s8], [sflag:$0x3] =	stream.linear.gather [hbm4b:s1+s2], $0x4000, $0x38;
	[tilespmem:$0xC000] =	vst v63  }
0x684: {  	_ =	swait.ge [sflag:s10], $0x4000  }
0x685: {  	s1 =	sld [smem:$0x7DD]  }
0x686: {  	[sflag:s10] =	ssyncset.done $0x0  }
0x687: {  	[sflag:s10] =	ssyncadd.s32 $0xFFFFC000  }
0x688: {  	[hbm4b:s1+s2] =	stream.linear.scatter [tilespmem:s2], [sflag:$0x4], $0x4000, $0x38;
	[tilespmem:$0xC000] =	vst v63  }
0x689: {  	_ =	swait.ge [sflag:s3], $0x4000  }
0x68a: {  	s1 =	sld [smem:$0x7DE]  }
0x68b: {  	[sflag:s3] =	ssyncset.done $0x0  }
0x68c: {  	[sflag:s3] =	ssyncadd.s32 $0xFFFFC000  }
0x68d: {  	[tilespmem:s2], [sflag:$0x1] =	stream.linear.gather [hbm4b:s1+s2], $0x4000, $0x38;
	[tilespmem:$0xC000] =	vst v63  }
0x68e: {  	_ =	swait.ge [sflag:s17], $0x4000  }
0x68f: {  	s1 =	sld [smem:$0x7DF]  }
0x690: {  	[sflag:s17] =	ssyncset.done $0x0  }
0x691: {  	[sflag:s17] =	ssyncadd.s32 $0xFFFFC000  }
0x692: {  	[hbm4b:s1+s2] =	stream.linear.scatter [tilespmem:s12], [sflag:$0x5], $0x4000, $0x38;
	[tilespmem:$0xC000] =	vst v63  }
0x693: {  	_ =	swait.ge [sflag:s9], $0x4000  }
0x694: {  	s1 =	sld [smem:$0x7E0]  }
0x695: {  	[sflag:s9] =	ssyncset.done $0x0  }
0x696: {  	[sflag:s9] =	ssyncadd.s32 $0xFFFFC000  }
0x697: {  	[tilespmem:s12], [sflag:$0x2] =	stream.linear.gather [hbm4b:s1+s2], $0x4000, $0x38;
	[tilespmem:$0xC000] =	vst v63  }
0x698: {  	_ =	swait.ge [sflag:s15], $0x4000  }
0x699: {  	s1 =	sld [smem:$0x7E1]  }
0x69a: {  	[sflag:s15] =	ssyncset.done $0x0  }
0x69b: {  	[sflag:s15] =	ssyncadd.s32 $0xFFFFC000  }
0x69c: {  	[hbm4b:s1+s2] =	stream.linear.scatter [tilespmem:s8], [sflag:$0x6], $0x4000, $0x38;
	[tilespmem:$0xC000] =	vst v63  }
0x69d: {  	_ =	swait.ge [sflag:s7], $0x4000  }
0x69e: {  	s1 =	sld [smem:$0x7E2]  }
0x69f: {  	[sflag:s7] =	ssyncset.done $0x0  }
0x6a0: {  	[sflag:s7] =	ssyncadd.s32 $0xFFFFC000  }
0x6a1: {  	[tilespmem:s8], [sflag:$0x3] =	stream.linear.gather [hbm4b:s1+s2], $0x4000, $0x38;
	[tilespmem:$0xC000] =	vst v63  }
0x6a2: {  	_ =	swait.ge [sflag:s10], $0x4000  }
0x6a3: {  	s1 =	sld [smem:$0x7E3]  }
0x6a4: {  	[sflag:s10] =	ssyncset.done $0x0  }
0x6a5: {  	[sflag:s10] =	ssyncadd.s32 $0xFFFFC000  }
0x6a6: {  	[hbm4b:s1+s2] =	stream.linear.scatter [tilespmem:s2], [sflag:$0x4], $0x4000, $0x38;
	[tilespmem:$0xC000] =	vst v63  }
0x6a7: {  	_ =	swait.ge [sflag:s3], $0x4000  }
0x6a8: {  	s1 =	sld [smem:$0x7E4]  }
0x6a9: {  	[sflag:s3] =	ssyncset.done $0x0  }
0x6aa: {  	[sflag:s3] =	ssyncadd.s32 $0xFFFFC000  }
0x6ab: {  	[tilespmem:s2], [sflag:$0x1] =	stream.linear.gather [hbm4b:s1+s2], $0x4000, $0x38;
	[tilespmem:$0xC000] =	vst v63  }
0x6ac: {  	_ =	swait.ge [sflag:s17], $0x4000  }
0x6ad: {  	s1 =	sld [smem:$0x7E5]  }
0x6ae: {  	[sflag:s17] =	ssyncset.done $0x0  }
0x6af: {  	[sflag:s17] =	ssyncadd.s32 $0xFFFFC000  }
0x6b0: {  	[hbm4b:s1+s2] =	stream.linear.scatter [tilespmem:s12], [sflag:$0x5], $0x4000, $0x38;
	[tilespmem:$0xC000] =	vst v63  }
0x6b1: {  	_ =	swait.ge [sflag:s9], $0x4000  }
0x6b2: {  	s1 =	sld [smem:$0x7E6]  }
0x6b3: {  	[sflag:s9] =	ssyncset.done $0x0  }
0x6b4: {  	[sflag:s9] =	ssyncadd.s32 $0xFFFFC000  }
0x6b5: {  	[tilespmem:s12], [sflag:$0x2] =	stream.linear.gather [hbm4b:s1+s2], $0x4000, $0x38;
	[tilespmem:$0xC000] =	vst v63  }
0x6b6: {  	_ =	swait.ge [sflag:s15], $0x4000  }
0x6b7: {  	s1 =	sld [smem:$0x7E7]  }
0x6b8: {  	[sflag:s15] =	ssyncset.done $0x0  }
0x6b9: {  	[sflag:s15] =	ssyncadd.s32 $0xFFFFC000  }
0x6ba: {  	[hbm4b:s1+s2] =	stream.linear.scatter [tilespmem:s8], [sflag:$0x6], $0x4000, $0x38;
	[tilespmem:$0xC000] =	vst v63  }
0x6bb: {  	_ =	swait.ge [sflag:s7], $0x4000  }
0x6bc: {  	s1 =	sld [smem:$0x7E8]  }
0x6bd: {  	[sflag:s7] =	ssyncset.done $0x0  }
0x6be: {  	[sflag:s7] =	ssyncadd.s32 $0xFFFFC000  }
0x6bf: {  	[tilespmem:s8], [sflag:$0x3] =	stream.linear.gather [hbm4b:s1+s2], $0x4000, $0x38;
	[tilespmem:$0xC000] =	vst v63  }
0x6c0: {  	_ =	swait.ge [sflag:s10], $0x4000  }
0x6c1: {  	s1 =	sld [smem:$0x7E9]  }
0x6c2: {  	[sflag:s10] =	ssyncset.done $0x0  }
0x6c3: {  	[sflag:s10] =	ssyncadd.s32 $0xFFFFC000  }
0x6c4: {  	[hbm4b:s1+s2] =	stream.linear.scatter [tilespmem:s2], [sflag:$0x4], $0x4000, $0x38;
	[tilespmem:$0xC000] =	vst v63  }
0x6c5: {  	_ =	swait.ge [sflag:s3], $0x4000  }
0x6c6: {  	s1 =	sld [smem:$0x7EA]  }
0x6c7: {  	[sflag:s3] =	ssyncset.done $0x0  }
0x6c8: {  	[sflag:s3] =	ssyncadd.s32 $0xFFFFC000  }
0x6c9: {  	[tilespmem:s2], [sflag:$0x1] =	stream.linear.gather [hbm4b:s1+s2], $0x4000, $0x38;
	[tilespmem:$0xC000] =	vst v63  }
0x6ca: {  	_ =	swait.ge [sflag:s17], $0x4000  }
0x6cb: {  	s1 =	sld [smem:$0x7EB]  }
0x6cc: {  	[sflag:s17] =	ssyncset.done $0x0  }
0x6cd: {  	[sflag:s17] =	ssyncadd.s32 $0xFFFFC000  }
0x6ce: {  	[hbm4b:s1+s2] =	stream.linear.scatter [tilespmem:s12], [sflag:$0x5], $0x4000, $0x38;
	[tilespmem:$0xC000] =	vst v63  }
0x6cf: {  	_ =	swait.ge [sflag:s9], $0x4000  }
0x6d0: {  	s1 =	sld [smem:$0x7EC]  }
0x6d1: {  	[sflag:s9] =	ssyncset.done $0x0  }
0x6d2: {  	[sflag:s9] =	ssyncadd.s32 $0xFFFFC000  }
0x6d3: {  	[tilespmem:s12], [sflag:$0x2] =	stream.linear.gather [hbm4b:s1+s2], $0x4000, $0x38;
	[tilespmem:$0xC000] =	vst v63  }
0x6d4: {  	_ =	swait.ge [sflag:s15], $0x4000  }
0x6d5: {  	s1 =	sld [smem:$0x7ED]  }
0x6d6: {  	[sflag:s15] =	ssyncset.done $0x0  }
0x6d7: {  	[sflag:s15] =	ssyncadd.s32 $0xFFFFC000  }
0x6d8: {  	[hbm4b:s1+s2] =	stream.linear.scatter [tilespmem:s8], [sflag:$0x6], $0x4000, $0x38;
	[tilespmem:$0xC000] =	vst v63  }
0x6d9: {  	_ =	swait.ge [sflag:s7], $0x4000  }
0x6da: {  	s1 =	sld [smem:$0x7EE]  }
0x6db: {  	[sflag:s7] =	ssyncset.done $0x0  }
0x6dc: {  	[sflag:s7] =	ssyncadd.s32 $0xFFFFC000  }
0x6dd: {  	[tilespmem:s8], [sflag:$0x3] =	stream.linear.gather [hbm4b:s1+s2], $0x4000, $0x38;
	[tilespmem:$0xC000] =	vst v63  }
0x6de: {  	_ =	swait.ge [sflag:s10], $0x4000  }
0x6df: {  	s1 =	sld [smem:$0x7EF]  }
0x6e0: {  	[sflag:s10] =	ssyncset.done $0x0  }
0x6e1: {  	[sflag:s10] =	ssyncadd.s32 $0xFFFFC000  }
0x6e2: {  	[hbm4b:s1+s2] =	stream.linear.scatter [tilespmem:s2], [sflag:$0x4], $0x4000, $0x38;
	[tilespmem:$0xC000] =	vst v63  }
0x6e3: {  	_ =	swait.ge [sflag:s3], $0x4000  }
0x6e4: {  	s1 =	sld [smem:$0x7F0]  }
0x6e5: {  	[sflag:s3] =	ssyncset.done $0x0  }
0x6e6: {  	[sflag:s3] =	ssyncadd.s32 $0xFFFFC000  }
0x6e7: {  	[tilespmem:s2], [sflag:$0x1] =	stream.linear.gather [hbm4b:s1+s2], $0x4000, $0x38;
	[tilespmem:$0xC000] =	vst v63  }
0x6e8: {  	_ =	swait.ge [sflag:s17], $0x4000  }
0x6e9: {  	s1 =	sld [smem:$0x7F1]  }
0x6ea: {  	[sflag:s17] =	ssyncset.done $0x0  }
0x6eb: {  	[sflag:s17] =	ssyncadd.s32 $0xFFFFC000  }
0x6ec: {  	[hbm4b:s1+s2] =	stream.linear.scatter [tilespmem:s12], [sflag:$0x5], $0x4000, $0x38;
	[tilespmem:$0xC000] =	vst v63  }
0x6ed: {  	_ =	swait.ge [sflag:s9], $0x4000  }
0x6ee: {  	s1 =	sld [smem:$0x7F2]  }
0x6ef: {  	[sflag:s9] =	ssyncset.done $0x0  }
0x6f0: {  	[sflag:s9] =	ssyncadd.s32 $0xFFFFC000  }
0x6f1: {  	[tilespmem:s12], [sflag:$0x2] =	stream.linear.gather [hbm4b:s1+s2], $0x4000, $0x38;
	[tilespmem:$0xC000] =	vst v63  }
0x6f2: {  	_ =	swait.ge [sflag:s15], $0x4000  }
0x6f3: {  	s1 =	sld [smem:$0x7F3]  }
0x6f4: {  	[sflag:s15] =	ssyncset.done $0x0  }
0x6f5: {  	[sflag:s15] =	ssyncadd.s32 $0xFFFFC000  }
0x6f6: {  	[hbm4b:s1+s2] =	stream.linear.scatter [tilespmem:s8], [sflag:$0x6], $0x4000, $0x38;
	[tilespmem:$0xC000] =	vst v63  }
0x6f7: {  	_ =	swait.ge [sflag:s7], $0x4000  }
0x6f8: {  	s1 =	sld [smem:$0x7F4]  }
0x6f9: {  	[sflag:s7] =	ssyncset.done $0x0  }
0x6fa: {  	[sflag:s7] =	ssyncadd.s32 $0xFFFFC000  }
0x6fb: {  	[tilespmem:s8], [sflag:$0x3] =	stream.linear.gather [hbm4b:s1+s2], $0x4000, $0x38;
	[tilespmem:$0xC000] =	vst v63  }
0x6fc: {  	_ =	swait.ge [sflag:s10], $0x4000  }
0x6fd: {  	s1 =	sld [smem:$0x7F5]  }
0x6fe: {  	[sflag:s10] =	ssyncset.done $0x0  }
0x6ff: {  	[sflag:s10] =	ssyncadd.s32 $0xFFFFC000  }
0x700: {  	[hbm4b:s1+s2] =	stream.linear.scatter [tilespmem:s2], [sflag:$0x4], $0x4000, $0x38;
	[tilespmem:$0xC000] =	vst v63  }
0x701: {  	_ =	swait.ge [sflag:s3], $0x4000  }
0x702: {  	s1 =	sld [smem:$0x7F6]  }
0x703: {  	[sflag:s3] =	ssyncset.done $0x0  }
0x704: {  	[sflag:s3] =	ssyncadd.s32 $0xFFFFC000  }
0x705: {  	[tilespmem:s2], [sflag:$0x1] =	stream.linear.gather [hbm4b:s1+s2], $0x4000, $0x38;
	[tilespmem:$0xC000] =	vst v63  }
0x706: {  	_ =	swait.ge [sflag:s17], $0x4000  }
0x707: {  	s1 =	sld [smem:$0x7F7]  }
0x708: {  	[sflag:s17] =	ssyncset.done $0x0  }
0x709: {  	[sflag:s17] =	ssyncadd.s32 $0xFFFFC000  }
0x70a: {  	[hbm4b:s1+s2] =	stream.linear.scatter [tilespmem:s12], [sflag:$0x5], $0x4000, $0x38;
	[tilespmem:$0xC000] =	vst v63  }
0x70b: {  	_ =	swait.ge [sflag:s9], $0x4000  }
0x70c: {  	s1 =	sld [smem:$0x7F8]  }
0x70d: {  	[sflag:s9] =	ssyncset.done $0x0  }
0x70e: {  	[sflag:s9] =	ssyncadd.s32 $0xFFFFC000  }
0x70f: {  	[tilespmem:s12], [sflag:$0x2] =	stream.linear.gather [hbm4b:s1+s2], $0x4000, $0x38;
	[tilespmem:$0xC000] =	vst v63  }
0x710: {  	_ =	swait.ge [sflag:s15], $0x4000  }
0x711: {  	s1 =	sld [smem:$0x7F9]  }
0x712: {  	[sflag:s15] =	ssyncset.done $0x0  }
0x713: {  	[sflag:s15] =	ssyncadd.s32 $0xFFFFC000  }
0x714: {  	[hbm4b:s1+s2] =	stream.linear.scatter [tilespmem:s8], [sflag:$0x6], $0x4000, $0x38;
	[tilespmem:$0xC000] =	vst v63  }
0x715: {  	_ =	swait.ge [sflag:s7], $0x4000  }
0x716: {  	s1 =	sld [smem:$0x7FA]  }
0x717: {  	[sflag:s7] =	ssyncset.done $0x0  }
0x718: {  	[sflag:s7] =	ssyncadd.s32 $0xFFFFC000  }
0x719: {  	[tilespmem:s8], [sflag:$0x3] =	stream.linear.gather [hbm4b:s1+s2], $0x4000, $0x38;
	[tilespmem:$0xC000] =	vst v63  }
0x71a: {  	_ =	swait.ge [sflag:s10], $0x4000  }
0x71b: {  	s1 =	sld [smem:$0x7FB]  }
0x71c: {  	[sflag:s10] =	ssyncset.done $0x0  }
0x71d: {  	[sflag:s10] =	ssyncadd.s32 $0xFFFFC000  }
0x71e: {  	[hbm4b:s1+s2] =	stream.linear.scatter [tilespmem:s2], [sflag:$0x4], $0x4000, $0x38;
	[tilespmem:$0xC000] =	vst v63  }
0x71f: {  	_ =	swait.ge [sflag:s3], $0x4000  }
0x720: {  	s1 =	sld [smem:$0x7FC]  }
0x721: {  	[sflag:s3] =	ssyncset.done $0x0  }
0x722: {  	[sflag:s3] =	ssyncadd.s32 $0xFFFFC000  }
0x723: {  	[tilespmem:s2], [sflag:$0x1] =	stream.linear.gather [hbm4b:s1+s2], $0x4000, $0x38;
	[tilespmem:$0xC000] =	vst v63  }
0x724: {  	_ =	swait.ge [sflag:s17], $0x4000  }
0x725: {  	s1 =	sld [smem:$0x7FD]  }
0x726: {  	[sflag:s17] =	ssyncset.done $0x0  }
0x727: {  	[sflag:s17] =	ssyncadd.s32 $0xFFFFC000  }
0x728: {  	[hbm4b:s1+s2] =	stream.linear.scatter [tilespmem:s12], [sflag:$0x5], $0x4000, $0x38;
	[tilespmem:$0xC000] =	vst v63  }
0x729: {  	_ =	swait.ge [sflag:s9], $0x4000  }
0x72a: {  	[sflag:s9] =	ssyncset.done $0x0  }
0x72b: {  	[sflag:s9] =	ssyncadd.s32 $0xFFFFC000  }
0x72c: {  	[tilespmem:s12], [sflag:$0x2] =	stream.linear.gather [hbm4b:s31+s2], $0x4000, $0x38;
	[tilespmem:$0xC000] =	vst v63  }
0x72d: {  	_ =	swait.ge [sflag:s15], $0x4000  }
0x72e: {  	[sflag:s15] =	ssyncset.done $0x0  }
0x72f: {  	[sflag:s15] =	ssyncadd.s32 $0xFFFFC000  }
0x730: {  	[hbm4b:s30+s2] =	stream.linear.scatter [tilespmem:s8], [sflag:$0x6], $0x4000, $0x38;
	[tilespmem:$0xC000] =	vst v63  }
0x731: {  	_ =	swait.ge [sflag:s7], $0x4000  }
0x732: {  	[sflag:s7] =	ssyncset.done $0x0  }
0x733: {  	[sflag:s7] =	ssyncadd.s32 $0xFFFFC000  }
0x734: {  	[tilespmem:s8], [sflag:$0x3] =	stream.linear.gather [hbm4b:s29+s2], $0x4000, $0x38;
	[tilespmem:$0xC000] =	vst v63  }
0x735: {  	_ =	swait.ge [sflag:s10], $0x4000  }
0x736: {  	[sflag:s10] =	ssyncset.done $0x0  }
0x737: {  	[sflag:s10] =	ssyncadd.s32 $0xFFFFC000  }
0x738: {  	[hbm4b:s28+s2] =	stream.linear.scatter [tilespmem:s2], [sflag:$0x4], $0x4000, $0x38;
	[tilespmem:$0xC000] =	vst v63  }
0x739: {  	_ =	swait.ge [sflag:s3], $0x4000  }
0x73a: {  	[sflag:s3] =	ssyncset.done $0x0  }
0x73b: {  	[sflag:s3] =	ssyncadd.s32 $0xFFFFC000  }
0x73c: {  	[tilespmem:s2], [sflag:$0x1] =	stream.linear.gather [hbm4b:s26+s2], $0x4000, $0x38;
	[tilespmem:$0xC000] =	vst v63  }
0x73d: {  	_ =	swait.ge [sflag:s17], $0x4000  }
0x73e: {  	[sflag:s17] =	ssyncset.done $0x0  }
0x73f: {  	[sflag:s17] =	ssyncadd.s32 $0xFFFFC000  }
0x740: {  	[hbm4b:s25+s2] =	stream.linear.scatter [tilespmem:s12], [sflag:$0x5], $0x4000, $0x38;
	[tilespmem:$0xC000] =	vst v63  }
0x741: {  	_ =	swait.ge [sflag:s9], $0x4000  }
0x742: {  	[sflag:s9] =	ssyncset.done $0x0  }
0x743: {  	[sflag:s9] =	ssyncadd.s32 $0xFFFFC000  }
0x744: {  	[tilespmem:s12], [sflag:$0x2] =	stream.linear.gather [hbm4b:s24+s2], $0x4000, $0x38;
	[tilespmem:$0xC000] =	vst v63  }
0x745: {  	_ =	swait.ge [sflag:s15], $0x4000  }
0x746: {  	[sflag:s15] =	ssyncset.done $0x0  }
0x747: {  	[sflag:s15] =	ssyncadd.s32 $0xFFFFC000  }
0x748: {  	[hbm4b:s23+s2] =	stream.linear.scatter [tilespmem:s8], [sflag:$0x6], $0x4000, $0x38;
	[tilespmem:$0xC000] =	vst v63  }
0x749: {  	_ =	swait.ge [sflag:s7], $0x4000  }
0x74a: {  	[sflag:s7] =	ssyncset.done $0x0  }
0x74b: {  	[sflag:s7] =	ssyncadd.s32 $0xFFFFC000  }
0x74c: {  	[tilespmem:s8], [sflag:$0x3] =	stream.linear.gather [hbm4b:s22+s2], $0x4000, $0x38;
	[tilespmem:$0xC000] =	vst v63  }
0x74d: {  	_ =	swait.ge [sflag:s10], $0x4000  }
0x74e: {  	[sflag:s10] =	ssyncset.done $0x0  }
0x74f: {  	[sflag:s10] =	ssyncadd.s32 $0xFFFFC000  }
0x750: {  	[hbm4b:s21+s2] =	stream.linear.scatter [tilespmem:s2], [sflag:$0x4], $0x4000, $0x38;
	[tilespmem:$0xC000] =	vst v63  }
0x751: {  	_ =	swait.ge [sflag:s3], $0x4000  }
0x752: {  	[sflag:s3] =	ssyncset.done $0x0  }
0x753: {  	[sflag:s3] =	ssyncadd.s32 $0xFFFFC000  }
0x754: {  	[tilespmem:s2], [sflag:$0x1] =	stream.linear.gather [hbm4b:s20+s2], $0x4000, $0x38;
	[tilespmem:$0xC000] =	vst v63  }
0x755: {  	_ =	swait.ge [sflag:s17], $0x4000  }
0x756: {  	[sflag:s17] =	ssyncset.done $0x0  }
0x757: {  	[sflag:s17] =	ssyncadd.s32 $0xFFFFC000  }
0x758: {  	[hbm4b:s19+s2] =	stream.linear.scatter [tilespmem:s12], [sflag:$0x5], $0x4000, $0x38;
	[tilespmem:$0xC000] =	vst v63  }
0x759: {  	_ =	swait.ge [sflag:s9], $0x4000  }
0x75a: {  	[sflag:s9] =	ssyncset.done $0x0  }
0x75b: {  	[sflag:s9] =	ssyncadd.s32 $0xFFFFC000  }
0x75c: {  	[tilespmem:s12], [sflag:$0x2] =	stream.linear.gather [hbm4b:s18+s2], $0x4000, $0x38;
	[tilespmem:$0xC000] =	vst v63  }
0x75d: {  	_ =	swait.ge [sflag:s15], $0x4000  }
0x75e: {  	[sflag:s15] =	ssyncset.done $0x0  }
0x75f: {  	[sflag:s15] =	ssyncadd.s32 $0xFFFFC000  }
0x760: {  	[hbm4b:s16+s2] =	stream.linear.scatter [tilespmem:s8], [sflag:$0x6], $0x4000, $0x38;
	[tilespmem:$0xC000] =	vst v63  }
0x761: {  	_ =	swait.ge [sflag:s7], $0x4000  }
0x762: {  	[sflag:s7] =	ssyncset.done $0x0  }
0x763: {  	[sflag:s7] =	ssyncadd.s32 $0xFFFFC000  }
0x764: {  	[tilespmem:s8], [sflag:$0x3] =	stream.linear.gather [hbm4b:s14+s2], $0x4000, $0x38;
	[tilespmem:$0xC000] =	vst v63  }
0x765: {  	_ =	swait.ge [sflag:s10], $0x4000  }
0x766: {  	[sflag:s10] =	ssyncset.done $0x0  }
0x767: {  	[sflag:s10] =	ssyncadd.s32 $0xFFFFC000  }
0x768: {  	[hbm4b:s13+s2] =	stream.linear.scatter [tilespmem:s2], [sflag:$0x4], $0x4000, $0x38;
	[tilespmem:$0xC000] =	vst v63  }
0x769: {  	_ =	swait.ge [sflag:s3], $0x4000  }
0x76a: {  	[sflag:s3] =	ssyncset.done $0x0  }
0x76b: {  	[sflag:s3] =	ssyncadd.s32 $0xFFFFC000  }
0x76c: {  	[tilespmem:s2], [sflag:$0x1] =	stream.linear.gather [hbm4b:s11+s2], $0x4000, $0x38;
	[tilespmem:$0xC000] =	vst v63  }
0x76d: {  	_ =	swait.ge [sflag:s17], $0x4000  }
0x76e: {  	[sflag:s17] =	ssyncset.done $0x0  }
0x76f: {  	[sflag:s17] =	ssyncadd.s32 $0xFFFFC000  }
0x770: {  	[hbm4b:s6+s2] =	stream.linear.scatter [tilespmem:s12], [sflag:$0x5], $0x4000, $0x38;
	[tilespmem:$0xC000] =	vst v63  }
0x771: {  	_ =	swait.ge [sflag:s15], $0x4000  }
0x772: {  	[sflag:s15] =	ssyncset.done $0x0  }
0x773: {  	[sflag:s15] =	ssyncadd.s32 $0xFFFFC000  }
0x774: {  	[hbm4b:s5+s2] =	stream.linear.scatter [tilespmem:s8], [sflag:$0x6], $0x4000, $0x38;
	[tilespmem:$0xC000] =	vst v63  }
0x775: {  	_ =	swait.ge [sflag:s10], $0x4000  }
0x776: {  	[sflag:s10] =	ssyncset.done $0x0  }
0x777: {  	[sflag:s10] =	ssyncadd.s32 $0xFFFFC000  }
0x778: {  	[hbm4b:s4+s2] =	stream.linear.scatter [tilespmem:s2], [sflag:$0x4], $0x4000, $0x38;
	[tilespmem:$0xC000] =	vst v63  }
0x779: {  	_ =	swait.ge [sflag:s9], $0x4000  }
0x77a: {  	[sflag:s9] =	ssyncset.done $0x0  }
0x77b: {  	[sflag:s9] =	ssyncadd.s32 $0xFFFFC000  }
0x77c: {  	_ =	swait.ge [sflag:s7], $0x4000  }
0x77d: {  	[sflag:s7] =	ssyncset.done $0x0  }
0x77e: {  	[sflag:s7] =	ssyncadd.s32 $0xFFFFC000  }
0x77f: {  	_ =	swait.ge [sflag:s3], $0x4000  }
0x780: {  	[sflag:s3] =	ssyncset.done $0x0  }
0x781: {  	[sflag:s3] =	ssyncadd.s32 $0xFFFFC000  }
0x782: {  	_ =	sfence.sel $0x180000  }
0x783: {  	[bflag:$0x0] =	sbarrier.arrive $0xFFFF  }
0x784: {  	_ =	strace $0x9000004D  }
0x785: {  	s31 =	stileid.u32;
	[bflag:$0x2] =	sbarrier.arrive $0xFFFF  }
0x786: {  	p0 =	sne.s32 s31, $0x0;
	s0 =	rddreg [dreg:$0x2]  }
0x787: {  	s0 =	sadd.s32 @!p0 $0x100000, s0  }
0x788: {  	[sflag:s0] =	ssyncadd.tile.s32 @!p0 $0x1;
	_ =	shalt  }
.Lfunc_end2:
_tile_overlayer_lowered:
.L_overlay_start_2:
0x789: {  	(tag) =	ssettag $0x2  }
0x78a: {  	s0 =	rddreg [dreg:$0x0];
	s2 =	stileid.u32  }
0x78b: {  	s1 =	rddreg [dreg:$0x1];
	p0 =	sne.s32 s2, $0x0  }
0x78c: {  	s3 =	rddreg [dreg:$0x2];
	[bflag:$0x3] =	sbarrier.arrive $0xFFFF;
	s2 =	simm.s32 @!p0 $0x1C07  }
0x78d: {  	[timem:s3], [sflag:s2] =	dma.local @!p0 [hbm:s0], s1  }
0x78e: {  	s0 =	simm.s32 @!p0 $0x7  }
0x78f: {  	_ =	swait.ge @!p0 [sflag:s0], s1  }
0x790: {  	s1 =	ssub.s32 @!p0 $0x0, s1;
	[sflag:s0] =	ssyncset.done @!p0 $0x0  }
0x791: {  	[sflag:s0] =	ssyncadd.s32 @!p0 s1  }
0x792: {  	[bflag:$0x3] =	sbarrier.arrive $0xFFFF  }
0x793: {  	_ =	shalt  }

// kernel: sparse-core-data-format-call.1.cloned.1.call-start
scs
called_computation.1_lowered:
.L_overlay_start_0:
0x0: {  	s2 =	sld [smem:$0x3FD9]  }
0x1: {  	s3 =	sld [smem:$0x3FFE];
	_ =	sdelay $0x1  }
0x2: {  	s1 =	srdreg.scid  }
0x3: {  	s0 =	sand.u32 $0x1, s1  }
0x4: {  	s19 =	sshll.u32 s0, $0xA;
	s2 =	sadd.s32 s3, s2  }
0x5: {  	s2 =	sadd.s32 s2, s19  }
0x6: {  	[smem:$0x3FC6] =	sst s2  }
0x7: {  	_ = 	snop  }
0x8: {  	s20 =	sld [smem:$0x3FC9]  }
0x9: {  	s4 =	sld [smem:$0x3FD0];
	(tm) =	ssettm $0x1  }
0xa: {  	s21 =	sld [smem:$0x3FFB];
	_ =	sdelay $0x3  }
0xb: {  	_ =	strace s21  }
0xc: {  	s2 =	sld [smem:$0x3FFC];
	_ =	sdelay $0x3  }
0xd: {  	_ =	strace s2  }
0xe: {  	s2 =	sld [smem:$0x3FFD];
	_ =	sdelay $0x3  }
0xf: {  	_ =	strace s2  }
0x10: {  	_ =	strace $0x8FFFFFFF  }
0x11: {  	s22 =	sld [smem:$0x3FDB];
	_ =	sdelay $0x1  }
0x12: {  	s5 =	simm.s32 $_scs_section_size  }
0x13: {  	s6 =	simm.s32 $_size__tile_overlayer_lowered;
	s7 =	simm.s32 $_tile_overlayer_lowered  }
0x14: {  	s8 =	simm.s32 $0x1BFF;
	s23 =	sshll.u32 s7, $0x1;
	s5 =	sadd.s32 s5, s22  }
0x15: {  	s24 =	simm.s32 $0x0;
	s6 =	sshll.u32 s6, $0x1;
	s7 =	sadd.s32 s23, s5  }
0x16: {  	[timem:s24], [sflag:s8] =	dma.local [hbm:s7], s6  }
0x17: {  	_ =	swait.ge [sflag:s8], s6  }
0x18: {  	s6 =	ssub.s32 $0x0, s6;
	[sflag:s8] =	ssyncset.done $0x0  }
0x19: {  	[sflag:s8] =	ssyncadd.s32 s6;
	_ =	sdelay $0x1  }
0x1a: {  	s25 =	simm.s32 $0x1B8B  }
0x1b: {  	_ =	swait.ge [sflag:s25], $0x1  }
0x1c: {  	[sflag:s25] =	ssyncset.done $0x0  }
0x1d: {  	[sflag:s25] =	ssyncadd.s32 $0xFFFFFFFF  }
0x1e: {  	s6 =	sld [smem:$0x0]  }
0x1f: {  	s7 =	sand.u32 $0xFFFFFFFE, s1  }
0x20: {  	p0 =	sne.s32 s1, s7  }
0x21: {  	s7 =	sshll.u32 @p0 s7, $0xE  }
0x22: {  	s7 =	sadd.s32 @p0 $0x11B8D, s7;
	s8 =	sshll.u32 @p0 s6, $0x11  }
0x23: {  	s7 =	sor.u32 @p0 s8, s7  }
0x24: {  	[sflag:s7] =	ssyncadd.remote.s32 @p0 $0x1;
	_ =	sdelay $0x1  }
0x25: {  	s7 =	simm.s32 @p0 $0x1B8D  }
0x26: {  	_ =	swait.eq @p0 [sflag:s7], $0x1  }
0x27: {  	[sflag:s7] =	ssyncadd.s32 @p0 $0xFFFFFFFF  }
0x28: {  	s8 =	sshll.u32 @!p0 s1, $0xE  }
0x29: {  	s8 =	sor.u32 @!p0 $0x4000, s8;
	s7 =	simm.s32 @!p0 $0x1B8D  }
0x2a: {  	s6 =	sshll.u32 @!p0 s6, $0x11;
	s8 =	sadd.s32 @!p0 $0x11B8D, s8;
	_ =	swait.eq @!p0 [sflag:s7], $0x1  }
0x2b: {  	s6 =	sor.u32 @!p0 s6, s8;
	[sflag:s7] =	ssyncadd.s32 @!p0 $0xFFFFFFFF  }
0x2c: {  	s26 =	simm.s32 $0x1B8E;
	[sflag:s6] =	ssyncadd.remote.s32 @!p0 $0x1  }
0x2d: {  	s27 =	simm.s32 $execute0_lowered;
	[smem:$0x3FD2] =	sst s26  }
0x2e: {  	s6 =	sshll.u32 s27, $0x1;
	_ =	strace $0x80000049;
	[dreg:$0x1] =	wrdreg $0xFFFFFFFF  }
0x2f: {  	s28 =	simm.s32 $_size_execute0_lowered;
	s5 =	sadd.s32 s5, s6;
	[dreg:$0x0] =	wrdreg $0x0  }
0x30: {  	s6 =	sshll.u32 s28, $0x1;
	[dreg:$0x2] =	wrdreg s5  }
0x31: {  	[dreg:$0x3] =	wrdreg s6  }
0x32: {  	[dreg:$0x4] =	wrdreg $0xC0  }
0x33: {  	_ =	task [dreg:s24], $0x5FFFF  }
0x34: {  	[dreg:$0x1] =	wrdreg $0xFFFFFFFF  }
0x35: {  	[dreg:$0x0] =	wrdreg $0x60  }
0x36: {  	[dreg:$0x2] =	wrdreg s20  }
0x37: {  	[dreg:$0x3] =	wrdreg s4  }
0x38: {  	[dreg:$0x4] =	wrdreg $0xA  }
0x39: {  	_ =	task.clear_ibuf [dreg:s24], $0x5FFFF;
	_ =	strace $0x90000049  }
0x3a: {  	s29 =	simm.s32 $0xA;
	_ =	strace $0x8000004B  }
0x3b: {  	_ =	swait.ge [sflag:s29], $0x1  }
0x3c: {  	[sflag:s29] =	ssyncadd.s32 $0xFFFFFFFF  }
0x3d: {  	_ =	strace $0x9000004B  }
0x3e: {  	_ =	sfence  }
0x3f: {  	s30 =	sld [smem:$0x0];
	_ =	sdelay $0x2  }
0x40: {  	s31 =	sshll.u32 s1, $0xD;
	s1 =	sshrl.u32 s1, $0x2  }
0x41: {  	s4 =	sand.u32 $0x4000, s31;
	s1 =	sadd.s32 s1, s30  }
0x42: {  	s0 =	sor.u32 s4, s0;
	s1 =	sshll.u32 s1, $0x11  }
0x43: {  	s0 =	sor.u32 s1, s0  }
0x44: {  	s0 =	sadd.s32 $0x8F2B, s0  }
0x45: {  	[sflag:s0] =	ssyncadd.remote.s32 $0x1  }
0x46: {  	_ =	sfence.sel $0xFFFF  }
0x47: {  	[dreg:$0x0] =	wrdreg $0xFFFFFFFF;
	(pc) =	sbr.abs _section_cstart, $3  }
0x48: {  	[dreg:$0x1] =	wrdreg $0xFFFFFFFF  }
0x49: {  	_ =	task.clear_ibuf [dreg:s24], $0x2FFFF;
	_ =	strace $0x9FFFFFFF  }
0x4a: {  	(tm) =	ssettm $0x7FFFFFFF  }
0x4b: {  	_ =	shalt  }
tec
execute0_lowered:
.L_overlay_start_1:
0x0: {  	(tag) =	ssettag $0x1  }
0x1: {  	s0 =	srdreg.scid  }
0x2: {  	s1 =	sshll.u32 s0, $0x4  }
0x3: {  	s2 =	rddreg [dreg:$0x0];
	s0 =	stileid.u32;
	s1 =	sand.u32 $0x10, s1  }
0x4: {  	s4 =	rddreg [dreg:$0x1];
	s1 =	sor.u32 s0, s1  }
0x5: {  	s7 =	simm.s32 $0x1;
	s8 =	simm.s32 $0x2;
	s3 =	sshll.u32 s1, $0x1  }
0x6: {  	s9 =	simm.s32 $0x0;
	s12 =	simm.s32 $0x0;
	s6 =	ssub.s32 $0x1000, s3  }
.Ltmp0:
0x7: {  	s11 =	simm.s32 $0x0;
	s5 =	sand.u32 $0x3E, s6;
	(pc) =	sbr.rel .LBB1_1-.Ltmp0, $4  }
0x8: {  	s1 =	rddreg [dreg:$0x2];
	_ =	strace $0x8000004A;
	p0 =	sne.s32 s5, $0x0  }
0x9: {  	s6 =	sshrl.u32 s6, $0x6;
	s5 =	simm.s32 $0x1;
	s7 =	simm.s32 @!p0 $0x0  }
0xa: {  	s10 =	smov.u32 s3;
	[sflag:s5] =	ssyncpa.u1 $0x0;
	s6 =	sadd.s32 s7, s6  }
0xb: {  	[sflag:s8] =	ssyncpa.u1 $0x0;
	s8 =	simm.s32 $0x0;
	s7 =	sadd.s32 $0x1, s6  }
.LBB1_9:
0xc: {  	s14 =	sadd.s32 $0x40, s10  }
0xd: {  	p1 =	sgt.s32 s14, $0xFFF  }
0xe: {  	s14 =	smov.u32 @p1 s3;
	p1 =	sne.s32 s11, s7  }
.Ltmp1:
0xf: {  	p0 =	slt.u32 s11, $0x2;
	(pc) =	sbr.rel @!p1 .LBB1_10-.Ltmp1, $4  }
0x10: {  	s13 =	simm.s32 @!p0 $0x2  }
0x11: {  	s15 =	sadd.s32 $0x1, s11;
	_ =	swait.ge @!p0 [sflag:s13], $0x4000  }
0x12: {  	s12 =	smov.u32 s10;
	s9 =	sadd.s32 $0x4000, s9;
	[sflag:s13] =	ssyncset.done @!p0 $0x0  }
0x13: {  	s11 =	smov.u32 s15;
	s10 =	smov.u32 s14;
	[sflag:s13] =	ssyncadd.s32 @!p0 $0xFFFFC000  }
.LBB1_1:
0x14: {  	p0 =	sge.u32 s11, s6  }
0x15: {  	s13 =	sxor.u32 @!p0 $0xFFFFFFFF, s11  }
0x16: {  	s31 =	sadd.s32 $0xFFFFFFFF, s11;
	s14 =	sshll.u32 @!p0 s10, $0xA;
	s13 =	sshll.u32 @!p0 s13, $0xE  }
0x17: {  	s15 =	simm.s32 @!p0 $0x0;
	s14 =	sadd.s32 @!p0 s2, s14;
	s13 =	sand.u32 @!p0 $0x4000, s13  }
0x18: {  	[tilespmem:s13], [sflag:$0x1] =	stream.linear.gather @!p0 [hbm4b:s14+s15], $0x4000, $0x38;
	[tilespmem:$0x10000] =	vst v63  }
0x19: {  	p0 =	sge.u32 s31, s6  }
.Ltmp2:
0x1a: {  	_ = 	snop;
	(pc) =	sbr.rel @p0 .LBB1_9-.Ltmp2, $1  }
0x1b: {  	_ =	sdelay $0x3  }
0x1c: {  	s13 =	sshll.u32 s9, $0x2  }
0x1d: {  	_ =	swait.ge [sflag:s5], $0x4000;
	s14 =	sshll.u32 s11, $0xE;
	s16 =	simm.s32 $0x0  }
0x1e: {  	p1 =	por $0x1, $0x1;
	s13 =	sand.u32 $0x10000, s13;
	[sflag:s5] =	ssyncset.done $0x0  }
0x1f: {  	s14 =	sand.u32 $0x4000, s14;
	s15 =	sshrl.u32 s13, $0x2;
	[sflag:s5] =	ssyncadd.s32 $0xFFFFC000  }
0x20: {  	s13 =	sor.u32 $0x8000, s14;
	s14 =	sadd.s32 $0x8040, s15;
	s15 =	sadd.s32 $0x40, s15  }
.LBB1_3:
0x21: {  	s16 =	sshll.u32 s16, $0x2  }
0x22: {  	p0 =	por p1, p1;
	s17 =	sshra.s32 s16, $0x2  }
0x23: {  	s18 =	simm.s32 $0x0;
	s16 =	sadd.s32 s17, s14;
	s17 =	sadd.s32 s17, s15  }
.LBB1_4:
0x24: {  	v0 =	vmov s17;
	_ =	sdelay $0x3  }
0x25: {  	s20 =	simm.s32 $0x0  }
0x26: {  	v6 =	vld.idx.msk [tilespmem:v0+s20+$0x30 ss:$0x1], $0xffff  }
0x27: {  	v7 =	vld.idx.msk [tilespmem:v0+s20+$0xFFFFFFC0 ss:$0x1], $0xffff  }
0x28: {  	v5 =	vld.idx.msk [tilespmem:v0+s20+$0xFFFFFFD0 ss:$0x1], $0xffff  }
0x29: {  	v4 =	vld.idx.msk [tilespmem:v0+s20+$0xFFFFFFE0 ss:$0x1], $0xffff  }
0x2a: {  	v3 =	vld.idx.msk [tilespmem:v0+s20+$0xFFFFFFF0 ss:$0x1], $0xffff  }
0x2b: {  	v1 =	vld.idx.msk [tilespmem:v0+s20+$0x0 ss:$0x1], $0xffff  }
0x2c: {  	v2 =	vld.idx.msk [tilespmem:v0+s20+$0x10 ss:$0x1], $0xffff;
	[tilespmem:s16+$0x30] =	vst v6  }
0x2d: {  	s19 =	simm.s32 $0x80;
	s21 =	simm.s32 $0x400;
	[tilespmem:s16+$0xFFFFFFC0] =	vst v7;
	v6 =	vld.idx.msk [tilespmem:v0+s20+$0x20 ss:$0x1], $0xffff;
	s20 =	smov.u32 s16  }
.LBB1_5:
0x2e: {  	p1 =	sne.s32 s21, $0xE00;
	v7 =	vld.idx.msk [tilespmem:v0+s19+$0x30 ss:$0x1], $0xffff;
	[tilespmem:s20+$0xFFFFFFD0] =	vst v5  }
0x2f: {  	v8 =	vld.idx.msk [tilespmem:v0+s19+$0xFFFFFFC0 ss:$0x1], $0xffff;
	[tilespmem:s20+$0xFFFFFFE0] =	vst v4  }
0x30: {  	v5 =	vld.idx.msk [tilespmem:v0+s19+$0xFFFFFFD0 ss:$0x1], $0xffff;
	[tilespmem:s20+$0xFFFFFFF0] =	vst v3  }
.Ltmp3:
0x31: {  	v4 =	vld.idx.msk [tilespmem:v0+s19+$0xFFFFFFE0 ss:$0x1], $0xffff;
	[tilespmem:s20+$0x0] =	vst v1;
	(pc) =	sbr.rel @p1 .LBB1_5-.Ltmp3, $4  }
0x32: {  	v3 =	vld.idx.msk [tilespmem:v0+s19+$0xFFFFFFF0 ss:$0x1], $0xffff;
	[tilespmem:s20+$0x10] =	vst v2  }
0x33: {  	v1 =	vld.idx.msk [tilespmem:v0+s19+$0x0 ss:$0x1], $0xffff;
	[tilespmem:s20+$0x20] =	vst v6;
	s20 =	sadd.s32 $0x400, s20  }
0x34: {  	v2 =	vld.idx.msk [tilespmem:v0+s19+$0x10 ss:$0x1], $0xffff;
	[tilespmem:s20+$0x30] =	vst v7  }
0x35: {  	[tilespmem:s20+$0xFFFFFFC0] =	vst v8;
	v6 =	vld.idx.msk [tilespmem:v0+s19+$0x20 ss:$0x1], $0xffff;
	s19 =	sshra.s32 s21, $0x2;
	s21 =	sadd.s32 $0x200, s21  }
0x36: {  	_ =	sdelay $0x2  }
0x37: {  	[tilespmem:s20+$0xFFFFFFD0] =	vst v5  }
0x38: {  	v56 =	vld.idx.msk [tilespmem:v0+s19+$0x30 ss:$0x1], $0xffff;
	[tilespmem:s20+$0xFFFFFFE0] =	vst v4  }
0x39: {  	v57 =	vld.idx.msk [tilespmem:v0+s19+$0xFFFFFFC0 ss:$0x1], $0xffff;
	[tilespmem:s20+$0xFFFFFFF0] =	vst v3  }
0x3a: {  	v58 =	vld.idx.msk [tilespmem:v0+s19+$0xFFFFFFD0 ss:$0x1], $0xffff;
	[tilespmem:s20+$0x0] =	vst v1  }
0x3b: {  	v59 =	vld.idx.msk [tilespmem:v0+s19+$0xFFFFFFE0 ss:$0x1], $0xffff;
	[tilespmem:s20+$0x10] =	vst v2  }
0x3c: {  	v60 =	vld.idx.msk [tilespmem:v0+s19+$0xFFFFFFF0 ss:$0x1], $0xffff;
	s31 =	sadd.s32 $0x400, s20;
	[tilespmem:s20+$0x20] =	vst v6  }
0x3d: {  	v61 =	vld.idx.msk [tilespmem:v0+s19+$0x0 ss:$0x1], $0xffff;
	[tilespmem:s31+$0x30] =	vst v56  }
0x3e: {  	v62 =	vld.idx.msk [tilespmem:v0+s19+$0x10 ss:$0x1], $0xffff;
	s18 =	sadd.s32 $0x1, s18;
	[tilespmem:s31+$0xFFFFFFC0] =	vst v57  }
0x3f: {  	v63 =	vld.idx.msk [tilespmem:v0+s19+$0x20 ss:$0x1], $0xffff;
	p1 =	sne.s32 s18, $0x8;
	[tilespmem:s31+$0xFFFFFFD0] =	vst v58  }
.Ltmp4:
0x40: {  	[tilespmem:s31+$0xFFFFFFE0] =	vst v59;
	(pc) =	sbr.rel @p1 .LBB1_4-.Ltmp4, $4  }
0x41: {  	[tilespmem:s31+$0xFFFFFFF0] =	vst v60  }
0x42: {  	[tilespmem:s31+$0x0] =	vst v61  }
0x43: {  	[tilespmem:s31+$0x10] =	vst v62  }
0x44: {  	s16 =	sadd.s32 $0x80, s16;
	s17 =	sadd.s32 $0x400, s17;
	[tilespmem:s31+$0x20] =	vst v63  }
.Ltmp5:
0x45: {  	(pc) =	sbr.rel @p0 .LBB1_3-.Ltmp5, $2  }
0x46: {  	_ =	sdelay $0x2  }
0x47: {  	s16 =	simm.s32 $0x2000;
	p1 =	por $0x0, $0x0  }
.Ltmp6:
0x48: {  	(pc) =	sbr.rel .LBB1_9-.Ltmp6, $4  }
0x49: {  	_ = 	snop  }
0x4a: {  	s12 =	sshll.u32 s12, $0xA  }
0x4b: {  	s12 =	sadd.s32 s4, s12  }
0x4c: {  	[hbm4b:s12+s8] =	stream.linear.scatter [tilespmem:s13], [sflag:$0x2], $0x4000, $0x38;
	[tilespmem:$0x10000] =	vst v63  }
.LBB1_10:
0x4d: {  	_ =	sfence.sel $0x180000  }
0x4e: {  	s2 =	simm.s32 $0x1;
	[bflag:$0x0] =	sbarrier.arrive $0xFFFF  }
0x4f: {  	s31 =	simm.s32 $0x2;
	[sflag:s2] =	ssyncpa.u1 $0x1  }
0x50: {  	[sflag:s31] =	ssyncpa.u1 $0x1  }
0x51: {  	p0 =	sne.s32 s0, $0x0;
	_ =	strace $0x9000004A  }
0x52: {  	s0 =	sadd.s32 @!p0 $0x100000, s1;
	[bflag:$0x2] =	sbarrier.arrive $0xFFFF  }
0x53: {  	[sflag:s0] =	ssyncadd.tile.s32 @!p0 $0x1;
	_ =	shalt  }
.Lfunc_end1:
_tile_overlayer_lowered:
.L_overlay_start_2:
0x54: {  	(tag) =	ssettag $0x2  }
0x55: {  	s0 =	rddreg [dreg:$0x0];
	s2 =	stileid.u32  }
0x56: {  	s1 =	rddreg [dreg:$0x1];
	p0 =	sne.s32 s2, $0x0  }
0x57: {  	s3 =	rddreg [dreg:$0x2];
	[bflag:$0x3] =	sbarrier.arrive $0xFFFF;
	s2 =	simm.s32 @!p0 $0x1C01  }
0x58: {  	[timem:s3], [sflag:s2] =	dma.local @!p0 [hbm:s0], s1  }
0x59: {  	s0 =	simm.s32 @!p0 $0x1  }
0x5a: {  	_ =	swait.ge @!p0 [sflag:s0], s1  }
0x5b: {  	s1 =	ssub.s32 @!p0 $0x0, s1;
	[sflag:s0] =	ssyncset.done @!p0 $0x0  }
0x5c: {  	[sflag:s0] =	ssyncadd.s32 @!p0 s1  }
0x5d: {  	[bflag:$0x3] =	sbarrier.arrive $0xFFFF  }
0x5e: {  	_ =	shalt  }

// kernel: sparse-core-data-format-call.cloned.1.call-start
scs
called_computation_lowered:
.L_overlay_start_0:
0x0: {  	s2 =	sld [smem:$0x3FD9]  }
0x1: {  	s3 =	sld [smem:$0x3FFE];
	_ =	sdelay $0x1  }
0x2: {  	s1 =	srdreg.scid  }
0x3: {  	s0 =	sand.u32 $0x1, s1  }
0x4: {  	s18 =	sshll.u32 s0, $0xA;
	s2 =	sadd.s32 s3, s2  }
0x5: {  	s2 =	sadd.s32 s2, s18  }
0x6: {  	[smem:$0x3FC6] =	sst s2  }
0x7: {  	_ = 	snop  }
0x8: {  	s2 =	sld [smem:$0x3FC8];
	(tm) =	ssettm $0x1  }
0x9: {  	s19 =	sld [smem:$0x3FFB];
	_ =	sdelay $0x3  }
0xa: {  	_ =	strace s19  }
0xb: {  	s3 =	sld [smem:$0x3FFC];
	_ =	sdelay $0x3  }
0xc: {  	_ =	strace s3  }
0xd: {  	s3 =	sld [smem:$0x3FFD];
	_ =	sdelay $0x3  }
0xe: {  	_ =	strace s3  }
0xf: {  	_ =	strace $0x8FFFFFFF  }
0x10: {  	s20 =	sld [smem:$0x3FDB];
	_ =	sdelay $0x1  }
0x11: {  	s4 =	simm.s32 $_scs_section_size  }
0x12: {  	s5 =	simm.s32 $_size__tile_overlayer_lowered;
	s6 =	simm.s32 $_tile_overlayer_lowered  }
0x13: {  	s23 =	simm.s32 $0x1BFF;
	s22 =	sshll.u32 s6, $0x1;
	s3 =	sadd.s32 s4, s20  }
0x14: {  	s7 =	simm.s32 $0x0;
	s21 =	sshll.u32 s5, $0x1;
	s5 =	sadd.s32 s22, s3  }
0x15: {  	[timem:s7], [sflag:s23] =	dma.local [hbm:s5], s21  }
0x16: {  	_ =	swait.ge [sflag:s23], s21  }
0x17: {  	s4 =	ssub.s32 $0x0, s21;
	[sflag:s23] =	ssyncset.done $0x0  }
0x18: {  	[sflag:s23] =	ssyncadd.s32 s4;
	_ =	sdelay $0x1  }
0x19: {  	s24 =	simm.s32 $0x1B8B  }
0x1a: {  	_ =	swait.ge [sflag:s24], $0x1  }
0x1b: {  	[sflag:s24] =	ssyncset.done $0x0  }
0x1c: {  	s26 =	simm.s32 $0x1B8E;
	s25 =	sld [smem:$0x3FFE];
	[sflag:s24] =	ssyncadd.s32 $0xFFFFFFFF  }
0x1d: {  	s27 =	simm.s32 $execute0_lowered;
	[smem:$0x3FD2] =	sst s26  }
0x1e: {  	s5 =	sshll.u32 s27, $0x1;
	_ =	strace $0x80000046;
	[dreg:$0x1] =	wrdreg $0xFFFFFFFF  }
0x1f: {  	s28 =	simm.s32 $_size_execute0_lowered;
	s3 =	sadd.s32 s3, s5;
	[dreg:$0x0] =	wrdreg $0x0  }
0x20: {  	s5 =	sshll.u32 s28, $0x1;
	[dreg:$0x2] =	wrdreg s3  }
0x21: {  	[dreg:$0x3] =	wrdreg s5  }
0x22: {  	[dreg:$0x4] =	wrdreg $0xC0  }
0x23: {  	_ =	task [dreg:s7], $0x5FFFF  }
0x24: {  	[dreg:$0x1] =	wrdreg $0xFFFFFFFF  }
0x25: {  	[dreg:$0x0] =	wrdreg $0x60  }
0x26: {  	[dreg:$0x2] =	wrdreg s2  }
0x27: {  	[dreg:$0x3] =	wrdreg s25  }
0x28: {  	[dreg:$0x4] =	wrdreg $0x9  }
0x29: {  	_ =	task.clear_ibuf [dreg:s7], $0x5FFFF;
	_ =	strace $0x90000046  }
0x2a: {  	s29 =	simm.s32 $0x9;
	_ =	strace $0x80000048  }
0x2b: {  	_ =	swait.ge [sflag:s29], $0x1  }
0x2c: {  	[sflag:s29] =	ssyncadd.s32 $0xFFFFFFFF  }
0x2d: {  	_ =	strace $0x90000048  }
0x2e: {  	_ =	sfence  }
0x2f: {  	s30 =	sld [smem:$0x0];
	_ =	sdelay $0x2  }
0x30: {  	s31 =	sshll.u32 s1, $0xD;
	s1 =	sshrl.u32 s1, $0x2  }
0x31: {  	s3 =	sand.u32 $0x4000, s31;
	s1 =	sadd.s32 s1, s30  }
0x32: {  	s0 =	sor.u32 s3, s0;
	s1 =	sshll.u32 s1, $0x11  }
0x33: {  	s0 =	sor.u32 s1, s0  }
0x34: {  	s0 =	sadd.s32 $0x8F2B, s0  }
0x35: {  	[sflag:s0] =	ssyncadd.remote.s32 $0x1  }
0x36: {  	_ =	sfence.sel $0xFFFF  }
0x37: {  	[dreg:$0x0] =	wrdreg $0xFFFFFFFF;
	(pc) =	sbr.abs _section_cstart, $3  }
0x38: {  	[dreg:$0x1] =	wrdreg $0xFFFFFFFF  }
0x39: {  	_ =	task.clear_ibuf [dreg:s7], $0x2FFFF;
	_ =	strace $0x9FFFFFFF  }
0x3a: {  	(tm) =	ssettm $0x7FFFFFFF  }
0x3b: {  	_ =	shalt  }
tec
execute0_lowered:
.L_overlay_start_1:
0x0: {  	(tag) =	ssettag $0x1  }
0x1: {  	s0 =	srdreg.scid  }
0x2: {  	s1 =	sshll.u32 s0, $0x4  }
0x3: {  	s2 =	rddreg [dreg:$0x0];
	s0 =	stileid.u32;
	s1 =	sand.u32 $0x10, s1  }
0x4: {  	s4 =	rddreg [dreg:$0x1];
	s7 =	simm.s32 $0x1;
	s1 =	sor.u32 s0, s1  }
0x5: {  	s8 =	simm.s32 $0x2;
	s9 =	simm.s32 $0x0;
	s3 =	sshll.u32 s1, $0x1  }
0x6: {  	s12 =	simm.s32 $0x0;
	s11 =	simm.s32 $0x0;
	s6 =	ssub.s32 $0x400, s3  }
.Ltmp0:
0x7: {  	s4 =	sadd.s32 $0xC00, s4;
	s5 =	sand.u32 $0x3E, s6;
	(pc) =	sbr.rel .LBB1_1-.Ltmp0, $4  }
0x8: {  	s1 =	rddreg [dreg:$0x2];
	_ =	strace $0x80000047;
	p0 =	sne.s32 s5, $0x0  }
0x9: {  	s6 =	sshrl.u32 s6, $0x6;
	s5 =	simm.s32 $0x1;
	s7 =	simm.s32 @!p0 $0x0  }
0xa: {  	s10 =	smov.u32 s3;
	[sflag:s5] =	ssyncpa.u1 $0x0;
	s6 =	sadd.s32 s7, s6  }
0xb: {  	[sflag:s8] =	ssyncpa.u1 $0x0;
	s8 =	simm.s32 $0x0;
	s7 =	sadd.s32 $0x1, s6  }
.LBB1_9:
0xc: {  	s14 =	sadd.s32 $0x40, s10  }
0xd: {  	p1 =	sgt.s32 s14, $0x3FF  }
0xe: {  	s14 =	smov.u32 @p1 s3;
	p1 =	sne.s32 s11, s7  }
.Ltmp1:
0xf: {  	p0 =	slt.u32 s11, $0x2;
	(pc) =	sbr.rel @!p1 .LBB1_10-.Ltmp1, $4  }
0x10: {  	s13 =	simm.s32 @!p0 $0x2  }
0x11: {  	s15 =	sadd.s32 $0x1, s11;
	_ =	swait.ge @!p0 [sflag:s13], $0x4000  }
0x12: {  	s12 =	smov.u32 s10;
	s9 =	sadd.s32 $0x4000, s9;
	[sflag:s13] =	ssyncset.done @!p0 $0x0  }
0x13: {  	s11 =	smov.u32 s15;
	s10 =	smov.u32 s14;
	[sflag:s13] =	ssyncadd.s32 @!p0 $0xFFFFC000  }
.LBB1_1:
0x14: {  	p0 =	sge.u32 s11, s6  }
0x15: {  	s13 =	sxor.u32 @!p0 $0xFFFFFFFF, s11  }
0x16: {  	s31 =	sadd.s32 $0xFFFFFFFF, s11;
	s14 =	sshll.u32 @!p0 s10, $0xA;
	s13 =	sshll.u32 @!p0 s13, $0xE  }
0x17: {  	s15 =	simm.s32 @!p0 $0x0;
	s14 =	sadd.s32 @!p0 s2, s14;
	s13 =	sand.u32 @!p0 $0x4000, s13  }
0x18: {  	[tilespmem:s13], [sflag:$0x1] =	stream.linear.gather @!p0 [hbm4b:s14+s15], $0x4000, $0x38;
	[tilespmem:$0x10000] =	vst v63  }
0x19: {  	p0 =	sge.u32 s31, s6  }
.Ltmp2:
0x1a: {  	_ = 	snop;
	(pc) =	sbr.rel @p0 .LBB1_9-.Ltmp2, $1  }
0x1b: {  	_ =	sdelay $0x3  }
0x1c: {  	s13 =	sshll.u32 s9, $0x2  }
0x1d: {  	_ =	swait.ge [sflag:s5], $0x4000;
	s14 =	sshll.u32 s11, $0xE;
	s16 =	simm.s32 $0x0  }
0x1e: {  	p1 =	por $0x1, $0x1;
	s13 =	sand.u32 $0x10000, s13;
	[sflag:s5] =	ssyncset.done $0x0  }
0x1f: {  	s14 =	sand.u32 $0x4000, s14;
	s15 =	sshrl.u32 s13, $0x2;
	[sflag:s5] =	ssyncadd.s32 $0xFFFFC000  }
0x20: {  	s13 =	sor.u32 $0x8000, s14;
	s14 =	sadd.s32 $0x8040, s15;
	s15 =	sadd.s32 $0x40, s15  }
.LBB1_3:
0x21: {  	s16 =	sshll.u32 s16, $0x2  }
0x22: {  	p0 =	por p1, p1;
	s17 =	sshra.s32 s16, $0x2  }
0x23: {  	s18 =	simm.s32 $0x0;
	s16 =	sadd.s32 s17, s14;
	s17 =	sadd.s32 s17, s15  }
.LBB1_4:
0x24: {  	v0 =	vmov s17;
	_ =	sdelay $0x3  }
0x25: {  	s20 =	simm.s32 $0x0  }
0x26: {  	v6 =	vld.idx.msk [tilespmem:v0+s20+$0x30 ss:$0x1], $0xffff  }
0x27: {  	v7 =	vld.idx.msk [tilespmem:v0+s20+$0xFFFFFFC0 ss:$0x1], $0xffff  }
0x28: {  	v5 =	vld.idx.msk [tilespmem:v0+s20+$0xFFFFFFD0 ss:$0x1], $0xffff  }
0x29: {  	v4 =	vld.idx.msk [tilespmem:v0+s20+$0xFFFFFFE0 ss:$0x1], $0xffff  }
0x2a: {  	v3 =	vld.idx.msk [tilespmem:v0+s20+$0xFFFFFFF0 ss:$0x1], $0xffff  }
0x2b: {  	v1 =	vld.idx.msk [tilespmem:v0+s20+$0x0 ss:$0x1], $0xffff  }
0x2c: {  	v2 =	vld.idx.msk [tilespmem:v0+s20+$0x10 ss:$0x1], $0xffff;
	[tilespmem:s16+$0x30] =	vst v6  }
0x2d: {  	s19 =	simm.s32 $0x80;
	s21 =	simm.s32 $0x400;
	[tilespmem:s16+$0xFFFFFFC0] =	vst v7;
	v6 =	vld.idx.msk [tilespmem:v0+s20+$0x20 ss:$0x1], $0xffff;
	s20 =	smov.u32 s16  }
.LBB1_5:
0x2e: {  	p1 =	sne.s32 s21, $0xE00;
	v7 =	vld.idx.msk [tilespmem:v0+s19+$0x30 ss:$0x1], $0xffff;
	[tilespmem:s20+$0xFFFFFFD0] =	vst v5  }
0x2f: {  	v8 =	vld.idx.msk [tilespmem:v0+s19+$0xFFFFFFC0 ss:$0x1], $0xffff;
	[tilespmem:s20+$0xFFFFFFE0] =	vst v4  }
0x30: {  	v5 =	vld.idx.msk [tilespmem:v0+s19+$0xFFFFFFD0 ss:$0x1], $0xffff;
	[tilespmem:s20+$0xFFFFFFF0] =	vst v3  }
.Ltmp3:
0x31: {  	v4 =	vld.idx.msk [tilespmem:v0+s19+$0xFFFFFFE0 ss:$0x1], $0xffff;
	[tilespmem:s20+$0x0] =	vst v1;
	(pc) =	sbr.rel @p1 .LBB1_5-.Ltmp3, $4  }
0x32: {  	v3 =	vld.idx.msk [tilespmem:v0+s19+$0xFFFFFFF0 ss:$0x1], $0xffff;
	[tilespmem:s20+$0x10] =	vst v2  }
0x33: {  	v1 =	vld.idx.msk [tilespmem:v0+s19+$0x0 ss:$0x1], $0xffff;
	[tilespmem:s20+$0x20] =	vst v6;
	s20 =	sadd.s32 $0x400, s20  }
0x34: {  	v2 =	vld.idx.msk [tilespmem:v0+s19+$0x10 ss:$0x1], $0xffff;
	[tilespmem:s20+$0x30] =	vst v7  }
0x35: {  	[tilespmem:s20+$0xFFFFFFC0] =	vst v8;
	v6 =	vld.idx.msk [tilespmem:v0+s19+$0x20 ss:$0x1], $0xffff;
	s19 =	sshra.s32 s21, $0x2;
	s21 =	sadd.s32 $0x200, s21  }
0x36: {  	_ =	sdelay $0x2  }
0x37: {  	[tilespmem:s20+$0xFFFFFFD0] =	vst v5  }
0x38: {  	v56 =	vld.idx.msk [tilespmem:v0+s19+$0x30 ss:$0x1], $0xffff;
	[tilespmem:s20+$0xFFFFFFE0] =	vst v4  }
0x39: {  	v57 =	vld.idx.msk [tilespmem:v0+s19+$0xFFFFFFC0 ss:$0x1], $0xffff;
	[tilespmem:s20+$0xFFFFFFF0] =	vst v3  }
0x3a: {  	v58 =	vld.idx.msk [tilespmem:v0+s19+$0xFFFFFFD0 ss:$0x1], $0xffff;
	[tilespmem:s20+$0x0] =	vst v1  }
0x3b: {  	v59 =	vld.idx.msk [tilespmem:v0+s19+$0xFFFFFFE0 ss:$0x1], $0xffff;
	[tilespmem:s20+$0x10] =	vst v2  }
0x3c: {  	v60 =	vld.idx.msk [tilespmem:v0+s19+$0xFFFFFFF0 ss:$0x1], $0xffff;
	s31 =	sadd.s32 $0x400, s20;
	[tilespmem:s20+$0x20] =	vst v6  }
0x3d: {  	v61 =	vld.idx.msk [tilespmem:v0+s19+$0x0 ss:$0x1], $0xffff;
	[tilespmem:s31+$0x30] =	vst v56  }
0x3e: {  	v62 =	vld.idx.msk [tilespmem:v0+s19+$0x10 ss:$0x1], $0xffff;
	s18 =	sadd.s32 $0x1, s18;
	[tilespmem:s31+$0xFFFFFFC0] =	vst v57  }
0x3f: {  	v63 =	vld.idx.msk [tilespmem:v0+s19+$0x20 ss:$0x1], $0xffff;
	p1 =	sne.s32 s18, $0x8;
	[tilespmem:s31+$0xFFFFFFD0] =	vst v58  }
.Ltmp4:
0x40: {  	[tilespmem:s31+$0xFFFFFFE0] =	vst v59;
	(pc) =	sbr.rel @p1 .LBB1_4-.Ltmp4, $4  }
0x41: {  	[tilespmem:s31+$0xFFFFFFF0] =	vst v60  }
0x42: {  	[tilespmem:s31+$0x0] =	vst v61  }
0x43: {  	[tilespmem:s31+$0x10] =	vst v62  }
0x44: {  	s16 =	sadd.s32 $0x80, s16;
	s17 =	sadd.s32 $0x400, s17;
	[tilespmem:s31+$0x20] =	vst v63  }
.Ltmp5:
0x45: {  	(pc) =	sbr.rel @p0 .LBB1_3-.Ltmp5, $2  }
0x46: {  	_ =	sdelay $0x2  }
0x47: {  	s16 =	simm.s32 $0x2000;
	p1 =	por $0x0, $0x0  }
.Ltmp6:
0x48: {  	(pc) =	sbr.rel .LBB1_9-.Ltmp6, $4  }
0x49: {  	_ = 	snop  }
0x4a: {  	s12 =	sshll.u32 s12, $0xA  }
0x4b: {  	s12 =	sadd.s32 s4, s12  }
0x4c: {  	[hbm4b:s12+s8] =	stream.linear.scatter [tilespmem:s13], [sflag:$0x2], $0x4000, $0x38;
	[tilespmem:$0x10000] =	vst v63  }
.LBB1_10:
0x4d: {  	_ =	sfence.sel $0x180000  }
0x4e: {  	s2 =	simm.s32 $0x1;
	[bflag:$0x0] =	sbarrier.arrive $0xFFFF  }
0x4f: {  	s31 =	simm.s32 $0x2;
	[sflag:s2] =	ssyncpa.u1 $0x1  }
0x50: {  	[sflag:s31] =	ssyncpa.u1 $0x1  }
0x51: {  	p0 =	sne.s32 s0, $0x0;
	_ =	strace $0x90000047  }
0x52: {  	s0 =	sadd.s32 @!p0 $0x100000, s1;
	[bflag:$0x2] =	sbarrier.arrive $0xFFFF  }
0x53: {  	[sflag:s0] =	ssyncadd.tile.s32 @!p0 $0x1;
	_ =	shalt  }
.Lfunc_end1:
_tile_overlayer_lowered:
.L_overlay_start_2:
0x54: {  	(tag) =	ssettag $0x2  }
0x55: {  	s0 =	rddreg [dreg:$0x0];
	s2 =	stileid.u32  }
0x56: {  	s1 =	rddreg [dreg:$0x1];
	p0 =	sne.s32 s2, $0x0  }
0x57: {  	s3 =	rddreg [dreg:$0x2];
	[bflag:$0x3] =	sbarrier.arrive $0xFFFF;
	s2 =	simm.s32 @!p0 $0x1C01  }
0x58: {  	[timem:s3], [sflag:s2] =	dma.local @!p0 [hbm:s0], s1  }
0x59: {  	s0 =	simm.s32 @!p0 $0x1  }
0x5a: {  	_ =	swait.ge @!p0 [sflag:s0], s1  }
0x5b: {  	s1 =	ssub.s32 @!p0 $0x0, s1;
	[sflag:s0] =	ssyncset.done @!p0 $0x0  }
0x5c: {  	[sflag:s0] =	ssyncadd.s32 @!p0 s1  }
0x5d: {  	[bflag:$0x3] =	sbarrier.arrive $0xFFFF  }
0x5e: {  	_ =	shalt  }

</sc_bundles>
